<compile_context>
chip_gen: v7x
topology: tpu7x:2x2x1
jax: 0.10.2.dev20260603
libtpu: 0.0.44.dev20260713+nightly
codegen_flags: <defaults>
</compile_context>

<pallas_src>
import functools

import jax
import jax.numpy as jnp
import numpy as np
from jax import lax
from jax.experimental import pallas as pl
from jax.experimental.pallas import tpu as pltpu
from jax.experimental.pallas import tpu_sc as plsc

_DIM = 128
_BASE = 10000.0
_NC = 2
_NS = 16
_NW = _NC * _NS
_CHUNK = 4
_NBUF = 4


def _rope_tables(sq):
    freqs = 1.0 / (_BASE ** (np.arange(0, _DIM, 2, dtype=np.float32) / _DIM))
    f = np.outer(np.arange(sq, dtype=np.float32), freqs)
    cos = np.cos(f).astype(np.float32)
    sin = np.sin(f).astype(np.float32)
    c_tab = np.repeat(cos, 2, axis=1)
    s_tab = np.stack([-sin, sin], axis=-1).reshape(sq, _DIM)
    return c_tab.astype(np.float32), s_tab.astype(np.float32)


@jax.jit
def _sc_rope(query, key):
    sq, nb, nh, hh = query.shape
    n_pos_w = sq // _NW
    n_chunks = n_pos_w // _CHUNK

    c_tab, s_tab = _rope_tables(sq)
    mesh = plsc.VectorSubcoreMesh(core_axis_name="c", subcore_axis_name="s")

    @functools.partial(
        pl.kernel,
        mesh=mesh,
        out_type=[
            jax.ShapeDtypeStruct(query.shape, query.dtype),
            jax.ShapeDtypeStruct(key.shape, key.dtype),
        ],
        scratch_types=(
            [pltpu.VMEM((_CHUNK, nb, nh, hh), jnp.float32)] * _NBUF
            + [pltpu.VMEM((n_pos_w, _DIM), jnp.float32),
               pltpu.VMEM((n_pos_w, _DIM), jnp.float32)]
            + [pltpu.SemaphoreType.DMA] * (2 * _NBUF)
        ),
        compiler_params=pltpu.CompilerParams(needs_layout_passes=False),
    )
    def k(q_hbm, k_hbm, c_hbm, s_hbm, qo_hbm, ko_hbm, *rest):
        buf = rest[:_NBUF]
        ctab, stab = rest[_NBUF], rest[_NBUF + 1]
        sems_i = rest[_NBUF + 2:2 * _NBUF + 2]
        sems_o = rest[2 * _NBUF + 2:]
        swap = lax.iota(jnp.int32, 16) ^ 1
        offs = [swap + 16 * v for v in range(8)]
        wid = lax.axis_index("s") * _NC + lax.axis_index("c")
        wpos = wid * n_pos_w
        pltpu.sync_copy(c_hbm.at[pl.ds(wpos, n_pos_w)], ctab)
        pltpu.sync_copy(s_hbm.at[pl.ds(wpos, n_pos_w)], stab)

        def in_copy(src, ci, b, sem):
            return pltpu.make_async_copy(
                src.at[pl.ds(wpos + ci * _CHUNK, _CHUNK)], buf[b], sem)

        def out_copy(dst, ci, b, sem):
            return pltpu.make_async_copy(
                buf[b], dst.at[pl.ds(wpos + ci * _CHUNK, _CHUNK)], sem)

        def compute(b, ci):
            def pbody(p, carry):
                lp = ci * _CHUNK + p
                cs = [(ctab[lp, pl.ds(16 * v, 16)],
                       stab[lp, pl.ds(16 * v, 16)]) for v in range(8)]
                pv = jnp.full((16,), p, jnp.int32)

                @plsc.parallel_loop(0, nb * nh, unroll=4)
                def rbody(r):
                    b2 = r >> 4
                    h = r & 15
                    bv = jnp.full((16,), b2, jnp.int32)
                    hv = jnp.full((16,), h, jnp.int32)
                    xs = [buf[b][p, b2, h, pl.ds(16 * v, 16)] for v in range(8)]
                    xsws = [plsc.load_gather(buf[b], [pv, bv, hv, offs[v]])
                            for v in range(8)]
                    for v in range(8):
                        c, s = cs[v]
                        buf[b][p, b2, h, pl.ds(16 * v, 16)] = (
                            xs[v] * c + xsws[v] * s)

                return carry

            lax.fori_loop(0, _CHUNK, pbody, 0)

        def run(src, dst):
            in_copy(src, 0, 0, sems_i[0]).start()
            in_copy(src, 1, 1, sems_i[1]).start()

            def body(j, _):
                for u in range(_NBUF):
                    ci = _NBUF * j + u
                    fi = ci + 2
                    fb = (u + 2) % _NBUF

                    @pl.when(fi < n_chunks)
                    def _():
                        @pl.when(fi >= _NBUF)
                        def _():
                            out_copy(dst, fi - _NBUF, fb, sems_o[fb]).wait()

                        in_copy(src, fi, fb, sems_i[fb]).start()

                    in_copy(src, ci, u, sems_i[u]).wait()
                    compute(u, ci)
                    out_copy(dst, ci, u, sems_o[u]).start()
                return 0

            lax.fori_loop(0, n_chunks // _NBUF, body, 0)
            for t in range(_NBUF):
                ci = n_chunks - _NBUF + t
                out_copy(dst, ci, ci % _NBUF, sems_o[ci % _NBUF]).wait()

        run(q_hbm, qo_hbm)
        run(k_hbm, ko_hbm)

    qo, ko = k(query, key, c_tab, s_tab)
    return qo, ko


def kernel(query, key):
    return _sc_rope(query, key)

# --- scband reference (transcript-rebuilt; emitter-appended) ---
"""Pipeline reference for scband-rotary-embedding-complex-26688926778054 (READ-ONLY COPY).

The authoritative reference and input builder live on the scoring server;
editing this copy changes nothing except your own understanding.
"""

import jax, jax.numpy as jnp
import numpy as np

DIM = 128
BASE = 10000
MAX_SEQ = 4096


def _freqs(dim, end, theta):
    freqs = 1.0 / (theta ** (jnp.arange(0, dim, 2)[: dim // 2].astype(jnp.float32) / dim))
    t = jnp.arange(end).astype(jnp.float32)
    f = jnp.outer(t, freqs)
    return jnp.cos(f), jnp.sin(f)


def setup_inputs(seed: int = 0) -> dict:
    key = jax.random.key(seed)
    k1, k2 = jax.random.split(key)
    query = jax.random.normal(k1, (4096, 2, 16, 128), dtype=jnp.float32)
    key_t = jax.random.normal(k2, (4096, 2, 16, 128), dtype=jnp.float32)
    return {"query": query, "key": key_t}


def _apply_rotary(x, cos, sin):
    # x: [b, sq, nh, hh]; complex multiply implemented with real arithmetic
    b, sq, nh, hh = x.shape
    xr = x.astype(jnp.float32).reshape(b, sq, nh, hh // 2, 2)
    re = xr[..., 0]
    im = xr[..., 1]
    c = cos[None, :, None, :]
    s = sin[None, :, None, :]
    out_re = re * c - im * s
    out_im = re * s + im * c
    out = jnp.stack([out_re, out_im], axis=-1)
    return out.reshape(b, sq, nh, hh)


def reference(query, key):
    cos, sin = _freqs(DIM, MAX_SEQ, float(BASE))
    sq = query.shape[0]
    cos = cos[:sq]
    sin = sin[:sq]
    # rearrange 'sq b nh hh -> b sq nh hh'
    q = jnp.transpose(query, (1, 0, 2, 3))
    k = jnp.transpose(key, (1, 0, 2, 3))
    q_out = _apply_rotary(q, cos, sin).astype(query.dtype)
    k_out = _apply_rotary(k, cos, sin).astype(key.dtype)
    # rearrange back 'b sq nh hh -> sq b nh hh'
    return (jnp.transpose(q_out, (1, 0, 2, 3)), jnp.transpose(k_out, (1, 0, 2, 3)))

if __name__ == "__main__":
    import jax
    _d = setup_inputs()
    print(jax.jit(kernel)(*tuple(_d.values())))

</pallas_src>

<mosaic_0001>
#map = affine_map<(d0, d1) -> (0, 0, 0, 0)>
#map1 = affine_map<(d0, d1) -> (0, 0)>
module attributes {stable_mosaic.version = 14 : i64} {
  func.func @k(%arg0: i32, %arg1: i32, %arg2: memref<4096x2x16x128xf32, #tpu.memory_space<hbm>>, %arg3: memref<4096x2x16x128xf32, #tpu.memory_space<hbm>>, %arg4: memref<4096x128xf32, #tpu.memory_space<hbm>>, %arg5: memref<4096x128xf32, #tpu.memory_space<hbm>>, %arg6: memref<4096x2x16x128xf32, #tpu.memory_space<hbm>>, %arg7: memref<4096x2x16x128xf32, #tpu.memory_space<hbm>>, %arg8: memref<4x2x16x128xf32, #tpu.memory_space<vmem>>, %arg9: memref<4x2x16x128xf32, #tpu.memory_space<vmem>>, %arg10: memref<4x2x16x128xf32, #tpu.memory_space<vmem>>, %arg11: memref<4x2x16x128xf32, #tpu.memory_space<vmem>>, %arg12: memref<128x128xf32, #tpu.memory_space<vmem>>, %arg13: memref<128x128xf32, #tpu.memory_space<vmem>>, %arg14: memref<!tpu.dma_semaphore, #tpu.memory_space<semaphore_mem>>, %arg15: memref<!tpu.dma_semaphore, #tpu.memory_space<semaphore_mem>>, %arg16: memref<!tpu.dma_semaphore, #tpu.memory_space<semaphore_mem>>, %arg17: memref<!tpu.dma_semaphore, #tpu.memory_space<semaphore_mem>>, %arg18: memref<!tpu.dma_semaphore, #tpu.memory_space<semaphore_mem>>, %arg19: memref<!tpu.dma_semaphore, #tpu.memory_space<semaphore_mem>>, %arg20: memref<!tpu.dma_semaphore, #tpu.memory_space<semaphore_mem>>, %arg21: memref<!tpu.dma_semaphore, #tpu.memory_space<semaphore_mem>>) attributes {dimension_semantics = [#tpu.dimension_semantics<core_parallel>, #tpu.dimension_semantics<subcore_parallel>], iteration_bounds = array<i64: 2, 16>, scalar_prefetch = 0 : i64, scratch_operands = 14 : i64, tpu.core_type = #tpu.core_type<sc_vector_subcore>, window_params = [{transform_indices = #map}, {transform_indices = #map}, {transform_indices = #map1}, {transform_indices = #map1}, {transform_indices = #map}, {transform_indices = #map}]} {
    %iota3A = tpu.iota {dimensions = array<i32: 0>} : vector<16xi32>
    %xor3A = arith.constant 1 : i32
    %xor3A_0 = vector.broadcast %xor3A : i32 to vector<16xi32>
    %xor3A_1 = arith.xori %iota3A, %xor3A_0 : vector<16xi32>
    %add3A = arith.constant 0 : i32
    %add3A_2 = vector.broadcast %add3A : i32 to vector<16xi32>
    %add3A_3 = arith.addi %xor3A_1, %add3A_2 : vector<16xi32>
    %add3A_4 = arith.constant 16 : i32
    %add3A_5 = vector.broadcast %add3A_4 : i32 to vector<16xi32>
    %add3A_6 = arith.addi %xor3A_1, %add3A_5 : vector<16xi32>
    %add3A_7 = arith.constant 32 : i32
    %add3A_8 = vector.broadcast %add3A_7 : i32 to vector<16xi32>
    %add3A_9 = arith.addi %xor3A_1, %add3A_8 : vector<16xi32>
    %add3A_10 = arith.constant 48 : i32
    %add3A_11 = vector.broadcast %add3A_10 : i32 to vector<16xi32>
    %add3A_12 = arith.addi %xor3A_1, %add3A_11 : vector<16xi32>
    %add3A_13 = arith.constant 64 : i32
    %add3A_14 = vector.broadcast %add3A_13 : i32 to vector<16xi32>
    %add3A_15 = arith.addi %xor3A_1, %add3A_14 : vector<16xi32>
    %add3A_16 = arith.constant 80 : i32
    %add3A_17 = vector.broadcast %add3A_16 : i32 to vector<16xi32>
    %add3A_18 = arith.addi %xor3A_1, %add3A_17 : vector<16xi32>
    %add3A_19 = arith.constant 96 : i32
    %add3A_20 = vector.broadcast %add3A_19 : i32 to vector<16xi32>
    %add3A_21 = arith.addi %xor3A_1, %add3A_20 : vector<16xi32>
    %add3A_22 = arith.constant 112 : i32
    %add3A_23 = vector.broadcast %add3A_22 : i32 to vector<16xi32>
    %add3A_24 = arith.addi %xor3A_1, %add3A_23 : vector<16xi32>
    %mul3A = arith.constant 2 : i32
    %mul3A_25 = arith.muli %arg1, %mul3A : i32
    %add3A_26 = arith.addi %mul3A_25, %arg0 : i32
    %mul3A_27 = arith.constant 128 : i32
    %mul3A_28 = arith.muli %add3A_26, %mul3A_27 : i32
    "tpu.region"() ({
      %run_scoped3A = tpu.sem_alloc : memref<!tpu.dma_semaphore, #tpu.memory_space<semaphore_mem>>
      %dma_start3A_160 = arith.constant 0 : i32
      %dma_start3A_161 = tpu.memref_slice %arg4[%mul3A_28, %dma_start3A_160] : memref<4096x128xf32, #tpu.memory_space<hbm>> -> memref<128x128xf32, #tpu.memory_space<hbm>>
      %dma_start3A_162 = arith.constant 0 : i32
      %dma_start3A_163 = tpu.memref_slice %arg4[%mul3A_28, %dma_start3A_162] : memref<4096x128xf32, #tpu.memory_space<hbm>> -> memref<128x128xf32, #tpu.memory_space<hbm>>
      tpu.enqueue_dma source(%dma_start3A_163 : memref<128x128xf32, #tpu.memory_space<hbm>>) target(%arg12 : memref<128x128xf32, #tpu.memory_space<vmem>>) target_semaphore(%run_scoped3A : memref<!tpu.dma_semaphore, #tpu.memory_space<semaphore_mem>>)
      %dma_wait3A_164 = arith.constant 0 : i32
      %dma_wait3A_165 = tpu.memref_slice %arg4[%mul3A_28, %dma_wait3A_164] : memref<4096x128xf32, #tpu.memory_space<hbm>> -> memref<128x128xf32, #tpu.memory_space<hbm>>
      %dma_wait3A_166 = arith.constant 0 : i32
      %dma_wait3A_167 = tpu.memref_slice %arg4[%mul3A_28, %dma_wait3A_166] : memref<4096x128xf32, #tpu.memory_space<hbm>> -> memref<128x128xf32, #tpu.memory_space<hbm>>
      tpu.wait_dma2 semaphore(%run_scoped3A : memref<!tpu.dma_semaphore, #tpu.memory_space<semaphore_mem>>) src(%dma_wait3A_167 : memref<128x128xf32, #tpu.memory_space<hbm>>) dst(%arg12 : memref<128x128xf32, #tpu.memory_space<vmem>>)
      tpu.yield
    }) : () -> ()
    "tpu.region"() ({
      %run_scoped3A = tpu.sem_alloc : memref<!tpu.dma_semaphore, #tpu.memory_space<semaphore_mem>>
      %dma_start3A_160 = arith.constant 0 : i32
      %dma_start3A_161 = tpu.memref_slice %arg5[%mul3A_28, %dma_start3A_160] : memref<4096x128xf32, #tpu.memory_space<hbm>> -> memref<128x128xf32, #tpu.memory_space<hbm>>
      %dma_start3A_162 = arith.constant 0 : i32
      %dma_start3A_163 = tpu.memref_slice %arg5[%mul3A_28, %dma_start3A_162] : memref<4096x128xf32, #tpu.memory_space<hbm>> -> memref<128x128xf32, #tpu.memory_space<hbm>>
      tpu.enqueue_dma source(%dma_start3A_163 : memref<128x128xf32, #tpu.memory_space<hbm>>) target(%arg13 : memref<128x128xf32, #tpu.memory_space<vmem>>) target_semaphore(%run_scoped3A : memref<!tpu.dma_semaphore, #tpu.memory_space<semaphore_mem>>)
      %dma_wait3A_164 = arith.constant 0 : i32
      %dma_wait3A_165 = tpu.memref_slice %arg5[%mul3A_28, %dma_wait3A_164] : memref<4096x128xf32, #tpu.memory_space<hbm>> -> memref<128x128xf32, #tpu.memory_space<hbm>>
      %dma_wait3A_166 = arith.constant 0 : i32
      %dma_wait3A_167 = tpu.memref_slice %arg5[%mul3A_28, %dma_wait3A_166] : memref<4096x128xf32, #tpu.memory_space<hbm>> -> memref<128x128xf32, #tpu.memory_space<hbm>>
      tpu.wait_dma2 semaphore(%run_scoped3A : memref<!tpu.dma_semaphore, #tpu.memory_space<semaphore_mem>>) src(%dma_wait3A_167 : memref<128x128xf32, #tpu.memory_space<hbm>>) dst(%arg13 : memref<128x128xf32, #tpu.memory_space<vmem>>)
      tpu.yield
    }) : () -> ()
    %add3A_29 = arith.constant 0 : i32
    %add3A_30 = arith.addi %mul3A_28, %add3A_29 : i32
    %dma_start3A = arith.constant 0 : i32
    %dma_start3A_31 = arith.constant 0 : i32
    %dma_start3A_32 = arith.constant 0 : i32
    %dma_start3A_33 = tpu.memref_slice %arg2[%add3A_30, %dma_start3A, %dma_start3A_31, %dma_start3A_32] : memref<4096x2x16x128xf32, #tpu.memory_space<hbm>> -> memref<4x2x16x128xf32, #tpu.memory_space<hbm>>
    %dma_start3A_34 = arith.constant 0 : i32
    %dma_start3A_35 = arith.constant 0 : i32
    %dma_start3A_36 = arith.constant 0 : i32
    %dma_start3A_37 = tpu.memref_slice %arg2[%add3A_30, %dma_start3A_34, %dma_start3A_35, %dma_start3A_36] : memref<4096x2x16x128xf32, #tpu.memory_space<hbm>> -> memref<4x2x16x128xf32, #tpu.memory_space<hbm>>
    tpu.enqueue_dma source(%dma_start3A_37 : memref<4x2x16x128xf32, #tpu.memory_space<hbm>>) target(%arg8 : memref<4x2x16x128xf32, #tpu.memory_space<vmem>>) target_semaphore(%arg14 : memref<!tpu.dma_semaphore, #tpu.memory_space<semaphore_mem>>)
    %add3A_38 = arith.constant 4 : i32
    %add3A_39 = arith.addi %mul3A_28, %add3A_38 : i32
    %dma_start3A_40 = arith.constant 0 : i32
    %dma_start3A_41 = arith.constant 0 : i32
    %dma_start3A_42 = arith.constant 0 : i32
    %dma_start3A_43 = tpu.memref_slice %arg2[%add3A_39, %dma_start3A_40, %dma_start3A_41, %dma_start3A_42] : memref<4096x2x16x128xf32, #tpu.memory_space<hbm>> -> memref<4x2x16x128xf32, #tpu.memory_space<hbm>>
    %dma_start3A_44 = arith.constant 0 : i32
    %dma_start3A_45 = arith.constant 0 : i32
    %dma_start3A_46 = arith.constant 0 : i32
    %dma_start3A_47 = tpu.memref_slice %arg2[%add3A_39, %dma_start3A_44, %dma_start3A_45, %dma_start3A_46] : memref<4096x2x16x128xf32, #tpu.memory_space<hbm>> -> memref<4x2x16x128xf32, #tpu.memory_space<hbm>>
    tpu.enqueue_dma source(%dma_start3A_47 : memref<4x2x16x128xf32, #tpu.memory_space<hbm>>) target(%arg9 : memref<4x2x16x128xf32, #tpu.memory_space<vmem>>) target_semaphore(%arg15 : memref<!tpu.dma_semaphore, #tpu.memory_space<semaphore_mem>>)
    %scan3A = arith.constant 0 : i32
    %scan3A_48 = arith.constant 0 : i32
    %scan3A_49 = arith.constant 8 : i32
    %scan3A_50 = arith.addi %scan3A_48, %scan3A_49 : i32
    %scan3A_51 = arith.constant 1 : i32
    %scan3A_52 = scf.for %scan3A_160 = %scan3A_48 to %scan3A_50 step %scan3A_51 iter_args(%scan3A_161 = %scan3A) -> (i32)  : i32 {
      %mul3A_162 = arith.constant 4 : i32
      %mul3A_163 = arith.muli %mul3A_162, %scan3A_160 : i32
      %add3A_164 = arith.constant 0 : i32
      %add3A_165 = arith.addi %mul3A_163, %add3A_164 : i32
      %add3A_166 = arith.constant 2 : i32
      %add3A_167 = arith.addi %add3A_165, %add3A_166 : i32
      %lt3A = arith.constant 32 : i32
      %lt3A_168 = arith.cmpi slt, %add3A_167, %lt3A : i32
      %convert_element_type3A = arith.extui %lt3A_168 : i1 to i32
      %cond3A = arith.constant 0 : i32
      %cond3A_169 = arith.cmpi ne, %convert_element_type3A, %cond3A : i32
      scf.if %cond3A_169 {
        %ge3A = arith.constant 4 : i32
        %ge3A_316 = arith.cmpi sge, %add3A_167, %ge3A : i32
        %convert_element_type3A_317 = arith.extui %ge3A_316 : i1 to i32
        %cond3A_318 = arith.constant 0 : i32
        %cond3A_319 = arith.cmpi ne, %convert_element_type3A_317, %cond3A_318 : i32
        scf.if %cond3A_319 {
          %sub3A = arith.constant 4 : i32
          %sub3A_331 = arith.subi %add3A_167, %sub3A : i32
          %mul3A_332 = arith.constant 4 : i32
          %mul3A_333 = arith.muli %sub3A_331, %mul3A_332 : i32
          %add3A_334 = arith.addi %mul3A_28, %mul3A_333 : i32
          %dma_wait3A_335 = arith.constant 0 : i32
          %dma_wait3A_336 = arith.constant 0 : i32
          %dma_wait3A_337 = arith.constant 0 : i32
          %dma_wait3A_338 = tpu.memref_slice %arg6[%add3A_334, %dma_wait3A_335, %dma_wait3A_336, %dma_wait3A_337] : memref<4096x2x16x128xf32, #tpu.memory_space<hbm>> -> memref<4x2x16x128xf32, #tpu.memory_space<hbm>>
          %dma_wait3A_339 = arith.constant 0 : i32
          %dma_wait3A_340 = arith.constant 0 : i32
          %dma_wait3A_341 = arith.constant 0 : i32
          %dma_wait3A_342 = tpu.memref_slice %arg6[%add3A_334, %dma_wait3A_339, %dma_wait3A_340, %dma_wait3A_341] : memref<4096x2x16x128xf32, #tpu.memory_space<hbm>> -> memref<4x2x16x128xf32, #tpu.memory_space<hbm>>
          tpu.wait_dma2 semaphore(%arg20 : memref<!tpu.dma_semaphore, #tpu.memory_space<semaphore_mem>>) src(%arg10 : memref<4x2x16x128xf32, #tpu.memory_space<vmem>>) dst(%dma_wait3A_342 : memref<4x2x16x128xf32, #tpu.memory_space<hbm>>)
        } else {
        }
        %mul3A_320 = arith.constant 4 : i32
        %mul3A_321 = arith.muli %add3A_167, %mul3A_320 : i32
        %add3A_322 = arith.addi %mul3A_28, %mul3A_321 : i32
        %dma_start3A_323 = arith.constant 0 : i32
        %dma_start3A_324 = arith.constant 0 : i32
        %dma_start3A_325 = arith.constant 0 : i32
        %dma_start3A_326 = tpu.memref_slice %arg2[%add3A_322, %dma_start3A_323, %dma_start3A_324, %dma_start3A_325] : memref<4096x2x16x128xf32, #tpu.memory_space<hbm>> -> memref<4x2x16x128xf32, #tpu.memory_space<hbm>>
        %dma_start3A_327 = arith.constant 0 : i32
        %dma_start3A_328 = arith.constant 0 : i32
        %dma_start3A_329 = arith.constant 0 : i32
        %dma_start3A_330 = tpu.memref_slice %arg2[%add3A_322, %dma_start3A_327, %dma_start3A_328, %dma_start3A_329] : memref<4096x2x16x128xf32, #tpu.memory_space<hbm>> -> memref<4x2x16x128xf32, #tpu.memory_space<hbm>>
        tpu.enqueue_dma source(%dma_start3A_330 : memref<4x2x16x128xf32, #tpu.memory_space<hbm>>) target(%arg10 : memref<4x2x16x128xf32, #tpu.memory_space<vmem>>) target_semaphore(%arg16 : memref<!tpu.dma_semaphore, #tpu.memory_space<semaphore_mem>>)
      } else {
      }
      %mul3A_170 = arith.constant 4 : i32
      %mul3A_171 = arith.muli %add3A_165, %mul3A_170 : i32
      %add3A_172 = arith.addi %mul3A_28, %mul3A_171 : i32
      %dma_wait3A_173 = arith.constant 0 : i32
      %dma_wait3A_174 = arith.constant 0 : i32
      %dma_wait3A_175 = arith.constant 0 : i32
      %dma_wait3A_176 = tpu.memref_slice %arg2[%add3A_172, %dma_wait3A_173, %dma_wait3A_174, %dma_wait3A_175] : memref<4096x2x16x128xf32, #tpu.memory_space<hbm>> -> memref<4x2x16x128xf32, #tpu.memory_space<hbm>>
      %dma_wait3A_177 = arith.constant 0 : i32
      %dma_wait3A_178 = arith.constant 0 : i32
      %dma_wait3A_179 = arith.constant 0 : i32
      %dma_wait3A_180 = tpu.memref_slice %arg2[%add3A_172, %dma_wait3A_177, %dma_wait3A_178, %dma_wait3A_179] : memref<4096x2x16x128xf32, #tpu.memory_space<hbm>> -> memref<4x2x16x128xf32, #tpu.memory_space<hbm>>
      tpu.wait_dma2 semaphore(%arg14 : memref<!tpu.dma_semaphore, #tpu.memory_space<semaphore_mem>>) src(%dma_wait3A_180 : memref<4x2x16x128xf32, #tpu.memory_space<hbm>>) dst(%arg8 : memref<4x2x16x128xf32, #tpu.memory_space<vmem>>)
      %scan3A_181 = arith.constant 0 : i32
      %scan3A_182 = arith.constant 0 : i32
      %scan3A_183 = arith.constant 4 : i32
      %scan3A_184 = arith.addi %scan3A_182, %scan3A_183 : i32
      %scan3A_185 = arith.constant 1 : i32
      scf.for %scan3A_316 = %scan3A_182 to %scan3A_184 step %scan3A_185  : i32 {
        %mul3A_317 = arith.constant 4 : i32
        %mul3A_318 = arith.muli %add3A_165, %mul3A_317 : i32
        %add3A_319 = arith.addi %mul3A_318, %scan3A_316 : i32
        %get3A = arith.index_cast %add3A_319 : i32 to index
        %get3A_320 = arith.constant 0 : index
        %get3A_321 = tpu.vector_load %arg12[%get3A, %get3A_320] {strides = array<i32>} : memref<128x128xf32, #tpu.memory_space<vmem>>, vector<16xf32>,
        %get3A_322 = arith.index_cast %add3A_319 : i32 to index
        %get3A_323 = arith.constant 0 : index
        %get3A_324 = tpu.vector_load %arg13[%get3A_322, %get3A_323] {strides = array<i32>} : memref<128x128xf32, #tpu.memory_space<vmem>>, vector<16xf32>,
        %get3A_325 = arith.index_cast %add3A_319 : i32 to index
        %get3A_326 = arith.constant 16 : index
        %get3A_327 = tpu.vector_load %arg12[%get3A_325, %get3A_326] {strides = array<i32>} : memref<128x128xf32, #tpu.memory_space<vmem>>, vector<16xf32>,
        %get3A_328 = arith.index_cast %add3A_319 : i32 to index
        %get3A_329 = arith.constant 16 : index
        %get3A_330 = tpu.vector_load %arg13[%get3A_328, %get3A_329] {strides = array<i32>} : memref<128x128xf32, #tpu.memory_space<vmem>>, vector<16xf32>,
        %get3A_331 = arith.index_cast %add3A_319 : i32 to index
        %get3A_332 = arith.constant 32 : index
        %get3A_333 = tpu.vector_load %arg12[%get3A_331, %get3A_332] {strides = array<i32>} : memref<128x128xf32, #tpu.memory_space<vmem>>, vector<16xf32>,
        %get3A_334 = arith.index_cast %add3A_319 : i32 to index
        %get3A_335 = arith.constant 32 : index
        %get3A_336 = tpu.vector_load %arg13[%get3A_334, %get3A_335] {strides = array<i32>} : memref<128x128xf32, #tpu.memory_space<vmem>>, vector<16xf32>,
        %get3A_337 = arith.index_cast %add3A_319 : i32 to index
        %get3A_338 = arith.constant 48 : index
        %get3A_339 = tpu.vector_load %arg12[%get3A_337, %get3A_338] {strides = array<i32>} : memref<128x128xf32, #tpu.memory_space<vmem>>, vector<16xf32>,
        %get3A_340 = arith.index_cast %add3A_319 : i32 to index
        %get3A_341 = arith.constant 48 : index
        %get3A_342 = tpu.vector_load %arg13[%get3A_340, %get3A_341] {strides = array<i32>} : memref<128x128xf32, #tpu.memory_space<vmem>>, vector<16xf32>,
        %get3A_343 = arith.index_cast %add3A_319 : i32 to index
        %get3A_344 = arith.constant 64 : index
        %get3A_345 = tpu.vector_load %arg12[%get3A_343, %get3A_344] {strides = array<i32>} : memref<128x128xf32, #tpu.memory_space<vmem>>, vector<16xf32>,
        %get3A_346 = arith.index_cast %add3A_319 : i32 to index
        %get3A_347 = arith.constant 64 : index
        %get3A_348 = tpu.vector_load %arg13[%get3A_346, %get3A_347] {strides = array<i32>} : memref<128x128xf32, #tpu.memory_space<vmem>>, vector<16xf32>,
        %get3A_349 = arith.index_cast %add3A_319 : i32 to index
        %get3A_350 = arith.constant 80 : index
        %get3A_351 = tpu.vector_load %arg12[%get3A_349, %get3A_350] {strides = array<i32>} : memref<128x128xf32, #tpu.memory_space<vmem>>, vector<16xf32>,
        %get3A_352 = arith.index_cast %add3A_319 : i32 to index
        %get3A_353 = arith.constant 80 : index
        %get3A_354 = tpu.vector_load %arg13[%get3A_352, %get3A_353] {strides = array<i32>} : memref<128x128xf32, #tpu.memory_space<vmem>>, vector<16xf32>,
        %get3A_355 = arith.index_cast %add3A_319 : i32 to index
        %get3A_356 = arith.constant 96 : index
        %get3A_357 = tpu.vector_load %arg12[%get3A_355, %get3A_356] {strides = array<i32>} : memref<128x128xf32, #tpu.memory_space<vmem>>, vector<16xf32>,
        %get3A_358 = arith.index_cast %add3A_319 : i32 to index
        %get3A_359 = arith.constant 96 : index
        %get3A_360 = tpu.vector_load %arg13[%get3A_358, %get3A_359] {strides = array<i32>} : memref<128x128xf32, #tpu.memory_space<vmem>>, vector<16xf32>,
        %get3A_361 = arith.index_cast %add3A_319 : i32 to index
        %get3A_362 = arith.constant 112 : index
        %get3A_363 = tpu.vector_load %arg12[%get3A_361, %get3A_362] {strides = array<i32>} : memref<128x128xf32, #tpu.memory_space<vmem>>, vector<16xf32>,
        %get3A_364 = arith.index_cast %add3A_319 : i32 to index
        %get3A_365 = arith.constant 112 : index
        %get3A_366 = tpu.vector_load %arg13[%get3A_364, %get3A_365] {strides = array<i32>} : memref<128x128xf32, #tpu.memory_space<vmem>>, vector<16xf32>,
        %broadcast_in_dim3A = vector.broadcast %scan3A_316 : i32 to vector<16xi32>
        %parallel_loop3A = arith.constant 0 : i32
        %parallel_loop3A_367 = arith.constant 32 : i32
        %parallel_loop3A_368 = arith.constant 1 : i32
        scf.for %parallel_loop3A_369 = %parallel_loop3A to %parallel_loop3A_367 step %parallel_loop3A_368  : i32 {
          %parallel_loop3A_370 = arith.constant 4 : i32
          %parallel_loop3A_371 = arith.shrsi %parallel_loop3A_369, %parallel_loop3A_370 : i32
          %parallel_loop3A_372 = arith.constant 15 : i32
          %parallel_loop3A_373 = arith.andi %parallel_loop3A_369, %parallel_loop3A_372 : i32
          %parallel_loop3A_374 = vector.broadcast %parallel_loop3A_371 : i32 to vector<16xi32>
          %parallel_loop3A_375 = vector.broadcast %parallel_loop3A_373 : i32 to vector<16xi32>
          %parallel_loop3A_376 = arith.index_cast %scan3A_316 : i32 to index
          %parallel_loop3A_377 = arith.index_cast %parallel_loop3A_371 : i32 to index
          %parallel_loop3A_378 = arith.index_cast %parallel_loop3A_373 : i32 to index
          %parallel_loop3A_379 = arith.constant 0 : index
          %parallel_loop3A_380 = tpu.vector_load %arg8[%parallel_loop3A_376, %parallel_loop3A_377, %parallel_loop3A_378, %parallel_loop3A_379] {strides = array<i32>} : memref<4x2x16x128xf32, #tpu.memory_space<vmem>>, vector<16xf32>,
          %parallel_loop3A_381 = arith.index_cast %scan3A_316 : i32 to index
          %parallel_loop3A_382 = arith.index_cast %parallel_loop3A_371 : i32 to index
          %parallel_loop3A_383 = arith.index_cast %parallel_loop3A_373 : i32 to index
          %parallel_loop3A_384 = arith.constant 16 : index
          %parallel_loop3A_385 = tpu.vector_load %arg8[%parallel_loop3A_381, %parallel_loop3A_382, %parallel_loop3A_383, %parallel_loop3A_384] {strides = array<i32>} : memref<4x2x16x128xf32, #tpu.memory_space<vmem>>, vector<16xf32>,
          %parallel_loop3A_386 = arith.index_cast %scan3A_316 : i32 to index
          %parallel_loop3A_387 = arith.index_cast %parallel_loop3A_371 : i32 to index
          %parallel_loop3A_388 = arith.index_cast %parallel_loop3A_373 : i32 to index
          %parallel_loop3A_389 = arith.constant 32 : index
          %parallel_loop3A_390 = tpu.vector_load %arg8[%parallel_loop3A_386, %parallel_loop3A_387, %parallel_loop3A_388, %parallel_loop3A_389] {strides = array<i32>} : memref<4x2x16x128xf32, #tpu.memory_space<vmem>>, vector<16xf32>,
          %parallel_loop3A_391 = arith.index_cast %scan3A_316 : i32 to index
          %parallel_loop3A_392 = arith.index_cast %parallel_loop3A_371 : i32 to index
          %parallel_loop3A_393 = arith.index_cast %parallel_loop3A_373 : i32 to index
          %parallel_loop3A_394 = arith.constant 48 : index
          %parallel_loop3A_395 = tpu.vector_load %arg8[%parallel_loop3A_391, %parallel_loop3A_392, %parallel_loop3A_393, %parallel_loop3A_394] {strides = array<i32>} : memref<4x2x16x128xf32, #tpu.memory_space<vmem>>, vector<16xf32>,
          %parallel_loop3A_396 = arith.index_cast %scan3A_316 : i32 to index
          %parallel_loop3A_397 = arith.index_cast %parallel_loop3A_371 : i32 to index
          %parallel_loop3A_398 = arith.index_cast %parallel_loop3A_373 : i32 to index
          %parallel_loop3A_399 = arith.constant 64 : index
          %parallel_loop3A_400 = tpu.vector_load %arg8[%parallel_loop3A_396, %parallel_loop3A_397, %parallel_loop3A_398, %parallel_loop3A_399] {strides = array<i32>} : memref<4x2x16x128xf32, #tpu.memory_space<vmem>>, vector<16xf32>,
          %parallel_loop3A_401 = arith.index_cast %scan3A_316 : i32 to index
          %parallel_loop3A_402 = arith.index_cast %parallel_loop3A_371 : i32 to index
          %parallel_loop3A_403 = arith.index_cast %parallel_loop3A_373 : i32 to index
          %parallel_loop3A_404 = arith.constant 80 : index
          %parallel_loop3A_405 = tpu.vector_load %arg8[%parallel_loop3A_401, %parallel_loop3A_402, %parallel_loop3A_403, %parallel_loop3A_404] {strides = array<i32>} : memref<4x2x16x128xf32, #tpu.memory_space<vmem>>, vector<16xf32>,
          %parallel_loop3A_406 = arith.index_cast %scan3A_316 : i32 to index
          %parallel_loop3A_407 = arith.index_cast %parallel_loop3A_371 : i32 to index
          %parallel_loop3A_408 = arith.index_cast %parallel_loop3A_373 : i32 to index
          %parallel_loop3A_409 = arith.constant 96 : index
          %parallel_loop3A_410 = tpu.vector_load %arg8[%parallel_loop3A_406, %parallel_loop3A_407, %parallel_loop3A_408, %parallel_loop3A_409] {strides = array<i32>} : memref<4x2x16x128xf32, #tpu.memory_space<vmem>>, vector<16xf32>,
          %parallel_loop3A_411 = arith.index_cast %scan3A_316 : i32 to index
          %parallel_loop3A_412 = arith.index_cast %parallel_loop3A_371 : i32 to index
          %parallel_loop3A_413 = arith.index_cast %parallel_loop3A_373 : i32 to index
          %parallel_loop3A_414 = arith.constant 112 : index
          %parallel_loop3A_415 = tpu.vector_load %arg8[%parallel_loop3A_411, %parallel_loop3A_412, %parallel_loop3A_413, %parallel_loop3A_414] {strides = array<i32>} : memref<4x2x16x128xf32, #tpu.memory_space<vmem>>, vector<16xf32>,
          %parallel_loop3A_416 = tpu.vector_load_idx %arg8[%broadcast_in_dim3A, %parallel_loop3A_374, %parallel_loop3A_375, %add3A_3] : memref<4x2x16x128xf32, #tpu.memory_space<vmem>>[vector<16xi32>, vector<16xi32>, vector<16xi32>, vector<16xi32>], vector<16xf32>,
          %parallel_loop3A_417 = tpu.vector_load_idx %arg8[%broadcast_in_dim3A, %parallel_loop3A_374, %parallel_loop3A_375, %add3A_6] : memref<4x2x16x128xf32, #tpu.memory_space<vmem>>[vector<16xi32>, vector<16xi32>, vector<16xi32>, vector<16xi32>], vector<16xf32>,
          %parallel_loop3A_418 = tpu.vector_load_idx %arg8[%broadcast_in_dim3A, %parallel_loop3A_374, %parallel_loop3A_375, %add3A_9] : memref<4x2x16x128xf32, #tpu.memory_space<vmem>>[vector<16xi32>, vector<16xi32>, vector<16xi32>, vector<16xi32>], vector<16xf32>,
          %parallel_loop3A_419 = tpu.vector_load_idx %arg8[%broadcast_in_dim3A, %parallel_loop3A_374, %parallel_loop3A_375, %add3A_12] : memref<4x2x16x128xf32, #tpu.memory_space<vmem>>[vector<16xi32>, vector<16xi32>, vector<16xi32>, vector<16xi32>], vector<16xf32>,
          %parallel_loop3A_420 = tpu.vector_load_idx %arg8[%broadcast_in_dim3A, %parallel_loop3A_374, %parallel_loop3A_375, %add3A_15] : memref<4x2x16x128xf32, #tpu.memory_space<vmem>>[vector<16xi32>, vector<16xi32>, vector<16xi32>, vector<16xi32>], vector<16xf32>,
          %parallel_loop3A_421 = tpu.vector_load_idx %arg8[%broadcast_in_dim3A, %parallel_loop3A_374, %parallel_loop3A_375, %add3A_18] : memref<4x2x16x128xf32, #tpu.memory_space<vmem>>[vector<16xi32>, vector<16xi32>, vector<16xi32>, vector<16xi32>], vector<16xf32>,
          %parallel_loop3A_422 = tpu.vector_load_idx %arg8[%broadcast_in_dim3A, %parallel_loop3A_374, %parallel_loop3A_375, %add3A_21] : memref<4x2x16x128xf32, #tpu.memory_space<vmem>>[vector<16xi32>, vector<16xi32>, vector<16xi32>, vector<16xi32>], vector<16xf32>,
          %parallel_loop3A_423 = tpu.vector_load_idx %arg8[%broadcast_in_dim3A, %parallel_loop3A_374, %parallel_loop3A_375, %add3A_24] : memref<4x2x16x128xf32, #tpu.memory_space<vmem>>[vector<16xi32>, vector<16xi32>, vector<16xi32>, vector<16xi32>], vector<16xf32>,
          %parallel_loop3A_424 = arith.mulf %parallel_loop3A_380, %get3A_321 : vector<16xf32>
          %parallel_loop3A_425 = arith.mulf %parallel_loop3A_416, %get3A_324 : vector<16xf32>
          %parallel_loop3A_426 = arith.addf %parallel_loop3A_424, %parallel_loop3A_425 : vector<16xf32>
          %parallel_loop3A_427 = arith.index_cast %scan3A_316 : i32 to index
          %parallel_loop3A_428 = arith.index_cast %parallel_loop3A_371 : i32 to index
          %parallel_loop3A_429 = arith.index_cast %parallel_loop3A_373 : i32 to index
          %parallel_loop3A_430 = arith.constant 0 : index
          %parallel_loop3A_431 = tpu.vector_load %arg8[%parallel_loop3A_427, %parallel_loop3A_428, %parallel_loop3A_429, %parallel_loop3A_430] {strides = array<i32>} : memref<4x2x16x128xf32, #tpu.memory_space<vmem>>, vector<16xf32>,
          tpu.vector_store %arg8[%parallel_loop3A_427, %parallel_loop3A_428, %parallel_loop3A_429, %parallel_loop3A_430], %parallel_loop3A_426 {strides = array<i32>} : memref<4x2x16x128xf32, #tpu.memory_space<vmem>>, vector<16xf32>,
          %parallel_loop3A_432 = arith.mulf %parallel_loop3A_385, %get3A_327 : vector<16xf32>
          %parallel_loop3A_433 = arith.mulf %parallel_loop3A_417, %get3A_330 : vector<16xf32>
          %parallel_loop3A_434 = arith.addf %parallel_loop3A_432, %parallel_loop3A_433 : vector<16xf32>
          %parallel_loop3A_435 = arith.index_cast %scan3A_316 : i32 to index
          %parallel_loop3A_436 = arith.index_cast %parallel_loop3A_371 : i32 to index
          %parallel_loop3A_437 = arith.index_cast %parallel_loop3A_373 : i32 to index
          %parallel_loop3A_438 = arith.constant 16 : index
          %parallel_loop3A_439 = tpu.vector_load %arg8[%parallel_loop3A_435, %parallel_loop3A_436, %parallel_loop3A_437, %parallel_loop3A_438] {strides = array<i32>} : memref<4x2x16x128xf32, #tpu.memory_space<vmem>>, vector<16xf32>,
          tpu.vector_store %arg8[%parallel_loop3A_435, %parallel_loop3A_436, %parallel_loop3A_437, %parallel_loop3A_438], %parallel_loop3A_434 {strides = array<i32>} : memref<4x2x16x128xf32, #tpu.memory_space<vmem>>, vector<16xf32>,
          %parallel_loop3A_440 = arith.mulf %parallel_loop3A_390, %get3A_333 : vector<16xf32>
          %parallel_loop3A_441 = arith.mulf %parallel_loop3A_418, %get3A_336 : vector<16xf32>
          %parallel_loop3A_442 = arith.addf %parallel_loop3A_440, %parallel_loop3A_441 : vector<16xf32>
          %parallel_loop3A_443 = arith.index_cast %scan3A_316 : i32 to index
          %parallel_loop3A_444 = arith.index_cast %parallel_loop3A_371 : i32 to index
          %parallel_loop3A_445 = arith.index_cast %parallel_loop3A_373 : i32 to index
          %parallel_loop3A_446 = arith.constant 32 : index
          %parallel_loop3A_447 = tpu.vector_load %arg8[%parallel_loop3A_443, %parallel_loop3A_444, %parallel_loop3A_445, %parallel_loop3A_446] {strides = array<i32>} : memref<4x2x16x128xf32, #tpu.memory_space<vmem>>, vector<16xf32>,
          tpu.vector_store %arg8[%parallel_loop3A_443, %parallel_loop3A_444, %parallel_loop3A_445, %parallel_loop3A_446], %parallel_loop3A_442 {strides = array<i32>} : memref<4x2x16x128xf32, #tpu.memory_space<vmem>>, vector<16xf32>,
          %parallel_loop3A_448 = arith.mulf %parallel_loop3A_395, %get3A_339 : vector<16xf32>
          %parallel_loop3A_449 = arith.mulf %parallel_loop3A_419, %get3A_342 : vector<16xf32>
          %parallel_loop3A_450 = arith.addf %parallel_loop3A_448, %parallel_loop3A_449 : vector<16xf32>
          %parallel_loop3A_451 = arith.index_cast %scan3A_316 : i32 to index
          %parallel_loop3A_452 = arith.index_cast %parallel_loop3A_371 : i32 to index
          %parallel_loop3A_453 = arith.index_cast %parallel_loop3A_373 : i32 to index
          %parallel_loop3A_454 = arith.constant 48 : index
          %parallel_loop3A_455 = tpu.vector_load %arg8[%parallel_loop3A_451, %parallel_loop3A_452, %parallel_loop3A_453, %parallel_loop3A_454] {strides = array<i32>} : memref<4x2x16x128xf32, #tpu.memory_space<vmem>>, vector<16xf32>,
          tpu.vector_store %arg8[%parallel_loop3A_451, %parallel_loop3A_452, %parallel_loop3A_453, %parallel_loop3A_454], %parallel_loop3A_450 {strides = array<i32>} : memref<4x2x16x128xf32, #tpu.memory_space<vmem>>, vector<16xf32>,
          %parallel_loop3A_456 = arith.mulf %parallel_loop3A_400, %get3A_345 : vector<16xf32>
          %parallel_loop3A_457 = arith.mulf %parallel_loop3A_420, %get3A_348 : vector<16xf32>
          %parallel_loop3A_458 = arith.addf %parallel_loop3A_456, %parallel_loop3A_457 : vector<16xf32>
          %parallel_loop3A_459 = arith.index_cast %scan3A_316 : i32 to index
          %parallel_loop3A_460 = arith.index_cast %parallel_loop3A_371 : i32 to index
          %parallel_loop3A_461 = arith.index_cast %parallel_loop3A_373 : i32 to index
          %parallel_loop3A_462 = arith.constant 64 : index
          %parallel_loop3A_463 = tpu.vector_load %arg8[%parallel_loop3A_459, %parallel_loop3A_460, %parallel_loop3A_461, %parallel_loop3A_462] {strides = array<i32>} : memref<4x2x16x128xf32, #tpu.memory_space<vmem>>, vector<16xf32>,
          tpu.vector_store %arg8[%parallel_loop3A_459, %parallel_loop3A_460, %parallel_loop3A_461, %parallel_loop3A_462], %parallel_loop3A_458 {strides = array<i32>} : memref<4x2x16x128xf32, #tpu.memory_space<vmem>>, vector<16xf32>,
          %parallel_loop3A_464 = arith.mulf %parallel_loop3A_405, %get3A_351 : vector<16xf32>
          %parallel_loop3A_465 = arith.mulf %parallel_loop3A_421, %get3A_354 : vector<16xf32>
          %parallel_loop3A_466 = arith.addf %parallel_loop3A_464, %parallel_loop3A_465 : vector<16xf32>
          %parallel_loop3A_467 = arith.index_cast %scan3A_316 : i32 to index
          %parallel_loop3A_468 = arith.index_cast %parallel_loop3A_371 : i32 to index
          %parallel_loop3A_469 = arith.index_cast %parallel_loop3A_373 : i32 to index
          %parallel_loop3A_470 = arith.constant 80 : index
          %parallel_loop3A_471 = tpu.vector_load %arg8[%parallel_loop3A_467, %parallel_loop3A_468, %parallel_loop3A_469, %parallel_loop3A_470] {strides = array<i32>} : memref<4x2x16x128xf32, #tpu.memory_space<vmem>>, vector<16xf32>,
          tpu.vector_store %arg8[%parallel_loop3A_467, %parallel_loop3A_468, %parallel_loop3A_469, %parallel_loop3A_470], %parallel_loop3A_466 {strides = array<i32>} : memref<4x2x16x128xf32, #tpu.memory_space<vmem>>, vector<16xf32>,
          %parallel_loop3A_472 = arith.mulf %parallel_loop3A_410, %get3A_357 : vector<16xf32>
          %parallel_loop3A_473 = arith.mulf %parallel_loop3A_422, %get3A_360 : vector<16xf32>
          %parallel_loop3A_474 = arith.addf %parallel_loop3A_472, %parallel_loop3A_473 : vector<16xf32>
          %parallel_loop3A_475 = arith.index_cast %scan3A_316 : i32 to index
          %parallel_loop3A_476 = arith.index_cast %parallel_loop3A_371 : i32 to index
          %parallel_loop3A_477 = arith.index_cast %parallel_loop3A_373 : i32 to index
          %parallel_loop3A_478 = arith.constant 96 : index
          %parallel_loop3A_479 = tpu.vector_load %arg8[%parallel_loop3A_475, %parallel_loop3A_476, %parallel_loop3A_477, %parallel_loop3A_478] {strides = array<i32>} : memref<4x2x16x128xf32, #tpu.memory_space<vmem>>, vector<16xf32>,
          tpu.vector_store %arg8[%parallel_loop3A_475, %parallel_loop3A_476, %parallel_loop3A_477, %parallel_loop3A_478], %parallel_loop3A_474 {strides = array<i32>} : memref<4x2x16x128xf32, #tpu.memory_space<vmem>>, vector<16xf32>,
          %parallel_loop3A_480 = arith.mulf %parallel_loop3A_415, %get3A_363 : vector<16xf32>
          %parallel_loop3A_481 = arith.mulf %parallel_loop3A_423, %get3A_366 : vector<16xf32>
          %parallel_loop3A_482 = arith.addf %parallel_loop3A_480, %parallel_loop3A_481 : vector<16xf32>
          %parallel_loop3A_483 = arith.index_cast %scan3A_316 : i32 to index
          %parallel_loop3A_484 = arith.index_cast %parallel_loop3A_371 : i32 to index
          %parallel_loop3A_485 = arith.index_cast %parallel_loop3A_373 : i32 to index
          %parallel_loop3A_486 = arith.constant 112 : index
          %parallel_loop3A_487 = tpu.vector_load %arg8[%parallel_loop3A_483, %parallel_loop3A_484, %parallel_loop3A_485, %parallel_loop3A_486] {strides = array<i32>} : memref<4x2x16x128xf32, #tpu.memory_space<vmem>>, vector<16xf32>,
          tpu.vector_store %arg8[%parallel_loop3A_483, %parallel_loop3A_484, %parallel_loop3A_485, %parallel_loop3A_486], %parallel_loop3A_482 {strides = array<i32>} : memref<4x2x16x128xf32, #tpu.memory_space<vmem>>, vector<16xf32>,
        } {sc.loop_unroll_factor = 4 : i64, sc.parallel_access}
      }
      %scan3A_186 = arith.constant 4 : i32
      %mul3A_187 = arith.constant 4 : i32
      %mul3A_188 = arith.muli %add3A_165, %mul3A_187 : i32
      %add3A_189 = arith.addi %mul3A_28, %mul3A_188 : i32
      %dma_start3A_190 = arith.constant 0 : i32
      %dma_start3A_191 = arith.constant 0 : i32
      %dma_start3A_192 = arith.constant 0 : i32
      %dma_start3A_193 = tpu.memref_slice %arg6[%add3A_189, %dma_start3A_190, %dma_start3A_191, %dma_start3A_192] : memref<4096x2x16x128xf32, #tpu.memory_space<hbm>> -> memref<4x2x16x128xf32, #tpu.memory_space<hbm>>
      %dma_start3A_194 = arith.constant 0 : i32
      %dma_start3A_195 = arith.constant 0 : i32
      %dma_start3A_196 = arith.constant 0 : i32
      %dma_start3A_197 = tpu.memref_slice %arg6[%add3A_189, %dma_start3A_194, %dma_start3A_195, %dma_start3A_196] : memref<4096x2x16x128xf32, #tpu.memory_space<hbm>> -> memref<4x2x16x128xf32, #tpu.memory_space<hbm>>
      tpu.enqueue_dma source(%arg8 : memref<4x2x16x128xf32, #tpu.memory_space<vmem>>) target(%dma_start3A_197 : memref<4x2x16x128xf32, #tpu.memory_space<hbm>>) target_semaphore(%arg18 : memref<!tpu.dma_semaphore, #tpu.memory_space<semaphore_mem>>)
      %mul3A_198 = arith.constant 4 : i32
      %mul3A_199 = arith.muli %mul3A_198, %scan3A_160 : i32
      %add3A_200 = arith.constant 1 : i32
      %add3A_201 = arith.addi %mul3A_199, %add3A_200 : i32
      %add3A_202 = arith.constant 2 : i32
      %add3A_203 = arith.addi %add3A_201, %add3A_202 : i32
      %lt3A_204 = arith.constant 32 : i32
      %lt3A_205 = arith.cmpi slt, %add3A_203, %lt3A_204 : i32
      %convert_element_type3A_206 = arith.extui %lt3A_205 : i1 to i32
      %cond3A_207 = arith.constant 0 : i32
      %cond3A_208 = arith.cmpi ne, %convert_element_type3A_206, %cond3A_207 : i32
      scf.if %cond3A_208 {
        %ge3A = arith.constant 4 : i32
        %ge3A_316 = arith.cmpi sge, %add3A_203, %ge3A : i32
        %convert_element_type3A_317 = arith.extui %ge3A_316 : i1 to i32
        %cond3A_318 = arith.constant 0 : i32
        %cond3A_319 = arith.cmpi ne, %convert_element_type3A_317, %cond3A_318 : i32
        scf.if %cond3A_319 {
          %sub3A = arith.constant 4 : i32
          %sub3A_331 = arith.subi %add3A_203, %sub3A : i32
          %mul3A_332 = arith.constant 4 : i32
          %mul3A_333 = arith.muli %sub3A_331, %mul3A_332 : i32
          %add3A_334 = arith.addi %mul3A_28, %mul3A_333 : i32
          %dma_wait3A_335 = arith.constant 0 : i32
          %dma_wait3A_336 = arith.constant 0 : i32
          %dma_wait3A_337 = arith.constant 0 : i32
          %dma_wait3A_338 = tpu.memref_slice %arg6[%add3A_334, %dma_wait3A_335, %dma_wait3A_336, %dma_wait3A_337] : memref<4096x2x16x128xf32, #tpu.memory_space<hbm>> -> memref<4x2x16x128xf32, #tpu.memory_space<hbm>>
          %dma_wait3A_339 = arith.constant 0 : i32
          %dma_wait3A_340 = arith.constant 0 : i32
          %dma_wait3A_341 = arith.constant 0 : i32
          %dma_wait3A_342 = tpu.memref_slice %arg6[%add3A_334, %dma_wait3A_339, %dma_wait3A_340, %dma_wait3A_341] : memref<4096x2x16x128xf32, #tpu.memory_space<hbm>> -> memref<4x2x16x128xf32, #tpu.memory_space<hbm>>
          tpu.wait_dma2 semaphore(%arg21 : memref<!tpu.dma_semaphore, #tpu.memory_space<semaphore_mem>>) src(%arg11 : memref<4x2x16x128xf32, #tpu.memory_space<vmem>>) dst(%dma_wait3A_342 : memref<4x2x16x128xf32, #tpu.memory_space<hbm>>)
        } else {
        }
        %mul3A_320 = arith.constant 4 : i32
        %mul3A_321 = arith.muli %add3A_203, %mul3A_320 : i32
        %add3A_322 = arith.addi %mul3A_28, %mul3A_321 : i32
        %dma_start3A_323 = arith.constant 0 : i32
        %dma_start3A_324 = arith.constant 0 : i32
        %dma_start3A_325 = arith.constant 0 : i32
        %dma_start3A_326 = tpu.memref_slice %arg2[%add3A_322, %dma_start3A_323, %dma_start3A_324, %dma_start3A_325] : memref<4096x2x16x128xf32, #tpu.memory_space<hbm>> -> memref<4x2x16x128xf32, #tpu.memory_space<hbm>>
        %dma_start3A_327 = arith.constant 0 : i32
        %dma_start3A_328 = arith.constant 0 : i32
        %dma_start3A_329 = arith.constant 0 : i32
        %dma_start3A_330 = tpu.memref_slice %arg2[%add3A_322, %dma_start3A_327, %dma_start3A_328, %dma_start3A_329] : memref<4096x2x16x128xf32, #tpu.memory_space<hbm>> -> memref<4x2x16x128xf32, #tpu.memory_space<hbm>>
        tpu.enqueue_dma source(%dma_start3A_330 : memref<4x2x16x128xf32, #tpu.memory_space<hbm>>) target(%arg11 : memref<4x2x16x128xf32, #tpu.memory_space<vmem>>) target_semaphore(%arg17 : memref<!tpu.dma_semaphore, #tpu.memory_space<semaphore_mem>>)
      } else {
      }
      %mul3A_209 = arith.constant 4 : i32
      %mul3A_210 = arith.muli %add3A_201, %mul3A_209 : i32
      %add3A_211 = arith.addi %mul3A_28, %mul3A_210 : i32
      %dma_wait3A_212 = arith.constant 0 : i32
      %dma_wait3A_213 = arith.constant 0 : i32
      %dma_wait3A_214 = arith.constant 0 : i32
      %dma_wait3A_215 = tpu.memref_slice %arg2[%add3A_211, %dma_wait3A_212, %dma_wait3A_213, %dma_wait3A_214] : memref<4096x2x16x128xf32, #tpu.memory_space<hbm>> -> memref<4x2x16x128xf32, #tpu.memory_space<hbm>>
      %dma_wait3A_216 = arith.constant 0 : i32
      %dma_wait3A_217 = arith.constant 0 : i32
      %dma_wait3A_218 = arith.constant 0 : i32
      %dma_wait3A_219 = tpu.memref_slice %arg2[%add3A_211, %dma_wait3A_216, %dma_wait3A_217, %dma_wait3A_218] : memref<4096x2x16x128xf32, #tpu.memory_space<hbm>> -> memref<4x2x16x128xf32, #tpu.memory_space<hbm>>
      tpu.wait_dma2 semaphore(%arg15 : memref<!tpu.dma_semaphore, #tpu.memory_space<semaphore_mem>>) src(%dma_wait3A_219 : memref<4x2x16x128xf32, #tpu.memory_space<hbm>>) dst(%arg9 : memref<4x2x16x128xf32, #tpu.memory_space<vmem>>)
      %scan3A_220 = arith.constant 0 : i32
      %scan3A_221 = arith.constant 0 : i32
      %scan3A_222 = arith.constant 4 : i32
      %scan3A_223 = arith.addi %scan3A_221, %scan3A_222 : i32
      %scan3A_224 = arith.constant 1 : i32
      scf.for %scan3A_316 = %scan3A_221 to %scan3A_223 step %scan3A_224  : i32 {
        %mul3A_317 = arith.constant 4 : i32
        %mul3A_318 = arith.muli %add3A_201, %mul3A_317 : i32
        %add3A_319 = arith.addi %mul3A_318, %scan3A_316 : i32
        %get3A = arith.index_cast %add3A_319 : i32 to index
        %get3A_320 = arith.constant 0 : index
        %get3A_321 = tpu.vector_load %arg12[%get3A, %get3A_320] {strides = array<i32>} : memref<128x128xf32, #tpu.memory_space<vmem>>, vector<16xf32>,
        %get3A_322 = arith.index_cast %add3A_319 : i32 to index
        %get3A_323 = arith.constant 0 : index
        %get3A_324 = tpu.vector_load %arg13[%get3A_322, %get3A_323] {strides = array<i32>} : memref<128x128xf32, #tpu.memory_space<vmem>>, vector<16xf32>,
        %get3A_325 = arith.index_cast %add3A_319 : i32 to index
        %get3A_326 = arith.constant 16 : index
        %get3A_327 = tpu.vector_load %arg12[%get3A_325, %get3A_326] {strides = array<i32>} : memref<128x128xf32, #tpu.memory_space<vmem>>, vector<16xf32>,
        %get3A_328 = arith.index_cast %add3A_319 : i32 to index
        %get3A_329 = arith.constant 16 : index
        %get3A_330 = tpu.vector_load %arg13[%get3A_328, %get3A_329] {strides = array<i32>} : memref<128x128xf32, #tpu.memory_space<vmem>>, vector<16xf32>,
        %get3A_331 = arith.index_cast %add3A_319 : i32 to index
        %get3A_332 = arith.constant 32 : index
        %get3A_333 = tpu.vector_load %arg12[%get3A_331, %get3A_332] {strides = array<i32>} : memref<128x128xf32, #tpu.memory_space<vmem>>, vector<16xf32>,
        %get3A_334 = arith.index_cast %add3A_319 : i32 to index
        %get3A_335 = arith.constant 32 : index
        %get3A_336 = tpu.vector_load %arg13[%get3A_334, %get3A_335] {strides = array<i32>} : memref<128x128xf32, #tpu.memory_space<vmem>>, vector<16xf32>,
        %get3A_337 = arith.index_cast %add3A_319 : i32 to index
        %get3A_338 = arith.constant 48 : index
        %get3A_339 = tpu.vector_load %arg12[%get3A_337, %get3A_338] {strides = array<i32>} : memref<128x128xf32, #tpu.memory_space<vmem>>, vector<16xf32>,
        %get3A_340 = arith.index_cast %add3A_319 : i32 to index
        %get3A_341 = arith.constant 48 : index
        %get3A_342 = tpu.vector_load %arg13[%get3A_340, %get3A_341] {strides = array<i32>} : memref<128x128xf32, #tpu.memory_space<vmem>>, vector<16xf32>,
        %get3A_343 = arith.index_cast %add3A_319 : i32 to index
        %get3A_344 = arith.constant 64 : index
        %get3A_345 = tpu.vector_load %arg12[%get3A_343, %get3A_344] {strides = array<i32>} : memref<128x128xf32, #tpu.memory_space<vmem>>, vector<16xf32>,
        %get3A_346 = arith.index_cast %add3A_319 : i32 to index
        %get3A_347 = arith.constant 64 : index
        %get3A_348 = tpu.vector_load %arg13[%get3A_346, %get3A_347] {strides = array<i32>} : memref<128x128xf32, #tpu.memory_space<vmem>>, vector<16xf32>,
        %get3A_349 = arith.index_cast %add3A_319 : i32 to index
        %get3A_350 = arith.constant 80 : index
        %get3A_351 = tpu.vector_load %arg12[%get3A_349, %get3A_350] {strides = array<i32>} : memref<128x128xf32, #tpu.memory_space<vmem>>, vector<16xf32>,
        %get3A_352 = arith.index_cast %add3A_319 : i32 to index
        %get3A_353 = arith.constant 80 : index
        %get3A_354 = tpu.vector_load %arg13[%get3A_352, %get3A_353] {strides = array<i32>} : memref<128x128xf32, #tpu.memory_space<vmem>>, vector<16xf32>,
        %get3A_355 = arith.index_cast %add3A_319 : i32 to index
        %get3A_356 = arith.constant 96 : index
        %get3A_357 = tpu.vector_load %arg12[%get3A_355, %get3A_356] {strides = array<i32>} : memref<128x128xf32, #tpu.memory_space<vmem>>, vector<16xf32>,
        %get3A_358 = arith.index_cast %add3A_319 : i32 to index
        %get3A_359 = arith.constant 96 : index
        %get3A_360 = tpu.vector_load %arg13[%get3A_358, %get3A_359] {strides = array<i32>} : memref<128x128xf32, #tpu.memory_space<vmem>>, vector<16xf32>,
        %get3A_361 = arith.index_cast %add3A_319 : i32 to index
        %get3A_362 = arith.constant 112 : index
        %get3A_363 = tpu.vector_load %arg12[%get3A_361, %get3A_362] {strides = array<i32>} : memref<128x128xf32, #tpu.memory_space<vmem>>, vector<16xf32>,
        %get3A_364 = arith.index_cast %add3A_319 : i32 to index
        %get3A_365 = arith.constant 112 : index
        %get3A_366 = tpu.vector_load %arg13[%get3A_364, %get3A_365] {strides = array<i32>} : memref<128x128xf32, #tpu.memory_space<vmem>>, vector<16xf32>,
        %broadcast_in_dim3A = vector.broadcast %scan3A_316 : i32 to vector<16xi32>
        %parallel_loop3A = arith.constant 0 : i32
        %parallel_loop3A_367 = arith.constant 32 : i32
        %parallel_loop3A_368 = arith.constant 1 : i32
        scf.for %parallel_loop3A_369 = %parallel_loop3A to %parallel_loop3A_367 step %parallel_loop3A_368  : i32 {
          %parallel_loop3A_370 = arith.constant 4 : i32
          %parallel_loop3A_371 = arith.shrsi %parallel_loop3A_369, %parallel_loop3A_370 : i32
          %parallel_loop3A_372 = arith.constant 15 : i32
          %parallel_loop3A_373 = arith.andi %parallel_loop3A_369, %parallel_loop3A_372 : i32
          %parallel_loop3A_374 = vector.broadcast %parallel_loop3A_371 : i32 to vector<16xi32>
          %parallel_loop3A_375 = vector.broadcast %parallel_loop3A_373 : i32 to vector<16xi32>
          %parallel_loop3A_376 = arith.index_cast %scan3A_316 : i32 to index
          %parallel_loop3A_377 = arith.index_cast %parallel_loop3A_371 : i32 to index
          %parallel_loop3A_378 = arith.index_cast %parallel_loop3A_373 : i32 to index
          %parallel_loop3A_379 = arith.constant 0 : index
          %parallel_loop3A_380 = tpu.vector_load %arg9[%parallel_loop3A_376, %parallel_loop3A_377, %parallel_loop3A_378, %parallel_loop3A_379] {strides = array<i32>} : memref<4x2x16x128xf32, #tpu.memory_space<vmem>>, vector<16xf32>,
          %parallel_loop3A_381 = arith.index_cast %scan3A_316 : i32 to index
          %parallel_loop3A_382 = arith.index_cast %parallel_loop3A_371 : i32 to index
          %parallel_loop3A_383 = arith.index_cast %parallel_loop3A_373 : i32 to index
          %parallel_loop3A_384 = arith.constant 16 : index
          %parallel_loop3A_385 = tpu.vector_load %arg9[%parallel_loop3A_381, %parallel_loop3A_382, %parallel_loop3A_383, %parallel_loop3A_384] {strides = array<i32>} : memref<4x2x16x128xf32, #tpu.memory_space<vmem>>, vector<16xf32>,
          %parallel_loop3A_386 = arith.index_cast %scan3A_316 : i32 to index
          %parallel_loop3A_387 = arith.index_cast %parallel_loop3A_371 : i32 to index
          %parallel_loop3A_388 = arith.index_cast %parallel_loop3A_373 : i32 to index
          %parallel_loop3A_389 = arith.constant 32 : index
          %parallel_loop3A_390 = tpu.vector_load %arg9[%parallel_loop3A_386, %parallel_loop3A_387, %parallel_loop3A_388, %parallel_loop3A_389] {strides = array<i32>} : memref<4x2x16x128xf32, #tpu.memory_space<vmem>>, vector<16xf32>,
          %parallel_loop3A_391 = arith.index_cast %scan3A_316 : i32 to index
          %parallel_loop3A_392 = arith.index_cast %parallel_loop3A_371 : i32 to index
          %parallel_loop3A_393 = arith.index_cast %parallel_loop3A_373 : i32 to index
          %parallel_loop3A_394 = arith.constant 48 : index
          %parallel_loop3A_395 = tpu.vector_load %arg9[%parallel_loop3A_391, %parallel_loop3A_392, %parallel_loop3A_393, %parallel_loop3A_394] {strides = array<i32>} : memref<4x2x16x128xf32, #tpu.memory_space<vmem>>, vector<16xf32>,
          %parallel_loop3A_396 = arith.index_cast %scan3A_316 : i32 to index
          %parallel_loop3A_397 = arith.index_cast %parallel_loop3A_371 : i32 to index
          %parallel_loop3A_398 = arith.index_cast %parallel_loop3A_373 : i32 to index
          %parallel_loop3A_399 = arith.constant 64 : index
          %parallel_loop3A_400 = tpu.vector_load %arg9[%parallel_loop3A_396, %parallel_loop3A_397, %parallel_loop3A_398, %parallel_loop3A_399] {strides = array<i32>} : memref<4x2x16x128xf32, #tpu.memory_space<vmem>>, vector<16xf32>,
          %parallel_loop3A_401 = arith.index_cast %scan3A_316 : i32 to index
          %parallel_loop3A_402 = arith.index_cast %parallel_loop3A_371 : i32 to index
          %parallel_loop3A_403 = arith.index_cast %parallel_loop3A_373 : i32 to index
          %parallel_loop3A_404 = arith.constant 80 : index
          %parallel_loop3A_405 = tpu.vector_load %arg9[%parallel_loop3A_401, %parallel_loop3A_402, %parallel_loop3A_403, %parallel_loop3A_404] {strides = array<i32>} : memref<4x2x16x128xf32, #tpu.memory_space<vmem>>, vector<16xf32>,
          %parallel_loop3A_406 = arith.index_cast %scan3A_316 : i32 to index
          %parallel_loop3A_407 = arith.index_cast %parallel_loop3A_371 : i32 to index
          %parallel_loop3A_408 = arith.index_cast %parallel_loop3A_373 : i32 to index
          %parallel_loop3A_409 = arith.constant 96 : index
          %parallel_loop3A_410 = tpu.vector_load %arg9[%parallel_loop3A_406, %parallel_loop3A_407, %parallel_loop3A_408, %parallel_loop3A_409] {strides = array<i32>} : memref<4x2x16x128xf32, #tpu.memory_space<vmem>>, vector<16xf32>,
          %parallel_loop3A_411 = arith.index_cast %scan3A_316 : i32 to index
          %parallel_loop3A_412 = arith.index_cast %parallel_loop3A_371 : i32 to index
          %parallel_loop3A_413 = arith.index_cast %parallel_loop3A_373 : i32 to index
          %parallel_loop3A_414 = arith.constant 112 : index
          %parallel_loop3A_415 = tpu.vector_load %arg9[%parallel_loop3A_411, %parallel_loop3A_412, %parallel_loop3A_413, %parallel_loop3A_414] {strides = array<i32>} : memref<4x2x16x128xf32, #tpu.memory_space<vmem>>, vector<16xf32>,
          %parallel_loop3A_416 = tpu.vector_load_idx %arg9[%broadcast_in_dim3A, %parallel_loop3A_374, %parallel_loop3A_375, %add3A_3] : memref<4x2x16x128xf32, #tpu.memory_space<vmem>>[vector<16xi32>, vector<16xi32>, vector<16xi32>, vector<16xi32>], vector<16xf32>,
          %parallel_loop3A_417 = tpu.vector_load_idx %arg9[%broadcast_in_dim3A, %parallel_loop3A_374, %parallel_loop3A_375, %add3A_6] : memref<4x2x16x128xf32, #tpu.memory_space<vmem>>[vector<16xi32>, vector<16xi32>, vector<16xi32>, vector<16xi32>], vector<16xf32>,
          %parallel_loop3A_418 = tpu.vector_load_idx %arg9[%broadcast_in_dim3A, %parallel_loop3A_374, %parallel_loop3A_375, %add3A_9] : memref<4x2x16x128xf32, #tpu.memory_space<vmem>>[vector<16xi32>, vector<16xi32>, vector<16xi32>, vector<16xi32>], vector<16xf32>,
          %parallel_loop3A_419 = tpu.vector_load_idx %arg9[%broadcast_in_dim3A, %parallel_loop3A_374, %parallel_loop3A_375, %add3A_12] : memref<4x2x16x128xf32, #tpu.memory_space<vmem>>[vector<16xi32>, vector<16xi32>, vector<16xi32>, vector<16xi32>], vector<16xf32>,
          %parallel_loop3A_420 = tpu.vector_load_idx %arg9[%broadcast_in_dim3A, %parallel_loop3A_374, %parallel_loop3A_375, %add3A_15] : memref<4x2x16x128xf32, #tpu.memory_space<vmem>>[vector<16xi32>, vector<16xi32>, vector<16xi32>, vector<16xi32>], vector<16xf32>,
          %parallel_loop3A_421 = tpu.vector_load_idx %arg9[%broadcast_in_dim3A, %parallel_loop3A_374, %parallel_loop3A_375, %add3A_18] : memref<4x2x16x128xf32, #tpu.memory_space<vmem>>[vector<16xi32>, vector<16xi32>, vector<16xi32>, vector<16xi32>], vector<16xf32>,
          %parallel_loop3A_422 = tpu.vector_load_idx %arg9[%broadcast_in_dim3A, %parallel_loop3A_374, %parallel_loop3A_375, %add3A_21] : memref<4x2x16x128xf32, #tpu.memory_space<vmem>>[vector<16xi32>, vector<16xi32>, vector<16xi32>, vector<16xi32>], vector<16xf32>,
          %parallel_loop3A_423 = tpu.vector_load_idx %arg9[%broadcast_in_dim3A, %parallel_loop3A_374, %parallel_loop3A_375, %add3A_24] : memref<4x2x16x128xf32, #tpu.memory_space<vmem>>[vector<16xi32>, vector<16xi32>, vector<16xi32>, vector<16xi32>], vector<16xf32>,
          %parallel_loop3A_424 = arith.mulf %parallel_loop3A_380, %get3A_321 : vector<16xf32>
          %parallel_loop3A_425 = arith.mulf %parallel_loop3A_416, %get3A_324 : vector<16xf32>
          %parallel_loop3A_426 = arith.addf %parallel_loop3A_424, %parallel_loop3A_425 : vector<16xf32>
          %parallel_loop3A_427 = arith.index_cast %scan3A_316 : i32 to index
          %parallel_loop3A_428 = arith.index_cast %parallel_loop3A_371 : i32 to index
          %parallel_loop3A_429 = arith.index_cast %parallel_loop3A_373 : i32 to index
          %parallel_loop3A_430 = arith.constant 0 : index
          %parallel_loop3A_431 = tpu.vector_load %arg9[%parallel_loop3A_427, %parallel_loop3A_428, %parallel_loop3A_429, %parallel_loop3A_430] {strides = array<i32>} : memref<4x2x16x128xf32, #tpu.memory_space<vmem>>, vector<16xf32>,
          tpu.vector_store %arg9[%parallel_loop3A_427, %parallel_loop3A_428, %parallel_loop3A_429, %parallel_loop3A_430], %parallel_loop3A_426 {strides = array<i32>} : memref<4x2x16x128xf32, #tpu.memory_space<vmem>>, vector<16xf32>,
          %parallel_loop3A_432 = arith.mulf %parallel_loop3A_385, %get3A_327 : vector<16xf32>
          %parallel_loop3A_433 = arith.mulf %parallel_loop3A_417, %get3A_330 : vector<16xf32>
          %parallel_loop3A_434 = arith.addf %parallel_loop3A_432, %parallel_loop3A_433 : vector<16xf32>
          %parallel_loop3A_435 = arith.index_cast %scan3A_316 : i32 to index
          %parallel_loop3A_436 = arith.index_cast %parallel_loop3A_371 : i32 to index
          %parallel_loop3A_437 = arith.index_cast %parallel_loop3A_373 : i32 to index
          %parallel_loop3A_438 = arith.constant 16 : index
          %parallel_loop3A_439 = tpu.vector_load %arg9[%parallel_loop3A_435, %parallel_loop3A_436, %parallel_loop3A_437, %parallel_loop3A_438] {strides = array<i32>} : memref<4x2x16x128xf32, #tpu.memory_space<vmem>>, vector<16xf32>,
          tpu.vector_store %arg9[%parallel_loop3A_435, %parallel_loop3A_436, %parallel_loop3A_437, %parallel_loop3A_438], %parallel_loop3A_434 {strides = array<i32>} : memref<4x2x16x128xf32, #tpu.memory_space<vmem>>, vector<16xf32>,
          %parallel_loop3A_440 = arith.mulf %parallel_loop3A_390, %get3A_333 : vector<16xf32>
          %parallel_loop3A_441 = arith.mulf %parallel_loop3A_418, %get3A_336 : vector<16xf32>
          %parallel_loop3A_442 = arith.addf %parallel_loop3A_440, %parallel_loop3A_441 : vector<16xf32>
          %parallel_loop3A_443 = arith.index_cast %scan3A_316 : i32 to index
          %parallel_loop3A_444 = arith.index_cast %parallel_loop3A_371 : i32 to index
          %parallel_loop3A_445 = arith.index_cast %parallel_loop3A_373 : i32 to index
          %parallel_loop3A_446 = arith.constant 32 : index
          %parallel_loop3A_447 = tpu.vector_load %arg9[%parallel_loop3A_443, %parallel_loop3A_444, %parallel_loop3A_445, %parallel_loop3A_446] {strides = array<i32>} : memref<4x2x16x128xf32, #tpu.memory_space<vmem>>, vector<16xf32>,
          tpu.vector_store %arg9[%parallel_loop3A_443, %parallel_loop3A_444, %parallel_loop3A_445, %parallel_loop3A_446], %parallel_loop3A_442 {strides = array<i32>} : memref<4x2x16x128xf32, #tpu.memory_space<vmem>>, vector<16xf32>,
          %parallel_loop3A_448 = arith.mulf %parallel_loop3A_395, %get3A_339 : vector<16xf32>
          %parallel_loop3A_449 = arith.mulf %parallel_loop3A_419, %get3A_342 : vector<16xf32>
          %parallel_loop3A_450 = arith.addf %parallel_loop3A_448, %parallel_loop3A_449 : vector<16xf32>
          %parallel_loop3A_451 = arith.index_cast %scan3A_316 : i32 to index
          %parallel_loop3A_452 = arith.index_cast %parallel_loop3A_371 : i32 to index
          %parallel_loop3A_453 = arith.index_cast %parallel_loop3A_373 : i32 to index
          %parallel_loop3A_454 = arith.constant 48 : index
          %parallel_loop3A_455 = tpu.vector_load %arg9[%parallel_loop3A_451, %parallel_loop3A_452, %parallel_loop3A_453, %parallel_loop3A_454] {strides = array<i32>} : memref<4x2x16x128xf32, #tpu.memory_space<vmem>>, vector<16xf32>,
          tpu.vector_store %arg9[%parallel_loop3A_451, %parallel_loop3A_452, %parallel_loop3A_453, %parallel_loop3A_454], %parallel_loop3A_450 {strides = array<i32>} : memref<4x2x16x128xf32, #tpu.memory_space<vmem>>, vector<16xf32>,
          %parallel_loop3A_456 = arith.mulf %parallel_loop3A_400, %get3A_345 : vector<16xf32>
          %parallel_loop3A_457 = arith.mulf %parallel_loop3A_420, %get3A_348 : vector<16xf32>
          %parallel_loop3A_458 = arith.addf %parallel_loop3A_456, %parallel_loop3A_457 : vector<16xf32>
          %parallel_loop3A_459 = arith.index_cast %scan3A_316 : i32 to index
          %parallel_loop3A_460 = arith.index_cast %parallel_loop3A_371 : i32 to index
          %parallel_loop3A_461 = arith.index_cast %parallel_loop3A_373 : i32 to index
          %parallel_loop3A_462 = arith.constant 64 : index
          %parallel_loop3A_463 = tpu.vector_load %arg9[%parallel_loop3A_459, %parallel_loop3A_460, %parallel_loop3A_461, %parallel_loop3A_462] {strides = array<i32>} : memref<4x2x16x128xf32, #tpu.memory_space<vmem>>, vector<16xf32>,
          tpu.vector_store %arg9[%parallel_loop3A_459, %parallel_loop3A_460, %parallel_loop3A_461, %parallel_loop3A_462], %parallel_loop3A_458 {strides = array<i32>} : memref<4x2x16x128xf32, #tpu.memory_space<vmem>>, vector<16xf32>,
          %parallel_loop3A_464 = arith.mulf %parallel_loop3A_405, %get3A_351 : vector<16xf32>
          %parallel_loop3A_465 = arith.mulf %parallel_loop3A_421, %get3A_354 : vector<16xf32>
          %parallel_loop3A_466 = arith.addf %parallel_loop3A_464, %parallel_loop3A_465 : vector<16xf32>
          %parallel_loop3A_467 = arith.index_cast %scan3A_316 : i32 to index
          %parallel_loop3A_468 = arith.index_cast %parallel_loop3A_371 : i32 to index
          %parallel_loop3A_469 = arith.index_cast %parallel_loop3A_373 : i32 to index
          %parallel_loop3A_470 = arith.constant 80 : index
          %parallel_loop3A_471 = tpu.vector_load %arg9[%parallel_loop3A_467, %parallel_loop3A_468, %parallel_loop3A_469, %parallel_loop3A_470] {strides = array<i32>} : memref<4x2x16x128xf32, #tpu.memory_space<vmem>>, vector<16xf32>,
          tpu.vector_store %arg9[%parallel_loop3A_467, %parallel_loop3A_468, %parallel_loop3A_469, %parallel_loop3A_470], %parallel_loop3A_466 {strides = array<i32>} : memref<4x2x16x128xf32, #tpu.memory_space<vmem>>, vector<16xf32>,
          %parallel_loop3A_472 = arith.mulf %parallel_loop3A_410, %get3A_357 : vector<16xf32>
          %parallel_loop3A_473 = arith.mulf %parallel_loop3A_422, %get3A_360 : vector<16xf32>
          %parallel_loop3A_474 = arith.addf %parallel_loop3A_472, %parallel_loop3A_473 : vector<16xf32>
          %parallel_loop3A_475 = arith.index_cast %scan3A_316 : i32 to index
          %parallel_loop3A_476 = arith.index_cast %parallel_loop3A_371 : i32 to index
          %parallel_loop3A_477 = arith.index_cast %parallel_loop3A_373 : i32 to index
          %parallel_loop3A_478 = arith.constant 96 : index
          %parallel_loop3A_479 = tpu.vector_load %arg9[%parallel_loop3A_475, %parallel_loop3A_476, %parallel_loop3A_477, %parallel_loop3A_478] {strides = array<i32>} : memref<4x2x16x128xf32, #tpu.memory_space<vmem>>, vector<16xf32>,
          tpu.vector_store %arg9[%parallel_loop3A_475, %parallel_loop3A_476, %parallel_loop3A_477, %parallel_loop3A_478], %parallel_loop3A_474 {strides = array<i32>} : memref<4x2x16x128xf32, #tpu.memory_space<vmem>>, vector<16xf32>,
          %parallel_loop3A_480 = arith.mulf %parallel_loop3A_415, %get3A_363 : vector<16xf32>
          %parallel_loop3A_481 = arith.mulf %parallel_loop3A_423, %get3A_366 : vector<16xf32>
          %parallel_loop3A_482 = arith.addf %parallel_loop3A_480, %parallel_loop3A_481 : vector<16xf32>
          %parallel_loop3A_483 = arith.index_cast %scan3A_316 : i32 to index
          %parallel_loop3A_484 = arith.index_cast %parallel_loop3A_371 : i32 to index
          %parallel_loop3A_485 = arith.index_cast %parallel_loop3A_373 : i32 to index
          %parallel_loop3A_486 = arith.constant 112 : index
          %parallel_loop3A_487 = tpu.vector_load %arg9[%parallel_loop3A_483, %parallel_loop3A_484, %parallel_loop3A_485, %parallel_loop3A_486] {strides = array<i32>} : memref<4x2x16x128xf32, #tpu.memory_space<vmem>>, vector<16xf32>,
          tpu.vector_store %arg9[%parallel_loop3A_483, %parallel_loop3A_484, %parallel_loop3A_485, %parallel_loop3A_486], %parallel_loop3A_482 {strides = array<i32>} : memref<4x2x16x128xf32, #tpu.memory_space<vmem>>, vector<16xf32>,
        } {sc.loop_unroll_factor = 4 : i64, sc.parallel_access}
      }
      %scan3A_225 = arith.constant 4 : i32
      %mul3A_226 = arith.constant 4 : i32
      %mul3A_227 = arith.muli %add3A_201, %mul3A_226 : i32
      %add3A_228 = arith.addi %mul3A_28, %mul3A_227 : i32
      %dma_start3A_229 = arith.constant 0 : i32
      %dma_start3A_230 = arith.constant 0 : i32
      %dma_start3A_231 = arith.constant 0 : i32
      %dma_start3A_232 = tpu.memref_slice %arg6[%add3A_228, %dma_start3A_229, %dma_start3A_230, %dma_start3A_231] : memref<4096x2x16x128xf32, #tpu.memory_space<hbm>> -> memref<4x2x16x128xf32, #tpu.memory_space<hbm>>
      %dma_start3A_233 = arith.constant 0 : i32
      %dma_start3A_234 = arith.constant 0 : i32
      %dma_start3A_235 = arith.constant 0 : i32
      %dma_start3A_236 = tpu.memref_slice %arg6[%add3A_228, %dma_start3A_233, %dma_start3A_234, %dma_start3A_235] : memref<4096x2x16x128xf32, #tpu.memory_space<hbm>> -> memref<4x2x16x128xf32, #tpu.memory_space<hbm>>
      tpu.enqueue_dma source(%arg9 : memref<4x2x16x128xf32, #tpu.memory_space<vmem>>) target(%dma_start3A_236 : memref<4x2x16x128xf32, #tpu.memory_space<hbm>>) target_semaphore(%arg19 : memref<!tpu.dma_semaphore, #tpu.memory_space<semaphore_mem>>)
      %mul3A_237 = arith.constant 4 : i32
      %mul3A_238 = arith.muli %mul3A_237, %scan3A_160 : i32
      %add3A_239 = arith.constant 2 : i32
      %add3A_240 = arith.addi %mul3A_238, %add3A_239 : i32
      %add3A_241 = arith.constant 2 : i32
      %add3A_242 = arith.addi %add3A_240, %add3A_241 : i32
      %lt3A_243 = arith.constant 32 : i32
      %lt3A_244 = arith.cmpi slt, %add3A_242, %lt3A_243 : i32
      %convert_element_type3A_245 = arith.extui %lt3A_244 : i1 to i32
      %cond3A_246 = arith.constant 0 : i32
      %cond3A_247 = arith.cmpi ne, %convert_element_type3A_245, %cond3A_246 : i32
      scf.if %cond3A_247 {
        %ge3A = arith.constant 4 : i32
        %ge3A_316 = arith.cmpi sge, %add3A_242, %ge3A : i32
        %convert_element_type3A_317 = arith.extui %ge3A_316 : i1 to i32
        %cond3A_318 = arith.constant 0 : i32
        %cond3A_319 = arith.cmpi ne, %convert_element_type3A_317, %cond3A_318 : i32
        scf.if %cond3A_319 {
          %sub3A = arith.constant 4 : i32
          %sub3A_331 = arith.subi %add3A_242, %sub3A : i32
          %mul3A_332 = arith.constant 4 : i32
          %mul3A_333 = arith.muli %sub3A_331, %mul3A_332 : i32
          %add3A_334 = arith.addi %mul3A_28, %mul3A_333 : i32
          %dma_wait3A_335 = arith.constant 0 : i32
          %dma_wait3A_336 = arith.constant 0 : i32
          %dma_wait3A_337 = arith.constant 0 : i32
          %dma_wait3A_338 = tpu.memref_slice %arg6[%add3A_334, %dma_wait3A_335, %dma_wait3A_336, %dma_wait3A_337] : memref<4096x2x16x128xf32, #tpu.memory_space<hbm>> -> memref<4x2x16x128xf32, #tpu.memory_space<hbm>>
          %dma_wait3A_339 = arith.constant 0 : i32
          %dma_wait3A_340 = arith.constant 0 : i32
          %dma_wait3A_341 = arith.constant 0 : i32
          %dma_wait3A_342 = tpu.memref_slice %arg6[%add3A_334, %dma_wait3A_339, %dma_wait3A_340, %dma_wait3A_341] : memref<4096x2x16x128xf32, #tpu.memory_space<hbm>> -> memref<4x2x16x128xf32, #tpu.memory_space<hbm>>
          tpu.wait_dma2 semaphore(%arg18 : memref<!tpu.dma_semaphore, #tpu.memory_space<semaphore_mem>>) src(%arg8 : memref<4x2x16x128xf32, #tpu.memory_space<vmem>>) dst(%dma_wait3A_342 : memref<4x2x16x128xf32, #tpu.memory_space<hbm>>)
        } else {
        }
        %mul3A_320 = arith.constant 4 : i32
        %mul3A_321 = arith.muli %add3A_242, %mul3A_320 : i32
        %add3A_322 = arith.addi %mul3A_28, %mul3A_321 : i32
        %dma_start3A_323 = arith.constant 0 : i32
        %dma_start3A_324 = arith.constant 0 : i32
        %dma_start3A_325 = arith.constant 0 : i32
        %dma_start3A_326 = tpu.memref_slice %arg2[%add3A_322, %dma_start3A_323, %dma_start3A_324, %dma_start3A_325] : memref<4096x2x16x128xf32, #tpu.memory_space<hbm>> -> memref<4x2x16x128xf32, #tpu.memory_space<hbm>>
        %dma_start3A_327 = arith.constant 0 : i32
        %dma_start3A_328 = arith.constant 0 : i32
        %dma_start3A_329 = arith.constant 0 : i32
        %dma_start3A_330 = tpu.memref_slice %arg2[%add3A_322, %dma_start3A_327, %dma_start3A_328, %dma_start3A_329] : memref<4096x2x16x128xf32, #tpu.memory_space<hbm>> -> memref<4x2x16x128xf32, #tpu.memory_space<hbm>>
        tpu.enqueue_dma source(%dma_start3A_330 : memref<4x2x16x128xf32, #tpu.memory_space<hbm>>) target(%arg8 : memref<4x2x16x128xf32, #tpu.memory_space<vmem>>) target_semaphore(%arg14 : memref<!tpu.dma_semaphore, #tpu.memory_space<semaphore_mem>>)
      } else {
      }
      %mul3A_248 = arith.constant 4 : i32
      %mul3A_249 = arith.muli %add3A_240, %mul3A_248 : i32
      %add3A_250 = arith.addi %mul3A_28, %mul3A_249 : i32
      %dma_wait3A_251 = arith.constant 0 : i32
      %dma_wait3A_252 = arith.constant 0 : i32
      %dma_wait3A_253 = arith.constant 0 : i32
      %dma_wait3A_254 = tpu.memref_slice %arg2[%add3A_250, %dma_wait3A_251, %dma_wait3A_252, %dma_wait3A_253] : memref<4096x2x16x128xf32, #tpu.memory_space<hbm>> -> memref<4x2x16x128xf32, #tpu.memory_space<hbm>>
      %dma_wait3A_255 = arith.constant 0 : i32
      %dma_wait3A_256 = arith.constant 0 : i32
      %dma_wait3A_257 = arith.constant 0 : i32
      %dma_wait3A_258 = tpu.memref_slice %arg2[%add3A_250, %dma_wait3A_255, %dma_wait3A_256, %dma_wait3A_257] : memref<4096x2x16x128xf32, #tpu.memory_space<hbm>> -> memref<4x2x16x128xf32, #tpu.memory_space<hbm>>
      tpu.wait_dma2 semaphore(%arg16 : memref<!tpu.dma_semaphore, #tpu.memory_space<semaphore_mem>>) src(%dma_wait3A_258 : memref<4x2x16x128xf32, #tpu.memory_space<hbm>>) dst(%arg10 : memref<4x2x16x128xf32, #tpu.memory_space<vmem>>)
      %scan3A_259 = arith.constant 0 : i32
      %scan3A_260 = arith.constant 0 : i32
      %scan3A_261 = arith.constant 4 : i32
      %scan3A_262 = arith.addi %scan3A_260, %scan3A_261 : i32
      %scan3A_263 = arith.constant 1 : i32
      scf.for %scan3A_316 = %scan3A_260 to %scan3A_262 step %scan3A_263  : i32 {
        %mul3A_317 = arith.constant 4 : i32
        %mul3A_318 = arith.muli %add3A_240, %mul3A_317 : i32
        %add3A_319 = arith.addi %mul3A_318, %scan3A_316 : i32
        %get3A = arith.index_cast %add3A_319 : i32 to index
        %get3A_320 = arith.constant 0 : index
        %get3A_321 = tpu.vector_load %arg12[%get3A, %get3A_320] {strides = array<i32>} : memref<128x128xf32, #tpu.memory_space<vmem>>, vector<16xf32>,
        %get3A_322 = arith.index_cast %add3A_319 : i32 to index
        %get3A_323 = arith.constant 0 : index
        %get3A_324 = tpu.vector_load %arg13[%get3A_322, %get3A_323] {strides = array<i32>} : memref<128x128xf32, #tpu.memory_space<vmem>>, vector<16xf32>,
        %get3A_325 = arith.index_cast %add3A_319 : i32 to index
        %get3A_326 = arith.constant 16 : index
        %get3A_327 = tpu.vector_load %arg12[%get3A_325, %get3A_326] {strides = array<i32>} : memref<128x128xf32, #tpu.memory_space<vmem>>, vector<16xf32>,
        %get3A_328 = arith.index_cast %add3A_319 : i32 to index
        %get3A_329 = arith.constant 16 : index
        %get3A_330 = tpu.vector_load %arg13[%get3A_328, %get3A_329] {strides = array<i32>} : memref<128x128xf32, #tpu.memory_space<vmem>>, vector<16xf32>,
        %get3A_331 = arith.index_cast %add3A_319 : i32 to index
        %get3A_332 = arith.constant 32 : index
        %get3A_333 = tpu.vector_load %arg12[%get3A_331, %get3A_332] {strides = array<i32>} : memref<128x128xf32, #tpu.memory_space<vmem>>, vector<16xf32>,
        %get3A_334 = arith.index_cast %add3A_319 : i32 to index
        %get3A_335 = arith.constant 32 : index
        %get3A_336 = tpu.vector_load %arg13[%get3A_334, %get3A_335] {strides = array<i32>} : memref<128x128xf32, #tpu.memory_space<vmem>>, vector<16xf32>,
        %get3A_337 = arith.index_cast %add3A_319 : i32 to index
        %get3A_338 = arith.constant 48 : index
        %get3A_339 = tpu.vector_load %arg12[%get3A_337, %get3A_338] {strides = array<i32>} : memref<128x128xf32, #tpu.memory_space<vmem>>, vector<16xf32>,
        %get3A_340 = arith.index_cast %add3A_319 : i32 to index
        %get3A_341 = arith.constant 48 : index
        %get3A_342 = tpu.vector_load %arg13[%get3A_340, %get3A_341] {strides = array<i32>} : memref<128x128xf32, #tpu.memory_space<vmem>>, vector<16xf32>,
        %get3A_343 = arith.index_cast %add3A_319 : i32 to index
        %get3A_344 = arith.constant 64 : index
        %get3A_345 = tpu.vector_load %arg12[%get3A_343, %get3A_344] {strides = array<i32>} : memref<128x128xf32, #tpu.memory_space<vmem>>, vector<16xf32>,
        %get3A_346 = arith.index_cast %add3A_319 : i32 to index
        %get3A_347 = arith.constant 64 : index
        %get3A_348 = tpu.vector_load %arg13[%get3A_346, %get3A_347] {strides = array<i32>} : memref<128x128xf32, #tpu.memory_space<vmem>>, vector<16xf32>,
        %get3A_349 = arith.index_cast %add3A_319 : i32 to index
        %get3A_350 = arith.constant 80 : index
        %get3A_351 = tpu.vector_load %arg12[%get3A_349, %get3A_350] {strides = array<i32>} : memref<128x128xf32, #tpu.memory_space<vmem>>, vector<16xf32>,
        %get3A_352 = arith.index_cast %add3A_319 : i32 to index
        %get3A_353 = arith.constant 80 : index
        %get3A_354 = tpu.vector_load %arg13[%get3A_352, %get3A_353] {strides = array<i32>} : memref<128x128xf32, #tpu.memory_space<vmem>>, vector<16xf32>,
        %get3A_355 = arith.index_cast %add3A_319 : i32 to index
        %get3A_356 = arith.constant 96 : index
        %get3A_357 = tpu.vector_load %arg12[%get3A_355, %get3A_356] {strides = array<i32>} : memref<128x128xf32, #tpu.memory_space<vmem>>, vector<16xf32>,
        %get3A_358 = arith.index_cast %add3A_319 : i32 to index
        %get3A_359 = arith.constant 96 : index
        %get3A_360 = tpu.vector_load %arg13[%get3A_358, %get3A_359] {strides = array<i32>} : memref<128x128xf32, #tpu.memory_space<vmem>>, vector<16xf32>,
        %get3A_361 = arith.index_cast %add3A_319 : i32 to index
        %get3A_362 = arith.constant 112 : index
        %get3A_363 = tpu.vector_load %arg12[%get3A_361, %get3A_362] {strides = array<i32>} : memref<128x128xf32, #tpu.memory_space<vmem>>, vector<16xf32>,
        %get3A_364 = arith.index_cast %add3A_319 : i32 to index
        %get3A_365 = arith.constant 112 : index
        %get3A_366 = tpu.vector_load %arg13[%get3A_364, %get3A_365] {strides = array<i32>} : memref<128x128xf32, #tpu.memory_space<vmem>>, vector<16xf32>,
        %broadcast_in_dim3A = vector.broadcast %scan3A_316 : i32 to vector<16xi32>
        %parallel_loop3A = arith.constant 0 : i32
        %parallel_loop3A_367 = arith.constant 32 : i32
        %parallel_loop3A_368 = arith.constant 1 : i32
        scf.for %parallel_loop3A_369 = %parallel_loop3A to %parallel_loop3A_367 step %parallel_loop3A_368  : i32 {
          %parallel_loop3A_370 = arith.constant 4 : i32
          %parallel_loop3A_371 = arith.shrsi %parallel_loop3A_369, %parallel_loop3A_370 : i32
          %parallel_loop3A_372 = arith.constant 15 : i32
          %parallel_loop3A_373 = arith.andi %parallel_loop3A_369, %parallel_loop3A_372 : i32
          %parallel_loop3A_374 = vector.broadcast %parallel_loop3A_371 : i32 to vector<16xi32>
          %parallel_loop3A_375 = vector.broadcast %parallel_loop3A_373 : i32 to vector<16xi32>
          %parallel_loop3A_376 = arith.index_cast %scan3A_316 : i32 to index
          %parallel_loop3A_377 = arith.index_cast %parallel_loop3A_371 : i32 to index
          %parallel_loop3A_378 = arith.index_cast %parallel_loop3A_373 : i32 to index
          %parallel_loop3A_379 = arith.constant 0 : index
          %parallel_loop3A_380 = tpu.vector_load %arg10[%parallel_loop3A_376, %parallel_loop3A_377, %parallel_loop3A_378, %parallel_loop3A_379] {strides = array<i32>} : memref<4x2x16x128xf32, #tpu.memory_space<vmem>>, vector<16xf32>,
          %parallel_loop3A_381 = arith.index_cast %scan3A_316 : i32 to index
          %parallel_loop3A_382 = arith.index_cast %parallel_loop3A_371 : i32 to index
          %parallel_loop3A_383 = arith.index_cast %parallel_loop3A_373 : i32 to index
          %parallel_loop3A_384 = arith.constant 16 : index
          %parallel_loop3A_385 = tpu.vector_load %arg10[%parallel_loop3A_381, %parallel_loop3A_382, %parallel_loop3A_383, %parallel_loop3A_384] {strides = array<i32>} : memref<4x2x16x128xf32, #tpu.memory_space<vmem>>, vector<16xf32>,
          %parallel_loop3A_386 = arith.index_cast %scan3A_316 : i32 to index
          %parallel_loop3A_387 = arith.index_cast %parallel_loop3A_371 : i32 to index
          %parallel_loop3A_388 = arith.index_cast %parallel_loop3A_373 : i32 to index
          %parallel_loop3A_389 = arith.constant 32 : index
          %parallel_loop3A_390 = tpu.vector_load %arg10[%parallel_loop3A_386, %parallel_loop3A_387, %parallel_loop3A_388, %parallel_loop3A_389] {strides = array<i32>} : memref<4x2x16x128xf32, #tpu.memory_space<vmem>>, vector<16xf32>,
          %parallel_loop3A_391 = arith.index_cast %scan3A_316 : i32 to index
          %parallel_loop3A_392 = arith.index_cast %parallel_loop3A_371 : i32 to index
          %parallel_loop3A_393 = arith.index_cast %parallel_loop3A_373 : i32 to index
          %parallel_loop3A_394 = arith.constant 48 : index
          %parallel_loop3A_395 = tpu.vector_load %arg10[%parallel_loop3A_391, %parallel_loop3A_392, %parallel_loop3A_393, %parallel_loop3A_394] {strides = array<i32>} : memref<4x2x16x128xf32, #tpu.memory_space<vmem>>, vector<16xf32>,
          %parallel_loop3A_396 = arith.index_cast %scan3A_316 : i32 to index
          %parallel_loop3A_397 = arith.index_cast %parallel_loop3A_371 : i32 to index
          %parallel_loop3A_398 = arith.index_cast %parallel_loop3A_373 : i32 to index
          %parallel_loop3A_399 = arith.constant 64 : index
          %parallel_loop3A_400 = tpu.vector_load %arg10[%parallel_loop3A_396, %parallel_loop3A_397, %parallel_loop3A_398, %parallel_loop3A_399] {strides = array<i32>} : memref<4x2x16x128xf32, #tpu.memory_space<vmem>>, vector<16xf32>,
          %parallel_loop3A_401 = arith.index_cast %scan3A_316 : i32 to index
          %parallel_loop3A_402 = arith.index_cast %parallel_loop3A_371 : i32 to index
          %parallel_loop3A_403 = arith.index_cast %parallel_loop3A_373 : i32 to index
          %parallel_loop3A_404 = arith.constant 80 : index
          %parallel_loop3A_405 = tpu.vector_load %arg10[%parallel_loop3A_401, %parallel_loop3A_402, %parallel_loop3A_403, %parallel_loop3A_404] {strides = array<i32>} : memref<4x2x16x128xf32, #tpu.memory_space<vmem>>, vector<16xf32>,
          %parallel_loop3A_406 = arith.index_cast %scan3A_316 : i32 to index
          %parallel_loop3A_407 = arith.index_cast %parallel_loop3A_371 : i32 to index
          %parallel_loop3A_408 = arith.index_cast %parallel_loop3A_373 : i32 to index
          %parallel_loop3A_409 = arith.constant 96 : index
          %parallel_loop3A_410 = tpu.vector_load %arg10[%parallel_loop3A_406, %parallel_loop3A_407, %parallel_loop3A_408, %parallel_loop3A_409] {strides = array<i32>} : memref<4x2x16x128xf32, #tpu.memory_space<vmem>>, vector<16xf32>,
          %parallel_loop3A_411 = arith.index_cast %scan3A_316 : i32 to index
          %parallel_loop3A_412 = arith.index_cast %parallel_loop3A_371 : i32 to index
          %parallel_loop3A_413 = arith.index_cast %parallel_loop3A_373 : i32 to index
          %parallel_loop3A_414 = arith.constant 112 : index
          %parallel_loop3A_415 = tpu.vector_load %arg10[%parallel_loop3A_411, %parallel_loop3A_412, %parallel_loop3A_413, %parallel_loop3A_414] {strides = array<i32>} : memref<4x2x16x128xf32, #tpu.memory_space<vmem>>, vector<16xf32>,
          %parallel_loop3A_416 = tpu.vector_load_idx %arg10[%broadcast_in_dim3A, %parallel_loop3A_374, %parallel_loop3A_375, %add3A_3] : memref<4x2x16x128xf32, #tpu.memory_space<vmem>>[vector<16xi32>, vector<16xi32>, vector<16xi32>, vector<16xi32>], vector<16xf32>,
          %parallel_loop3A_417 = tpu.vector_load_idx %arg10[%broadcast_in_dim3A, %parallel_loop3A_374, %parallel_loop3A_375, %add3A_6] : memref<4x2x16x128xf32, #tpu.memory_space<vmem>>[vector<16xi32>, vector<16xi32>, vector<16xi32>, vector<16xi32>], vector<16xf32>,
          %parallel_loop3A_418 = tpu.vector_load_idx %arg10[%broadcast_in_dim3A, %parallel_loop3A_374, %parallel_loop3A_375, %add3A_9] : memref<4x2x16x128xf32, #tpu.memory_space<vmem>>[vector<16xi32>, vector<16xi32>, vector<16xi32>, vector<16xi32>], vector<16xf32>,
          %parallel_loop3A_419 = tpu.vector_load_idx %arg10[%broadcast_in_dim3A, %parallel_loop3A_374, %parallel_loop3A_375, %add3A_12] : memref<4x2x16x128xf32, #tpu.memory_space<vmem>>[vector<16xi32>, vector<16xi32>, vector<16xi32>, vector<16xi32>], vector<16xf32>,
          %parallel_loop3A_420 = tpu.vector_load_idx %arg10[%broadcast_in_dim3A, %parallel_loop3A_374, %parallel_loop3A_375, %add3A_15] : memref<4x2x16x128xf32, #tpu.memory_space<vmem>>[vector<16xi32>, vector<16xi32>, vector<16xi32>, vector<16xi32>], vector<16xf32>,
          %parallel_loop3A_421 = tpu.vector_load_idx %arg10[%broadcast_in_dim3A, %parallel_loop3A_374, %parallel_loop3A_375, %add3A_18] : memref<4x2x16x128xf32, #tpu.memory_space<vmem>>[vector<16xi32>, vector<16xi32>, vector<16xi32>, vector<16xi32>], vector<16xf32>,
          %parallel_loop3A_422 = tpu.vector_load_idx %arg10[%broadcast_in_dim3A, %parallel_loop3A_374, %parallel_loop3A_375, %add3A_21] : memref<4x2x16x128xf32, #tpu.memory_space<vmem>>[vector<16xi32>, vector<16xi32>, vector<16xi32>, vector<16xi32>], vector<16xf32>,
          %parallel_loop3A_423 = tpu.vector_load_idx %arg10[%broadcast_in_dim3A, %parallel_loop3A_374, %parallel_loop3A_375, %add3A_24] : memref<4x2x16x128xf32, #tpu.memory_space<vmem>>[vector<16xi32>, vector<16xi32>, vector<16xi32>, vector<16xi32>], vector<16xf32>,
          %parallel_loop3A_424 = arith.mulf %parallel_loop3A_380, %get3A_321 : vector<16xf32>
          %parallel_loop3A_425 = arith.mulf %parallel_loop3A_416, %get3A_324 : vector<16xf32>
          %parallel_loop3A_426 = arith.addf %parallel_loop3A_424, %parallel_loop3A_425 : vector<16xf32>
          %parallel_loop3A_427 = arith.index_cast %scan3A_316 : i32 to index
          %parallel_loop3A_428 = arith.index_cast %parallel_loop3A_371 : i32 to index
          %parallel_loop3A_429 = arith.index_cast %parallel_loop3A_373 : i32 to index
          %parallel_loop3A_430 = arith.constant 0 : index
          %parallel_loop3A_431 = tpu.vector_load %arg10[%parallel_loop3A_427, %parallel_loop3A_428, %parallel_loop3A_429, %parallel_loop3A_430] {strides = array<i32>} : memref<4x2x16x128xf32, #tpu.memory_space<vmem>>, vector<16xf32>,
          tpu.vector_store %arg10[%parallel_loop3A_427, %parallel_loop3A_428, %parallel_loop3A_429, %parallel_loop3A_430], %parallel_loop3A_426 {strides = array<i32>} : memref<4x2x16x128xf32, #tpu.memory_space<vmem>>, vector<16xf32>,
          %parallel_loop3A_432 = arith.mulf %parallel_loop3A_385, %get3A_327 : vector<16xf32>
          %parallel_loop3A_433 = arith.mulf %parallel_loop3A_417, %get3A_330 : vector<16xf32>
          %parallel_loop3A_434 = arith.addf %parallel_loop3A_432, %parallel_loop3A_433 : vector<16xf32>
          %parallel_loop3A_435 = arith.index_cast %scan3A_316 : i32 to index
          %parallel_loop3A_436 = arith.index_cast %parallel_loop3A_371 : i32 to index
          %parallel_loop3A_437 = arith.index_cast %parallel_loop3A_373 : i32 to index
          %parallel_loop3A_438 = arith.constant 16 : index
          %parallel_loop3A_439 = tpu.vector_load %arg10[%parallel_loop3A_435, %parallel_loop3A_436, %parallel_loop3A_437, %parallel_loop3A_438] {strides = array<i32>} : memref<4x2x16x128xf32, #tpu.memory_space<vmem>>, vector<16xf32>,
          tpu.vector_store %arg10[%parallel_loop3A_435, %parallel_loop3A_436, %parallel_loop3A_437, %parallel_loop3A_438], %parallel_loop3A_434 {strides = array<i32>} : memref<4x2x16x128xf32, #tpu.memory_space<vmem>>, vector<16xf32>,
          %parallel_loop3A_440 = arith.mulf %parallel_loop3A_390, %get3A_333 : vector<16xf32>
          %parallel_loop3A_441 = arith.mulf %parallel_loop3A_418, %get3A_336 : vector<16xf32>
          %parallel_loop3A_442 = arith.addf %parallel_loop3A_440, %parallel_loop3A_441 : vector<16xf32>
          %parallel_loop3A_443 = arith.index_cast %scan3A_316 : i32 to index
          %parallel_loop3A_444 = arith.index_cast %parallel_loop3A_371 : i32 to index
          %parallel_loop3A_445 = arith.index_cast %parallel_loop3A_373 : i32 to index
          %parallel_loop3A_446 = arith.constant 32 : index
          %parallel_loop3A_447 = tpu.vector_load %arg10[%parallel_loop3A_443, %parallel_loop3A_444, %parallel_loop3A_445, %parallel_loop3A_446] {strides = array<i32>} : memref<4x2x16x128xf32, #tpu.memory_space<vmem>>, vector<16xf32>,
          tpu.vector_store %arg10[%parallel_loop3A_443, %parallel_loop3A_444, %parallel_loop3A_445, %parallel_loop3A_446], %parallel_loop3A_442 {strides = array<i32>} : memref<4x2x16x128xf32, #tpu.memory_space<vmem>>, vector<16xf32>,
          %parallel_loop3A_448 = arith.mulf %parallel_loop3A_395, %get3A_339 : vector<16xf32>
          %parallel_loop3A_449 = arith.mulf %parallel_loop3A_419, %get3A_342 : vector<16xf32>
          %parallel_loop3A_450 = arith.addf %parallel_loop3A_448, %parallel_loop3A_449 : vector<16xf32>
          %parallel_loop3A_451 = arith.index_cast %scan3A_316 : i32 to index
          %parallel_loop3A_452 = arith.index_cast %parallel_loop3A_371 : i32 to index
          %parallel_loop3A_453 = arith.index_cast %parallel_loop3A_373 : i32 to index
          %parallel_loop3A_454 = arith.constant 48 : index
          %parallel_loop3A_455 = tpu.vector_load %arg10[%parallel_loop3A_451, %parallel_loop3A_452, %parallel_loop3A_453, %parallel_loop3A_454] {strides = array<i32>} : memref<4x2x16x128xf32, #tpu.memory_space<vmem>>, vector<16xf32>,
          tpu.vector_store %arg10[%parallel_loop3A_451, %parallel_loop3A_452, %parallel_loop3A_453, %parallel_loop3A_454], %parallel_loop3A_450 {strides = array<i32>} : memref<4x2x16x128xf32, #tpu.memory_space<vmem>>, vector<16xf32>,
          %parallel_loop3A_456 = arith.mulf %parallel_loop3A_400, %get3A_345 : vector<16xf32>
          %parallel_loop3A_457 = arith.mulf %parallel_loop3A_420, %get3A_348 : vector<16xf32>
          %parallel_loop3A_458 = arith.addf %parallel_loop3A_456, %parallel_loop3A_457 : vector<16xf32>
          %parallel_loop3A_459 = arith.index_cast %scan3A_316 : i32 to index
          %parallel_loop3A_460 = arith.index_cast %parallel_loop3A_371 : i32 to index
          %parallel_loop3A_461 = arith.index_cast %parallel_loop3A_373 : i32 to index
          %parallel_loop3A_462 = arith.constant 64 : index
          %parallel_loop3A_463 = tpu.vector_load %arg10[%parallel_loop3A_459, %parallel_loop3A_460, %parallel_loop3A_461, %parallel_loop3A_462] {strides = array<i32>} : memref<4x2x16x128xf32, #tpu.memory_space<vmem>>, vector<16xf32>,
          tpu.vector_store %arg10[%parallel_loop3A_459, %parallel_loop3A_460, %parallel_loop3A_461, %parallel_loop3A_462], %parallel_loop3A_458 {strides = array<i32>} : memref<4x2x16x128xf32, #tpu.memory_space<vmem>>, vector<16xf32>,
          %parallel_loop3A_464 = arith.mulf %parallel_loop3A_405, %get3A_351 : vector<16xf32>
          %parallel_loop3A_465 = arith.mulf %parallel_loop3A_421, %get3A_354 : vector<16xf32>
          %parallel_loop3A_466 = arith.addf %parallel_loop3A_464, %parallel_loop3A_465 : vector<16xf32>
          %parallel_loop3A_467 = arith.index_cast %scan3A_316 : i32 to index
          %parallel_loop3A_468 = arith.index_cast %parallel_loop3A_371 : i32 to index
          %parallel_loop3A_469 = arith.index_cast %parallel_loop3A_373 : i32 to index
          %parallel_loop3A_470 = arith.constant 80 : index
          %parallel_loop3A_471 = tpu.vector_load %arg10[%parallel_loop3A_467, %parallel_loop3A_468, %parallel_loop3A_469, %parallel_loop3A_470] {strides = array<i32>} : memref<4x2x16x128xf32, #tpu.memory_space<vmem>>, vector<16xf32>,
          tpu.vector_store %arg10[%parallel_loop3A_467, %parallel_loop3A_468, %parallel_loop3A_469, %parallel_loop3A_470], %parallel_loop3A_466 {strides = array<i32>} : memref<4x2x16x128xf32, #tpu.memory_space<vmem>>, vector<16xf32>,
          %parallel_loop3A_472 = arith.mulf %parallel_loop3A_410, %get3A_357 : vector<16xf32>
          %parallel_loop3A_473 = arith.mulf %parallel_loop3A_422, %get3A_360 : vector<16xf32>
          %parallel_loop3A_474 = arith.addf %parallel_loop3A_472, %parallel_loop3A_473 : vector<16xf32>
          %parallel_loop3A_475 = arith.index_cast %scan3A_316 : i32 to index
          %parallel_loop3A_476 = arith.index_cast %parallel_loop3A_371 : i32 to index
          %parallel_loop3A_477 = arith.index_cast %parallel_loop3A_373 : i32 to index
          %parallel_loop3A_478 = arith.constant 96 : index
          %parallel_loop3A_479 = tpu.vector_load %arg10[%parallel_loop3A_475, %parallel_loop3A_476, %parallel_loop3A_477, %parallel_loop3A_478] {strides = array<i32>} : memref<4x2x16x128xf32, #tpu.memory_space<vmem>>, vector<16xf32>,
          tpu.vector_store %arg10[%parallel_loop3A_475, %parallel_loop3A_476, %parallel_loop3A_477, %parallel_loop3A_478], %parallel_loop3A_474 {strides = array<i32>} : memref<4x2x16x128xf32, #tpu.memory_space<vmem>>, vector<16xf32>,
          %parallel_loop3A_480 = arith.mulf %parallel_loop3A_415, %get3A_363 : vector<16xf32>
          %parallel_loop3A_481 = arith.mulf %parallel_loop3A_423, %get3A_366 : vector<16xf32>
          %parallel_loop3A_482 = arith.addf %parallel_loop3A_480, %parallel_loop3A_481 : vector<16xf32>
          %parallel_loop3A_483 = arith.index_cast %scan3A_316 : i32 to index
          %parallel_loop3A_484 = arith.index_cast %parallel_loop3A_371 : i32 to index
          %parallel_loop3A_485 = arith.index_cast %parallel_loop3A_373 : i32 to index
          %parallel_loop3A_486 = arith.constant 112 : index
          %parallel_loop3A_487 = tpu.vector_load %arg10[%parallel_loop3A_483, %parallel_loop3A_484, %parallel_loop3A_485, %parallel_loop3A_486] {strides = array<i32>} : memref<4x2x16x128xf32, #tpu.memory_space<vmem>>, vector<16xf32>,
          tpu.vector_store %arg10[%parallel_loop3A_483, %parallel_loop3A_484, %parallel_loop3A_485, %parallel_loop3A_486], %parallel_loop3A_482 {strides = array<i32>} : memref<4x2x16x128xf32, #tpu.memory_space<vmem>>, vector<16xf32>,
        } {sc.loop_unroll_factor = 4 : i64, sc.parallel_access}
      }
      %scan3A_264 = arith.constant 4 : i32
      %mul3A_265 = arith.constant 4 : i32
      %mul3A_266 = arith.muli %add3A_240, %mul3A_265 : i32
      %add3A_267 = arith.addi %mul3A_28, %mul3A_266 : i32
      %dma_start3A_268 = arith.constant 0 : i32
      %dma_start3A_269 = arith.constant 0 : i32
      %dma_start3A_270 = arith.constant 0 : i32
      %dma_start3A_271 = tpu.memref_slice %arg6[%add3A_267, %dma_start3A_268, %dma_start3A_269, %dma_start3A_270] : memref<4096x2x16x128xf32, #tpu.memory_space<hbm>> -> memref<4x2x16x128xf32, #tpu.memory_space<hbm>>
      %dma_start3A_272 = arith.constant 0 : i32
      %dma_start3A_273 = arith.constant 0 : i32
      %dma_start3A_274 = arith.constant 0 : i32
      %dma_start3A_275 = tpu.memref_slice %arg6[%add3A_267, %dma_start3A_272, %dma_start3A_273, %dma_start3A_274] : memref<4096x2x16x128xf32, #tpu.memory_space<hbm>> -> memref<4x2x16x128xf32, #tpu.memory_space<hbm>>
      tpu.enqueue_dma source(%arg10 : memref<4x2x16x128xf32, #tpu.memory_space<vmem>>) target(%dma_start3A_275 : memref<4x2x16x128xf32, #tpu.memory_space<hbm>>) target_semaphore(%arg20 : memref<!tpu.dma_semaphore, #tpu.memory_space<semaphore_mem>>)
      %mul3A_276 = arith.constant 4 : i32
      %mul3A_277 = arith.muli %mul3A_276, %scan3A_160 : i32
      %add3A_278 = arith.constant 3 : i32
      %add3A_279 = arith.addi %mul3A_277, %add3A_278 : i32
      %add3A_280 = arith.constant 2 : i32
      %add3A_281 = arith.addi %add3A_279, %add3A_280 : i32
      %lt3A_282 = arith.constant 32 : i32
      %lt3A_283 = arith.cmpi slt, %add3A_281, %lt3A_282 : i32
      %convert_element_type3A_284 = arith.extui %lt3A_283 : i1 to i32
      %cond3A_285 = arith.constant 0 : i32
      %cond3A_286 = arith.cmpi ne, %convert_element_type3A_284, %cond3A_285 : i32
      scf.if %cond3A_286 {
        %ge3A = arith.constant 4 : i32
        %ge3A_316 = arith.cmpi sge, %add3A_281, %ge3A : i32
        %convert_element_type3A_317 = arith.extui %ge3A_316 : i1 to i32
        %cond3A_318 = arith.constant 0 : i32
        %cond3A_319 = arith.cmpi ne, %convert_element_type3A_317, %cond3A_318 : i32
        scf.if %cond3A_319 {
          %sub3A = arith.constant 4 : i32
          %sub3A_331 = arith.subi %add3A_281, %sub3A : i32
          %mul3A_332 = arith.constant 4 : i32
          %mul3A_333 = arith.muli %sub3A_331, %mul3A_332 : i32
          %add3A_334 = arith.addi %mul3A_28, %mul3A_333 : i32
          %dma_wait3A_335 = arith.constant 0 : i32
          %dma_wait3A_336 = arith.constant 0 : i32
          %dma_wait3A_337 = arith.constant 0 : i32
          %dma_wait3A_338 = tpu.memref_slice %arg6[%add3A_334, %dma_wait3A_335, %dma_wait3A_336, %dma_wait3A_337] : memref<4096x2x16x128xf32, #tpu.memory_space<hbm>> -> memref<4x2x16x128xf32, #tpu.memory_space<hbm>>
          %dma_wait3A_339 = arith.constant 0 : i32
          %dma_wait3A_340 = arith.constant 0 : i32
          %dma_wait3A_341 = arith.constant 0 : i32
          %dma_wait3A_342 = tpu.memref_slice %arg6[%add3A_334, %dma_wait3A_339, %dma_wait3A_340, %dma_wait3A_341] : memref<4096x2x16x128xf32, #tpu.memory_space<hbm>> -> memref<4x2x16x128xf32, #tpu.memory_space<hbm>>
          tpu.wait_dma2 semaphore(%arg19 : memref<!tpu.dma_semaphore, #tpu.memory_space<semaphore_mem>>) src(%arg9 : memref<4x2x16x128xf32, #tpu.memory_space<vmem>>) dst(%dma_wait3A_342 : memref<4x2x16x128xf32, #tpu.memory_space<hbm>>)
        } else {
        }
        %mul3A_320 = arith.constant 4 : i32
        %mul3A_321 = arith.muli %add3A_281, %mul3A_320 : i32
        %add3A_322 = arith.addi %mul3A_28, %mul3A_321 : i32
        %dma_start3A_323 = arith.constant 0 : i32
        %dma_start3A_324 = arith.constant 0 : i32
        %dma_start3A_325 = arith.constant 0 : i32
        %dma_start3A_326 = tpu.memref_slice %arg2[%add3A_322, %dma_start3A_323, %dma_start3A_324, %dma_start3A_325] : memref<4096x2x16x128xf32, #tpu.memory_space<hbm>> -> memref<4x2x16x128xf32, #tpu.memory_space<hbm>>
        %dma_start3A_327 = arith.constant 0 : i32
        %dma_start3A_328 = arith.constant 0 : i32
        %dma_start3A_329 = arith.constant 0 : i32
        %dma_start3A_330 = tpu.memref_slice %arg2[%add3A_322, %dma_start3A_327, %dma_start3A_328, %dma_start3A_329] : memref<4096x2x16x128xf32, #tpu.memory_space<hbm>> -> memref<4x2x16x128xf32, #tpu.memory_space<hbm>>
        tpu.enqueue_dma source(%dma_start3A_330 : memref<4x2x16x128xf32, #tpu.memory_space<hbm>>) target(%arg9 : memref<4x2x16x128xf32, #tpu.memory_space<vmem>>) target_semaphore(%arg15 : memref<!tpu.dma_semaphore, #tpu.memory_space<semaphore_mem>>)
      } else {
      }
      %mul3A_287 = arith.constant 4 : i32
      %mul3A_288 = arith.muli %add3A_279, %mul3A_287 : i32
      %add3A_289 = arith.addi %mul3A_28, %mul3A_288 : i32
      %dma_wait3A_290 = arith.constant 0 : i32
      %dma_wait3A_291 = arith.constant 0 : i32
      %dma_wait3A_292 = arith.constant 0 : i32
      %dma_wait3A_293 = tpu.memref_slice %arg2[%add3A_289, %dma_wait3A_290, %dma_wait3A_291, %dma_wait3A_292] : memref<4096x2x16x128xf32, #tpu.memory_space<hbm>> -> memref<4x2x16x128xf32, #tpu.memory_space<hbm>>
      %dma_wait3A_294 = arith.constant 0 : i32
      %dma_wait3A_295 = arith.constant 0 : i32
      %dma_wait3A_296 = arith.constant 0 : i32
      %dma_wait3A_297 = tpu.memref_slice %arg2[%add3A_289, %dma_wait3A_294, %dma_wait3A_295, %dma_wait3A_296] : memref<4096x2x16x128xf32, #tpu.memory_space<hbm>> -> memref<4x2x16x128xf32, #tpu.memory_space<hbm>>
      tpu.wait_dma2 semaphore(%arg17 : memref<!tpu.dma_semaphore, #tpu.memory_space<semaphore_mem>>) src(%dma_wait3A_297 : memref<4x2x16x128xf32, #tpu.memory_space<hbm>>) dst(%arg11 : memref<4x2x16x128xf32, #tpu.memory_space<vmem>>)
      %scan3A_298 = arith.constant 0 : i32
      %scan3A_299 = arith.constant 0 : i32
      %scan3A_300 = arith.constant 4 : i32
      %scan3A_301 = arith.addi %scan3A_299, %scan3A_300 : i32
      %scan3A_302 = arith.constant 1 : i32
      scf.for %scan3A_316 = %scan3A_299 to %scan3A_301 step %scan3A_302  : i32 {
        %mul3A_317 = arith.constant 4 : i32
        %mul3A_318 = arith.muli %add3A_279, %mul3A_317 : i32
        %add3A_319 = arith.addi %mul3A_318, %scan3A_316 : i32
        %get3A = arith.index_cast %add3A_319 : i32 to index
        %get3A_320 = arith.constant 0 : index
        %get3A_321 = tpu.vector_load %arg12[%get3A, %get3A_320] {strides = array<i32>} : memref<128x128xf32, #tpu.memory_space<vmem>>, vector<16xf32>,
        %get3A_322 = arith.index_cast %add3A_319 : i32 to index
        %get3A_323 = arith.constant 0 : index
        %get3A_324 = tpu.vector_load %arg13[%get3A_322, %get3A_323] {strides = array<i32>} : memref<128x128xf32, #tpu.memory_space<vmem>>, vector<16xf32>,
        %get3A_325 = arith.index_cast %add3A_319 : i32 to index
        %get3A_326 = arith.constant 16 : index
        %get3A_327 = tpu.vector_load %arg12[%get3A_325, %get3A_326] {strides = array<i32>} : memref<128x128xf32, #tpu.memory_space<vmem>>, vector<16xf32>,
        %get3A_328 = arith.index_cast %add3A_319 : i32 to index
        %get3A_329 = arith.constant 16 : index
        %get3A_330 = tpu.vector_load %arg13[%get3A_328, %get3A_329] {strides = array<i32>} : memref<128x128xf32, #tpu.memory_space<vmem>>, vector<16xf32>,
        %get3A_331 = arith.index_cast %add3A_319 : i32 to index
        %get3A_332 = arith.constant 32 : index
        %get3A_333 = tpu.vector_load %arg12[%get3A_331, %get3A_332] {strides = array<i32>} : memref<128x128xf32, #tpu.memory_space<vmem>>, vector<16xf32>,
        %get3A_334 = arith.index_cast %add3A_319 : i32 to index
        %get3A_335 = arith.constant 32 : index
        %get3A_336 = tpu.vector_load %arg13[%get3A_334, %get3A_335] {strides = array<i32>} : memref<128x128xf32, #tpu.memory_space<vmem>>, vector<16xf32>,
        %get3A_337 = arith.index_cast %add3A_319 : i32 to index
        %get3A_338 = arith.constant 48 : index
        %get3A_339 = tpu.vector_load %arg12[%get3A_337, %get3A_338] {strides = array<i32>} : memref<128x128xf32, #tpu.memory_space<vmem>>, vector<16xf32>,
        %get3A_340 = arith.index_cast %add3A_319 : i32 to index
        %get3A_341 = arith.constant 48 : index
        %get3A_342 = tpu.vector_load %arg13[%get3A_340, %get3A_341] {strides = array<i32>} : memref<128x128xf32, #tpu.memory_space<vmem>>, vector<16xf32>,
        %get3A_343 = arith.index_cast %add3A_319 : i32 to index
        %get3A_344 = arith.constant 64 : index
        %get3A_345 = tpu.vector_load %arg12[%get3A_343, %get3A_344] {strides = array<i32>} : memref<128x128xf32, #tpu.memory_space<vmem>>, vector<16xf32>,
        %get3A_346 = arith.index_cast %add3A_319 : i32 to index
        %get3A_347 = arith.constant 64 : index
        %get3A_348 = tpu.vector_load %arg13[%get3A_346, %get3A_347] {strides = array<i32>} : memref<128x128xf32, #tpu.memory_space<vmem>>, vector<16xf32>,
        %get3A_349 = arith.index_cast %add3A_319 : i32 to index
        %get3A_350 = arith.constant 80 : index
        %get3A_351 = tpu.vector_load %arg12[%get3A_349, %get3A_350] {strides = array<i32>} : memref<128x128xf32, #tpu.memory_space<vmem>>, vector<16xf32>,
        %get3A_352 = arith.index_cast %add3A_319 : i32 to index
        %get3A_353 = arith.constant 80 : index
        %get3A_354 = tpu.vector_load %arg13[%get3A_352, %get3A_353] {strides = array<i32>} : memref<128x128xf32, #tpu.memory_space<vmem>>, vector<16xf32>,
        %get3A_355 = arith.index_cast %add3A_319 : i32 to index
        %get3A_356 = arith.constant 96 : index
        %get3A_357 = tpu.vector_load %arg12[%get3A_355, %get3A_356] {strides = array<i32>} : memref<128x128xf32, #tpu.memory_space<vmem>>, vector<16xf32>,
        %get3A_358 = arith.index_cast %add3A_319 : i32 to index
        %get3A_359 = arith.constant 96 : index
        %get3A_360 = tpu.vector_load %arg13[%get3A_358, %get3A_359] {strides = array<i32>} : memref<128x128xf32, #tpu.memory_space<vmem>>, vector<16xf32>,
        %get3A_361 = arith.index_cast %add3A_319 : i32 to index
        %get3A_362 = arith.constant 112 : index
        %get3A_363 = tpu.vector_load %arg12[%get3A_361, %get3A_362] {strides = array<i32>} : memref<128x128xf32, #tpu.memory_space<vmem>>, vector<16xf32>,
        %get3A_364 = arith.index_cast %add3A_319 : i32 to index
        %get3A_365 = arith.constant 112 : index
        %get3A_366 = tpu.vector_load %arg13[%get3A_364, %get3A_365] {strides = array<i32>} : memref<128x128xf32, #tpu.memory_space<vmem>>, vector<16xf32>,
        %broadcast_in_dim3A = vector.broadcast %scan3A_316 : i32 to vector<16xi32>
        %parallel_loop3A = arith.constant 0 : i32
        %parallel_loop3A_367 = arith.constant 32 : i32
        %parallel_loop3A_368 = arith.constant 1 : i32
        scf.for %parallel_loop3A_369 = %parallel_loop3A to %parallel_loop3A_367 step %parallel_loop3A_368  : i32 {
          %parallel_loop3A_370 = arith.constant 4 : i32
          %parallel_loop3A_371 = arith.shrsi %parallel_loop3A_369, %parallel_loop3A_370 : i32
          %parallel_loop3A_372 = arith.constant 15 : i32
          %parallel_loop3A_373 = arith.andi %parallel_loop3A_369, %parallel_loop3A_372 : i32
          %parallel_loop3A_374 = vector.broadcast %parallel_loop3A_371 : i32 to vector<16xi32>
          %parallel_loop3A_375 = vector.broadcast %parallel_loop3A_373 : i32 to vector<16xi32>
          %parallel_loop3A_376 = arith.index_cast %scan3A_316 : i32 to index
          %parallel_loop3A_377 = arith.index_cast %parallel_loop3A_371 : i32 to index
          %parallel_loop3A_378 = arith.index_cast %parallel_loop3A_373 : i32 to index
          %parallel_loop3A_379 = arith.constant 0 : index
          %parallel_loop3A_380 = tpu.vector_load %arg11[%parallel_loop3A_376, %parallel_loop3A_377, %parallel_loop3A_378, %parallel_loop3A_379] {strides = array<i32>} : memref<4x2x16x128xf32, #tpu.memory_space<vmem>>, vector<16xf32>,
          %parallel_loop3A_381 = arith.index_cast %scan3A_316 : i32 to index
          %parallel_loop3A_382 = arith.index_cast %parallel_loop3A_371 : i32 to index
          %parallel_loop3A_383 = arith.index_cast %parallel_loop3A_373 : i32 to index
          %parallel_loop3A_384 = arith.constant 16 : index
          %parallel_loop3A_385 = tpu.vector_load %arg11[%parallel_loop3A_381, %parallel_loop3A_382, %parallel_loop3A_383, %parallel_loop3A_384] {strides = array<i32>} : memref<4x2x16x128xf32, #tpu.memory_space<vmem>>, vector<16xf32>,
          %parallel_loop3A_386 = arith.index_cast %scan3A_316 : i32 to index
          %parallel_loop3A_387 = arith.index_cast %parallel_loop3A_371 : i32 to index
          %parallel_loop3A_388 = arith.index_cast %parallel_loop3A_373 : i32 to index
          %parallel_loop3A_389 = arith.constant 32 : index
          %parallel_loop3A_390 = tpu.vector_load %arg11[%parallel_loop3A_386, %parallel_loop3A_387, %parallel_loop3A_388, %parallel_loop3A_389] {strides = array<i32>} : memref<4x2x16x128xf32, #tpu.memory_space<vmem>>, vector<16xf32>,
          %parallel_loop3A_391 = arith.index_cast %scan3A_316 : i32 to index
          %parallel_loop3A_392 = arith.index_cast %parallel_loop3A_371 : i32 to index
          %parallel_loop3A_393 = arith.index_cast %parallel_loop3A_373 : i32 to index
          %parallel_loop3A_394 = arith.constant 48 : index
          %parallel_loop3A_395 = tpu.vector_load %arg11[%parallel_loop3A_391, %parallel_loop3A_392, %parallel_loop3A_393, %parallel_loop3A_394] {strides = array<i32>} : memref<4x2x16x128xf32, #tpu.memory_space<vmem>>, vector<16xf32>,
          %parallel_loop3A_396 = arith.index_cast %scan3A_316 : i32 to index
          %parallel_loop3A_397 = arith.index_cast %parallel_loop3A_371 : i32 to index
          %parallel_loop3A_398 = arith.index_cast %parallel_loop3A_373 : i32 to index
          %parallel_loop3A_399 = arith.constant 64 : index
          %parallel_loop3A_400 = tpu.vector_load %arg11[%parallel_loop3A_396, %parallel_loop3A_397, %parallel_loop3A_398, %parallel_loop3A_399] {strides = array<i32>} : memref<4x2x16x128xf32, #tpu.memory_space<vmem>>, vector<16xf32>,
          %parallel_loop3A_401 = arith.index_cast %scan3A_316 : i32 to index
          %parallel_loop3A_402 = arith.index_cast %parallel_loop3A_371 : i32 to index
          %parallel_loop3A_403 = arith.index_cast %parallel_loop3A_373 : i32 to index
          %parallel_loop3A_404 = arith.constant 80 : index
          %parallel_loop3A_405 = tpu.vector_load %arg11[%parallel_loop3A_401, %parallel_loop3A_402, %parallel_loop3A_403, %parallel_loop3A_404] {strides = array<i32>} : memref<4x2x16x128xf32, #tpu.memory_space<vmem>>, vector<16xf32>,
          %parallel_loop3A_406 = arith.index_cast %scan3A_316 : i32 to index
          %parallel_loop3A_407 = arith.index_cast %parallel_loop3A_371 : i32 to index
          %parallel_loop3A_408 = arith.index_cast %parallel_loop3A_373 : i32 to index
          %parallel_loop3A_409 = arith.constant 96 : index
          %parallel_loop3A_410 = tpu.vector_load %arg11[%parallel_loop3A_406, %parallel_loop3A_407, %parallel_loop3A_408, %parallel_loop3A_409] {strides = array<i32>} : memref<4x2x16x128xf32, #tpu.memory_space<vmem>>, vector<16xf32>,
          %parallel_loop3A_411 = arith.index_cast %scan3A_316 : i32 to index
          %parallel_loop3A_412 = arith.index_cast %parallel_loop3A_371 : i32 to index
          %parallel_loop3A_413 = arith.index_cast %parallel_loop3A_373 : i32 to index
          %parallel_loop3A_414 = arith.constant 112 : index
          %parallel_loop3A_415 = tpu.vector_load %arg11[%parallel_loop3A_411, %parallel_loop3A_412, %parallel_loop3A_413, %parallel_loop3A_414] {strides = array<i32>} : memref<4x2x16x128xf32, #tpu.memory_space<vmem>>, vector<16xf32>,
          %parallel_loop3A_416 = tpu.vector_load_idx %arg11[%broadcast_in_dim3A, %parallel_loop3A_374, %parallel_loop3A_375, %add3A_3] : memref<4x2x16x128xf32, #tpu.memory_space<vmem>>[vector<16xi32>, vector<16xi32>, vector<16xi32>, vector<16xi32>], vector<16xf32>,
          %parallel_loop3A_417 = tpu.vector_load_idx %arg11[%broadcast_in_dim3A, %parallel_loop3A_374, %parallel_loop3A_375, %add3A_6] : memref<4x2x16x128xf32, #tpu.memory_space<vmem>>[vector<16xi32>, vector<16xi32>, vector<16xi32>, vector<16xi32>], vector<16xf32>,
          %parallel_loop3A_418 = tpu.vector_load_idx %arg11[%broadcast_in_dim3A, %parallel_loop3A_374, %parallel_loop3A_375, %add3A_9] : memref<4x2x16x128xf32, #tpu.memory_space<vmem>>[vector<16xi32>, vector<16xi32>, vector<16xi32>, vector<16xi32>], vector<16xf32>,
          %parallel_loop3A_419 = tpu.vector_load_idx %arg11[%broadcast_in_dim3A, %parallel_loop3A_374, %parallel_loop3A_375, %add3A_12] : memref<4x2x16x128xf32, #tpu.memory_space<vmem>>[vector<16xi32>, vector<16xi32>, vector<16xi32>, vector<16xi32>], vector<16xf32>,
          %parallel_loop3A_420 = tpu.vector_load_idx %arg11[%broadcast_in_dim3A, %parallel_loop3A_374, %parallel_loop3A_375, %add3A_15] : memref<4x2x16x128xf32, #tpu.memory_space<vmem>>[vector<16xi32>, vector<16xi32>, vector<16xi32>, vector<16xi32>], vector<16xf32>,
          %parallel_loop3A_421 = tpu.vector_load_idx %arg11[%broadcast_in_dim3A, %parallel_loop3A_374, %parallel_loop3A_375, %add3A_18] : memref<4x2x16x128xf32, #tpu.memory_space<vmem>>[vector<16xi32>, vector<16xi32>, vector<16xi32>, vector<16xi32>], vector<16xf32>,
          %parallel_loop3A_422 = tpu.vector_load_idx %arg11[%broadcast_in_dim3A, %parallel_loop3A_374, %parallel_loop3A_375, %add3A_21] : memref<4x2x16x128xf32, #tpu.memory_space<vmem>>[vector<16xi32>, vector<16xi32>, vector<16xi32>, vector<16xi32>], vector<16xf32>,
          %parallel_loop3A_423 = tpu.vector_load_idx %arg11[%broadcast_in_dim3A, %parallel_loop3A_374, %parallel_loop3A_375, %add3A_24] : memref<4x2x16x128xf32, #tpu.memory_space<vmem>>[vector<16xi32>, vector<16xi32>, vector<16xi32>, vector<16xi32>], vector<16xf32>,
          %parallel_loop3A_424 = arith.mulf %parallel_loop3A_380, %get3A_321 : vector<16xf32>
          %parallel_loop3A_425 = arith.mulf %parallel_loop3A_416, %get3A_324 : vector<16xf32>
          %parallel_loop3A_426 = arith.addf %parallel_loop3A_424, %parallel_loop3A_425 : vector<16xf32>
          %parallel_loop3A_427 = arith.index_cast %scan3A_316 : i32 to index
          %parallel_loop3A_428 = arith.index_cast %parallel_loop3A_371 : i32 to index
          %parallel_loop3A_429 = arith.index_cast %parallel_loop3A_373 : i32 to index
          %parallel_loop3A_430 = arith.constant 0 : index
          %parallel_loop3A_431 = tpu.vector_load %arg11[%parallel_loop3A_427, %parallel_loop3A_428, %parallel_loop3A_429, %parallel_loop3A_430] {strides = array<i32>} : memref<4x2x16x128xf32, #tpu.memory_space<vmem>>, vector<16xf32>,
          tpu.vector_store %arg11[%parallel_loop3A_427, %parallel_loop3A_428, %parallel_loop3A_429, %parallel_loop3A_430], %parallel_loop3A_426 {strides = array<i32>} : memref<4x2x16x128xf32, #tpu.memory_space<vmem>>, vector<16xf32>,
          %parallel_loop3A_432 = arith.mulf %parallel_loop3A_385, %get3A_327 : vector<16xf32>
          %parallel_loop3A_433 = arith.mulf %parallel_loop3A_417, %get3A_330 : vector<16xf32>
          %parallel_loop3A_434 = arith.addf %parallel_loop3A_432, %parallel_loop3A_433 : vector<16xf32>
          %parallel_loop3A_435 = arith.index_cast %scan3A_316 : i32 to index
          %parallel_loop3A_436 = arith.index_cast %parallel_loop3A_371 : i32 to index
          %parallel_loop3A_437 = arith.index_cast %parallel_loop3A_373 : i32 to index
          %parallel_loop3A_438 = arith.constant 16 : index
          %parallel_loop3A_439 = tpu.vector_load %arg11[%parallel_loop3A_435, %parallel_loop3A_436, %parallel_loop3A_437, %parallel_loop3A_438] {strides = array<i32>} : memref<4x2x16x128xf32, #tpu.memory_space<vmem>>, vector<16xf32>,
          tpu.vector_store %arg11[%parallel_loop3A_435, %parallel_loop3A_436, %parallel_loop3A_437, %parallel_loop3A_438], %parallel_loop3A_434 {strides = array<i32>} : memref<4x2x16x128xf32, #tpu.memory_space<vmem>>, vector<16xf32>,
          %parallel_loop3A_440 = arith.mulf %parallel_loop3A_390, %get3A_333 : vector<16xf32>
          %parallel_loop3A_441 = arith.mulf %parallel_loop3A_418, %get3A_336 : vector<16xf32>
          %parallel_loop3A_442 = arith.addf %parallel_loop3A_440, %parallel_loop3A_441 : vector<16xf32>
          %parallel_loop3A_443 = arith.index_cast %scan3A_316 : i32 to index
          %parallel_loop3A_444 = arith.index_cast %parallel_loop3A_371 : i32 to index
          %parallel_loop3A_445 = arith.index_cast %parallel_loop3A_373 : i32 to index
          %parallel_loop3A_446 = arith.constant 32 : index
          %parallel_loop3A_447 = tpu.vector_load %arg11[%parallel_loop3A_443, %parallel_loop3A_444, %parallel_loop3A_445, %parallel_loop3A_446] {strides = array<i32>} : memref<4x2x16x128xf32, #tpu.memory_space<vmem>>, vector<16xf32>,
          tpu.vector_store %arg11[%parallel_loop3A_443, %parallel_loop3A_444, %parallel_loop3A_445, %parallel_loop3A_446], %parallel_loop3A_442 {strides = array<i32>} : memref<4x2x16x128xf32, #tpu.memory_space<vmem>>, vector<16xf32>,
          %parallel_loop3A_448 = arith.mulf %parallel_loop3A_395, %get3A_339 : vector<16xf32>
          %parallel_loop3A_449 = arith.mulf %parallel_loop3A_419, %get3A_342 : vector<16xf32>
          %parallel_loop3A_450 = arith.addf %parallel_loop3A_448, %parallel_loop3A_449 : vector<16xf32>
          %parallel_loop3A_451 = arith.index_cast %scan3A_316 : i32 to index
          %parallel_loop3A_452 = arith.index_cast %parallel_loop3A_371 : i32 to index
          %parallel_loop3A_453 = arith.index_cast %parallel_loop3A_373 : i32 to index
          %parallel_loop3A_454 = arith.constant 48 : index
          %parallel_loop3A_455 = tpu.vector_load %arg11[%parallel_loop3A_451, %parallel_loop3A_452, %parallel_loop3A_453, %parallel_loop3A_454] {strides = array<i32>} : memref<4x2x16x128xf32, #tpu.memory_space<vmem>>, vector<16xf32>,
          tpu.vector_store %arg11[%parallel_loop3A_451, %parallel_loop3A_452, %parallel_loop3A_453, %parallel_loop3A_454], %parallel_loop3A_450 {strides = array<i32>} : memref<4x2x16x128xf32, #tpu.memory_space<vmem>>, vector<16xf32>,
          %parallel_loop3A_456 = arith.mulf %parallel_loop3A_400, %get3A_345 : vector<16xf32>
          %parallel_loop3A_457 = arith.mulf %parallel_loop3A_420, %get3A_348 : vector<16xf32>
          %parallel_loop3A_458 = arith.addf %parallel_loop3A_456, %parallel_loop3A_457 : vector<16xf32>
          %parallel_loop3A_459 = arith.index_cast %scan3A_316 : i32 to index
          %parallel_loop3A_460 = arith.index_cast %parallel_loop3A_371 : i32 to index
          %parallel_loop3A_461 = arith.index_cast %parallel_loop3A_373 : i32 to index
          %parallel_loop3A_462 = arith.constant 64 : index
          %parallel_loop3A_463 = tpu.vector_load %arg11[%parallel_loop3A_459, %parallel_loop3A_460, %parallel_loop3A_461, %parallel_loop3A_462] {strides = array<i32>} : memref<4x2x16x128xf32, #tpu.memory_space<vmem>>, vector<16xf32>,
          tpu.vector_store %arg11[%parallel_loop3A_459, %parallel_loop3A_460, %parallel_loop3A_461, %parallel_loop3A_462], %parallel_loop3A_458 {strides = array<i32>} : memref<4x2x16x128xf32, #tpu.memory_space<vmem>>, vector<16xf32>,
          %parallel_loop3A_464 = arith.mulf %parallel_loop3A_405, %get3A_351 : vector<16xf32>
          %parallel_loop3A_465 = arith.mulf %parallel_loop3A_421, %get3A_354 : vector<16xf32>
          %parallel_loop3A_466 = arith.addf %parallel_loop3A_464, %parallel_loop3A_465 : vector<16xf32>
          %parallel_loop3A_467 = arith.index_cast %scan3A_316 : i32 to index
          %parallel_loop3A_468 = arith.index_cast %parallel_loop3A_371 : i32 to index
          %parallel_loop3A_469 = arith.index_cast %parallel_loop3A_373 : i32 to index
          %parallel_loop3A_470 = arith.constant 80 : index
          %parallel_loop3A_471 = tpu.vector_load %arg11[%parallel_loop3A_467, %parallel_loop3A_468, %parallel_loop3A_469, %parallel_loop3A_470] {strides = array<i32>} : memref<4x2x16x128xf32, #tpu.memory_space<vmem>>, vector<16xf32>,
          tpu.vector_store %arg11[%parallel_loop3A_467, %parallel_loop3A_468, %parallel_loop3A_469, %parallel_loop3A_470], %parallel_loop3A_466 {strides = array<i32>} : memref<4x2x16x128xf32, #tpu.memory_space<vmem>>, vector<16xf32>,
          %parallel_loop3A_472 = arith.mulf %parallel_loop3A_410, %get3A_357 : vector<16xf32>
          %parallel_loop3A_473 = arith.mulf %parallel_loop3A_422, %get3A_360 : vector<16xf32>
          %parallel_loop3A_474 = arith.addf %parallel_loop3A_472, %parallel_loop3A_473 : vector<16xf32>
          %parallel_loop3A_475 = arith.index_cast %scan3A_316 : i32 to index
          %parallel_loop3A_476 = arith.index_cast %parallel_loop3A_371 : i32 to index
          %parallel_loop3A_477 = arith.index_cast %parallel_loop3A_373 : i32 to index
          %parallel_loop3A_478 = arith.constant 96 : index
          %parallel_loop3A_479 = tpu.vector_load %arg11[%parallel_loop3A_475, %parallel_loop3A_476, %parallel_loop3A_477, %parallel_loop3A_478] {strides = array<i32>} : memref<4x2x16x128xf32, #tpu.memory_space<vmem>>, vector<16xf32>,
          tpu.vector_store %arg11[%parallel_loop3A_475, %parallel_loop3A_476, %parallel_loop3A_477, %parallel_loop3A_478], %parallel_loop3A_474 {strides = array<i32>} : memref<4x2x16x128xf32, #tpu.memory_space<vmem>>, vector<16xf32>,
          %parallel_loop3A_480 = arith.mulf %parallel_loop3A_415, %get3A_363 : vector<16xf32>
          %parallel_loop3A_481 = arith.mulf %parallel_loop3A_423, %get3A_366 : vector<16xf32>
          %parallel_loop3A_482 = arith.addf %parallel_loop3A_480, %parallel_loop3A_481 : vector<16xf32>
          %parallel_loop3A_483 = arith.index_cast %scan3A_316 : i32 to index
          %parallel_loop3A_484 = arith.index_cast %parallel_loop3A_371 : i32 to index
          %parallel_loop3A_485 = arith.index_cast %parallel_loop3A_373 : i32 to index
          %parallel_loop3A_486 = arith.constant 112 : index
          %parallel_loop3A_487 = tpu.vector_load %arg11[%parallel_loop3A_483, %parallel_loop3A_484, %parallel_loop3A_485, %parallel_loop3A_486] {strides = array<i32>} : memref<4x2x16x128xf32, #tpu.memory_space<vmem>>, vector<16xf32>,
          tpu.vector_store %arg11[%parallel_loop3A_483, %parallel_loop3A_484, %parallel_loop3A_485, %parallel_loop3A_486], %parallel_loop3A_482 {strides = array<i32>} : memref<4x2x16x128xf32, #tpu.memory_space<vmem>>, vector<16xf32>,
        } {sc.loop_unroll_factor = 4 : i64, sc.parallel_access}
      }
      %scan3A_303 = arith.constant 4 : i32
      %mul3A_304 = arith.constant 4 : i32
      %mul3A_305 = arith.muli %add3A_279, %mul3A_304 : i32
      %add3A_306 = arith.addi %mul3A_28, %mul3A_305 : i32
      %dma_start3A_307 = arith.constant 0 : i32
      %dma_start3A_308 = arith.constant 0 : i32
      %dma_start3A_309 = arith.constant 0 : i32
      %dma_start3A_310 = tpu.memref_slice %arg6[%add3A_306, %dma_start3A_307, %dma_start3A_308, %dma_start3A_309] : memref<4096x2x16x128xf32, #tpu.memory_space<hbm>> -> memref<4x2x16x128xf32, #tpu.memory_space<hbm>>
      %dma_start3A_311 = arith.constant 0 : i32
      %dma_start3A_312 = arith.constant 0 : i32
      %dma_start3A_313 = arith.constant 0 : i32
      %dma_start3A_314 = tpu.memref_slice %arg6[%add3A_306, %dma_start3A_311, %dma_start3A_312, %dma_start3A_313] : memref<4096x2x16x128xf32, #tpu.memory_space<hbm>> -> memref<4x2x16x128xf32, #tpu.memory_space<hbm>>
      tpu.enqueue_dma source(%arg11 : memref<4x2x16x128xf32, #tpu.memory_space<vmem>>) target(%dma_start3A_314 : memref<4x2x16x128xf32, #tpu.memory_space<hbm>>) target_semaphore(%arg21 : memref<!tpu.dma_semaphore, #tpu.memory_space<semaphore_mem>>)
      %scan3A_315 = arith.constant 0 : i32
      scf.yield %scan3A_315 : i32
    }
    %scan3A_53 = arith.constant 8 : i32
    %add3A_54 = arith.constant 112 : i32
    %add3A_55 = arith.addi %mul3A_28, %add3A_54 : i32
    %dma_wait3A = arith.constant 0 : i32
    %dma_wait3A_56 = arith.constant 0 : i32
    %dma_wait3A_57 = arith.constant 0 : i32
    %dma_wait3A_58 = tpu.memref_slice %arg6[%add3A_55, %dma_wait3A, %dma_wait3A_56, %dma_wait3A_57] : memref<4096x2x16x128xf32, #tpu.memory_space<hbm>> -> memref<4x2x16x128xf32, #tpu.memory_space<hbm>>
    %dma_wait3A_59 = arith.constant 0 : i32
    %dma_wait3A_60 = arith.constant 0 : i32
    %dma_wait3A_61 = arith.constant 0 : i32
    %dma_wait3A_62 = tpu.memref_slice %arg6[%add3A_55, %dma_wait3A_59, %dma_wait3A_60, %dma_wait3A_61] : memref<4096x2x16x128xf32, #tpu.memory_space<hbm>> -> memref<4x2x16x128xf32, #tpu.memory_space<hbm>>
    tpu.wait_dma2 semaphore(%arg18 : memref<!tpu.dma_semaphore, #tpu.memory_space<semaphore_mem>>) src(%arg8 : memref<4x2x16x128xf32, #tpu.memory_space<vmem>>) dst(%dma_wait3A_62 : memref<4x2x16x128xf32, #tpu.memory_space<hbm>>)
    %add3A_63 = arith.constant 116 : i32
    %add3A_64 = arith.addi %mul3A_28, %add3A_63 : i32
    %dma_wait3A_65 = arith.constant 0 : i32
    %dma_wait3A_66 = arith.constant 0 : i32
    %dma_wait3A_67 = arith.constant 0 : i32
    %dma_wait3A_68 = tpu.memref_slice %arg6[%add3A_64, %dma_wait3A_65, %dma_wait3A_66, %dma_wait3A_67] : memref<4096x2x16x128xf32, #tpu.memory_space<hbm>> -> memref<4x2x16x128xf32, #tpu.memory_space<hbm>>
    %dma_wait3A_69 = arith.constant 0 : i32
    %dma_wait3A_70 = arith.constant 0 : i32
    %dma_wait3A_71 = arith.constant 0 : i32
    %dma_wait3A_72 = tpu.memref_slice %arg6[%add3A_64, %dma_wait3A_69, %dma_wait3A_70, %dma_wait3A_71] : memref<4096x2x16x128xf32, #tpu.memory_space<hbm>> -> memref<4x2x16x128xf32, #tpu.memory_space<hbm>>
    tpu.wait_dma2 semaphore(%arg19 : memref<!tpu.dma_semaphore, #tpu.memory_space<semaphore_mem>>) src(%arg9 : memref<4x2x16x128xf32, #tpu.memory_space<vmem>>) dst(%dma_wait3A_72 : memref<4x2x16x128xf32, #tpu.memory_space<hbm>>)
    %add3A_73 = arith.constant 120 : i32
    %add3A_74 = arith.addi %mul3A_28, %add3A_73 : i32
    %dma_wait3A_75 = arith.constant 0 : i32
    %dma_wait3A_76 = arith.constant 0 : i32
    %dma_wait3A_77 = arith.constant 0 : i32
    %dma_wait3A_78 = tpu.memref_slice %arg6[%add3A_74, %dma_wait3A_75, %dma_wait3A_76, %dma_wait3A_77] : memref<4096x2x16x128xf32, #tpu.memory_space<hbm>> -> memref<4x2x16x128xf32, #tpu.memory_space<hbm>>
    %dma_wait3A_79 = arith.constant 0 : i32
    %dma_wait3A_80 = arith.constant 0 : i32
    %dma_wait3A_81 = arith.constant 0 : i32
    %dma_wait3A_82 = tpu.memref_slice %arg6[%add3A_74, %dma_wait3A_79, %dma_wait3A_80, %dma_wait3A_81] : memref<4096x2x16x128xf32, #tpu.memory_space<hbm>> -> memref<4x2x16x128xf32, #tpu.memory_space<hbm>>
    tpu.wait_dma2 semaphore(%arg20 : memref<!tpu.dma_semaphore, #tpu.memory_space<semaphore_mem>>) src(%arg10 : memref<4x2x16x128xf32, #tpu.memory_space<vmem>>) dst(%dma_wait3A_82 : memref<4x2x16x128xf32, #tpu.memory_space<hbm>>)
    %add3A_83 = arith.constant 124 : i32
    %add3A_84 = arith.addi %mul3A_28, %add3A_83 : i32
    %dma_wait3A_85 = arith.constant 0 : i32
    %dma_wait3A_86 = arith.constant 0 : i32
    %dma_wait3A_87 = arith.constant 0 : i32
    %dma_wait3A_88 = tpu.memref_slice %arg6[%add3A_84, %dma_wait3A_85, %dma_wait3A_86, %dma_wait3A_87] : memref<4096x2x16x128xf32, #tpu.memory_space<hbm>> -> memref<4x2x16x128xf32, #tpu.memory_space<hbm>>
    %dma_wait3A_89 = arith.constant 0 : i32
    %dma_wait3A_90 = arith.constant 0 : i32
    %dma_wait3A_91 = arith.constant 0 : i32
    %dma_wait3A_92 = tpu.memref_slice %arg6[%add3A_84, %dma_wait3A_89, %dma_wait3A_90, %dma_wait3A_91] : memref<4096x2x16x128xf32, #tpu.memory_space<hbm>> -> memref<4x2x16x128xf32, #tpu.memory_space<hbm>>
    tpu.wait_dma2 semaphore(%arg21 : memref<!tpu.dma_semaphore, #tpu.memory_space<semaphore_mem>>) src(%arg11 : memref<4x2x16x128xf32, #tpu.memory_space<vmem>>) dst(%dma_wait3A_92 : memref<4x2x16x128xf32, #tpu.memory_space<hbm>>)
    %add3A_93 = arith.constant 0 : i32
    %add3A_94 = arith.addi %mul3A_28, %add3A_93 : i32
    %dma_start3A_95 = arith.constant 0 : i32
    %dma_start3A_96 = arith.constant 0 : i32
    %dma_start3A_97 = arith.constant 0 : i32
    %dma_start3A_98 = tpu.memref_slice %arg3[%add3A_94, %dma_start3A_95, %dma_start3A_96, %dma_start3A_97] : memref<4096x2x16x128xf32, #tpu.memory_space<hbm>> -> memref<4x2x16x128xf32, #tpu.memory_space<hbm>>
    %dma_start3A_99 = arith.constant 0 : i32
    %dma_start3A_100 = arith.constant 0 : i32
    %dma_start3A_101 = arith.constant 0 : i32
    %dma_start3A_102 = tpu.memref_slice %arg3[%add3A_94, %dma_start3A_99, %dma_start3A_100, %dma_start3A_101] : memref<4096x2x16x128xf32, #tpu.memory_space<hbm>> -> memref<4x2x16x128xf32, #tpu.memory_space<hbm>>
    tpu.enqueue_dma source(%dma_start3A_102 : memref<4x2x16x128xf32, #tpu.memory_space<hbm>>) target(%arg8 : memref<4x2x16x128xf32, #tpu.memory_space<vmem>>) target_semaphore(%arg14 : memref<!tpu.dma_semaphore, #tpu.memory_space<semaphore_mem>>)
    %add3A_103 = arith.constant 4 : i32
    %add3A_104 = arith.addi %mul3A_28, %add3A_103 : i32
    %dma_start3A_105 = arith.constant 0 : i32
    %dma_start3A_106 = arith.constant 0 : i32
    %dma_start3A_107 = arith.constant 0 : i32
    %dma_start3A_108 = tpu.memref_slice %arg3[%add3A_104, %dma_start3A_105, %dma_start3A_106, %dma_start3A_107] : memref<4096x2x16x128xf32, #tpu.memory_space<hbm>> -> memref<4x2x16x128xf32, #tpu.memory_space<hbm>>
    %dma_start3A_109 = arith.constant 0 : i32
    %dma_start3A_110 = arith.constant 0 : i32
    %dma_start3A_111 = arith.constant 0 : i32
    %dma_start3A_112 = tpu.memref_slice %arg3[%add3A_104, %dma_start3A_109, %dma_start3A_110, %dma_start3A_111] : memref<4096x2x16x128xf32, #tpu.memory_space<hbm>> -> memref<4x2x16x128xf32, #tpu.memory_space<hbm>>
    tpu.enqueue_dma source(%dma_start3A_112 : memref<4x2x16x128xf32, #tpu.memory_space<hbm>>) target(%arg9 : memref<4x2x16x128xf32, #tpu.memory_space<vmem>>) target_semaphore(%arg15 : memref<!tpu.dma_semaphore, #tpu.memory_space<semaphore_mem>>)
    %scan3A_113 = arith.constant 0 : i32
    %scan3A_114 = arith.constant 0 : i32
    %scan3A_115 = arith.constant 8 : i32
    %scan3A_116 = arith.addi %scan3A_114, %scan3A_115 : i32
    %scan3A_117 = arith.constant 1 : i32
    %scan3A_118 = scf.for %scan3A_160 = %scan3A_114 to %scan3A_116 step %scan3A_117 iter_args(%scan3A_161 = %scan3A_113) -> (i32)  : i32 {
      %mul3A_162 = arith.constant 4 : i32
      %mul3A_163 = arith.muli %mul3A_162, %scan3A_160 : i32
      %add3A_164 = arith.constant 0 : i32
      %add3A_165 = arith.addi %mul3A_163, %add3A_164 : i32
      %add3A_166 = arith.constant 2 : i32
      %add3A_167 = arith.addi %add3A_165, %add3A_166 : i32
      %lt3A = arith.constant 32 : i32
      %lt3A_168 = arith.cmpi slt, %add3A_167, %lt3A : i32
      %convert_element_type3A = arith.extui %lt3A_168 : i1 to i32
      %cond3A = arith.constant 0 : i32
      %cond3A_169 = arith.cmpi ne, %convert_element_type3A, %cond3A : i32
      scf.if %cond3A_169 {
        %ge3A = arith.constant 4 : i32
        %ge3A_316 = arith.cmpi sge, %add3A_167, %ge3A : i32
        %convert_element_type3A_317 = arith.extui %ge3A_316 : i1 to i32
        %cond3A_318 = arith.constant 0 : i32
        %cond3A_319 = arith.cmpi ne, %convert_element_type3A_317, %cond3A_318 : i32
        scf.if %cond3A_319 {
          %sub3A = arith.constant 4 : i32
          %sub3A_331 = arith.subi %add3A_167, %sub3A : i32
          %mul3A_332 = arith.constant 4 : i32
          %mul3A_333 = arith.muli %sub3A_331, %mul3A_332 : i32
          %add3A_334 = arith.addi %mul3A_28, %mul3A_333 : i32
          %dma_wait3A_335 = arith.constant 0 : i32
          %dma_wait3A_336 = arith.constant 0 : i32
          %dma_wait3A_337 = arith.constant 0 : i32
          %dma_wait3A_338 = tpu.memref_slice %arg7[%add3A_334, %dma_wait3A_335, %dma_wait3A_336, %dma_wait3A_337] : memref<4096x2x16x128xf32, #tpu.memory_space<hbm>> -> memref<4x2x16x128xf32, #tpu.memory_space<hbm>>
          %dma_wait3A_339 = arith.constant 0 : i32
          %dma_wait3A_340 = arith.constant 0 : i32
          %dma_wait3A_341 = arith.constant 0 : i32
          %dma_wait3A_342 = tpu.memref_slice %arg7[%add3A_334, %dma_wait3A_339, %dma_wait3A_340, %dma_wait3A_341] : memref<4096x2x16x128xf32, #tpu.memory_space<hbm>> -> memref<4x2x16x128xf32, #tpu.memory_space<hbm>>
          tpu.wait_dma2 semaphore(%arg20 : memref<!tpu.dma_semaphore, #tpu.memory_space<semaphore_mem>>) src(%arg10 : memref<4x2x16x128xf32, #tpu.memory_space<vmem>>) dst(%dma_wait3A_342 : memref<4x2x16x128xf32, #tpu.memory_space<hbm>>)
        } else {
        }
        %mul3A_320 = arith.constant 4 : i32
        %mul3A_321 = arith.muli %add3A_167, %mul3A_320 : i32
        %add3A_322 = arith.addi %mul3A_28, %mul3A_321 : i32
        %dma_start3A_323 = arith.constant 0 : i32
        %dma_start3A_324 = arith.constant 0 : i32
        %dma_start3A_325 = arith.constant 0 : i32
        %dma_start3A_326 = tpu.memref_slice %arg3[%add3A_322, %dma_start3A_323, %dma_start3A_324, %dma_start3A_325] : memref<4096x2x16x128xf32, #tpu.memory_space<hbm>> -> memref<4x2x16x128xf32, #tpu.memory_space<hbm>>
        %dma_start3A_327 = arith.constant 0 : i32
        %dma_start3A_328 = arith.constant 0 : i32
        %dma_start3A_329 = arith.constant 0 : i32
        %dma_start3A_330 = tpu.memref_slice %arg3[%add3A_322, %dma_start3A_327, %dma_start3A_328, %dma_start3A_329] : memref<4096x2x16x128xf32, #tpu.memory_space<hbm>> -> memref<4x2x16x128xf32, #tpu.memory_space<hbm>>
        tpu.enqueue_dma source(%dma_start3A_330 : memref<4x2x16x128xf32, #tpu.memory_space<hbm>>) target(%arg10 : memref<4x2x16x128xf32, #tpu.memory_space<vmem>>) target_semaphore(%arg16 : memref<!tpu.dma_semaphore, #tpu.memory_space<semaphore_mem>>)
      } else {
      }
      %mul3A_170 = arith.constant 4 : i32
      %mul3A_171 = arith.muli %add3A_165, %mul3A_170 : i32
      %add3A_172 = arith.addi %mul3A_28, %mul3A_171 : i32
      %dma_wait3A_173 = arith.constant 0 : i32
      %dma_wait3A_174 = arith.constant 0 : i32
      %dma_wait3A_175 = arith.constant 0 : i32
      %dma_wait3A_176 = tpu.memref_slice %arg3[%add3A_172, %dma_wait3A_173, %dma_wait3A_174, %dma_wait3A_175] : memref<4096x2x16x128xf32, #tpu.memory_space<hbm>> -> memref<4x2x16x128xf32, #tpu.memory_space<hbm>>
      %dma_wait3A_177 = arith.constant 0 : i32
      %dma_wait3A_178 = arith.constant 0 : i32
      %dma_wait3A_179 = arith.constant 0 : i32
      %dma_wait3A_180 = tpu.memref_slice %arg3[%add3A_172, %dma_wait3A_177, %dma_wait3A_178, %dma_wait3A_179] : memref<4096x2x16x128xf32, #tpu.memory_space<hbm>> -> memref<4x2x16x128xf32, #tpu.memory_space<hbm>>
      tpu.wait_dma2 semaphore(%arg14 : memref<!tpu.dma_semaphore, #tpu.memory_space<semaphore_mem>>) src(%dma_wait3A_180 : memref<4x2x16x128xf32, #tpu.memory_space<hbm>>) dst(%arg8 : memref<4x2x16x128xf32, #tpu.memory_space<vmem>>)
      %scan3A_181 = arith.constant 0 : i32
      %scan3A_182 = arith.constant 0 : i32
      %scan3A_183 = arith.constant 4 : i32
      %scan3A_184 = arith.addi %scan3A_182, %scan3A_183 : i32
      %scan3A_185 = arith.constant 1 : i32
      scf.for %scan3A_316 = %scan3A_182 to %scan3A_184 step %scan3A_185  : i32 {
        %mul3A_317 = arith.constant 4 : i32
        %mul3A_318 = arith.muli %add3A_165, %mul3A_317 : i32
        %add3A_319 = arith.addi %mul3A_318, %scan3A_316 : i32
        %get3A = arith.index_cast %add3A_319 : i32 to index
        %get3A_320 = arith.constant 0 : index
        %get3A_321 = tpu.vector_load %arg12[%get3A, %get3A_320] {strides = array<i32>} : memref<128x128xf32, #tpu.memory_space<vmem>>, vector<16xf32>,
        %get3A_322 = arith.index_cast %add3A_319 : i32 to index
        %get3A_323 = arith.constant 0 : index
        %get3A_324 = tpu.vector_load %arg13[%get3A_322, %get3A_323] {strides = array<i32>} : memref<128x128xf32, #tpu.memory_space<vmem>>, vector<16xf32>,
        %get3A_325 = arith.index_cast %add3A_319 : i32 to index
        %get3A_326 = arith.constant 16 : index
        %get3A_327 = tpu.vector_load %arg12[%get3A_325, %get3A_326] {strides = array<i32>} : memref<128x128xf32, #tpu.memory_space<vmem>>, vector<16xf32>,
        %get3A_328 = arith.index_cast %add3A_319 : i32 to index
        %get3A_329 = arith.constant 16 : index
        %get3A_330 = tpu.vector_load %arg13[%get3A_328, %get3A_329] {strides = array<i32>} : memref<128x128xf32, #tpu.memory_space<vmem>>, vector<16xf32>,
        %get3A_331 = arith.index_cast %add3A_319 : i32 to index
        %get3A_332 = arith.constant 32 : index
        %get3A_333 = tpu.vector_load %arg12[%get3A_331, %get3A_332] {strides = array<i32>} : memref<128x128xf32, #tpu.memory_space<vmem>>, vector<16xf32>,
        %get3A_334 = arith.index_cast %add3A_319 : i32 to index
        %get3A_335 = arith.constant 32 : index
        %get3A_336 = tpu.vector_load %arg13[%get3A_334, %get3A_335] {strides = array<i32>} : memref<128x128xf32, #tpu.memory_space<vmem>>, vector<16xf32>,
        %get3A_337 = arith.index_cast %add3A_319 : i32 to index
        %get3A_338 = arith.constant 48 : index
        %get3A_339 = tpu.vector_load %arg12[%get3A_337, %get3A_338] {strides = array<i32>} : memref<128x128xf32, #tpu.memory_space<vmem>>, vector<16xf32>,
        %get3A_340 = arith.index_cast %add3A_319 : i32 to index
        %get3A_341 = arith.constant 48 : index
        %get3A_342 = tpu.vector_load %arg13[%get3A_340, %get3A_341] {strides = array<i32>} : memref<128x128xf32, #tpu.memory_space<vmem>>, vector<16xf32>,
        %get3A_343 = arith.index_cast %add3A_319 : i32 to index
        %get3A_344 = arith.constant 64 : index
        %get3A_345 = tpu.vector_load %arg12[%get3A_343, %get3A_344] {strides = array<i32>} : memref<128x128xf32, #tpu.memory_space<vmem>>, vector<16xf32>,
        %get3A_346 = arith.index_cast %add3A_319 : i32 to index
        %get3A_347 = arith.constant 64 : index
        %get3A_348 = tpu.vector_load %arg13[%get3A_346, %get3A_347] {strides = array<i32>} : memref<128x128xf32, #tpu.memory_space<vmem>>, vector<16xf32>,
        %get3A_349 = arith.index_cast %add3A_319 : i32 to index
        %get3A_350 = arith.constant 80 : index
        %get3A_351 = tpu.vector_load %arg12[%get3A_349, %get3A_350] {strides = array<i32>} : memref<128x128xf32, #tpu.memory_space<vmem>>, vector<16xf32>,
        %get3A_352 = arith.index_cast %add3A_319 : i32 to index
        %get3A_353 = arith.constant 80 : index
        %get3A_354 = tpu.vector_load %arg13[%get3A_352, %get3A_353] {strides = array<i32>} : memref<128x128xf32, #tpu.memory_space<vmem>>, vector<16xf32>,
        %get3A_355 = arith.index_cast %add3A_319 : i32 to index
        %get3A_356 = arith.constant 96 : index
        %get3A_357 = tpu.vector_load %arg12[%get3A_355, %get3A_356] {strides = array<i32>} : memref<128x128xf32, #tpu.memory_space<vmem>>, vector<16xf32>,
        %get3A_358 = arith.index_cast %add3A_319 : i32 to index
        %get3A_359 = arith.constant 96 : index
        %get3A_360 = tpu.vector_load %arg13[%get3A_358, %get3A_359] {strides = array<i32>} : memref<128x128xf32, #tpu.memory_space<vmem>>, vector<16xf32>,
        %get3A_361 = arith.index_cast %add3A_319 : i32 to index
        %get3A_362 = arith.constant 112 : index
        %get3A_363 = tpu.vector_load %arg12[%get3A_361, %get3A_362] {strides = array<i32>} : memref<128x128xf32, #tpu.memory_space<vmem>>, vector<16xf32>,
        %get3A_364 = arith.index_cast %add3A_319 : i32 to index
        %get3A_365 = arith.constant 112 : index
        %get3A_366 = tpu.vector_load %arg13[%get3A_364, %get3A_365] {strides = array<i32>} : memref<128x128xf32, #tpu.memory_space<vmem>>, vector<16xf32>,
        %broadcast_in_dim3A = vector.broadcast %scan3A_316 : i32 to vector<16xi32>
        %parallel_loop3A = arith.constant 0 : i32
        %parallel_loop3A_367 = arith.constant 32 : i32
        %parallel_loop3A_368 = arith.constant 1 : i32
        scf.for %parallel_loop3A_369 = %parallel_loop3A to %parallel_loop3A_367 step %parallel_loop3A_368  : i32 {
          %parallel_loop3A_370 = arith.constant 4 : i32
          %parallel_loop3A_371 = arith.shrsi %parallel_loop3A_369, %parallel_loop3A_370 : i32
          %parallel_loop3A_372 = arith.constant 15 : i32
          %parallel_loop3A_373 = arith.andi %parallel_loop3A_369, %parallel_loop3A_372 : i32
          %parallel_loop3A_374 = vector.broadcast %parallel_loop3A_371 : i32 to vector<16xi32>
          %parallel_loop3A_375 = vector.broadcast %parallel_loop3A_373 : i32 to vector<16xi32>
          %parallel_loop3A_376 = arith.index_cast %scan3A_316 : i32 to index
          %parallel_loop3A_377 = arith.index_cast %parallel_loop3A_371 : i32 to index
          %parallel_loop3A_378 = arith.index_cast %parallel_loop3A_373 : i32 to index
          %parallel_loop3A_379 = arith.constant 0 : index
          %parallel_loop3A_380 = tpu.vector_load %arg8[%parallel_loop3A_376, %parallel_loop3A_377, %parallel_loop3A_378, %parallel_loop3A_379] {strides = array<i32>} : memref<4x2x16x128xf32, #tpu.memory_space<vmem>>, vector<16xf32>,
          %parallel_loop3A_381 = arith.index_cast %scan3A_316 : i32 to index
          %parallel_loop3A_382 = arith.index_cast %parallel_loop3A_371 : i32 to index
          %parallel_loop3A_383 = arith.index_cast %parallel_loop3A_373 : i32 to index
          %parallel_loop3A_384 = arith.constant 16 : index
          %parallel_loop3A_385 = tpu.vector_load %arg8[%parallel_loop3A_381, %parallel_loop3A_382, %parallel_loop3A_383, %parallel_loop3A_384] {strides = array<i32>} : memref<4x2x16x128xf32, #tpu.memory_space<vmem>>, vector<16xf32>,
          %parallel_loop3A_386 = arith.index_cast %scan3A_316 : i32 to index
          %parallel_loop3A_387 = arith.index_cast %parallel_loop3A_371 : i32 to index
          %parallel_loop3A_388 = arith.index_cast %parallel_loop3A_373 : i32 to index
          %parallel_loop3A_389 = arith.constant 32 : index
          %parallel_loop3A_390 = tpu.vector_load %arg8[%parallel_loop3A_386, %parallel_loop3A_387, %parallel_loop3A_388, %parallel_loop3A_389] {strides = array<i32>} : memref<4x2x16x128xf32, #tpu.memory_space<vmem>>, vector<16xf32>,
          %parallel_loop3A_391 = arith.index_cast %scan3A_316 : i32 to index
          %parallel_loop3A_392 = arith.index_cast %parallel_loop3A_371 : i32 to index
          %parallel_loop3A_393 = arith.index_cast %parallel_loop3A_373 : i32 to index
          %parallel_loop3A_394 = arith.constant 48 : index
          %parallel_loop3A_395 = tpu.vector_load %arg8[%parallel_loop3A_391, %parallel_loop3A_392, %parallel_loop3A_393, %parallel_loop3A_394] {strides = array<i32>} : memref<4x2x16x128xf32, #tpu.memory_space<vmem>>, vector<16xf32>,
          %parallel_loop3A_396 = arith.index_cast %scan3A_316 : i32 to index
          %parallel_loop3A_397 = arith.index_cast %parallel_loop3A_371 : i32 to index
          %parallel_loop3A_398 = arith.index_cast %parallel_loop3A_373 : i32 to index
          %parallel_loop3A_399 = arith.constant 64 : index
          %parallel_loop3A_400 = tpu.vector_load %arg8[%parallel_loop3A_396, %parallel_loop3A_397, %parallel_loop3A_398, %parallel_loop3A_399] {strides = array<i32>} : memref<4x2x16x128xf32, #tpu.memory_space<vmem>>, vector<16xf32>,
          %parallel_loop3A_401 = arith.index_cast %scan3A_316 : i32 to index
          %parallel_loop3A_402 = arith.index_cast %parallel_loop3A_371 : i32 to index
          %parallel_loop3A_403 = arith.index_cast %parallel_loop3A_373 : i32 to index
          %parallel_loop3A_404 = arith.constant 80 : index
          %parallel_loop3A_405 = tpu.vector_load %arg8[%parallel_loop3A_401, %parallel_loop3A_402, %parallel_loop3A_403, %parallel_loop3A_404] {strides = array<i32>} : memref<4x2x16x128xf32, #tpu.memory_space<vmem>>, vector<16xf32>,
          %parallel_loop3A_406 = arith.index_cast %scan3A_316 : i32 to index
          %parallel_loop3A_407 = arith.index_cast %parallel_loop3A_371 : i32 to index
          %parallel_loop3A_408 = arith.index_cast %parallel_loop3A_373 : i32 to index
          %parallel_loop3A_409 = arith.constant 96 : index
          %parallel_loop3A_410 = tpu.vector_load %arg8[%parallel_loop3A_406, %parallel_loop3A_407, %parallel_loop3A_408, %parallel_loop3A_409] {strides = array<i32>} : memref<4x2x16x128xf32, #tpu.memory_space<vmem>>, vector<16xf32>,
          %parallel_loop3A_411 = arith.index_cast %scan3A_316 : i32 to index
          %parallel_loop3A_412 = arith.index_cast %parallel_loop3A_371 : i32 to index
          %parallel_loop3A_413 = arith.index_cast %parallel_loop3A_373 : i32 to index
          %parallel_loop3A_414 = arith.constant 112 : index
          %parallel_loop3A_415 = tpu.vector_load %arg8[%parallel_loop3A_411, %parallel_loop3A_412, %parallel_loop3A_413, %parallel_loop3A_414] {strides = array<i32>} : memref<4x2x16x128xf32, #tpu.memory_space<vmem>>, vector<16xf32>,
          %parallel_loop3A_416 = tpu.vector_load_idx %arg8[%broadcast_in_dim3A, %parallel_loop3A_374, %parallel_loop3A_375, %add3A_3] : memref<4x2x16x128xf32, #tpu.memory_space<vmem>>[vector<16xi32>, vector<16xi32>, vector<16xi32>, vector<16xi32>], vector<16xf32>,
          %parallel_loop3A_417 = tpu.vector_load_idx %arg8[%broadcast_in_dim3A, %parallel_loop3A_374, %parallel_loop3A_375, %add3A_6] : memref<4x2x16x128xf32, #tpu.memory_space<vmem>>[vector<16xi32>, vector<16xi32>, vector<16xi32>, vector<16xi32>], vector<16xf32>,
          %parallel_loop3A_418 = tpu.vector_load_idx %arg8[%broadcast_in_dim3A, %parallel_loop3A_374, %parallel_loop3A_375, %add3A_9] : memref<4x2x16x128xf32, #tpu.memory_space<vmem>>[vector<16xi32>, vector<16xi32>, vector<16xi32>, vector<16xi32>], vector<16xf32>,
          %parallel_loop3A_419 = tpu.vector_load_idx %arg8[%broadcast_in_dim3A, %parallel_loop3A_374, %parallel_loop3A_375, %add3A_12] : memref<4x2x16x128xf32, #tpu.memory_space<vmem>>[vector<16xi32>, vector<16xi32>, vector<16xi32>, vector<16xi32>], vector<16xf32>,
          %parallel_loop3A_420 = tpu.vector_load_idx %arg8[%broadcast_in_dim3A, %parallel_loop3A_374, %parallel_loop3A_375, %add3A_15] : memref<4x2x16x128xf32, #tpu.memory_space<vmem>>[vector<16xi32>, vector<16xi32>, vector<16xi32>, vector<16xi32>], vector<16xf32>,
          %parallel_loop3A_421 = tpu.vector_load_idx %arg8[%broadcast_in_dim3A, %parallel_loop3A_374, %parallel_loop3A_375, %add3A_18] : memref<4x2x16x128xf32, #tpu.memory_space<vmem>>[vector<16xi32>, vector<16xi32>, vector<16xi32>, vector<16xi32>], vector<16xf32>,
          %parallel_loop3A_422 = tpu.vector_load_idx %arg8[%broadcast_in_dim3A, %parallel_loop3A_374, %parallel_loop3A_375, %add3A_21] : memref<4x2x16x128xf32, #tpu.memory_space<vmem>>[vector<16xi32>, vector<16xi32>, vector<16xi32>, vector<16xi32>], vector<16xf32>,
          %parallel_loop3A_423 = tpu.vector_load_idx %arg8[%broadcast_in_dim3A, %parallel_loop3A_374, %parallel_loop3A_375, %add3A_24] : memref<4x2x16x128xf32, #tpu.memory_space<vmem>>[vector<16xi32>, vector<16xi32>, vector<16xi32>, vector<16xi32>], vector<16xf32>,
          %parallel_loop3A_424 = arith.mulf %parallel_loop3A_380, %get3A_321 : vector<16xf32>
          %parallel_loop3A_425 = arith.mulf %parallel_loop3A_416, %get3A_324 : vector<16xf32>
          %parallel_loop3A_426 = arith.addf %parallel_loop3A_424, %parallel_loop3A_425 : vector<16xf32>
          %parallel_loop3A_427 = arith.index_cast %scan3A_316 : i32 to index
          %parallel_loop3A_428 = arith.index_cast %parallel_loop3A_371 : i32 to index
          %parallel_loop3A_429 = arith.index_cast %parallel_loop3A_373 : i32 to index
          %parallel_loop3A_430 = arith.constant 0 : index
          %parallel_loop3A_431 = tpu.vector_load %arg8[%parallel_loop3A_427, %parallel_loop3A_428, %parallel_loop3A_429, %parallel_loop3A_430] {strides = array<i32>} : memref<4x2x16x128xf32, #tpu.memory_space<vmem>>, vector<16xf32>,
          tpu.vector_store %arg8[%parallel_loop3A_427, %parallel_loop3A_428, %parallel_loop3A_429, %parallel_loop3A_430], %parallel_loop3A_426 {strides = array<i32>} : memref<4x2x16x128xf32, #tpu.memory_space<vmem>>, vector<16xf32>,
          %parallel_loop3A_432 = arith.mulf %parallel_loop3A_385, %get3A_327 : vector<16xf32>
          %parallel_loop3A_433 = arith.mulf %parallel_loop3A_417, %get3A_330 : vector<16xf32>
          %parallel_loop3A_434 = arith.addf %parallel_loop3A_432, %parallel_loop3A_433 : vector<16xf32>
          %parallel_loop3A_435 = arith.index_cast %scan3A_316 : i32 to index
          %parallel_loop3A_436 = arith.index_cast %parallel_loop3A_371 : i32 to index
          %parallel_loop3A_437 = arith.index_cast %parallel_loop3A_373 : i32 to index
          %parallel_loop3A_438 = arith.constant 16 : index
          %parallel_loop3A_439 = tpu.vector_load %arg8[%parallel_loop3A_435, %parallel_loop3A_436, %parallel_loop3A_437, %parallel_loop3A_438] {strides = array<i32>} : memref<4x2x16x128xf32, #tpu.memory_space<vmem>>, vector<16xf32>,
          tpu.vector_store %arg8[%parallel_loop3A_435, %parallel_loop3A_436, %parallel_loop3A_437, %parallel_loop3A_438], %parallel_loop3A_434 {strides = array<i32>} : memref<4x2x16x128xf32, #tpu.memory_space<vmem>>, vector<16xf32>,
          %parallel_loop3A_440 = arith.mulf %parallel_loop3A_390, %get3A_333 : vector<16xf32>
          %parallel_loop3A_441 = arith.mulf %parallel_loop3A_418, %get3A_336 : vector<16xf32>
          %parallel_loop3A_442 = arith.addf %parallel_loop3A_440, %parallel_loop3A_441 : vector<16xf32>
          %parallel_loop3A_443 = arith.index_cast %scan3A_316 : i32 to index
          %parallel_loop3A_444 = arith.index_cast %parallel_loop3A_371 : i32 to index
          %parallel_loop3A_445 = arith.index_cast %parallel_loop3A_373 : i32 to index
          %parallel_loop3A_446 = arith.constant 32 : index
          %parallel_loop3A_447 = tpu.vector_load %arg8[%parallel_loop3A_443, %parallel_loop3A_444, %parallel_loop3A_445, %parallel_loop3A_446] {strides = array<i32>} : memref<4x2x16x128xf32, #tpu.memory_space<vmem>>, vector<16xf32>,
          tpu.vector_store %arg8[%parallel_loop3A_443, %parallel_loop3A_444, %parallel_loop3A_445, %parallel_loop3A_446], %parallel_loop3A_442 {strides = array<i32>} : memref<4x2x16x128xf32, #tpu.memory_space<vmem>>, vector<16xf32>,
          %parallel_loop3A_448 = arith.mulf %parallel_loop3A_395, %get3A_339 : vector<16xf32>
          %parallel_loop3A_449 = arith.mulf %parallel_loop3A_419, %get3A_342 : vector<16xf32>
          %parallel_loop3A_450 = arith.addf %parallel_loop3A_448, %parallel_loop3A_449 : vector<16xf32>
          %parallel_loop3A_451 = arith.index_cast %scan3A_316 : i32 to index
          %parallel_loop3A_452 = arith.index_cast %parallel_loop3A_371 : i32 to index
          %parallel_loop3A_453 = arith.index_cast %parallel_loop3A_373 : i32 to index
          %parallel_loop3A_454 = arith.constant 48 : index
          %parallel_loop3A_455 = tpu.vector_load %arg8[%parallel_loop3A_451, %parallel_loop3A_452, %parallel_loop3A_453, %parallel_loop3A_454] {strides = array<i32>} : memref<4x2x16x128xf32, #tpu.memory_space<vmem>>, vector<16xf32>,
          tpu.vector_store %arg8[%parallel_loop3A_451, %parallel_loop3A_452, %parallel_loop3A_453, %parallel_loop3A_454], %parallel_loop3A_450 {strides = array<i32>} : memref<4x2x16x128xf32, #tpu.memory_space<vmem>>, vector<16xf32>,
          %parallel_loop3A_456 = arith.mulf %parallel_loop3A_400, %get3A_345 : vector<16xf32>
          %parallel_loop3A_457 = arith.mulf %parallel_loop3A_420, %get3A_348 : vector<16xf32>
          %parallel_loop3A_458 = arith.addf %parallel_loop3A_456, %parallel_loop3A_457 : vector<16xf32>
          %parallel_loop3A_459 = arith.index_cast %scan3A_316 : i32 to index
          %parallel_loop3A_460 = arith.index_cast %parallel_loop3A_371 : i32 to index
          %parallel_loop3A_461 = arith.index_cast %parallel_loop3A_373 : i32 to index
          %parallel_loop3A_462 = arith.constant 64 : index
          %parallel_loop3A_463 = tpu.vector_load %arg8[%parallel_loop3A_459, %parallel_loop3A_460, %parallel_loop3A_461, %parallel_loop3A_462] {strides = array<i32>} : memref<4x2x16x128xf32, #tpu.memory_space<vmem>>, vector<16xf32>,
          tpu.vector_store %arg8[%parallel_loop3A_459, %parallel_loop3A_460, %parallel_loop3A_461, %parallel_loop3A_462], %parallel_loop3A_458 {strides = array<i32>} : memref<4x2x16x128xf32, #tpu.memory_space<vmem>>, vector<16xf32>,
          %parallel_loop3A_464 = arith.mulf %parallel_loop3A_405, %get3A_351 : vector<16xf32>
          %parallel_loop3A_465 = arith.mulf %parallel_loop3A_421, %get3A_354 : vector<16xf32>
          %parallel_loop3A_466 = arith.addf %parallel_loop3A_464, %parallel_loop3A_465 : vector<16xf32>
          %parallel_loop3A_467 = arith.index_cast %scan3A_316 : i32 to index
          %parallel_loop3A_468 = arith.index_cast %parallel_loop3A_371 : i32 to index
          %parallel_loop3A_469 = arith.index_cast %parallel_loop3A_373 : i32 to index
          %parallel_loop3A_470 = arith.constant 80 : index
          %parallel_loop3A_471 = tpu.vector_load %arg8[%parallel_loop3A_467, %parallel_loop3A_468, %parallel_loop3A_469, %parallel_loop3A_470] {strides = array<i32>} : memref<4x2x16x128xf32, #tpu.memory_space<vmem>>, vector<16xf32>,
          tpu.vector_store %arg8[%parallel_loop3A_467, %parallel_loop3A_468, %parallel_loop3A_469, %parallel_loop3A_470], %parallel_loop3A_466 {strides = array<i32>} : memref<4x2x16x128xf32, #tpu.memory_space<vmem>>, vector<16xf32>,
          %parallel_loop3A_472 = arith.mulf %parallel_loop3A_410, %get3A_357 : vector<16xf32>
          %parallel_loop3A_473 = arith.mulf %parallel_loop3A_422, %get3A_360 : vector<16xf32>
          %parallel_loop3A_474 = arith.addf %parallel_loop3A_472, %parallel_loop3A_473 : vector<16xf32>
          %parallel_loop3A_475 = arith.index_cast %scan3A_316 : i32 to index
          %parallel_loop3A_476 = arith.index_cast %parallel_loop3A_371 : i32 to index
          %parallel_loop3A_477 = arith.index_cast %parallel_loop3A_373 : i32 to index
          %parallel_loop3A_478 = arith.constant 96 : index
          %parallel_loop3A_479 = tpu.vector_load %arg8[%parallel_loop3A_475, %parallel_loop3A_476, %parallel_loop3A_477, %parallel_loop3A_478] {strides = array<i32>} : memref<4x2x16x128xf32, #tpu.memory_space<vmem>>, vector<16xf32>,
          tpu.vector_store %arg8[%parallel_loop3A_475, %parallel_loop3A_476, %parallel_loop3A_477, %parallel_loop3A_478], %parallel_loop3A_474 {strides = array<i32>} : memref<4x2x16x128xf32, #tpu.memory_space<vmem>>, vector<16xf32>,
          %parallel_loop3A_480 = arith.mulf %parallel_loop3A_415, %get3A_363 : vector<16xf32>
          %parallel_loop3A_481 = arith.mulf %parallel_loop3A_423, %get3A_366 : vector<16xf32>
          %parallel_loop3A_482 = arith.addf %parallel_loop3A_480, %parallel_loop3A_481 : vector<16xf32>
          %parallel_loop3A_483 = arith.index_cast %scan3A_316 : i32 to index
          %parallel_loop3A_484 = arith.index_cast %parallel_loop3A_371 : i32 to index
          %parallel_loop3A_485 = arith.index_cast %parallel_loop3A_373 : i32 to index
          %parallel_loop3A_486 = arith.constant 112 : index
          %parallel_loop3A_487 = tpu.vector_load %arg8[%parallel_loop3A_483, %parallel_loop3A_484, %parallel_loop3A_485, %parallel_loop3A_486] {strides = array<i32>} : memref<4x2x16x128xf32, #tpu.memory_space<vmem>>, vector<16xf32>,
          tpu.vector_store %arg8[%parallel_loop3A_483, %parallel_loop3A_484, %parallel_loop3A_485, %parallel_loop3A_486], %parallel_loop3A_482 {strides = array<i32>} : memref<4x2x16x128xf32, #tpu.memory_space<vmem>>, vector<16xf32>,
        } {sc.loop_unroll_factor = 4 : i64, sc.parallel_access}
      }
      %scan3A_186 = arith.constant 4 : i32
      %mul3A_187 = arith.constant 4 : i32
      %mul3A_188 = arith.muli %add3A_165, %mul3A_187 : i32
      %add3A_189 = arith.addi %mul3A_28, %mul3A_188 : i32
      %dma_start3A_190 = arith.constant 0 : i32
      %dma_start3A_191 = arith.constant 0 : i32
      %dma_start3A_192 = arith.constant 0 : i32
      %dma_start3A_193 = tpu.memref_slice %arg7[%add3A_189, %dma_start3A_190, %dma_start3A_191, %dma_start3A_192] : memref<4096x2x16x128xf32, #tpu.memory_space<hbm>> -> memref<4x2x16x128xf32, #tpu.memory_space<hbm>>
      %dma_start3A_194 = arith.constant 0 : i32
      %dma_start3A_195 = arith.constant 0 : i32
      %dma_start3A_196 = arith.constant 0 : i32
      %dma_start3A_197 = tpu.memref_slice %arg7[%add3A_189, %dma_start3A_194, %dma_start3A_195, %dma_start3A_196] : memref<4096x2x16x128xf32, #tpu.memory_space<hbm>> -> memref<4x2x16x128xf32, #tpu.memory_space<hbm>>
      tpu.enqueue_dma source(%arg8 : memref<4x2x16x128xf32, #tpu.memory_space<vmem>>) target(%dma_start3A_197 : memref<4x2x16x128xf32, #tpu.memory_space<hbm>>) target_semaphore(%arg18 : memref<!tpu.dma_semaphore, #tpu.memory_space<semaphore_mem>>)
      %mul3A_198 = arith.constant 4 : i32
      %mul3A_199 = arith.muli %mul3A_198, %scan3A_160 : i32
      %add3A_200 = arith.constant 1 : i32
      %add3A_201 = arith.addi %mul3A_199, %add3A_200 : i32
      %add3A_202 = arith.constant 2 : i32
      %add3A_203 = arith.addi %add3A_201, %add3A_202 : i32
      %lt3A_204 = arith.constant 32 : i32
      %lt3A_205 = arith.cmpi slt, %add3A_203, %lt3A_204 : i32
      %convert_element_type3A_206 = arith.extui %lt3A_205 : i1 to i32
      %cond3A_207 = arith.constant 0 : i32
      %cond3A_208 = arith.cmpi ne, %convert_element_type3A_206, %cond3A_207 : i32
      scf.if %cond3A_208 {
        %ge3A = arith.constant 4 : i32
        %ge3A_316 = arith.cmpi sge, %add3A_203, %ge3A : i32
        %convert_element_type3A_317 = arith.extui %ge3A_316 : i1 to i32
        %cond3A_318 = arith.constant 0 : i32
        %cond3A_319 = arith.cmpi ne, %convert_element_type3A_317, %cond3A_318 : i32
        scf.if %cond3A_319 {
          %sub3A = arith.constant 4 : i32
          %sub3A_331 = arith.subi %add3A_203, %sub3A : i32
          %mul3A_332 = arith.constant 4 : i32
          %mul3A_333 = arith.muli %sub3A_331, %mul3A_332 : i32
          %add3A_334 = arith.addi %mul3A_28, %mul3A_333 : i32
          %dma_wait3A_335 = arith.constant 0 : i32
          %dma_wait3A_336 = arith.constant 0 : i32
          %dma_wait3A_337 = arith.constant 0 : i32
          %dma_wait3A_338 = tpu.memref_slice %arg7[%add3A_334, %dma_wait3A_335, %dma_wait3A_336, %dma_wait3A_337] : memref<4096x2x16x128xf32, #tpu.memory_space<hbm>> -> memref<4x2x16x128xf32, #tpu.memory_space<hbm>>
          %dma_wait3A_339 = arith.constant 0 : i32
          %dma_wait3A_340 = arith.constant 0 : i32
          %dma_wait3A_341 = arith.constant 0 : i32
          %dma_wait3A_342 = tpu.memref_slice %arg7[%add3A_334, %dma_wait3A_339, %dma_wait3A_340, %dma_wait3A_341] : memref<4096x2x16x128xf32, #tpu.memory_space<hbm>> -> memref<4x2x16x128xf32, #tpu.memory_space<hbm>>
          tpu.wait_dma2 semaphore(%arg21 : memref<!tpu.dma_semaphore, #tpu.memory_space<semaphore_mem>>) src(%arg11 : memref<4x2x16x128xf32, #tpu.memory_space<vmem>>) dst(%dma_wait3A_342 : memref<4x2x16x128xf32, #tpu.memory_space<hbm>>)
        } else {
        }
        %mul3A_320 = arith.constant 4 : i32
        %mul3A_321 = arith.muli %add3A_203, %mul3A_320 : i32
        %add3A_322 = arith.addi %mul3A_28, %mul3A_321 : i32
        %dma_start3A_323 = arith.constant 0 : i32
        %dma_start3A_324 = arith.constant 0 : i32
        %dma_start3A_325 = arith.constant 0 : i32
        %dma_start3A_326 = tpu.memref_slice %arg3[%add3A_322, %dma_start3A_323, %dma_start3A_324, %dma_start3A_325] : memref<4096x2x16x128xf32, #tpu.memory_space<hbm>> -> memref<4x2x16x128xf32, #tpu.memory_space<hbm>>
        %dma_start3A_327 = arith.constant 0 : i32
        %dma_start3A_328 = arith.constant 0 : i32
        %dma_start3A_329 = arith.constant 0 : i32
        %dma_start3A_330 = tpu.memref_slice %arg3[%add3A_322, %dma_start3A_327, %dma_start3A_328, %dma_start3A_329] : memref<4096x2x16x128xf32, #tpu.memory_space<hbm>> -> memref<4x2x16x128xf32, #tpu.memory_space<hbm>>
        tpu.enqueue_dma source(%dma_start3A_330 : memref<4x2x16x128xf32, #tpu.memory_space<hbm>>) target(%arg11 : memref<4x2x16x128xf32, #tpu.memory_space<vmem>>) target_semaphore(%arg17 : memref<!tpu.dma_semaphore, #tpu.memory_space<semaphore_mem>>)
      } else {
      }
      %mul3A_209 = arith.constant 4 : i32
      %mul3A_210 = arith.muli %add3A_201, %mul3A_209 : i32
      %add3A_211 = arith.addi %mul3A_28, %mul3A_210 : i32
      %dma_wait3A_212 = arith.constant 0 : i32
      %dma_wait3A_213 = arith.constant 0 : i32
      %dma_wait3A_214 = arith.constant 0 : i32
      %dma_wait3A_215 = tpu.memref_slice %arg3[%add3A_211, %dma_wait3A_212, %dma_wait3A_213, %dma_wait3A_214] : memref<4096x2x16x128xf32, #tpu.memory_space<hbm>> -> memref<4x2x16x128xf32, #tpu.memory_space<hbm>>
      %dma_wait3A_216 = arith.constant 0 : i32
      %dma_wait3A_217 = arith.constant 0 : i32
      %dma_wait3A_218 = arith.constant 0 : i32
      %dma_wait3A_219 = tpu.memref_slice %arg3[%add3A_211, %dma_wait3A_216, %dma_wait3A_217, %dma_wait3A_218] : memref<4096x2x16x128xf32, #tpu.memory_space<hbm>> -> memref<4x2x16x128xf32, #tpu.memory_space<hbm>>
      tpu.wait_dma2 semaphore(%arg15 : memref<!tpu.dma_semaphore, #tpu.memory_space<semaphore_mem>>) src(%dma_wait3A_219 : memref<4x2x16x128xf32, #tpu.memory_space<hbm>>) dst(%arg9 : memref<4x2x16x128xf32, #tpu.memory_space<vmem>>)
      %scan3A_220 = arith.constant 0 : i32
      %scan3A_221 = arith.constant 0 : i32
      %scan3A_222 = arith.constant 4 : i32
      %scan3A_223 = arith.addi %scan3A_221, %scan3A_222 : i32
      %scan3A_224 = arith.constant 1 : i32
      scf.for %scan3A_316 = %scan3A_221 to %scan3A_223 step %scan3A_224  : i32 {
        %mul3A_317 = arith.constant 4 : i32
        %mul3A_318 = arith.muli %add3A_201, %mul3A_317 : i32
        %add3A_319 = arith.addi %mul3A_318, %scan3A_316 : i32
        %get3A = arith.index_cast %add3A_319 : i32 to index
        %get3A_320 = arith.constant 0 : index
        %get3A_321 = tpu.vector_load %arg12[%get3A, %get3A_320] {strides = array<i32>} : memref<128x128xf32, #tpu.memory_space<vmem>>, vector<16xf32>,
        %get3A_322 = arith.index_cast %add3A_319 : i32 to index
        %get3A_323 = arith.constant 0 : index
        %get3A_324 = tpu.vector_load %arg13[%get3A_322, %get3A_323] {strides = array<i32>} : memref<128x128xf32, #tpu.memory_space<vmem>>, vector<16xf32>,
        %get3A_325 = arith.index_cast %add3A_319 : i32 to index
        %get3A_326 = arith.constant 16 : index
        %get3A_327 = tpu.vector_load %arg12[%get3A_325, %get3A_326] {strides = array<i32>} : memref<128x128xf32, #tpu.memory_space<vmem>>, vector<16xf32>,
        %get3A_328 = arith.index_cast %add3A_319 : i32 to index
        %get3A_329 = arith.constant 16 : index
        %get3A_330 = tpu.vector_load %arg13[%get3A_328, %get3A_329] {strides = array<i32>} : memref<128x128xf32, #tpu.memory_space<vmem>>, vector<16xf32>,
        %get3A_331 = arith.index_cast %add3A_319 : i32 to index
        %get3A_332 = arith.constant 32 : index
        %get3A_333 = tpu.vector_load %arg12[%get3A_331, %get3A_332] {strides = array<i32>} : memref<128x128xf32, #tpu.memory_space<vmem>>, vector<16xf32>,
        %get3A_334 = arith.index_cast %add3A_319 : i32 to index
        %get3A_335 = arith.constant 32 : index
        %get3A_336 = tpu.vector_load %arg13[%get3A_334, %get3A_335] {strides = array<i32>} : memref<128x128xf32, #tpu.memory_space<vmem>>, vector<16xf32>,
        %get3A_337 = arith.index_cast %add3A_319 : i32 to index
        %get3A_338 = arith.constant 48 : index
        %get3A_339 = tpu.vector_load %arg12[%get3A_337, %get3A_338] {strides = array<i32>} : memref<128x128xf32, #tpu.memory_space<vmem>>, vector<16xf32>,
        %get3A_340 = arith.index_cast %add3A_319 : i32 to index
        %get3A_341 = arith.constant 48 : index
        %get3A_342 = tpu.vector_load %arg13[%get3A_340, %get3A_341] {strides = array<i32>} : memref<128x128xf32, #tpu.memory_space<vmem>>, vector<16xf32>,
        %get3A_343 = arith.index_cast %add3A_319 : i32 to index
        %get3A_344 = arith.constant 64 : index
        %get3A_345 = tpu.vector_load %arg12[%get3A_343, %get3A_344] {strides = array<i32>} : memref<128x128xf32, #tpu.memory_space<vmem>>, vector<16xf32>,
        %get3A_346 = arith.index_cast %add3A_319 : i32 to index
        %get3A_347 = arith.constant 64 : index
        %get3A_348 = tpu.vector_load %arg13[%get3A_346, %get3A_347] {strides = array<i32>} : memref<128x128xf32, #tpu.memory_space<vmem>>, vector<16xf32>,
        %get3A_349 = arith.index_cast %add3A_319 : i32 to index
        %get3A_350 = arith.constant 80 : index
        %get3A_351 = tpu.vector_load %arg12[%get3A_349, %get3A_350] {strides = array<i32>} : memref<128x128xf32, #tpu.memory_space<vmem>>, vector<16xf32>,
        %get3A_352 = arith.index_cast %add3A_319 : i32 to index
        %get3A_353 = arith.constant 80 : index
        %get3A_354 = tpu.vector_load %arg13[%get3A_352, %get3A_353] {strides = array<i32>} : memref<128x128xf32, #tpu.memory_space<vmem>>, vector<16xf32>,
        %get3A_355 = arith.index_cast %add3A_319 : i32 to index
        %get3A_356 = arith.constant 96 : index
        %get3A_357 = tpu.vector_load %arg12[%get3A_355, %get3A_356] {strides = array<i32>} : memref<128x128xf32, #tpu.memory_space<vmem>>, vector<16xf32>,
        %get3A_358 = arith.index_cast %add3A_319 : i32 to index
        %get3A_359 = arith.constant 96 : index
        %get3A_360 = tpu.vector_load %arg13[%get3A_358, %get3A_359] {strides = array<i32>} : memref<128x128xf32, #tpu.memory_space<vmem>>, vector<16xf32>,
        %get3A_361 = arith.index_cast %add3A_319 : i32 to index
        %get3A_362 = arith.constant 112 : index
        %get3A_363 = tpu.vector_load %arg12[%get3A_361, %get3A_362] {strides = array<i32>} : memref<128x128xf32, #tpu.memory_space<vmem>>, vector<16xf32>,
        %get3A_364 = arith.index_cast %add3A_319 : i32 to index
        %get3A_365 = arith.constant 112 : index
        %get3A_366 = tpu.vector_load %arg13[%get3A_364, %get3A_365] {strides = array<i32>} : memref<128x128xf32, #tpu.memory_space<vmem>>, vector<16xf32>,
        %broadcast_in_dim3A = vector.broadcast %scan3A_316 : i32 to vector<16xi32>
        %parallel_loop3A = arith.constant 0 : i32
        %parallel_loop3A_367 = arith.constant 32 : i32
        %parallel_loop3A_368 = arith.constant 1 : i32
        scf.for %parallel_loop3A_369 = %parallel_loop3A to %parallel_loop3A_367 step %parallel_loop3A_368  : i32 {
          %parallel_loop3A_370 = arith.constant 4 : i32
          %parallel_loop3A_371 = arith.shrsi %parallel_loop3A_369, %parallel_loop3A_370 : i32
          %parallel_loop3A_372 = arith.constant 15 : i32
          %parallel_loop3A_373 = arith.andi %parallel_loop3A_369, %parallel_loop3A_372 : i32
          %parallel_loop3A_374 = vector.broadcast %parallel_loop3A_371 : i32 to vector<16xi32>
          %parallel_loop3A_375 = vector.broadcast %parallel_loop3A_373 : i32 to vector<16xi32>
          %parallel_loop3A_376 = arith.index_cast %scan3A_316 : i32 to index
          %parallel_loop3A_377 = arith.index_cast %parallel_loop3A_371 : i32 to index
          %parallel_loop3A_378 = arith.index_cast %parallel_loop3A_373 : i32 to index
          %parallel_loop3A_379 = arith.constant 0 : index
          %parallel_loop3A_380 = tpu.vector_load %arg9[%parallel_loop3A_376, %parallel_loop3A_377, %parallel_loop3A_378, %parallel_loop3A_379] {strides = array<i32>} : memref<4x2x16x128xf32, #tpu.memory_space<vmem>>, vector<16xf32>,
          %parallel_loop3A_381 = arith.index_cast %scan3A_316 : i32 to index
          %parallel_loop3A_382 = arith.index_cast %parallel_loop3A_371 : i32 to index
          %parallel_loop3A_383 = arith.index_cast %parallel_loop3A_373 : i32 to index
          %parallel_loop3A_384 = arith.constant 16 : index
          %parallel_loop3A_385 = tpu.vector_load %arg9[%parallel_loop3A_381, %parallel_loop3A_382, %parallel_loop3A_383, %parallel_loop3A_384] {strides = array<i32>} : memref<4x2x16x128xf32, #tpu.memory_space<vmem>>, vector<16xf32>,
          %parallel_loop3A_386 = arith.index_cast %scan3A_316 : i32 to index
          %parallel_loop3A_387 = arith.index_cast %parallel_loop3A_371 : i32 to index
          %parallel_loop3A_388 = arith.index_cast %parallel_loop3A_373 : i32 to index
          %parallel_loop3A_389 = arith.constant 32 : index
          %parallel_loop3A_390 = tpu.vector_load %arg9[%parallel_loop3A_386, %parallel_loop3A_387, %parallel_loop3A_388, %parallel_loop3A_389] {strides = array<i32>} : memref<4x2x16x128xf32, #tpu.memory_space<vmem>>, vector<16xf32>,
          %parallel_loop3A_391 = arith.index_cast %scan3A_316 : i32 to index
          %parallel_loop3A_392 = arith.index_cast %parallel_loop3A_371 : i32 to index
          %parallel_loop3A_393 = arith.index_cast %parallel_loop3A_373 : i32 to index
          %parallel_loop3A_394 = arith.constant 48 : index
          %parallel_loop3A_395 = tpu.vector_load %arg9[%parallel_loop3A_391, %parallel_loop3A_392, %parallel_loop3A_393, %parallel_loop3A_394] {strides = array<i32>} : memref<4x2x16x128xf32, #tpu.memory_space<vmem>>, vector<16xf32>,
          %parallel_loop3A_396 = arith.index_cast %scan3A_316 : i32 to index
          %parallel_loop3A_397 = arith.index_cast %parallel_loop3A_371 : i32 to index
          %parallel_loop3A_398 = arith.index_cast %parallel_loop3A_373 : i32 to index
          %parallel_loop3A_399 = arith.constant 64 : index
          %parallel_loop3A_400 = tpu.vector_load %arg9[%parallel_loop3A_396, %parallel_loop3A_397, %parallel_loop3A_398, %parallel_loop3A_399] {strides = array<i32>} : memref<4x2x16x128xf32, #tpu.memory_space<vmem>>, vector<16xf32>,
          %parallel_loop3A_401 = arith.index_cast %scan3A_316 : i32 to index
          %parallel_loop3A_402 = arith.index_cast %parallel_loop3A_371 : i32 to index
          %parallel_loop3A_403 = arith.index_cast %parallel_loop3A_373 : i32 to index
          %parallel_loop3A_404 = arith.constant 80 : index
          %parallel_loop3A_405 = tpu.vector_load %arg9[%parallel_loop3A_401, %parallel_loop3A_402, %parallel_loop3A_403, %parallel_loop3A_404] {strides = array<i32>} : memref<4x2x16x128xf32, #tpu.memory_space<vmem>>, vector<16xf32>,
          %parallel_loop3A_406 = arith.index_cast %scan3A_316 : i32 to index
          %parallel_loop3A_407 = arith.index_cast %parallel_loop3A_371 : i32 to index
          %parallel_loop3A_408 = arith.index_cast %parallel_loop3A_373 : i32 to index
          %parallel_loop3A_409 = arith.constant 96 : index
          %parallel_loop3A_410 = tpu.vector_load %arg9[%parallel_loop3A_406, %parallel_loop3A_407, %parallel_loop3A_408, %parallel_loop3A_409] {strides = array<i32>} : memref<4x2x16x128xf32, #tpu.memory_space<vmem>>, vector<16xf32>,
          %parallel_loop3A_411 = arith.index_cast %scan3A_316 : i32 to index
          %parallel_loop3A_412 = arith.index_cast %parallel_loop3A_371 : i32 to index
          %parallel_loop3A_413 = arith.index_cast %parallel_loop3A_373 : i32 to index
          %parallel_loop3A_414 = arith.constant 112 : index
          %parallel_loop3A_415 = tpu.vector_load %arg9[%parallel_loop3A_411, %parallel_loop3A_412, %parallel_loop3A_413, %parallel_loop3A_414] {strides = array<i32>} : memref<4x2x16x128xf32, #tpu.memory_space<vmem>>, vector<16xf32>,
          %parallel_loop3A_416 = tpu.vector_load_idx %arg9[%broadcast_in_dim3A, %parallel_loop3A_374, %parallel_loop3A_375, %add3A_3] : memref<4x2x16x128xf32, #tpu.memory_space<vmem>>[vector<16xi32>, vector<16xi32>, vector<16xi32>, vector<16xi32>], vector<16xf32>,
          %parallel_loop3A_417 = tpu.vector_load_idx %arg9[%broadcast_in_dim3A, %parallel_loop3A_374, %parallel_loop3A_375, %add3A_6] : memref<4x2x16x128xf32, #tpu.memory_space<vmem>>[vector<16xi32>, vector<16xi32>, vector<16xi32>, vector<16xi32>], vector<16xf32>,
          %parallel_loop3A_418 = tpu.vector_load_idx %arg9[%broadcast_in_dim3A, %parallel_loop3A_374, %parallel_loop3A_375, %add3A_9] : memref<4x2x16x128xf32, #tpu.memory_space<vmem>>[vector<16xi32>, vector<16xi32>, vector<16xi32>, vector<16xi32>], vector<16xf32>,
          %parallel_loop3A_419 = tpu.vector_load_idx %arg9[%broadcast_in_dim3A, %parallel_loop3A_374, %parallel_loop3A_375, %add3A_12] : memref<4x2x16x128xf32, #tpu.memory_space<vmem>>[vector<16xi32>, vector<16xi32>, vector<16xi32>, vector<16xi32>], vector<16xf32>,
          %parallel_loop3A_420 = tpu.vector_load_idx %arg9[%broadcast_in_dim3A, %parallel_loop3A_374, %parallel_loop3A_375, %add3A_15] : memref<4x2x16x128xf32, #tpu.memory_space<vmem>>[vector<16xi32>, vector<16xi32>, vector<16xi32>, vector<16xi32>], vector<16xf32>,
          %parallel_loop3A_421 = tpu.vector_load_idx %arg9[%broadcast_in_dim3A, %parallel_loop3A_374, %parallel_loop3A_375, %add3A_18] : memref<4x2x16x128xf32, #tpu.memory_space<vmem>>[vector<16xi32>, vector<16xi32>, vector<16xi32>, vector<16xi32>], vector<16xf32>,
          %parallel_loop3A_422 = tpu.vector_load_idx %arg9[%broadcast_in_dim3A, %parallel_loop3A_374, %parallel_loop3A_375, %add3A_21] : memref<4x2x16x128xf32, #tpu.memory_space<vmem>>[vector<16xi32>, vector<16xi32>, vector<16xi32>, vector<16xi32>], vector<16xf32>,
          %parallel_loop3A_423 = tpu.vector_load_idx %arg9[%broadcast_in_dim3A, %parallel_loop3A_374, %parallel_loop3A_375, %add3A_24] : memref<4x2x16x128xf32, #tpu.memory_space<vmem>>[vector<16xi32>, vector<16xi32>, vector<16xi32>, vector<16xi32>], vector<16xf32>,
          %parallel_loop3A_424 = arith.mulf %parallel_loop3A_380, %get3A_321 : vector<16xf32>
          %parallel_loop3A_425 = arith.mulf %parallel_loop3A_416, %get3A_324 : vector<16xf32>
          %parallel_loop3A_426 = arith.addf %parallel_loop3A_424, %parallel_loop3A_425 : vector<16xf32>
          %parallel_loop3A_427 = arith.index_cast %scan3A_316 : i32 to index
          %parallel_loop3A_428 = arith.index_cast %parallel_loop3A_371 : i32 to index
          %parallel_loop3A_429 = arith.index_cast %parallel_loop3A_373 : i32 to index
          %parallel_loop3A_430 = arith.constant 0 : index
          %parallel_loop3A_431 = tpu.vector_load %arg9[%parallel_loop3A_427, %parallel_loop3A_428, %parallel_loop3A_429, %parallel_loop3A_430] {strides = array<i32>} : memref<4x2x16x128xf32, #tpu.memory_space<vmem>>, vector<16xf32>,
          tpu.vector_store %arg9[%parallel_loop3A_427, %parallel_loop3A_428, %parallel_loop3A_429, %parallel_loop3A_430], %parallel_loop3A_426 {strides = array<i32>} : memref<4x2x16x128xf32, #tpu.memory_space<vmem>>, vector<16xf32>,
          %parallel_loop3A_432 = arith.mulf %parallel_loop3A_385, %get3A_327 : vector<16xf32>
          %parallel_loop3A_433 = arith.mulf %parallel_loop3A_417, %get3A_330 : vector<16xf32>
          %parallel_loop3A_434 = arith.addf %parallel_loop3A_432, %parallel_loop3A_433 : vector<16xf32>
          %parallel_loop3A_435 = arith.index_cast %scan3A_316 : i32 to index
          %parallel_loop3A_436 = arith.index_cast %parallel_loop3A_371 : i32 to index
          %parallel_loop3A_437 = arith.index_cast %parallel_loop3A_373 : i32 to index
          %parallel_loop3A_438 = arith.constant 16 : index
          %parallel_loop3A_439 = tpu.vector_load %arg9[%parallel_loop3A_435, %parallel_loop3A_436, %parallel_loop3A_437, %parallel_loop3A_438] {strides = array<i32>} : memref<4x2x16x128xf32, #tpu.memory_space<vmem>>, vector<16xf32>,
          tpu.vector_store %arg9[%parallel_loop3A_435, %parallel_loop3A_436, %parallel_loop3A_437, %parallel_loop3A_438], %parallel_loop3A_434 {strides = array<i32>} : memref<4x2x16x128xf32, #tpu.memory_space<vmem>>, vector<16xf32>,
          %parallel_loop3A_440 = arith.mulf %parallel_loop3A_390, %get3A_333 : vector<16xf32>
          %parallel_loop3A_441 = arith.mulf %parallel_loop3A_418, %get3A_336 : vector<16xf32>
          %parallel_loop3A_442 = arith.addf %parallel_loop3A_440, %parallel_loop3A_441 : vector<16xf32>
          %parallel_loop3A_443 = arith.index_cast %scan3A_316 : i32 to index
          %parallel_loop3A_444 = arith.index_cast %parallel_loop3A_371 : i32 to index
          %parallel_loop3A_445 = arith.index_cast %parallel_loop3A_373 : i32 to index
          %parallel_loop3A_446 = arith.constant 32 : index
          %parallel_loop3A_447 = tpu.vector_load %arg9[%parallel_loop3A_443, %parallel_loop3A_444, %parallel_loop3A_445, %parallel_loop3A_446] {strides = array<i32>} : memref<4x2x16x128xf32, #tpu.memory_space<vmem>>, vector<16xf32>,
          tpu.vector_store %arg9[%parallel_loop3A_443, %parallel_loop3A_444, %parallel_loop3A_445, %parallel_loop3A_446], %parallel_loop3A_442 {strides = array<i32>} : memref<4x2x16x128xf32, #tpu.memory_space<vmem>>, vector<16xf32>,
          %parallel_loop3A_448 = arith.mulf %parallel_loop3A_395, %get3A_339 : vector<16xf32>
          %parallel_loop3A_449 = arith.mulf %parallel_loop3A_419, %get3A_342 : vector<16xf32>
          %parallel_loop3A_450 = arith.addf %parallel_loop3A_448, %parallel_loop3A_449 : vector<16xf32>
          %parallel_loop3A_451 = arith.index_cast %scan3A_316 : i32 to index
          %parallel_loop3A_452 = arith.index_cast %parallel_loop3A_371 : i32 to index
          %parallel_loop3A_453 = arith.index_cast %parallel_loop3A_373 : i32 to index
          %parallel_loop3A_454 = arith.constant 48 : index
          %parallel_loop3A_455 = tpu.vector_load %arg9[%parallel_loop3A_451, %parallel_loop3A_452, %parallel_loop3A_453, %parallel_loop3A_454] {strides = array<i32>} : memref<4x2x16x128xf32, #tpu.memory_space<vmem>>, vector<16xf32>,
          tpu.vector_store %arg9[%parallel_loop3A_451, %parallel_loop3A_452, %parallel_loop3A_453, %parallel_loop3A_454], %parallel_loop3A_450 {strides = array<i32>} : memref<4x2x16x128xf32, #tpu.memory_space<vmem>>, vector<16xf32>,
          %parallel_loop3A_456 = arith.mulf %parallel_loop3A_400, %get3A_345 : vector<16xf32>
          %parallel_loop3A_457 = arith.mulf %parallel_loop3A_420, %get3A_348 : vector<16xf32>
          %parallel_loop3A_458 = arith.addf %parallel_loop3A_456, %parallel_loop3A_457 : vector<16xf32>
          %parallel_loop3A_459 = arith.index_cast %scan3A_316 : i32 to index
          %parallel_loop3A_460 = arith.index_cast %parallel_loop3A_371 : i32 to index
          %parallel_loop3A_461 = arith.index_cast %parallel_loop3A_373 : i32 to index
          %parallel_loop3A_462 = arith.constant 64 : index
          %parallel_loop3A_463 = tpu.vector_load %arg9[%parallel_loop3A_459, %parallel_loop3A_460, %parallel_loop3A_461, %parallel_loop3A_462] {strides = array<i32>} : memref<4x2x16x128xf32, #tpu.memory_space<vmem>>, vector<16xf32>,
          tpu.vector_store %arg9[%parallel_loop3A_459, %parallel_loop3A_460, %parallel_loop3A_461, %parallel_loop3A_462], %parallel_loop3A_458 {strides = array<i32>} : memref<4x2x16x128xf32, #tpu.memory_space<vmem>>, vector<16xf32>,
          %parallel_loop3A_464 = arith.mulf %parallel_loop3A_405, %get3A_351 : vector<16xf32>
          %parallel_loop3A_465 = arith.mulf %parallel_loop3A_421, %get3A_354 : vector<16xf32>
          %parallel_loop3A_466 = arith.addf %parallel_loop3A_464, %parallel_loop3A_465 : vector<16xf32>
          %parallel_loop3A_467 = arith.index_cast %scan3A_316 : i32 to index
          %parallel_loop3A_468 = arith.index_cast %parallel_loop3A_371 : i32 to index
          %parallel_loop3A_469 = arith.index_cast %parallel_loop3A_373 : i32 to index
          %parallel_loop3A_470 = arith.constant 80 : index
          %parallel_loop3A_471 = tpu.vector_load %arg9[%parallel_loop3A_467, %parallel_loop3A_468, %parallel_loop3A_469, %parallel_loop3A_470] {strides = array<i32>} : memref<4x2x16x128xf32, #tpu.memory_space<vmem>>, vector<16xf32>,
          tpu.vector_store %arg9[%parallel_loop3A_467, %parallel_loop3A_468, %parallel_loop3A_469, %parallel_loop3A_470], %parallel_loop3A_466 {strides = array<i32>} : memref<4x2x16x128xf32, #tpu.memory_space<vmem>>, vector<16xf32>,
          %parallel_loop3A_472 = arith.mulf %parallel_loop3A_410, %get3A_357 : vector<16xf32>
          %parallel_loop3A_473 = arith.mulf %parallel_loop3A_422, %get3A_360 : vector<16xf32>
          %parallel_loop3A_474 = arith.addf %parallel_loop3A_472, %parallel_loop3A_473 : vector<16xf32>
          %parallel_loop3A_475 = arith.index_cast %scan3A_316 : i32 to index
          %parallel_loop3A_476 = arith.index_cast %parallel_loop3A_371 : i32 to index
          %parallel_loop3A_477 = arith.index_cast %parallel_loop3A_373 : i32 to index
          %parallel_loop3A_478 = arith.constant 96 : index
          %parallel_loop3A_479 = tpu.vector_load %arg9[%parallel_loop3A_475, %parallel_loop3A_476, %parallel_loop3A_477, %parallel_loop3A_478] {strides = array<i32>} : memref<4x2x16x128xf32, #tpu.memory_space<vmem>>, vector<16xf32>,
          tpu.vector_store %arg9[%parallel_loop3A_475, %parallel_loop3A_476, %parallel_loop3A_477, %parallel_loop3A_478], %parallel_loop3A_474 {strides = array<i32>} : memref<4x2x16x128xf32, #tpu.memory_space<vmem>>, vector<16xf32>,
          %parallel_loop3A_480 = arith.mulf %parallel_loop3A_415, %get3A_363 : vector<16xf32>
          %parallel_loop3A_481 = arith.mulf %parallel_loop3A_423, %get3A_366 : vector<16xf32>
          %parallel_loop3A_482 = arith.addf %parallel_loop3A_480, %parallel_loop3A_481 : vector<16xf32>
          %parallel_loop3A_483 = arith.index_cast %scan3A_316 : i32 to index
          %parallel_loop3A_484 = arith.index_cast %parallel_loop3A_371 : i32 to index
          %parallel_loop3A_485 = arith.index_cast %parallel_loop3A_373 : i32 to index
          %parallel_loop3A_486 = arith.constant 112 : index
          %parallel_loop3A_487 = tpu.vector_load %arg9[%parallel_loop3A_483, %parallel_loop3A_484, %parallel_loop3A_485, %parallel_loop3A_486] {strides = array<i32>} : memref<4x2x16x128xf32, #tpu.memory_space<vmem>>, vector<16xf32>,
          tpu.vector_store %arg9[%parallel_loop3A_483, %parallel_loop3A_484, %parallel_loop3A_485, %parallel_loop3A_486], %parallel_loop3A_482 {strides = array<i32>} : memref<4x2x16x128xf32, #tpu.memory_space<vmem>>, vector<16xf32>,
        } {sc.loop_unroll_factor = 4 : i64, sc.parallel_access}
      }
      %scan3A_225 = arith.constant 4 : i32
      %mul3A_226 = arith.constant 4 : i32
      %mul3A_227 = arith.muli %add3A_201, %mul3A_226 : i32
      %add3A_228 = arith.addi %mul3A_28, %mul3A_227 : i32
      %dma_start3A_229 = arith.constant 0 : i32
      %dma_start3A_230 = arith.constant 0 : i32
      %dma_start3A_231 = arith.constant 0 : i32
      %dma_start3A_232 = tpu.memref_slice %arg7[%add3A_228, %dma_start3A_229, %dma_start3A_230, %dma_start3A_231] : memref<4096x2x16x128xf32, #tpu.memory_space<hbm>> -> memref<4x2x16x128xf32, #tpu.memory_space<hbm>>
      %dma_start3A_233 = arith.constant 0 : i32
      %dma_start3A_234 = arith.constant 0 : i32
      %dma_start3A_235 = arith.constant 0 : i32
      %dma_start3A_236 = tpu.memref_slice %arg7[%add3A_228, %dma_start3A_233, %dma_start3A_234, %dma_start3A_235] : memref<4096x2x16x128xf32, #tpu.memory_space<hbm>> -> memref<4x2x16x128xf32, #tpu.memory_space<hbm>>
      tpu.enqueue_dma source(%arg9 : memref<4x2x16x128xf32, #tpu.memory_space<vmem>>) target(%dma_start3A_236 : memref<4x2x16x128xf32, #tpu.memory_space<hbm>>) target_semaphore(%arg19 : memref<!tpu.dma_semaphore, #tpu.memory_space<semaphore_mem>>)
      %mul3A_237 = arith.constant 4 : i32
      %mul3A_238 = arith.muli %mul3A_237, %scan3A_160 : i32
      %add3A_239 = arith.constant 2 : i32
      %add3A_240 = arith.addi %mul3A_238, %add3A_239 : i32
      %add3A_241 = arith.constant 2 : i32
      %add3A_242 = arith.addi %add3A_240, %add3A_241 : i32
      %lt3A_243 = arith.constant 32 : i32
      %lt3A_244 = arith.cmpi slt, %add3A_242, %lt3A_243 : i32
      %convert_element_type3A_245 = arith.extui %lt3A_244 : i1 to i32
      %cond3A_246 = arith.constant 0 : i32
      %cond3A_247 = arith.cmpi ne, %convert_element_type3A_245, %cond3A_246 : i32
      scf.if %cond3A_247 {
        %ge3A = arith.constant 4 : i32
        %ge3A_316 = arith.cmpi sge, %add3A_242, %ge3A : i32
        %convert_element_type3A_317 = arith.extui %ge3A_316 : i1 to i32
        %cond3A_318 = arith.constant 0 : i32
        %cond3A_319 = arith.cmpi ne, %convert_element_type3A_317, %cond3A_318 : i32
        scf.if %cond3A_319 {
          %sub3A = arith.constant 4 : i32
          %sub3A_331 = arith.subi %add3A_242, %sub3A : i32
          %mul3A_332 = arith.constant 4 : i32
          %mul3A_333 = arith.muli %sub3A_331, %mul3A_332 : i32
          %add3A_334 = arith.addi %mul3A_28, %mul3A_333 : i32
          %dma_wait3A_335 = arith.constant 0 : i32
          %dma_wait3A_336 = arith.constant 0 : i32
          %dma_wait3A_337 = arith.constant 0 : i32
          %dma_wait3A_338 = tpu.memref_slice %arg7[%add3A_334, %dma_wait3A_335, %dma_wait3A_336, %dma_wait3A_337] : memref<4096x2x16x128xf32, #tpu.memory_space<hbm>> -> memref<4x2x16x128xf32, #tpu.memory_space<hbm>>
          %dma_wait3A_339 = arith.constant 0 : i32
          %dma_wait3A_340 = arith.constant 0 : i32
          %dma_wait3A_341 = arith.constant 0 : i32
          %dma_wait3A_342 = tpu.memref_slice %arg7[%add3A_334, %dma_wait3A_339, %dma_wait3A_340, %dma_wait3A_341] : memref<4096x2x16x128xf32, #tpu.memory_space<hbm>> -> memref<4x2x16x128xf32, #tpu.memory_space<hbm>>
          tpu.wait_dma2 semaphore(%arg18 : memref<!tpu.dma_semaphore, #tpu.memory_space<semaphore_mem>>) src(%arg8 : memref<4x2x16x128xf32, #tpu.memory_space<vmem>>) dst(%dma_wait3A_342 : memref<4x2x16x128xf32, #tpu.memory_space<hbm>>)
        } else {
        }
        %mul3A_320 = arith.constant 4 : i32
        %mul3A_321 = arith.muli %add3A_242, %mul3A_320 : i32
        %add3A_322 = arith.addi %mul3A_28, %mul3A_321 : i32
        %dma_start3A_323 = arith.constant 0 : i32
        %dma_start3A_324 = arith.constant 0 : i32
        %dma_start3A_325 = arith.constant 0 : i32
        %dma_start3A_326 = tpu.memref_slice %arg3[%add3A_322, %dma_start3A_323, %dma_start3A_324, %dma_start3A_325] : memref<4096x2x16x128xf32, #tpu.memory_space<hbm>> -> memref<4x2x16x128xf32, #tpu.memory_space<hbm>>
        %dma_start3A_327 = arith.constant 0 : i32
        %dma_start3A_328 = arith.constant 0 : i32
        %dma_start3A_329 = arith.constant 0 : i32
        %dma_start3A_330 = tpu.memref_slice %arg3[%add3A_322, %dma_start3A_327, %dma_start3A_328, %dma_start3A_329] : memref<4096x2x16x128xf32, #tpu.memory_space<hbm>> -> memref<4x2x16x128xf32, #tpu.memory_space<hbm>>
        tpu.enqueue_dma source(%dma_start3A_330 : memref<4x2x16x128xf32, #tpu.memory_space<hbm>>) target(%arg8 : memref<4x2x16x128xf32, #tpu.memory_space<vmem>>) target_semaphore(%arg14 : memref<!tpu.dma_semaphore, #tpu.memory_space<semaphore_mem>>)
      } else {
      }
      %mul3A_248 = arith.constant 4 : i32
      %mul3A_249 = arith.muli %add3A_240, %mul3A_248 : i32
      %add3A_250 = arith.addi %mul3A_28, %mul3A_249 : i32
      %dma_wait3A_251 = arith.constant 0 : i32
      %dma_wait3A_252 = arith.constant 0 : i32
      %dma_wait3A_253 = arith.constant 0 : i32
      %dma_wait3A_254 = tpu.memref_slice %arg3[%add3A_250, %dma_wait3A_251, %dma_wait3A_252, %dma_wait3A_253] : memref<4096x2x16x128xf32, #tpu.memory_space<hbm>> -> memref<4x2x16x128xf32, #tpu.memory_space<hbm>>
      %dma_wait3A_255 = arith.constant 0 : i32
      %dma_wait3A_256 = arith.constant 0 : i32
      %dma_wait3A_257 = arith.constant 0 : i32
      %dma_wait3A_258 = tpu.memref_slice %arg3[%add3A_250, %dma_wait3A_255, %dma_wait3A_256, %dma_wait3A_257] : memref<4096x2x16x128xf32, #tpu.memory_space<hbm>> -> memref<4x2x16x128xf32, #tpu.memory_space<hbm>>
      tpu.wait_dma2 semaphore(%arg16 : memref<!tpu.dma_semaphore, #tpu.memory_space<semaphore_mem>>) src(%dma_wait3A_258 : memref<4x2x16x128xf32, #tpu.memory_space<hbm>>) dst(%arg10 : memref<4x2x16x128xf32, #tpu.memory_space<vmem>>)
      %scan3A_259 = arith.constant 0 : i32
      %scan3A_260 = arith.constant 0 : i32
      %scan3A_261 = arith.constant 4 : i32
      %scan3A_262 = arith.addi %scan3A_260, %scan3A_261 : i32
      %scan3A_263 = arith.constant 1 : i32
      scf.for %scan3A_316 = %scan3A_260 to %scan3A_262 step %scan3A_263  : i32 {
        %mul3A_317 = arith.constant 4 : i32
        %mul3A_318 = arith.muli %add3A_240, %mul3A_317 : i32
        %add3A_319 = arith.addi %mul3A_318, %scan3A_316 : i32
        %get3A = arith.index_cast %add3A_319 : i32 to index
        %get3A_320 = arith.constant 0 : index
        %get3A_321 = tpu.vector_load %arg12[%get3A, %get3A_320] {strides = array<i32>} : memref<128x128xf32, #tpu.memory_space<vmem>>, vector<16xf32>,
        %get3A_322 = arith.index_cast %add3A_319 : i32 to index
        %get3A_323 = arith.constant 0 : index
        %get3A_324 = tpu.vector_load %arg13[%get3A_322, %get3A_323] {strides = array<i32>} : memref<128x128xf32, #tpu.memory_space<vmem>>, vector<16xf32>,
        %get3A_325 = arith.index_cast %add3A_319 : i32 to index
        %get3A_326 = arith.constant 16 : index
        %get3A_327 = tpu.vector_load %arg12[%get3A_325, %get3A_326] {strides = array<i32>} : memref<128x128xf32, #tpu.memory_space<vmem>>, vector<16xf32>,
        %get3A_328 = arith.index_cast %add3A_319 : i32 to index
        %get3A_329 = arith.constant 16 : index
        %get3A_330 = tpu.vector_load %arg13[%get3A_328, %get3A_329] {strides = array<i32>} : memref<128x128xf32, #tpu.memory_space<vmem>>, vector<16xf32>,
        %get3A_331 = arith.index_cast %add3A_319 : i32 to index
        %get3A_332 = arith.constant 32 : index
        %get3A_333 = tpu.vector_load %arg12[%get3A_331, %get3A_332] {strides = array<i32>} : memref<128x128xf32, #tpu.memory_space<vmem>>, vector<16xf32>,
        %get3A_334 = arith.index_cast %add3A_319 : i32 to index
        %get3A_335 = arith.constant 32 : index
        %get3A_336 = tpu.vector_load %arg13[%get3A_334, %get3A_335] {strides = array<i32>} : memref<128x128xf32, #tpu.memory_space<vmem>>, vector<16xf32>,
        %get3A_337 = arith.index_cast %add3A_319 : i32 to index
        %get3A_338 = arith.constant 48 : index
        %get3A_339 = tpu.vector_load %arg12[%get3A_337, %get3A_338] {strides = array<i32>} : memref<128x128xf32, #tpu.memory_space<vmem>>, vector<16xf32>,
        %get3A_340 = arith.index_cast %add3A_319 : i32 to index
        %get3A_341 = arith.constant 48 : index
        %get3A_342 = tpu.vector_load %arg13[%get3A_340, %get3A_341] {strides = array<i32>} : memref<128x128xf32, #tpu.memory_space<vmem>>, vector<16xf32>,
        %get3A_343 = arith.index_cast %add3A_319 : i32 to index
        %get3A_344 = arith.constant 64 : index
        %get3A_345 = tpu.vector_load %arg12[%get3A_343, %get3A_344] {strides = array<i32>} : memref<128x128xf32, #tpu.memory_space<vmem>>, vector<16xf32>,
        %get3A_346 = arith.index_cast %add3A_319 : i32 to index
        %get3A_347 = arith.constant 64 : index
        %get3A_348 = tpu.vector_load %arg13[%get3A_346, %get3A_347] {strides = array<i32>} : memref<128x128xf32, #tpu.memory_space<vmem>>, vector<16xf32>,
        %get3A_349 = arith.index_cast %add3A_319 : i32 to index
        %get3A_350 = arith.constant 80 : index
        %get3A_351 = tpu.vector_load %arg12[%get3A_349, %get3A_350] {strides = array<i32>} : memref<128x128xf32, #tpu.memory_space<vmem>>, vector<16xf32>,
        %get3A_352 = arith.index_cast %add3A_319 : i32 to index
        %get3A_353 = arith.constant 80 : index
        %get3A_354 = tpu.vector_load %arg13[%get3A_352, %get3A_353] {strides = array<i32>} : memref<128x128xf32, #tpu.memory_space<vmem>>, vector<16xf32>,
        %get3A_355 = arith.index_cast %add3A_319 : i32 to index
        %get3A_356 = arith.constant 96 : index
        %get3A_357 = tpu.vector_load %arg12[%get3A_355, %get3A_356] {strides = array<i32>} : memref<128x128xf32, #tpu.memory_space<vmem>>, vector<16xf32>,
        %get3A_358 = arith.index_cast %add3A_319 : i32 to index
        %get3A_359 = arith.constant 96 : index
        %get3A_360 = tpu.vector_load %arg13[%get3A_358, %get3A_359] {strides = array<i32>} : memref<128x128xf32, #tpu.memory_space<vmem>>, vector<16xf32>,
        %get3A_361 = arith.index_cast %add3A_319 : i32 to index
        %get3A_362 = arith.constant 112 : index
        %get3A_363 = tpu.vector_load %arg12[%get3A_361, %get3A_362] {strides = array<i32>} : memref<128x128xf32, #tpu.memory_space<vmem>>, vector<16xf32>,
        %get3A_364 = arith.index_cast %add3A_319 : i32 to index
        %get3A_365 = arith.constant 112 : index
        %get3A_366 = tpu.vector_load %arg13[%get3A_364, %get3A_365] {strides = array<i32>} : memref<128x128xf32, #tpu.memory_space<vmem>>, vector<16xf32>,
        %broadcast_in_dim3A = vector.broadcast %scan3A_316 : i32 to vector<16xi32>
        %parallel_loop3A = arith.constant 0 : i32
        %parallel_loop3A_367 = arith.constant 32 : i32
        %parallel_loop3A_368 = arith.constant 1 : i32
        scf.for %parallel_loop3A_369 = %parallel_loop3A to %parallel_loop3A_367 step %parallel_loop3A_368  : i32 {
          %parallel_loop3A_370 = arith.constant 4 : i32
          %parallel_loop3A_371 = arith.shrsi %parallel_loop3A_369, %parallel_loop3A_370 : i32
          %parallel_loop3A_372 = arith.constant 15 : i32
          %parallel_loop3A_373 = arith.andi %parallel_loop3A_369, %parallel_loop3A_372 : i32
          %parallel_loop3A_374 = vector.broadcast %parallel_loop3A_371 : i32 to vector<16xi32>
          %parallel_loop3A_375 = vector.broadcast %parallel_loop3A_373 : i32 to vector<16xi32>
          %parallel_loop3A_376 = arith.index_cast %scan3A_316 : i32 to index
          %parallel_loop3A_377 = arith.index_cast %parallel_loop3A_371 : i32 to index
          %parallel_loop3A_378 = arith.index_cast %parallel_loop3A_373 : i32 to index
          %parallel_loop3A_379 = arith.constant 0 : index
          %parallel_loop3A_380 = tpu.vector_load %arg10[%parallel_loop3A_376, %parallel_loop3A_377, %parallel_loop3A_378, %parallel_loop3A_379] {strides = array<i32>} : memref<4x2x16x128xf32, #tpu.memory_space<vmem>>, vector<16xf32>,
          %parallel_loop3A_381 = arith.index_cast %scan3A_316 : i32 to index
          %parallel_loop3A_382 = arith.index_cast %parallel_loop3A_371 : i32 to index
          %parallel_loop3A_383 = arith.index_cast %parallel_loop3A_373 : i32 to index
          %parallel_loop3A_384 = arith.constant 16 : index
          %parallel_loop3A_385 = tpu.vector_load %arg10[%parallel_loop3A_381, %parallel_loop3A_382, %parallel_loop3A_383, %parallel_loop3A_384] {strides = array<i32>} : memref<4x2x16x128xf32, #tpu.memory_space<vmem>>, vector<16xf32>,
          %parallel_loop3A_386 = arith.index_cast %scan3A_316 : i32 to index
          %parallel_loop3A_387 = arith.index_cast %parallel_loop3A_371 : i32 to index
          %parallel_loop3A_388 = arith.index_cast %parallel_loop3A_373 : i32 to index
          %parallel_loop3A_389 = arith.constant 32 : index
          %parallel_loop3A_390 = tpu.vector_load %arg10[%parallel_loop3A_386, %parallel_loop3A_387, %parallel_loop3A_388, %parallel_loop3A_389] {strides = array<i32>} : memref<4x2x16x128xf32, #tpu.memory_space<vmem>>, vector<16xf32>,
          %parallel_loop3A_391 = arith.index_cast %scan3A_316 : i32 to index
          %parallel_loop3A_392 = arith.index_cast %parallel_loop3A_371 : i32 to index
          %parallel_loop3A_393 = arith.index_cast %parallel_loop3A_373 : i32 to index
          %parallel_loop3A_394 = arith.constant 48 : index
          %parallel_loop3A_395 = tpu.vector_load %arg10[%parallel_loop3A_391, %parallel_loop3A_392, %parallel_loop3A_393, %parallel_loop3A_394] {strides = array<i32>} : memref<4x2x16x128xf32, #tpu.memory_space<vmem>>, vector<16xf32>,
          %parallel_loop3A_396 = arith.index_cast %scan3A_316 : i32 to index
          %parallel_loop3A_397 = arith.index_cast %parallel_loop3A_371 : i32 to index
          %parallel_loop3A_398 = arith.index_cast %parallel_loop3A_373 : i32 to index
          %parallel_loop3A_399 = arith.constant 64 : index
          %parallel_loop3A_400 = tpu.vector_load %arg10[%parallel_loop3A_396, %parallel_loop3A_397, %parallel_loop3A_398, %parallel_loop3A_399] {strides = array<i32>} : memref<4x2x16x128xf32, #tpu.memory_space<vmem>>, vector<16xf32>,
          %parallel_loop3A_401 = arith.index_cast %scan3A_316 : i32 to index
          %parallel_loop3A_402 = arith.index_cast %parallel_loop3A_371 : i32 to index
          %parallel_loop3A_403 = arith.index_cast %parallel_loop3A_373 : i32 to index
          %parallel_loop3A_404 = arith.constant 80 : index
          %parallel_loop3A_405 = tpu.vector_load %arg10[%parallel_loop3A_401, %parallel_loop3A_402, %parallel_loop3A_403, %parallel_loop3A_404] {strides = array<i32>} : memref<4x2x16x128xf32, #tpu.memory_space<vmem>>, vector<16xf32>,
          %parallel_loop3A_406 = arith.index_cast %scan3A_316 : i32 to index
          %parallel_loop3A_407 = arith.index_cast %parallel_loop3A_371 : i32 to index
          %parallel_loop3A_408 = arith.index_cast %parallel_loop3A_373 : i32 to index
          %parallel_loop3A_409 = arith.constant 96 : index
          %parallel_loop3A_410 = tpu.vector_load %arg10[%parallel_loop3A_406, %parallel_loop3A_407, %parallel_loop3A_408, %parallel_loop3A_409] {strides = array<i32>} : memref<4x2x16x128xf32, #tpu.memory_space<vmem>>, vector<16xf32>,
          %parallel_loop3A_411 = arith.index_cast %scan3A_316 : i32 to index
          %parallel_loop3A_412 = arith.index_cast %parallel_loop3A_371 : i32 to index
          %parallel_loop3A_413 = arith.index_cast %parallel_loop3A_373 : i32 to index
          %parallel_loop3A_414 = arith.constant 112 : index
          %parallel_loop3A_415 = tpu.vector_load %arg10[%parallel_loop3A_411, %parallel_loop3A_412, %parallel_loop3A_413, %parallel_loop3A_414] {strides = array<i32>} : memref<4x2x16x128xf32, #tpu.memory_space<vmem>>, vector<16xf32>,
          %parallel_loop3A_416 = tpu.vector_load_idx %arg10[%broadcast_in_dim3A, %parallel_loop3A_374, %parallel_loop3A_375, %add3A_3] : memref<4x2x16x128xf32, #tpu.memory_space<vmem>>[vector<16xi32>, vector<16xi32>, vector<16xi32>, vector<16xi32>], vector<16xf32>,
          %parallel_loop3A_417 = tpu.vector_load_idx %arg10[%broadcast_in_dim3A, %parallel_loop3A_374, %parallel_loop3A_375, %add3A_6] : memref<4x2x16x128xf32, #tpu.memory_space<vmem>>[vector<16xi32>, vector<16xi32>, vector<16xi32>, vector<16xi32>], vector<16xf32>,
          %parallel_loop3A_418 = tpu.vector_load_idx %arg10[%broadcast_in_dim3A, %parallel_loop3A_374, %parallel_loop3A_375, %add3A_9] : memref<4x2x16x128xf32, #tpu.memory_space<vmem>>[vector<16xi32>, vector<16xi32>, vector<16xi32>, vector<16xi32>], vector<16xf32>,
          %parallel_loop3A_419 = tpu.vector_load_idx %arg10[%broadcast_in_dim3A, %parallel_loop3A_374, %parallel_loop3A_375, %add3A_12] : memref<4x2x16x128xf32, #tpu.memory_space<vmem>>[vector<16xi32>, vector<16xi32>, vector<16xi32>, vector<16xi32>], vector<16xf32>,
          %parallel_loop3A_420 = tpu.vector_load_idx %arg10[%broadcast_in_dim3A, %parallel_loop3A_374, %parallel_loop3A_375, %add3A_15] : memref<4x2x16x128xf32, #tpu.memory_space<vmem>>[vector<16xi32>, vector<16xi32>, vector<16xi32>, vector<16xi32>], vector<16xf32>,
          %parallel_loop3A_421 = tpu.vector_load_idx %arg10[%broadcast_in_dim3A, %parallel_loop3A_374, %parallel_loop3A_375, %add3A_18] : memref<4x2x16x128xf32, #tpu.memory_space<vmem>>[vector<16xi32>, vector<16xi32>, vector<16xi32>, vector<16xi32>], vector<16xf32>,
          %parallel_loop3A_422 = tpu.vector_load_idx %arg10[%broadcast_in_dim3A, %parallel_loop3A_374, %parallel_loop3A_375, %add3A_21] : memref<4x2x16x128xf32, #tpu.memory_space<vmem>>[vector<16xi32>, vector<16xi32>, vector<16xi32>, vector<16xi32>], vector<16xf32>,
          %parallel_loop3A_423 = tpu.vector_load_idx %arg10[%broadcast_in_dim3A, %parallel_loop3A_374, %parallel_loop3A_375, %add3A_24] : memref<4x2x16x128xf32, #tpu.memory_space<vmem>>[vector<16xi32>, vector<16xi32>, vector<16xi32>, vector<16xi32>], vector<16xf32>,
          %parallel_loop3A_424 = arith.mulf %parallel_loop3A_380, %get3A_321 : vector<16xf32>
          %parallel_loop3A_425 = arith.mulf %parallel_loop3A_416, %get3A_324 : vector<16xf32>
          %parallel_loop3A_426 = arith.addf %parallel_loop3A_424, %parallel_loop3A_425 : vector<16xf32>
          %parallel_loop3A_427 = arith.index_cast %scan3A_316 : i32 to index
          %parallel_loop3A_428 = arith.index_cast %parallel_loop3A_371 : i32 to index
          %parallel_loop3A_429 = arith.index_cast %parallel_loop3A_373 : i32 to index
          %parallel_loop3A_430 = arith.constant 0 : index
          %parallel_loop3A_431 = tpu.vector_load %arg10[%parallel_loop3A_427, %parallel_loop3A_428, %parallel_loop3A_429, %parallel_loop3A_430] {strides = array<i32>} : memref<4x2x16x128xf32, #tpu.memory_space<vmem>>, vector<16xf32>,
          tpu.vector_store %arg10[%parallel_loop3A_427, %parallel_loop3A_428, %parallel_loop3A_429, %parallel_loop3A_430], %parallel_loop3A_426 {strides = array<i32>} : memref<4x2x16x128xf32, #tpu.memory_space<vmem>>, vector<16xf32>,
          %parallel_loop3A_432 = arith.mulf %parallel_loop3A_385, %get3A_327 : vector<16xf32>
          %parallel_loop3A_433 = arith.mulf %parallel_loop3A_417, %get3A_330 : vector<16xf32>
          %parallel_loop3A_434 = arith.addf %parallel_loop3A_432, %parallel_loop3A_433 : vector<16xf32>
          %parallel_loop3A_435 = arith.index_cast %scan3A_316 : i32 to index
          %parallel_loop3A_436 = arith.index_cast %parallel_loop3A_371 : i32 to index
          %parallel_loop3A_437 = arith.index_cast %parallel_loop3A_373 : i32 to index
          %parallel_loop3A_438 = arith.constant 16 : index
          %parallel_loop3A_439 = tpu.vector_load %arg10[%parallel_loop3A_435, %parallel_loop3A_436, %parallel_loop3A_437, %parallel_loop3A_438] {strides = array<i32>} : memref<4x2x16x128xf32, #tpu.memory_space<vmem>>, vector<16xf32>,
          tpu.vector_store %arg10[%parallel_loop3A_435, %parallel_loop3A_436, %parallel_loop3A_437, %parallel_loop3A_438], %parallel_loop3A_434 {strides = array<i32>} : memref<4x2x16x128xf32, #tpu.memory_space<vmem>>, vector<16xf32>,
          %parallel_loop3A_440 = arith.mulf %parallel_loop3A_390, %get3A_333 : vector<16xf32>
          %parallel_loop3A_441 = arith.mulf %parallel_loop3A_418, %get3A_336 : vector<16xf32>
          %parallel_loop3A_442 = arith.addf %parallel_loop3A_440, %parallel_loop3A_441 : vector<16xf32>
          %parallel_loop3A_443 = arith.index_cast %scan3A_316 : i32 to index
          %parallel_loop3A_444 = arith.index_cast %parallel_loop3A_371 : i32 to index
          %parallel_loop3A_445 = arith.index_cast %parallel_loop3A_373 : i32 to index
          %parallel_loop3A_446 = arith.constant 32 : index
          %parallel_loop3A_447 = tpu.vector_load %arg10[%parallel_loop3A_443, %parallel_loop3A_444, %parallel_loop3A_445, %parallel_loop3A_446] {strides = array<i32>} : memref<4x2x16x128xf32, #tpu.memory_space<vmem>>, vector<16xf32>,
          tpu.vector_store %arg10[%parallel_loop3A_443, %parallel_loop3A_444, %parallel_loop3A_445, %parallel_loop3A_446], %parallel_loop3A_442 {strides = array<i32>} : memref<4x2x16x128xf32, #tpu.memory_space<vmem>>, vector<16xf32>,
          %parallel_loop3A_448 = arith.mulf %parallel_loop3A_395, %get3A_339 : vector<16xf32>
          %parallel_loop3A_449 = arith.mulf %parallel_loop3A_419, %get3A_342 : vector<16xf32>
          %parallel_loop3A_450 = arith.addf %parallel_loop3A_448, %parallel_loop3A_449 : vector<16xf32>
          %parallel_loop3A_451 = arith.index_cast %scan3A_316 : i32 to index
          %parallel_loop3A_452 = arith.index_cast %parallel_loop3A_371 : i32 to index
          %parallel_loop3A_453 = arith.index_cast %parallel_loop3A_373 : i32 to index
          %parallel_loop3A_454 = arith.constant 48 : index
          %parallel_loop3A_455 = tpu.vector_load %arg10[%parallel_loop3A_451, %parallel_loop3A_452, %parallel_loop3A_453, %parallel_loop3A_454] {strides = array<i32>} : memref<4x2x16x128xf32, #tpu.memory_space<vmem>>, vector<16xf32>,
          tpu.vector_store %arg10[%parallel_loop3A_451, %parallel_loop3A_452, %parallel_loop3A_453, %parallel_loop3A_454], %parallel_loop3A_450 {strides = array<i32>} : memref<4x2x16x128xf32, #tpu.memory_space<vmem>>, vector<16xf32>,
          %parallel_loop3A_456 = arith.mulf %parallel_loop3A_400, %get3A_345 : vector<16xf32>
          %parallel_loop3A_457 = arith.mulf %parallel_loop3A_420, %get3A_348 : vector<16xf32>
          %parallel_loop3A_458 = arith.addf %parallel_loop3A_456, %parallel_loop3A_457 : vector<16xf32>
          %parallel_loop3A_459 = arith.index_cast %scan3A_316 : i32 to index
          %parallel_loop3A_460 = arith.index_cast %parallel_loop3A_371 : i32 to index
          %parallel_loop3A_461 = arith.index_cast %parallel_loop3A_373 : i32 to index
          %parallel_loop3A_462 = arith.constant 64 : index
          %parallel_loop3A_463 = tpu.vector_load %arg10[%parallel_loop3A_459, %parallel_loop3A_460, %parallel_loop3A_461, %parallel_loop3A_462] {strides = array<i32>} : memref<4x2x16x128xf32, #tpu.memory_space<vmem>>, vector<16xf32>,
          tpu.vector_store %arg10[%parallel_loop3A_459, %parallel_loop3A_460, %parallel_loop3A_461, %parallel_loop3A_462], %parallel_loop3A_458 {strides = array<i32>} : memref<4x2x16x128xf32, #tpu.memory_space<vmem>>, vector<16xf32>,
          %parallel_loop3A_464 = arith.mulf %parallel_loop3A_405, %get3A_351 : vector<16xf32>
          %parallel_loop3A_465 = arith.mulf %parallel_loop3A_421, %get3A_354 : vector<16xf32>
          %parallel_loop3A_466 = arith.addf %parallel_loop3A_464, %parallel_loop3A_465 : vector<16xf32>
          %parallel_loop3A_467 = arith.index_cast %scan3A_316 : i32 to index
          %parallel_loop3A_468 = arith.index_cast %parallel_loop3A_371 : i32 to index
          %parallel_loop3A_469 = arith.index_cast %parallel_loop3A_373 : i32 to index
          %parallel_loop3A_470 = arith.constant 80 : index
          %parallel_loop3A_471 = tpu.vector_load %arg10[%parallel_loop3A_467, %parallel_loop3A_468, %parallel_loop3A_469, %parallel_loop3A_470] {strides = array<i32>} : memref<4x2x16x128xf32, #tpu.memory_space<vmem>>, vector<16xf32>,
          tpu.vector_store %arg10[%parallel_loop3A_467, %parallel_loop3A_468, %parallel_loop3A_469, %parallel_loop3A_470], %parallel_loop3A_466 {strides = array<i32>} : memref<4x2x16x128xf32, #tpu.memory_space<vmem>>, vector<16xf32>,
          %parallel_loop3A_472 = arith.mulf %parallel_loop3A_410, %get3A_357 : vector<16xf32>
          %parallel_loop3A_473 = arith.mulf %parallel_loop3A_422, %get3A_360 : vector<16xf32>
          %parallel_loop3A_474 = arith.addf %parallel_loop3A_472, %parallel_loop3A_473 : vector<16xf32>
          %parallel_loop3A_475 = arith.index_cast %scan3A_316 : i32 to index
          %parallel_loop3A_476 = arith.index_cast %parallel_loop3A_371 : i32 to index
          %parallel_loop3A_477 = arith.index_cast %parallel_loop3A_373 : i32 to index
          %parallel_loop3A_478 = arith.constant 96 : index
          %parallel_loop3A_479 = tpu.vector_load %arg10[%parallel_loop3A_475, %parallel_loop3A_476, %parallel_loop3A_477, %parallel_loop3A_478] {strides = array<i32>} : memref<4x2x16x128xf32, #tpu.memory_space<vmem>>, vector<16xf32>,
          tpu.vector_store %arg10[%parallel_loop3A_475, %parallel_loop3A_476, %parallel_loop3A_477, %parallel_loop3A_478], %parallel_loop3A_474 {strides = array<i32>} : memref<4x2x16x128xf32, #tpu.memory_space<vmem>>, vector<16xf32>,
          %parallel_loop3A_480 = arith.mulf %parallel_loop3A_415, %get3A_363 : vector<16xf32>
          %parallel_loop3A_481 = arith.mulf %parallel_loop3A_423, %get3A_366 : vector<16xf32>
          %parallel_loop3A_482 = arith.addf %parallel_loop3A_480, %parallel_loop3A_481 : vector<16xf32>
          %parallel_loop3A_483 = arith.index_cast %scan3A_316 : i32 to index
          %parallel_loop3A_484 = arith.index_cast %parallel_loop3A_371 : i32 to index
          %parallel_loop3A_485 = arith.index_cast %parallel_loop3A_373 : i32 to index
          %parallel_loop3A_486 = arith.constant 112 : index
          %parallel_loop3A_487 = tpu.vector_load %arg10[%parallel_loop3A_483, %parallel_loop3A_484, %parallel_loop3A_485, %parallel_loop3A_486] {strides = array<i32>} : memref<4x2x16x128xf32, #tpu.memory_space<vmem>>, vector<16xf32>,
          tpu.vector_store %arg10[%parallel_loop3A_483, %parallel_loop3A_484, %parallel_loop3A_485, %parallel_loop3A_486], %parallel_loop3A_482 {strides = array<i32>} : memref<4x2x16x128xf32, #tpu.memory_space<vmem>>, vector<16xf32>,
        } {sc.loop_unroll_factor = 4 : i64, sc.parallel_access}
      }
      %scan3A_264 = arith.constant 4 : i32
      %mul3A_265 = arith.constant 4 : i32
      %mul3A_266 = arith.muli %add3A_240, %mul3A_265 : i32
      %add3A_267 = arith.addi %mul3A_28, %mul3A_266 : i32
      %dma_start3A_268 = arith.constant 0 : i32
      %dma_start3A_269 = arith.constant 0 : i32
      %dma_start3A_270 = arith.constant 0 : i32
      %dma_start3A_271 = tpu.memref_slice %arg7[%add3A_267, %dma_start3A_268, %dma_start3A_269, %dma_start3A_270] : memref<4096x2x16x128xf32, #tpu.memory_space<hbm>> -> memref<4x2x16x128xf32, #tpu.memory_space<hbm>>
      %dma_start3A_272 = arith.constant 0 : i32
      %dma_start3A_273 = arith.constant 0 : i32
      %dma_start3A_274 = arith.constant 0 : i32
      %dma_start3A_275 = tpu.memref_slice %arg7[%add3A_267, %dma_start3A_272, %dma_start3A_273, %dma_start3A_274] : memref<4096x2x16x128xf32, #tpu.memory_space<hbm>> -> memref<4x2x16x128xf32, #tpu.memory_space<hbm>>
      tpu.enqueue_dma source(%arg10 : memref<4x2x16x128xf32, #tpu.memory_space<vmem>>) target(%dma_start3A_275 : memref<4x2x16x128xf32, #tpu.memory_space<hbm>>) target_semaphore(%arg20 : memref<!tpu.dma_semaphore, #tpu.memory_space<semaphore_mem>>)
      %mul3A_276 = arith.constant 4 : i32
      %mul3A_277 = arith.muli %mul3A_276, %scan3A_160 : i32
      %add3A_278 = arith.constant 3 : i32
      %add3A_279 = arith.addi %mul3A_277, %add3A_278 : i32
      %add3A_280 = arith.constant 2 : i32
      %add3A_281 = arith.addi %add3A_279, %add3A_280 : i32
      %lt3A_282 = arith.constant 32 : i32
      %lt3A_283 = arith.cmpi slt, %add3A_281, %lt3A_282 : i32
      %convert_element_type3A_284 = arith.extui %lt3A_283 : i1 to i32
      %cond3A_285 = arith.constant 0 : i32
      %cond3A_286 = arith.cmpi ne, %convert_element_type3A_284, %cond3A_285 : i32
      scf.if %cond3A_286 {
        %ge3A = arith.constant 4 : i32
        %ge3A_316 = arith.cmpi sge, %add3A_281, %ge3A : i32
        %convert_element_type3A_317 = arith.extui %ge3A_316 : i1 to i32
        %cond3A_318 = arith.constant 0 : i32
        %cond3A_319 = arith.cmpi ne, %convert_element_type3A_317, %cond3A_318 : i32
        scf.if %cond3A_319 {
          %sub3A = arith.constant 4 : i32
          %sub3A_331 = arith.subi %add3A_281, %sub3A : i32
          %mul3A_332 = arith.constant 4 : i32
          %mul3A_333 = arith.muli %sub3A_331, %mul3A_332 : i32
          %add3A_334 = arith.addi %mul3A_28, %mul3A_333 : i32
          %dma_wait3A_335 = arith.constant 0 : i32
          %dma_wait3A_336 = arith.constant 0 : i32
          %dma_wait3A_337 = arith.constant 0 : i32
          %dma_wait3A_338 = tpu.memref_slice %arg7[%add3A_334, %dma_wait3A_335, %dma_wait3A_336, %dma_wait3A_337] : memref<4096x2x16x128xf32, #tpu.memory_space<hbm>> -> memref<4x2x16x128xf32, #tpu.memory_space<hbm>>
          %dma_wait3A_339 = arith.constant 0 : i32
          %dma_wait3A_340 = arith.constant 0 : i32
          %dma_wait3A_341 = arith.constant 0 : i32
          %dma_wait3A_342 = tpu.memref_slice %arg7[%add3A_334, %dma_wait3A_339, %dma_wait3A_340, %dma_wait3A_341] : memref<4096x2x16x128xf32, #tpu.memory_space<hbm>> -> memref<4x2x16x128xf32, #tpu.memory_space<hbm>>
          tpu.wait_dma2 semaphore(%arg19 : memref<!tpu.dma_semaphore, #tpu.memory_space<semaphore_mem>>) src(%arg9 : memref<4x2x16x128xf32, #tpu.memory_space<vmem>>) dst(%dma_wait3A_342 : memref<4x2x16x128xf32, #tpu.memory_space<hbm>>)
        } else {
        }
        %mul3A_320 = arith.constant 4 : i32
        %mul3A_321 = arith.muli %add3A_281, %mul3A_320 : i32
        %add3A_322 = arith.addi %mul3A_28, %mul3A_321 : i32
        %dma_start3A_323 = arith.constant 0 : i32
        %dma_start3A_324 = arith.constant 0 : i32
        %dma_start3A_325 = arith.constant 0 : i32
        %dma_start3A_326 = tpu.memref_slice %arg3[%add3A_322, %dma_start3A_323, %dma_start3A_324, %dma_start3A_325] : memref<4096x2x16x128xf32, #tpu.memory_space<hbm>> -> memref<4x2x16x128xf32, #tpu.memory_space<hbm>>
        %dma_start3A_327 = arith.constant 0 : i32
        %dma_start3A_328 = arith.constant 0 : i32
        %dma_start3A_329 = arith.constant 0 : i32
        %dma_start3A_330 = tpu.memref_slice %arg3[%add3A_322, %dma_start3A_327, %dma_start3A_328, %dma_start3A_329] : memref<4096x2x16x128xf32, #tpu.memory_space<hbm>> -> memref<4x2x16x128xf32, #tpu.memory_space<hbm>>
        tpu.enqueue_dma source(%dma_start3A_330 : memref<4x2x16x128xf32, #tpu.memory_space<hbm>>) target(%arg9 : memref<4x2x16x128xf32, #tpu.memory_space<vmem>>) target_semaphore(%arg15 : memref<!tpu.dma_semaphore, #tpu.memory_space<semaphore_mem>>)
      } else {
      }
      %mul3A_287 = arith.constant 4 : i32
      %mul3A_288 = arith.muli %add3A_279, %mul3A_287 : i32
      %add3A_289 = arith.addi %mul3A_28, %mul3A_288 : i32
      %dma_wait3A_290 = arith.constant 0 : i32
      %dma_wait3A_291 = arith.constant 0 : i32
      %dma_wait3A_292 = arith.constant 0 : i32
      %dma_wait3A_293 = tpu.memref_slice %arg3[%add3A_289, %dma_wait3A_290, %dma_wait3A_291, %dma_wait3A_292] : memref<4096x2x16x128xf32, #tpu.memory_space<hbm>> -> memref<4x2x16x128xf32, #tpu.memory_space<hbm>>
      %dma_wait3A_294 = arith.constant 0 : i32
      %dma_wait3A_295 = arith.constant 0 : i32
      %dma_wait3A_296 = arith.constant 0 : i32
      %dma_wait3A_297 = tpu.memref_slice %arg3[%add3A_289, %dma_wait3A_294, %dma_wait3A_295, %dma_wait3A_296] : memref<4096x2x16x128xf32, #tpu.memory_space<hbm>> -> memref<4x2x16x128xf32, #tpu.memory_space<hbm>>
      tpu.wait_dma2 semaphore(%arg17 : memref<!tpu.dma_semaphore, #tpu.memory_space<semaphore_mem>>) src(%dma_wait3A_297 : memref<4x2x16x128xf32, #tpu.memory_space<hbm>>) dst(%arg11 : memref<4x2x16x128xf32, #tpu.memory_space<vmem>>)
      %scan3A_298 = arith.constant 0 : i32
      %scan3A_299 = arith.constant 0 : i32
      %scan3A_300 = arith.constant 4 : i32
      %scan3A_301 = arith.addi %scan3A_299, %scan3A_300 : i32
      %scan3A_302 = arith.constant 1 : i32
      scf.for %scan3A_316 = %scan3A_299 to %scan3A_301 step %scan3A_302  : i32 {
        %mul3A_317 = arith.constant 4 : i32
        %mul3A_318 = arith.muli %add3A_279, %mul3A_317 : i32
        %add3A_319 = arith.addi %mul3A_318, %scan3A_316 : i32
        %get3A = arith.index_cast %add3A_319 : i32 to index
        %get3A_320 = arith.constant 0 : index
        %get3A_321 = tpu.vector_load %arg12[%get3A, %get3A_320] {strides = array<i32>} : memref<128x128xf32, #tpu.memory_space<vmem>>, vector<16xf32>,
        %get3A_322 = arith.index_cast %add3A_319 : i32 to index
        %get3A_323 = arith.constant 0 : index
        %get3A_324 = tpu.vector_load %arg13[%get3A_322, %get3A_323] {strides = array<i32>} : memref<128x128xf32, #tpu.memory_space<vmem>>, vector<16xf32>,
        %get3A_325 = arith.index_cast %add3A_319 : i32 to index
        %get3A_326 = arith.constant 16 : index
        %get3A_327 = tpu.vector_load %arg12[%get3A_325, %get3A_326] {strides = array<i32>} : memref<128x128xf32, #tpu.memory_space<vmem>>, vector<16xf32>,
        %get3A_328 = arith.index_cast %add3A_319 : i32 to index
        %get3A_329 = arith.constant 16 : index
        %get3A_330 = tpu.vector_load %arg13[%get3A_328, %get3A_329] {strides = array<i32>} : memref<128x128xf32, #tpu.memory_space<vmem>>, vector<16xf32>,
        %get3A_331 = arith.index_cast %add3A_319 : i32 to index
        %get3A_332 = arith.constant 32 : index
        %get3A_333 = tpu.vector_load %arg12[%get3A_331, %get3A_332] {strides = array<i32>} : memref<128x128xf32, #tpu.memory_space<vmem>>, vector<16xf32>,
        %get3A_334 = arith.index_cast %add3A_319 : i32 to index
        %get3A_335 = arith.constant 32 : index
        %get3A_336 = tpu.vector_load %arg13[%get3A_334, %get3A_335] {strides = array<i32>} : memref<128x128xf32, #tpu.memory_space<vmem>>, vector<16xf32>,
        %get3A_337 = arith.index_cast %add3A_319 : i32 to index
        %get3A_338 = arith.constant 48 : index
        %get3A_339 = tpu.vector_load %arg12[%get3A_337, %get3A_338] {strides = array<i32>} : memref<128x128xf32, #tpu.memory_space<vmem>>, vector<16xf32>,
        %get3A_340 = arith.index_cast %add3A_319 : i32 to index
        %get3A_341 = arith.constant 48 : index
        %get3A_342 = tpu.vector_load %arg13[%get3A_340, %get3A_341] {strides = array<i32>} : memref<128x128xf32, #tpu.memory_space<vmem>>, vector<16xf32>,
        %get3A_343 = arith.index_cast %add3A_319 : i32 to index
        %get3A_344 = arith.constant 64 : index
        %get3A_345 = tpu.vector_load %arg12[%get3A_343, %get3A_344] {strides = array<i32>} : memref<128x128xf32, #tpu.memory_space<vmem>>, vector<16xf32>,
        %get3A_346 = arith.index_cast %add3A_319 : i32 to index
        %get3A_347 = arith.constant 64 : index
        %get3A_348 = tpu.vector_load %arg13[%get3A_346, %get3A_347] {strides = array<i32>} : memref<128x128xf32, #tpu.memory_space<vmem>>, vector<16xf32>,
        %get3A_349 = arith.index_cast %add3A_319 : i32 to index
        %get3A_350 = arith.constant 80 : index
        %get3A_351 = tpu.vector_load %arg12[%get3A_349, %get3A_350] {strides = array<i32>} : memref<128x128xf32, #tpu.memory_space<vmem>>, vector<16xf32>,
        %get3A_352 = arith.index_cast %add3A_319 : i32 to index
        %get3A_353 = arith.constant 80 : index
        %get3A_354 = tpu.vector_load %arg13[%get3A_352, %get3A_353] {strides = array<i32>} : memref<128x128xf32, #tpu.memory_space<vmem>>, vector<16xf32>,
        %get3A_355 = arith.index_cast %add3A_319 : i32 to index
        %get3A_356 = arith.constant 96 : index
        %get3A_357 = tpu.vector_load %arg12[%get3A_355, %get3A_356] {strides = array<i32>} : memref<128x128xf32, #tpu.memory_space<vmem>>, vector<16xf32>,
        %get3A_358 = arith.index_cast %add3A_319 : i32 to index
        %get3A_359 = arith.constant 96 : index
        %get3A_360 = tpu.vector_load %arg13[%get3A_358, %get3A_359] {strides = array<i32>} : memref<128x128xf32, #tpu.memory_space<vmem>>, vector<16xf32>,
        %get3A_361 = arith.index_cast %add3A_319 : i32 to index
        %get3A_362 = arith.constant 112 : index
        %get3A_363 = tpu.vector_load %arg12[%get3A_361, %get3A_362] {strides = array<i32>} : memref<128x128xf32, #tpu.memory_space<vmem>>, vector<16xf32>,
        %get3A_364 = arith.index_cast %add3A_319 : i32 to index
        %get3A_365 = arith.constant 112 : index
        %get3A_366 = tpu.vector_load %arg13[%get3A_364, %get3A_365] {strides = array<i32>} : memref<128x128xf32, #tpu.memory_space<vmem>>, vector<16xf32>,
        %broadcast_in_dim3A = vector.broadcast %scan3A_316 : i32 to vector<16xi32>
        %parallel_loop3A = arith.constant 0 : i32
        %parallel_loop3A_367 = arith.constant 32 : i32
        %parallel_loop3A_368 = arith.constant 1 : i32
        scf.for %parallel_loop3A_369 = %parallel_loop3A to %parallel_loop3A_367 step %parallel_loop3A_368  : i32 {
          %parallel_loop3A_370 = arith.constant 4 : i32
          %parallel_loop3A_371 = arith.shrsi %parallel_loop3A_369, %parallel_loop3A_370 : i32
          %parallel_loop3A_372 = arith.constant 15 : i32
          %parallel_loop3A_373 = arith.andi %parallel_loop3A_369, %parallel_loop3A_372 : i32
          %parallel_loop3A_374 = vector.broadcast %parallel_loop3A_371 : i32 to vector<16xi32>
          %parallel_loop3A_375 = vector.broadcast %parallel_loop3A_373 : i32 to vector<16xi32>
          %parallel_loop3A_376 = arith.index_cast %scan3A_316 : i32 to index
          %parallel_loop3A_377 = arith.index_cast %parallel_loop3A_371 : i32 to index
          %parallel_loop3A_378 = arith.index_cast %parallel_loop3A_373 : i32 to index
          %parallel_loop3A_379 = arith.constant 0 : index
          %parallel_loop3A_380 = tpu.vector_load %arg11[%parallel_loop3A_376, %parallel_loop3A_377, %parallel_loop3A_378, %parallel_loop3A_379] {strides = array<i32>} : memref<4x2x16x128xf32, #tpu.memory_space<vmem>>, vector<16xf32>,
          %parallel_loop3A_381 = arith.index_cast %scan3A_316 : i32 to index
          %parallel_loop3A_382 = arith.index_cast %parallel_loop3A_371 : i32 to index
          %parallel_loop3A_383 = arith.index_cast %parallel_loop3A_373 : i32 to index
          %parallel_loop3A_384 = arith.constant 16 : index
          %parallel_loop3A_385 = tpu.vector_load %arg11[%parallel_loop3A_381, %parallel_loop3A_382, %parallel_loop3A_383, %parallel_loop3A_384] {strides = array<i32>} : memref<4x2x16x128xf32, #tpu.memory_space<vmem>>, vector<16xf32>,
          %parallel_loop3A_386 = arith.index_cast %scan3A_316 : i32 to index
          %parallel_loop3A_387 = arith.index_cast %parallel_loop3A_371 : i32 to index
          %parallel_loop3A_388 = arith.index_cast %parallel_loop3A_373 : i32 to index
          %parallel_loop3A_389 = arith.constant 32 : index
          %parallel_loop3A_390 = tpu.vector_load %arg11[%parallel_loop3A_386, %parallel_loop3A_387, %parallel_loop3A_388, %parallel_loop3A_389] {strides = array<i32>} : memref<4x2x16x128xf32, #tpu.memory_space<vmem>>, vector<16xf32>,
          %parallel_loop3A_391 = arith.index_cast %scan3A_316 : i32 to index
          %parallel_loop3A_392 = arith.index_cast %parallel_loop3A_371 : i32 to index
          %parallel_loop3A_393 = arith.index_cast %parallel_loop3A_373 : i32 to index
          %parallel_loop3A_394 = arith.constant 48 : index
          %parallel_loop3A_395 = tpu.vector_load %arg11[%parallel_loop3A_391, %parallel_loop3A_392, %parallel_loop3A_393, %parallel_loop3A_394] {strides = array<i32>} : memref<4x2x16x128xf32, #tpu.memory_space<vmem>>, vector<16xf32>,
          %parallel_loop3A_396 = arith.index_cast %scan3A_316 : i32 to index
          %parallel_loop3A_397 = arith.index_cast %parallel_loop3A_371 : i32 to index
          %parallel_loop3A_398 = arith.index_cast %parallel_loop3A_373 : i32 to index
          %parallel_loop3A_399 = arith.constant 64 : index
          %parallel_loop3A_400 = tpu.vector_load %arg11[%parallel_loop3A_396, %parallel_loop3A_397, %parallel_loop3A_398, %parallel_loop3A_399] {strides = array<i32>} : memref<4x2x16x128xf32, #tpu.memory_space<vmem>>, vector<16xf32>,
          %parallel_loop3A_401 = arith.index_cast %scan3A_316 : i32 to index
          %parallel_loop3A_402 = arith.index_cast %parallel_loop3A_371 : i32 to index
          %parallel_loop3A_403 = arith.index_cast %parallel_loop3A_373 : i32 to index
          %parallel_loop3A_404 = arith.constant 80 : index
          %parallel_loop3A_405 = tpu.vector_load %arg11[%parallel_loop3A_401, %parallel_loop3A_402, %parallel_loop3A_403, %parallel_loop3A_404] {strides = array<i32>} : memref<4x2x16x128xf32, #tpu.memory_space<vmem>>, vector<16xf32>,
          %parallel_loop3A_406 = arith.index_cast %scan3A_316 : i32 to index
          %parallel_loop3A_407 = arith.index_cast %parallel_loop3A_371 : i32 to index
          %parallel_loop3A_408 = arith.index_cast %parallel_loop3A_373 : i32 to index
          %parallel_loop3A_409 = arith.constant 96 : index
          %parallel_loop3A_410 = tpu.vector_load %arg11[%parallel_loop3A_406, %parallel_loop3A_407, %parallel_loop3A_408, %parallel_loop3A_409] {strides = array<i32>} : memref<4x2x16x128xf32, #tpu.memory_space<vmem>>, vector<16xf32>,
          %parallel_loop3A_411 = arith.index_cast %scan3A_316 : i32 to index
          %parallel_loop3A_412 = arith.index_cast %parallel_loop3A_371 : i32 to index
          %parallel_loop3A_413 = arith.index_cast %parallel_loop3A_373 : i32 to index
          %parallel_loop3A_414 = arith.constant 112 : index
          %parallel_loop3A_415 = tpu.vector_load %arg11[%parallel_loop3A_411, %parallel_loop3A_412, %parallel_loop3A_413, %parallel_loop3A_414] {strides = array<i32>} : memref<4x2x16x128xf32, #tpu.memory_space<vmem>>, vector<16xf32>,
          %parallel_loop3A_416 = tpu.vector_load_idx %arg11[%broadcast_in_dim3A, %parallel_loop3A_374, %parallel_loop3A_375, %add3A_3] : memref<4x2x16x128xf32, #tpu.memory_space<vmem>>[vector<16xi32>, vector<16xi32>, vector<16xi32>, vector<16xi32>], vector<16xf32>,
          %parallel_loop3A_417 = tpu.vector_load_idx %arg11[%broadcast_in_dim3A, %parallel_loop3A_374, %parallel_loop3A_375, %add3A_6] : memref<4x2x16x128xf32, #tpu.memory_space<vmem>>[vector<16xi32>, vector<16xi32>, vector<16xi32>, vector<16xi32>], vector<16xf32>,
          %parallel_loop3A_418 = tpu.vector_load_idx %arg11[%broadcast_in_dim3A, %parallel_loop3A_374, %parallel_loop3A_375, %add3A_9] : memref<4x2x16x128xf32, #tpu.memory_space<vmem>>[vector<16xi32>, vector<16xi32>, vector<16xi32>, vector<16xi32>], vector<16xf32>,
          %parallel_loop3A_419 = tpu.vector_load_idx %arg11[%broadcast_in_dim3A, %parallel_loop3A_374, %parallel_loop3A_375, %add3A_12] : memref<4x2x16x128xf32, #tpu.memory_space<vmem>>[vector<16xi32>, vector<16xi32>, vector<16xi32>, vector<16xi32>], vector<16xf32>,
          %parallel_loop3A_420 = tpu.vector_load_idx %arg11[%broadcast_in_dim3A, %parallel_loop3A_374, %parallel_loop3A_375, %add3A_15] : memref<4x2x16x128xf32, #tpu.memory_space<vmem>>[vector<16xi32>, vector<16xi32>, vector<16xi32>, vector<16xi32>], vector<16xf32>,
          %parallel_loop3A_421 = tpu.vector_load_idx %arg11[%broadcast_in_dim3A, %parallel_loop3A_374, %parallel_loop3A_375, %add3A_18] : memref<4x2x16x128xf32, #tpu.memory_space<vmem>>[vector<16xi32>, vector<16xi32>, vector<16xi32>, vector<16xi32>], vector<16xf32>,
          %parallel_loop3A_422 = tpu.vector_load_idx %arg11[%broadcast_in_dim3A, %parallel_loop3A_374, %parallel_loop3A_375, %add3A_21] : memref<4x2x16x128xf32, #tpu.memory_space<vmem>>[vector<16xi32>, vector<16xi32>, vector<16xi32>, vector<16xi32>], vector<16xf32>,
          %parallel_loop3A_423 = tpu.vector_load_idx %arg11[%broadcast_in_dim3A, %parallel_loop3A_374, %parallel_loop3A_375, %add3A_24] : memref<4x2x16x128xf32, #tpu.memory_space<vmem>>[vector<16xi32>, vector<16xi32>, vector<16xi32>, vector<16xi32>], vector<16xf32>,
          %parallel_loop3A_424 = arith.mulf %parallel_loop3A_380, %get3A_321 : vector<16xf32>
          %parallel_loop3A_425 = arith.mulf %parallel_loop3A_416, %get3A_324 : vector<16xf32>
          %parallel_loop3A_426 = arith.addf %parallel_loop3A_424, %parallel_loop3A_425 : vector<16xf32>
          %parallel_loop3A_427 = arith.index_cast %scan3A_316 : i32 to index
          %parallel_loop3A_428 = arith.index_cast %parallel_loop3A_371 : i32 to index
          %parallel_loop3A_429 = arith.index_cast %parallel_loop3A_373 : i32 to index
          %parallel_loop3A_430 = arith.constant 0 : index
          %parallel_loop3A_431 = tpu.vector_load %arg11[%parallel_loop3A_427, %parallel_loop3A_428, %parallel_loop3A_429, %parallel_loop3A_430] {strides = array<i32>} : memref<4x2x16x128xf32, #tpu.memory_space<vmem>>, vector<16xf32>,
          tpu.vector_store %arg11[%parallel_loop3A_427, %parallel_loop3A_428, %parallel_loop3A_429, %parallel_loop3A_430], %parallel_loop3A_426 {strides = array<i32>} : memref<4x2x16x128xf32, #tpu.memory_space<vmem>>, vector<16xf32>,
          %parallel_loop3A_432 = arith.mulf %parallel_loop3A_385, %get3A_327 : vector<16xf32>
          %parallel_loop3A_433 = arith.mulf %parallel_loop3A_417, %get3A_330 : vector<16xf32>
          %parallel_loop3A_434 = arith.addf %parallel_loop3A_432, %parallel_loop3A_433 : vector<16xf32>
          %parallel_loop3A_435 = arith.index_cast %scan3A_316 : i32 to index
          %parallel_loop3A_436 = arith.index_cast %parallel_loop3A_371 : i32 to index
          %parallel_loop3A_437 = arith.index_cast %parallel_loop3A_373 : i32 to index
          %parallel_loop3A_438 = arith.constant 16 : index
          %parallel_loop3A_439 = tpu.vector_load %arg11[%parallel_loop3A_435, %parallel_loop3A_436, %parallel_loop3A_437, %parallel_loop3A_438] {strides = array<i32>} : memref<4x2x16x128xf32, #tpu.memory_space<vmem>>, vector<16xf32>,
          tpu.vector_store %arg11[%parallel_loop3A_435, %parallel_loop3A_436, %parallel_loop3A_437, %parallel_loop3A_438], %parallel_loop3A_434 {strides = array<i32>} : memref<4x2x16x128xf32, #tpu.memory_space<vmem>>, vector<16xf32>,
          %parallel_loop3A_440 = arith.mulf %parallel_loop3A_390, %get3A_333 : vector<16xf32>
          %parallel_loop3A_441 = arith.mulf %parallel_loop3A_418, %get3A_336 : vector<16xf32>
          %parallel_loop3A_442 = arith.addf %parallel_loop3A_440, %parallel_loop3A_441 : vector<16xf32>
          %parallel_loop3A_443 = arith.index_cast %scan3A_316 : i32 to index
          %parallel_loop3A_444 = arith.index_cast %parallel_loop3A_371 : i32 to index
          %parallel_loop3A_445 = arith.index_cast %parallel_loop3A_373 : i32 to index
          %parallel_loop3A_446 = arith.constant 32 : index
          %parallel_loop3A_447 = tpu.vector_load %arg11[%parallel_loop3A_443, %parallel_loop3A_444, %parallel_loop3A_445, %parallel_loop3A_446] {strides = array<i32>} : memref<4x2x16x128xf32, #tpu.memory_space<vmem>>, vector<16xf32>,
          tpu.vector_store %arg11[%parallel_loop3A_443, %parallel_loop3A_444, %parallel_loop3A_445, %parallel_loop3A_446], %parallel_loop3A_442 {strides = array<i32>} : memref<4x2x16x128xf32, #tpu.memory_space<vmem>>, vector<16xf32>,
          %parallel_loop3A_448 = arith.mulf %parallel_loop3A_395, %get3A_339 : vector<16xf32>
          %parallel_loop3A_449 = arith.mulf %parallel_loop3A_419, %get3A_342 : vector<16xf32>
          %parallel_loop3A_450 = arith.addf %parallel_loop3A_448, %parallel_loop3A_449 : vector<16xf32>
          %parallel_loop3A_451 = arith.index_cast %scan3A_316 : i32 to index
          %parallel_loop3A_452 = arith.index_cast %parallel_loop3A_371 : i32 to index
          %parallel_loop3A_453 = arith.index_cast %parallel_loop3A_373 : i32 to index
          %parallel_loop3A_454 = arith.constant 48 : index
          %parallel_loop3A_455 = tpu.vector_load %arg11[%parallel_loop3A_451, %parallel_loop3A_452, %parallel_loop3A_453, %parallel_loop3A_454] {strides = array<i32>} : memref<4x2x16x128xf32, #tpu.memory_space<vmem>>, vector<16xf32>,
          tpu.vector_store %arg11[%parallel_loop3A_451, %parallel_loop3A_452, %parallel_loop3A_453, %parallel_loop3A_454], %parallel_loop3A_450 {strides = array<i32>} : memref<4x2x16x128xf32, #tpu.memory_space<vmem>>, vector<16xf32>,
          %parallel_loop3A_456 = arith.mulf %parallel_loop3A_400, %get3A_345 : vector<16xf32>
          %parallel_loop3A_457 = arith.mulf %parallel_loop3A_420, %get3A_348 : vector<16xf32>
          %parallel_loop3A_458 = arith.addf %parallel_loop3A_456, %parallel_loop3A_457 : vector<16xf32>
          %parallel_loop3A_459 = arith.index_cast %scan3A_316 : i32 to index
          %parallel_loop3A_460 = arith.index_cast %parallel_loop3A_371 : i32 to index
          %parallel_loop3A_461 = arith.index_cast %parallel_loop3A_373 : i32 to index
          %parallel_loop3A_462 = arith.constant 64 : index
          %parallel_loop3A_463 = tpu.vector_load %arg11[%parallel_loop3A_459, %parallel_loop3A_460, %parallel_loop3A_461, %parallel_loop3A_462] {strides = array<i32>} : memref<4x2x16x128xf32, #tpu.memory_space<vmem>>, vector<16xf32>,
          tpu.vector_store %arg11[%parallel_loop3A_459, %parallel_loop3A_460, %parallel_loop3A_461, %parallel_loop3A_462], %parallel_loop3A_458 {strides = array<i32>} : memref<4x2x16x128xf32, #tpu.memory_space<vmem>>, vector<16xf32>,
          %parallel_loop3A_464 = arith.mulf %parallel_loop3A_405, %get3A_351 : vector<16xf32>
          %parallel_loop3A_465 = arith.mulf %parallel_loop3A_421, %get3A_354 : vector<16xf32>
          %parallel_loop3A_466 = arith.addf %parallel_loop3A_464, %parallel_loop3A_465 : vector<16xf32>
          %parallel_loop3A_467 = arith.index_cast %scan3A_316 : i32 to index
          %parallel_loop3A_468 = arith.index_cast %parallel_loop3A_371 : i32 to index
          %parallel_loop3A_469 = arith.index_cast %parallel_loop3A_373 : i32 to index
          %parallel_loop3A_470 = arith.constant 80 : index
          %parallel_loop3A_471 = tpu.vector_load %arg11[%parallel_loop3A_467, %parallel_loop3A_468, %parallel_loop3A_469, %parallel_loop3A_470] {strides = array<i32>} : memref<4x2x16x128xf32, #tpu.memory_space<vmem>>, vector<16xf32>,
          tpu.vector_store %arg11[%parallel_loop3A_467, %parallel_loop3A_468, %parallel_loop3A_469, %parallel_loop3A_470], %parallel_loop3A_466 {strides = array<i32>} : memref<4x2x16x128xf32, #tpu.memory_space<vmem>>, vector<16xf32>,
          %parallel_loop3A_472 = arith.mulf %parallel_loop3A_410, %get3A_357 : vector<16xf32>
          %parallel_loop3A_473 = arith.mulf %parallel_loop3A_422, %get3A_360 : vector<16xf32>
          %parallel_loop3A_474 = arith.addf %parallel_loop3A_472, %parallel_loop3A_473 : vector<16xf32>
          %parallel_loop3A_475 = arith.index_cast %scan3A_316 : i32 to index
          %parallel_loop3A_476 = arith.index_cast %parallel_loop3A_371 : i32 to index
          %parallel_loop3A_477 = arith.index_cast %parallel_loop3A_373 : i32 to index
          %parallel_loop3A_478 = arith.constant 96 : index
          %parallel_loop3A_479 = tpu.vector_load %arg11[%parallel_loop3A_475, %parallel_loop3A_476, %parallel_loop3A_477, %parallel_loop3A_478] {strides = array<i32>} : memref<4x2x16x128xf32, #tpu.memory_space<vmem>>, vector<16xf32>,
          tpu.vector_store %arg11[%parallel_loop3A_475, %parallel_loop3A_476, %parallel_loop3A_477, %parallel_loop3A_478], %parallel_loop3A_474 {strides = array<i32>} : memref<4x2x16x128xf32, #tpu.memory_space<vmem>>, vector<16xf32>,
          %parallel_loop3A_480 = arith.mulf %parallel_loop3A_415, %get3A_363 : vector<16xf32>
          %parallel_loop3A_481 = arith.mulf %parallel_loop3A_423, %get3A_366 : vector<16xf32>
          %parallel_loop3A_482 = arith.addf %parallel_loop3A_480, %parallel_loop3A_481 : vector<16xf32>
          %parallel_loop3A_483 = arith.index_cast %scan3A_316 : i32 to index
          %parallel_loop3A_484 = arith.index_cast %parallel_loop3A_371 : i32 to index
          %parallel_loop3A_485 = arith.index_cast %parallel_loop3A_373 : i32 to index
          %parallel_loop3A_486 = arith.constant 112 : index
          %parallel_loop3A_487 = tpu.vector_load %arg11[%parallel_loop3A_483, %parallel_loop3A_484, %parallel_loop3A_485, %parallel_loop3A_486] {strides = array<i32>} : memref<4x2x16x128xf32, #tpu.memory_space<vmem>>, vector<16xf32>,
          tpu.vector_store %arg11[%parallel_loop3A_483, %parallel_loop3A_484, %parallel_loop3A_485, %parallel_loop3A_486], %parallel_loop3A_482 {strides = array<i32>} : memref<4x2x16x128xf32, #tpu.memory_space<vmem>>, vector<16xf32>,
        } {sc.loop_unroll_factor = 4 : i64, sc.parallel_access}
      }
      %scan3A_303 = arith.constant 4 : i32
      %mul3A_304 = arith.constant 4 : i32
      %mul3A_305 = arith.muli %add3A_279, %mul3A_304 : i32
      %add3A_306 = arith.addi %mul3A_28, %mul3A_305 : i32
      %dma_start3A_307 = arith.constant 0 : i32
      %dma_start3A_308 = arith.constant 0 : i32
      %dma_start3A_309 = arith.constant 0 : i32
      %dma_start3A_310 = tpu.memref_slice %arg7[%add3A_306, %dma_start3A_307, %dma_start3A_308, %dma_start3A_309] : memref<4096x2x16x128xf32, #tpu.memory_space<hbm>> -> memref<4x2x16x128xf32, #tpu.memory_space<hbm>>
      %dma_start3A_311 = arith.constant 0 : i32
      %dma_start3A_312 = arith.constant 0 : i32
      %dma_start3A_313 = arith.constant 0 : i32
      %dma_start3A_314 = tpu.memref_slice %arg7[%add3A_306, %dma_start3A_311, %dma_start3A_312, %dma_start3A_313] : memref<4096x2x16x128xf32, #tpu.memory_space<hbm>> -> memref<4x2x16x128xf32, #tpu.memory_space<hbm>>
      tpu.enqueue_dma source(%arg11 : memref<4x2x16x128xf32, #tpu.memory_space<vmem>>) target(%dma_start3A_314 : memref<4x2x16x128xf32, #tpu.memory_space<hbm>>) target_semaphore(%arg21 : memref<!tpu.dma_semaphore, #tpu.memory_space<semaphore_mem>>)
      %scan3A_315 = arith.constant 0 : i32
      scf.yield %scan3A_315 : i32
    }
    %scan3A_119 = arith.constant 8 : i32
    %add3A_120 = arith.constant 112 : i32
    %add3A_121 = arith.addi %mul3A_28, %add3A_120 : i32
    %dma_wait3A_122 = arith.constant 0 : i32
    %dma_wait3A_123 = arith.constant 0 : i32
    %dma_wait3A_124 = arith.constant 0 : i32
    %dma_wait3A_125 = tpu.memref_slice %arg7[%add3A_121, %dma_wait3A_122, %dma_wait3A_123, %dma_wait3A_124] : memref<4096x2x16x128xf32, #tpu.memory_space<hbm>> -> memref<4x2x16x128xf32, #tpu.memory_space<hbm>>
    %dma_wait3A_126 = arith.constant 0 : i32
    %dma_wait3A_127 = arith.constant 0 : i32
    %dma_wait3A_128 = arith.constant 0 : i32
    %dma_wait3A_129 = tpu.memref_slice %arg7[%add3A_121, %dma_wait3A_126, %dma_wait3A_127, %dma_wait3A_128] : memref<4096x2x16x128xf32, #tpu.memory_space<hbm>> -> memref<4x2x16x128xf32, #tpu.memory_space<hbm>>
    tpu.wait_dma2 semaphore(%arg18 : memref<!tpu.dma_semaphore, #tpu.memory_space<semaphore_mem>>) src(%arg8 : memref<4x2x16x128xf32, #tpu.memory_space<vmem>>) dst(%dma_wait3A_129 : memref<4x2x16x128xf32, #tpu.memory_space<hbm>>)
    %add3A_130 = arith.constant 116 : i32
    %add3A_131 = arith.addi %mul3A_28, %add3A_130 : i32
    %dma_wait3A_132 = arith.constant 0 : i32
    %dma_wait3A_133 = arith.constant 0 : i32
    %dma_wait3A_134 = arith.constant 0 : i32
    %dma_wait3A_135 = tpu.memref_slice %arg7[%add3A_131, %dma_wait3A_132, %dma_wait3A_133, %dma_wait3A_134] : memref<4096x2x16x128xf32, #tpu.memory_space<hbm>> -> memref<4x2x16x128xf32, #tpu.memory_space<hbm>>
    %dma_wait3A_136 = arith.constant 0 : i32
    %dma_wait3A_137 = arith.constant 0 : i32
    %dma_wait3A_138 = arith.constant 0 : i32
    %dma_wait3A_139 = tpu.memref_slice %arg7[%add3A_131, %dma_wait3A_136, %dma_wait3A_137, %dma_wait3A_138] : memref<4096x2x16x128xf32, #tpu.memory_space<hbm>> -> memref<4x2x16x128xf32, #tpu.memory_space<hbm>>
    tpu.wait_dma2 semaphore(%arg19 : memref<!tpu.dma_semaphore, #tpu.memory_space<semaphore_mem>>) src(%arg9 : memref<4x2x16x128xf32, #tpu.memory_space<vmem>>) dst(%dma_wait3A_139 : memref<4x2x16x128xf32, #tpu.memory_space<hbm>>)
    %add3A_140 = arith.constant 120 : i32
    %add3A_141 = arith.addi %mul3A_28, %add3A_140 : i32
    %dma_wait3A_142 = arith.constant 0 : i32
    %dma_wait3A_143 = arith.constant 0 : i32
    %dma_wait3A_144 = arith.constant 0 : i32
    %dma_wait3A_145 = tpu.memref_slice %arg7[%add3A_141, %dma_wait3A_142, %dma_wait3A_143, %dma_wait3A_144] : memref<4096x2x16x128xf32, #tpu.memory_space<hbm>> -> memref<4x2x16x128xf32, #tpu.memory_space<hbm>>
    %dma_wait3A_146 = arith.constant 0 : i32
    %dma_wait3A_147 = arith.constant 0 : i32
    %dma_wait3A_148 = arith.constant 0 : i32
    %dma_wait3A_149 = tpu.memref_slice %arg7[%add3A_141, %dma_wait3A_146, %dma_wait3A_147, %dma_wait3A_148] : memref<4096x2x16x128xf32, #tpu.memory_space<hbm>> -> memref<4x2x16x128xf32, #tpu.memory_space<hbm>>
    tpu.wait_dma2 semaphore(%arg20 : memref<!tpu.dma_semaphore, #tpu.memory_space<semaphore_mem>>) src(%arg10 : memref<4x2x16x128xf32, #tpu.memory_space<vmem>>) dst(%dma_wait3A_149 : memref<4x2x16x128xf32, #tpu.memory_space<hbm>>)
    %add3A_150 = arith.constant 124 : i32
    %add3A_151 = arith.addi %mul3A_28, %add3A_150 : i32
    %dma_wait3A_152 = arith.constant 0 : i32
    %dma_wait3A_153 = arith.constant 0 : i32
    %dma_wait3A_154 = arith.constant 0 : i32
    %dma_wait3A_155 = tpu.memref_slice %arg7[%add3A_151, %dma_wait3A_152, %dma_wait3A_153, %dma_wait3A_154] : memref<4096x2x16x128xf32, #tpu.memory_space<hbm>> -> memref<4x2x16x128xf32, #tpu.memory_space<hbm>>
    %dma_wait3A_156 = arith.constant 0 : i32
    %dma_wait3A_157 = arith.constant 0 : i32
    %dma_wait3A_158 = arith.constant 0 : i32
    %dma_wait3A_159 = tpu.memref_slice %arg7[%add3A_151, %dma_wait3A_156, %dma_wait3A_157, %dma_wait3A_158] : memref<4096x2x16x128xf32, #tpu.memory_space<hbm>> -> memref<4x2x16x128xf32, #tpu.memory_space<hbm>>
    tpu.wait_dma2 semaphore(%arg21 : memref<!tpu.dma_semaphore, #tpu.memory_space<semaphore_mem>>) src(%arg11 : memref<4x2x16x128xf32, #tpu.memory_space<vmem>>) dst(%dma_wait3A_159 : memref<4x2x16x128xf32, #tpu.memory_space<hbm>>)
    return
  }
}

</mosaic_0001>

<sc_bundles>
// kernel: _sc_rope.3.cloned.1.call-start
scs
__scs_entry_jumppad:
0x0: {  	(pc) =	sbr.rel $0x88, $3  }
0x1: {  	(tag) =	ssettag $0x0;
	lr =	simm.s32 $0x1  }
0x2: {  	[smem:$0x3F9F] =	sst lr;
	_ =	strace $0xD0000000  }
0x3: {  	_ = 	snop  }
0x4: {  	_ = 	snop  }
0x5: {  	_ = 	snop  }
0x6: {  	_ = 	snop  }
0x7: {  	_ = 	snop  }
__scs_overlays_trampoline_lowered:
0x8: {  	[smem:$0x3FAE] =	sst s0  }
0x9: {  	[smem:$0x3FAF] =	sst s1  }
0xa: {  	[smem:$0x3FB0] =	sst s2  }
0xb: {  	[smem:$0x3FB1] =	sst s3  }
0xc: {  	[smem:$0x3FB2] =	sst s4  }
0xd: {  	[smem:$0x3FB3] =	sst s5  }
0xe: {  	[smem:$0x3FB4] =	sst s6  }
0xf: {  	[smem:$0x3FB5] =	sst s7  }
0x10: {  	[smem:$0x3FB6] =	sst s8  }
0x11: {  	[smem:$0x3FB7] =	sst s9;
	s0 =	simm.s32 @!p0 $0x0  }
0x12: {  	s1 =	sld [smem:$0x3F9D];
	s0 =	simm.s32 @p0 $0x1  }
0x13: {  	[smem:$0x3FB8] =	sst s0;
	s0 =	simm.s32 @!p1 $0x0  }
0x14: {  	s2 =	sld [smem:$0x3F9C];
	s0 =	simm.s32 @p1 $0x1  }
0x15: {  	[smem:$0x3FB9] =	sst s0;
	s0 =	simm.s32 @!p2 $0x0  }
0x16: {  	s3 =	sld [smem:$0x3FDB];
	s0 =	simm.s32 @p2 $0x1  }
0x17: {  	s4 =	simm.s32 $0x1BF5;
	[smem:$0x3FBB] =	sst s0  }
0x18: {  	s0 =	sld [smem:$0x3F9E];
	_ =	swait.ge [sflag:s4], $0x0  }
0x19: {  	s7 =	sld [smem:$0x3F9F]  }
0x1a: {  	s8 =	sadd.s32 $0xFFFFE003, lr  }
0x1b: {  	s9 =	sadd.s32 $0xFFFFFEF7, lr;
	s5 =	simm.s32 $0xFFFFFFFF;
	p2 =	slt.u32 s8, $0xFFFFF086  }
0x1c: {  	p1 =	slt.u32 s9, $0xF7A;
	s5 =	simm.s32 @!p2 $0x0  }
0x1d: {  	s5 =	simm.s32 @p1 $0x1;
	p0 =	seq.s32 s7, s2  }
0x1e: {  	s7 =	smul.u32 @!p0 $0xF7A, s2;
	p2 =	seq.s32 @!p0 s5, $0x0  }
0x1f: {  	s9 =	smul.u32 $0xF7A, s1;
	s8 =	simm.s32 @!p0 $0x1BF5;
	p2 =	por !p2, p0  }
0x20: {  	[sflag:s8] =	ssyncset.s32 @!p0 $0xFFFFF086;
	s6 =	sadd.s32 @!p0 s3, s7;
	s7 =	simm.s32 @!p0 $0x108  }
0x21: {  	s3 =	sadd.s32 s3, s9;
	s6 =	sadd.s32 @!p0 $0x88, s6;
	s7 =	simm.s32 @p2 $0x1082  }
0x22: {  	[simem:s7], [sflag:s8] =	dma.local @!p0 [hbm:s6], $0xF7A  }
0x23: {  	s9 =	sor.u32 $0xD0000000, s2;
	s6 =	simm.s32 $0x108;
	_ =	swait.ge @!p0 [sflag:s8], $0x0  }
0x24: {  	s3 =	sadd.s32 $0x88, s3;
	s6 =	simm.s32 @!p1 $0x1082;
	[sflag:s4] =	ssyncset.s32 $0xFFFFF086  }
0x25: {  	[simem:s6], [sflag:s4] =	dma.local [hbm:s3], $0xF7A  }
0x26: {  	[smem:$0x3F9F] =	sst s1;
	(tag) =	ssettag s2;
	_ =	strace s9  }
0x27: {  	s1 =	sld [smem:$0x3FAF]  }
0x28: {  	s2 =	sld [smem:$0x3FB0]  }
0x29: {  	s4 =	sld [smem:$0x3FB2]  }
0x2a: {  	p0 =	seq.s32 s5, $0x0;
	s5 =	sld [smem:$0x3FB3]  }
0x2b: {  	s6 =	sld [smem:$0x3FB4]  }
0x2c: {  	s7 =	sld [smem:$0x3FB5]  }
0x2d: {  	s3 =	simm.s32 $0x108;
	s8 =	sld [smem:$0x3FB6]  }
0x2e: {  	s3 =	simm.s32 @!p0 $0x1082;
	s9 =	sld [smem:$0x3FB7]  }
0x2f: {  	lr =	sadd.s32 s0, s3;
	s0 =	sld [smem:$0x3FAE]  }
0x30: {  	s3 =	sld [smem:$0x3FB1]  }
0x31: {  	[smem:$0x3FBA] =	sst s10  }
0x32: {  	s10 =	sld [smem:$0x3FB8];
	_ =	sdelay $0x3  }
0x33: {  	p0 =	seq.s32 s10, $0x1;
	s10 =	sld [smem:$0x3FBA];
	_ =	sdelay $0x3  }
0x34: {  	[smem:$0x3FBA] =	sst s10  }
0x35: {  	s10 =	sld [smem:$0x3FB9];
	_ =	sdelay $0x3  }
0x36: {  	p1 =	seq.s32 s10, $0x1;
	s10 =	sld [smem:$0x3FBA];
	_ =	sdelay $0x3  }
0x37: {  	[smem:$0x3FBA] =	sst s10  }
0x38: {  	s10 =	sld [smem:$0x3FBB]  }
0x39: {  	_ = 	snop;
	(pc) =	sbr.ind lr, $3  }
0x3a: {  	_ = 	snop  }
0x3b: {  	_ = 	snop  }
0x3c: {  	p2 =	seq.s32 s10, $0x1;
	s10 =	sld [smem:$0x3FBA]  }
0x3d: {  	_ =	shalt  }
0x3e: {  	_ =	shalt  }
0x3f: {  	_ =	shalt  }
0x40: {  	_ =	shalt  }
0x41: {  	_ =	shalt  }
0x42: {  	_ =	shalt  }
0x43: {  	_ =	shalt  }
0x44: {  	_ =	shalt  }
0x45: {  	_ =	shalt  }
0x46: {  	_ =	shalt  }
0x47: {  	_ =	shalt  }
0x48: {  	_ =	shalt  }
0x49: {  	_ =	shalt  }
0x4a: {  	_ =	shalt  }
0x4b: {  	_ =	shalt  }
0x4c: {  	_ =	shalt  }
0x4d: {  	_ =	shalt  }
0x4e: {  	_ =	shalt  }
0x4f: {  	_ =	shalt  }
0x50: {  	_ =	shalt  }
0x51: {  	_ =	shalt  }
0x52: {  	_ =	shalt  }
0x53: {  	_ =	shalt  }
0x54: {  	_ =	shalt  }
0x55: {  	_ =	shalt  }
0x56: {  	_ =	shalt  }
0x57: {  	_ =	shalt  }
0x58: {  	_ =	shalt  }
0x59: {  	_ =	shalt  }
0x5a: {  	_ =	shalt  }
0x5b: {  	_ =	shalt  }
0x5c: {  	_ =	shalt  }
0x5d: {  	_ =	shalt  }
0x5e: {  	_ =	shalt  }
0x5f: {  	_ =	shalt  }
0x60: {  	_ =	shalt  }
0x61: {  	_ =	shalt  }
0x62: {  	_ =	shalt  }
0x63: {  	_ =	shalt  }
0x64: {  	_ =	shalt  }
0x65: {  	_ =	shalt  }
0x66: {  	_ =	shalt  }
0x67: {  	_ =	shalt  }
0x68: {  	_ =	shalt  }
0x69: {  	_ =	shalt  }
0x6a: {  	_ =	shalt  }
0x6b: {  	_ =	shalt  }
0x6c: {  	_ =	shalt  }
0x6d: {  	_ =	shalt  }
0x6e: {  	_ =	shalt  }
0x6f: {  	_ =	shalt  }
0x70: {  	_ =	shalt  }
0x71: {  	_ =	shalt  }
0x72: {  	_ =	shalt  }
0x73: {  	_ =	shalt  }
0x74: {  	_ =	shalt  }
0x75: {  	_ =	shalt  }
0x76: {  	_ =	shalt  }
0x77: {  	_ =	shalt  }
0x78: {  	_ =	shalt  }
0x79: {  	_ =	shalt  }
0x7a: {  	_ =	shalt  }
0x7b: {  	_ =	shalt  }
0x7c: {  	_ =	shalt  }
0x7d: {  	_ =	shalt  }
0x7e: {  	_ =	shalt  }
0x7f: {  	_ =	shalt  }
0x80: {  	_ =	shalt  }
0x81: {  	_ =	shalt  }
0x82: {  	_ =	shalt  }
0x83: {  	_ =	shalt  }
0x84: {  	_ =	shalt  }
0x85: {  	_ =	shalt  }
0x86: {  	_ =	shalt  }
0x87: {  	_ =	shalt  }
.Lfunc_end0:
.L_simem_size_0:
called_computation_lowered:
.L_overlay_start_0:
0x88: {  	s2 =	sld [smem:$0x3FD9]  }
0x89: {  	s3 =	sld [smem:$0x3FFE];
	_ =	sdelay $0x1  }
0x8a: {  	s1 =	srdreg.scid  }
0x8b: {  	s0 =	sand.u32 $0x1, s1  }
0x8c: {  	s14 =	sshll.u32 s0, $0xA;
	s2 =	sadd.s32 s3, s2  }
0x8d: {  	s2 =	sadd.s32 s2, s14  }
0x8e: {  	[smem:$0x3FC6] =	sst s2  }
0x8f: {  	_ = 	snop  }
0x90: {  	s2 =	sld [smem:$0x3FD0];
	_ =	sdelay $0x1  }
0x91: {  	s15 =	sld [smem:$0x3FC9]  }
0x92: {  	s5 =	simm.s32 $0xA;
	s6 =	simm.s32 $0x10;
	s4 =	sld [smem:$0x3FC8]  }
0x93: {  	[smem:s6], [sflag:s5] =	dma.local [hbm:s2], $0x1  }
0x94: {  	_ =	swait.eq [sflag:s5], $0x1  }
0x95: {  	[sflag:s5] =	ssyncset.done $0x0  }
0x96: {  	s16 =	sld [smem:$0x10];
	[sflag:s5] =	ssyncadd.s32 $0xFFFFFFFF  }
0x97: {  	s17 =	sld [smem:$0x11];
	(tm) =	ssettm $0x1  }
0x98: {  	s18 =	sld [smem:$0x3FFB];
	_ =	sdelay $0x3  }
0x99: {  	_ =	strace s18  }
0x9a: {  	s6 =	sld [smem:$0x3FFC];
	_ =	sdelay $0x3  }
0x9b: {  	_ =	strace s6  }
0x9c: {  	s6 =	sld [smem:$0x3FFD];
	_ =	sdelay $0x3  }
0x9d: {  	_ =	strace s6  }
0x9e: {  	_ =	strace $0x8FFFFFFF  }
0x9f: {  	s19 =	sld [smem:$0x3FDB];
	_ =	sdelay $0x1  }
0xa0: {  	s7 =	simm.s32 $_scs_section_size  }
0xa1: {  	s8 =	simm.s32 $_size__tile_overlayer_lowered;
	s9 =	simm.s32 $_tile_overlayer_lowered  }
0xa2: {  	s22 =	simm.s32 $0x1BFF;
	s21 =	sshll.u32 s9, $0x1;
	s6 =	sadd.s32 s7, s19  }
0xa3: {  	s10 =	simm.s32 $0x0;
	s20 =	sshll.u32 s8, $0x1;
	s8 =	sadd.s32 s21, s6  }
0xa4: {  	[timem:s10], [sflag:s22] =	dma.local [hbm:s8], s20  }
0xa5: {  	_ =	swait.ge [sflag:s22], s20  }
0xa6: {  	s7 =	ssub.s32 $0x0, s20;
	[sflag:s22] =	ssyncset.done $0x0  }
0xa7: {  	[sflag:s22] =	ssyncadd.s32 s7;
	_ =	sdelay $0x1  }
0xa8: {  	s23 =	simm.s32 $0x1B8B  }
0xa9: {  	_ =	swait.ge [sflag:s23], $0x1  }
0xaa: {  	[sflag:s23] =	ssyncset.done $0x0  }
0xab: {  	s25 =	simm.s32 $0x1B8E;
	s24 =	sld [smem:$0x3FFE];
	[sflag:s23] =	ssyncadd.s32 $0xFFFFFFFF  }
0xac: {  	s26 =	simm.s32 $execute0_lowered;
	[smem:$0x3FD2] =	sst s25  }
0xad: {  	s8 =	sshll.u32 s26, $0x1;
	_ =	strace $0x80000046;
	[dreg:$0x1] =	wrdreg $0xFFFFFFFF  }
0xae: {  	s28 =	simm.s32 $_size_execute0_lowered;
	s6 =	sadd.s32 s6, s8;
	[dreg:$0x0] =	wrdreg $0x0  }
0xaf: {  	s8 =	sshll.u32 s28, $0x1;
	[dreg:$0x2] =	wrdreg s6  }
0xb0: {  	[dreg:$0x3] =	wrdreg s8  }
0xb1: {  	[dreg:$0x4] =	wrdreg $0xC0  }
0xb2: {  	_ =	task [dreg:s10], $0x5FFFF  }
0xb3: {  	[dreg:$0x1] =	wrdreg $0xFFFFFFFF  }
0xb4: {  	[dreg:$0x0] =	wrdreg $0x60  }
0xb5: {  	[dreg:$0x2] =	wrdreg s15  }
0xb6: {  	[dreg:$0x3] =	wrdreg s4  }
0xb7: {  	[dreg:$0x4] =	wrdreg s24  }
0xb8: {  	[dreg:$0x5] =	wrdreg s16  }
0xb9: {  	[dreg:$0x6] =	wrdreg s17  }
0xba: {  	[dreg:$0x7] =	wrdreg $0x9  }
0xbb: {  	_ =	task.clear_ibuf [dreg:s10], $0x8FFFF;
	_ =	strace $0x90000046  }
0xbc: {  	s29 =	simm.s32 $0x9;
	_ =	strace $0x80000048  }
0xbd: {  	_ =	swait.ge [sflag:s29], $0x1  }
0xbe: {  	[sflag:s29] =	ssyncadd.s32 $0xFFFFFFFF  }
0xbf: {  	_ =	strace $0x90000048  }
0xc0: {  	_ =	sfence  }
0xc1: {  	s30 =	sld [smem:$0x0];
	_ =	sdelay $0x2  }
0xc2: {  	s31 =	sshll.u32 s1, $0xD;
	s1 =	sshrl.u32 s1, $0x2  }
0xc3: {  	s3 =	sand.u32 $0x4000, s31;
	s1 =	sadd.s32 s1, s30  }
0xc4: {  	s0 =	sor.u32 s3, s0;
	s1 =	sshll.u32 s1, $0x11  }
0xc5: {  	s0 =	sor.u32 s1, s0  }
0xc6: {  	s0 =	sadd.s32 $0x8F2B, s0  }
0xc7: {  	[sflag:s0] =	ssyncadd.remote.s32 $0x1  }
0xc8: {  	_ =	sfence.sel $0xFFFF  }
0xc9: {  	[dreg:$0x0] =	wrdreg $0xFFFFFFFF;
	(pc) =	sbr.abs _section_cstart, $3  }
0xca: {  	[dreg:$0x1] =	wrdreg $0xFFFFFFFF  }
0xcb: {  	_ =	task.clear_ibuf [dreg:s10], $0x2FFFF;
	_ =	strace $0x9FFFFFFF  }
0xcc: {  	(tm) =	ssettm $0x7FFFFFFF  }
0xcd: {  	_ =	shalt  }
tec
execute0_lowered:
.L_overlay_start_1:
0x0: {  	(tag) =	ssettag $0x1  }
0x1: {  	v0 =	vimm.s32 $0xEFCDAB89  }
0x2: {  	v1 =	vimm.s32 $0x67452301;
	v2 =	vimm.s32 $0x1A1B1819;
	v3 =	vimm.s32 $0x1E1F1C1D  }
0x3: {  	v4 =	vimm.s32 $0x12131011;
	v5 =	vimm.s32 $0x16171415;
	vm0 =	vcmask $0x1F10  }
0x4: {  	v46 =	vimm.s32 $0x2A2B2829;
	v6 =	vimm.s32 $0x2E2F2C2D;
	v51 =	vimm.s32 $0x22232021  }
0x5: {  	v52 =	vimm.s32 $0x26272425;
	v53 =	vimm.s32 $0x3A3B3839;
	v54 =	vimm.s32 $0x3E3F3C3D  }
0x6: {  	v7 =	vimm.s32 $0x32333031;
	v8 =	vimm.s32 $0x36373435;
	v9 =	vimm.s32 $0x4A4B4849  }
0x7: {  	v10 =	vimm.s32 $0x4E4F4C4D;
	v58 =	vimm.s32 $0x42434041;
	v59 =	vimm.s32 $0x46474445  }
0x8: {  	v60 =	vimm.s32 $0x5A5B5859;
	v11 =	vimm.s32 $0x66676465;
	v12 =	vimm.s32 $0x7A7B7879  }
0x9: {  	v13 =	vimm.s32 $0x7E7F7C7D;
	v14 =	vimm.s32 $0x72737071;
	v15 =	vimm.s32 $0x76777475  }
0xa: {  	v0 =	vunpack.c.l.s4.s8 v0;
	v1 =	vunpack.c.l.s4.s8 v1;
	v2 =	vunpack.c.0.s8.s32 v2  }
0xb: {  	v3 =	vunpack.c.0.s8.s32 v3;
	v4 =	vunpack.c.0.s8.s32 v4;
	v5 =	vunpack.c.0.s8.s32 v5  }
0xc: {  	v47 =	vunpack.c.0.s8.s32 v6;
	v7 =	vunpack.c.0.s8.s32 v7;
	v8 =	vunpack.c.0.s8.s32 v8  }
0xd: {  	v55 =	vunpack.c.0.s8.s32 v9;
	v9 =	vunpack.c.0.s8.s32 v10;
	v10 =	vimm.s32 $0x56575455  }
0xe: {  	v11 =	vunpack.c.0.s8.s32 v11;
	v12 =	vunpack.c.0.s8.s32 v12;
	v13 =	vunpack.c.0.s8.s32 v13  }
0xf: {  	s1 =	rddreg [dreg:$0x0];
	v14 =	vunpack.c.0.s8.s32 v14;
	v0 =	vunpack.c.0.s8.s32 v0;
	v1 =	vunpack.c.0.s8.s32 v1  }
0x10: {  	s3 =	rddreg [dreg:$0x1];
	v2 =	vsel vm0, v3, v2;
	v4 =	vsel vm0, v5, v4;
	v3 =	vunpack.c.0.s8.s32 v46  }
0x11: {  	s6 =	rddreg [dreg:$0x2];
	s4 =	srdreg.scid;
	v5 =	vunpack.c.0.s8.s32 v54;
	v57 =	vsel vm0, v8, v7;
	v7 =	vunpack.c.0.s8.s32 v60  }
0x12: {  	s2 =	rddreg [dreg:$0x4];
	s0 =	stileid.u32;
	s7 =	sand.u32 $0x1, s4;
	v8 =	vimm.s32 $0x5E5F5C5D;
	v49 =	vcombine.low v4, v2;
	v4 =	vunpack.c.0.s8.s32 v53  }
0x13: {  	s5 =	sshll.u32 s0, $0x8;
	s8 =	sshll.u32 s7, $0x7;
	s7 =	ssub.s32 $0x2, s7;
	v2 =	vunpack.c.0.s8.s32 v51;
	v8 =	vunpack.c.0.s8.s32 v8;
	v50 =	vsel vm0, v47, v3  }
0x14: {  	s4 =	simm.s32 $0x0;
	s5 =	sor.u32 s8, s5;
	s14 =	sshrl.u32 s7, $0x1;
	v3 =	vunpack.c.0.s8.s32 v52;
	v56 =	vsel vm0, v5, v4;
	v4 =	vunpack.c.0.s8.s32 v58  }
0x15: {  	[smem:$0x7FF] =	sst s4;
	s8 =	sshll.u32 s5, $0x4;
	s7 =	ssub.s32 s7, s14;
	v5 =	vunpack.c.0.s8.s32 v59;
	v7 =	vsel vm0, v8, v7;
	v8 =	vimm.s32 $0x6A6B6869  }
0x16: {  	_ =	strace $0x80000047;
	s6 =	sadd.s32 s8, s6;
	s31 =	smax.u32 s7, $0x1;
	v2 =	vsel vm0, v3, v2;
	v3 =	vsel vm0, v9, v55;
	v9 =	vimm.s32 $0x52535051  }
0x17: {  	s10 =	sshll.u32 s5, $0x9;
	s21 =	sadd.s32 $0x10600, s6;
	[dreg:$0xe] =	wrdreg s31;
	v24 =	vcombine.low v57, v56;
	v61 =	vunpack.c.0.s8.s32 v9;
	v9 =	vunpack.c.0.s8.s32 v10  }
0x18: {  	s8 =	sadd.s32 s1, s10;
	s22 =	sadd.s32 $0x600, s6;
	[dreg:$0x6] =	wrdreg s21;
	v8 =	vunpack.c.0.s8.s32 v8;
	v4 =	vsel vm0, v5, v4;
	v10 =	vimm.s32 $0x6E6F6C6D  }
0x19: {  	s23 =	sor.u32 $0x800, s10;
	s24 =	sadd.s32 $0x2000, s8;
	[dreg:$0x7] =	wrdreg s22;
	v5 =	vsel vm0, v9, v61;
	v9 =	vunpack.c.0.s8.s32 v10;
	v10 =	vimm.s32 $0x62636061  }
0x1a: {  	v15 =	vunpack.c.0.s8.s32 v15;
	s10 =	sadd.s32 s3, s10;
	s25 =	sadd.s32 $0x2800, s8;
	[tilespmem:$0x1FF90] =	vst v49;
	[dreg:$0x8] =	wrdreg s24;
	v3 =	vcombine.low v4, v3;
	v10 =	vunpack.c.0.s8.s32 v10  }
0x1b: {  	v48 =	vcombine.low v1, v0;
	s26 =	sadd.s32 $0x2000, s10;
	[dreg:$0x9] =	wrdreg s25;
	[tilespmem:$0x1FFE0] =	vst v24;
	v62 =	vcombine.low v5, v7;
	v63 =	vsel vm0, v9, v8  }
0x1c: {  	s20 =	simm.s32 $0x4000;
	s28 =	sadd.s32 $0x2800, s10;
	[dreg:$0xa] =	wrdreg s26;
	[tilespmem:$0x1FFF0] =	vst v3;
	v9 =	vsel vm0, v13, v12;
	v8 =	vsel vm0, v11, v10;
	v10 =	vsel vm0, v15, v14  }
0x1d: {  	s29 =	sadd.s32 s1, s23;
	s30 =	sadd.s32 s3, s23;
	[dreg:$0xb] =	wrdreg s28;
	v14 =	vand.u32 $0xF, v48;
	[tilespmem:$0x1FFC0] =	vst v62;
	v16 =	vcombine.low v10, v9  }
0x1e: {  	s23 =	simm.s32 $0xC000;
	s3 =	simm.s32 $0x0;
	[dreg:$0xc] =	wrdreg s29;
	v1 =	vcombine.low v2, v50;
	v15 =	vcombine.low v8, v63;
	[tilespmem:$0x1FFD0] =	vst v14  }
0x1f: {  	[dreg:$0xd] =	wrdreg s30;
	s21 =	simm.s32 $0x8000;
	s22 =	simm.s32 $0x1;
	[tilespmem:$0x1FFA0] =	vst v16  }
0x20: {  	s24 =	simm.s32 $0x2;
	s25 =	simm.s32 $0x3;
	s26 =	simm.s32 $0x4;
	v12 =	vmovc v3;
	v13 =	vmov v62;
	v9 =	vmov v1;
	v10 =	vmov v49;
	[tilespmem:$0x1FFB0] =	vst v15  }
.LBB2_1:
0x21: {  	[dreg:$0xf] =	wrdreg s3  }
0x22: {  	s0 =	rddreg [dreg:$0x6];
	s1 =	simm.s32 $0x10000;
	s28 =	simm.s32 $0x9  }
0x23: {  	[tilespmem:s1], [sflag:$0x9] =	stream.linear.gather [hbm4b:s0+s4], $0x4000, $0x38;
	[tilespmem:$0x18000] =	vst v63  }
0x24: {  	_ =	swait.ge [sflag:s28], $0x4000  }
0x25: {  	[sflag:s28] =	ssyncset.done $0x0  }
0x26: {  	s30 =	simm.s32 $0x14000;
	s29 =	rddreg [dreg:$0x7];
	[sflag:s28] =	ssyncadd.s32 $0xFFFFC000  }
0x27: {  	[tilespmem:s30], [sflag:$0x9] =	stream.linear.gather [hbm4b:s29+s4], $0x4000, $0x38;
	[tilespmem:$0x18000] =	vst v63  }
0x28: {  	_ =	swait.ge [sflag:s28], $0x4000  }
0x29: {  	[sflag:s28] =	ssyncset.done $0x0  }
0x2a: {  	[sflag:s28] =	ssyncadd.s32 $0xFFFFC000  }
0x2b: {  	[tilespmem:s4], [sflag:$0x1] =	stream.linear.gather [hbm4b:s8+s4], $0x4000, $0x38;
	[tilespmem:$0x18000] =	vst v63  }
0x2c: {  	s3 =	simm.s32 $0x0;
	s31 =	rddreg [dreg:$0xc]  }
0x2d: {  	[tilespmem:s20], [sflag:$0x2] =	stream.linear.gather [hbm4b:s31+s4], $0x4000, $0x38;
	[tilespmem:$0x18000] =	vst v63  }
.LBB2_2:
0x2e: {  	p0 =	seq.s32 s3, $0x0  }
0x2f: {  	s6 =	sshll.u32 s3, $0x2;
	s1 =	simm.s32 @!p0 $0x7  }
0x30: {  	s16 =	sor.u32 $0x2, s6;
	_ =	swait.ge @!p0 [sflag:s1], $0x4000  }
0x31: {  	s7 =	sshll.u32 s16, $0xB;
	[sflag:s1] =	ssyncset.done @!p0 $0x0  }
0x32: {  	s14 =	simm.s32 $0x0;
	s31 =	sadd.s32 s7, s8;
	[sflag:s1] =	ssyncadd.s32 @!p0 $0xFFFFC000  }
0x33: {  	[tilespmem:s21], [sflag:$0x3] =	stream.linear.gather [hbm4b:s31+s14], $0x4000, $0x38;
	[tilespmem:$0x18000] =	vst v63  }
0x34: {  	_ =	swait.ge [sflag:s22], $0x4000  }
0x35: {  	[sflag:s22] =	ssyncset.done $0x0  }
0x36: {  	s7 =	sshll.u32 s3, $0x4;
	[sflag:s22] =	ssyncadd.s32 $0xFFFFC000  }
.LBB2_3:
0x37: {  	s1 =	sor.u32 s7, s14  }
0x38: {  	s1 =	sshll.u32 s1, $0x7  }
0x39: {  	v7 =	vld [tilespmem:s1+$0x10000]  }
0x3a: {  	v17 =	vld [tilespmem:s1+$0x14000]  }
0x3b: {  	v6 =	vld [tilespmem:s1+$0x10010]  }
0x3c: {  	v18 =	vld [tilespmem:s1+$0x14010]  }
0x3d: {  	v4 =	vld [tilespmem:s1+$0x10020]  }
0x3e: {  	v19 =	vld [tilespmem:s1+$0x14020]  }
0x3f: {  	v2 =	vld [tilespmem:s1+$0x10030]  }
0x40: {  	v20 =	vld [tilespmem:s1+$0x14030]  }
0x41: {  	v0 =	vld [tilespmem:s1+$0x10040]  }
0x42: {  	v21 =	vld [tilespmem:s1+$0x14040]  }
0x43: {  	s17 =	sshll.u32 s14, $0xC;
	v1 =	vld [tilespmem:s1+$0x10050]  }
0x44: {  	s18 =	simm.s32 $0x0;
	v8 =	vmov s17;
	v22 =	vld [tilespmem:s1+$0x14050]  }
0x45: {  	s15 =	sand.u32 $0xC, s18;
	v3 =	vld [tilespmem:s1+$0x10060]  }
0x46: {  	s19 =	simm.s32 $0x0;
	v11 =	vld [tilespmem:s1+$0x14060];
	s15 =	sshll.u32 s15, $0x7  }
0x47: {  	s28 =	sand.u32 $0x3FFFF800, s19;
	v5 =	vld [tilespmem:s1+$0x10070];
	s30 =	sor.u32 $0x180, s15  }
0x48: {  	v23 =	vld [tilespmem:s1+$0x14070];
	s29 =	sor.u32 s30, s28  }
0x49: {  	v25 =	vld.idx.msk [tilespmem:v8+s29+$0x0 ss:$0x1], $0xffff  }
0x4a: {  	v32 =	vld.idx.msk [tilespmem:v8+s29+$0x60 ss:$0x1], $0xffff  }
0x4b: {  	v26 =	vld.idx.msk [tilespmem:v8+s29+$0x10 ss:$0x1], $0xffff  }
0x4c: {  	v27 =	vld.idx.msk [tilespmem:v8+s29+$0x20 ss:$0x1], $0xffff  }
0x4d: {  	v28 =	vld.idx.msk [tilespmem:v8+s29+$0x30 ss:$0x1], $0xffff  }
0x4e: {  	s0 =	sand.u32 $0xFFFFF800, s19;
	v30 =	vld.idx.msk [tilespmem:v8+s29+$0x40 ss:$0x1], $0xffff  }
0x4f: {  	s31 =	sadd.s32 s17, s0;
	v34 =	vld.idx.msk [tilespmem:v8+s29+$0x50 ss:$0x1], $0xffff;
	[tilespmem:$0x1FE10] =	vst v32  }
0x50: {  	s1 =	sadd.s32 s30, s31;
	v32 =	vld.idx.msk [tilespmem:v8+s29+$0x70 ss:$0x1], $0xffff  }
0x51: {  	v38 =	vor.u32 s1, v13  }
0x52: {  	v29 =	vor.u32 s1, v14  }
0x53: {  	v31 =	vor.u32 s1, v10  }
0x54: {  	v33 =	vor.u32 s1, v9  }
0x55: {  	v35 =	vor.u32 s1, v24;
	[tilespmem:$0x1FE20] =	vst v32  }
0x56: {  	v37 =	vor.u32 s1, v12;
	v38 =	vld.idx.msk [tilespmem:v38+s4+$0x0], $0xffff  }
0x57: {  	v40 =	vor.u32 s1, v16;
	v29 =	vld.idx.msk [tilespmem:v29+s4+$0x0], $0xffff  }
0x58: {  	v31 =	vld.idx.msk [tilespmem:v31+s4+$0x0], $0xffff  }
0x59: {  	v32 =	vld.idx.msk [tilespmem:v33+s4+$0x0], $0xffff  }
0x5a: {  	v33 =	vld.idx.msk [tilespmem:v35+s4+$0x0], $0xffff  }
0x5b: {  	v37 =	vld.idx.msk [tilespmem:v37+s4+$0x0], $0xffff;
	[tilespmem:$0x1FE30] =	vst v38  }
0x5c: {  	s9 =	sadd.s32 s15, s31;
	v39 =	vor.u32 s1, v15;
	v35 =	vld.idx.msk [tilespmem:v40+s4+$0x0], $0xffff  }
0x5d: {  	v41 =	vor.u32 s9, v14  }
0x5e: {  	s11 =	sor.u32 $0x80, s15;
	s13 =	sor.u32 $0x100, s15  }
0x5f: {  	s12 =	sadd.s32 s11, s31;
	s31 =	sadd.s32 s13, s31  }
0x60: {  	v46 =	vor.u32 s9, v13;
	v54 =	vor.u32 s12, v13;
	v62 =	vor.u32 s31, v13;
	v13 =	vld [tilespmem:$0x1FE10]  }
0x61: {  	v38 =	vld.idx.msk [tilespmem:v39+s4+$0x0], $0xffff;
	[tilespmem:$0x1FE40] =	vst v35  }
0x62: {  	v35 =	vld.idx.msk [tilespmem:v41+s4+$0x0], $0xffff  }
0x63: {  	v42 =	vor.u32 s9, v10  }
0x64: {  	v43 =	vor.u32 s9, v9  }
0x65: {  	v44 =	vor.u32 s9, v24  }
0x66: {  	v45 =	vor.u32 s9, v12  }
0x67: {  	v40 =	vmul.f32 v13, v3;
	v13 =	vld [tilespmem:$0x1FE20];
	[tilespmem:$0x1FE50] =	vst v35  }
0x68: {  	v47 =	vor.u32 s9, v15;
	v42 =	vld.idx.msk [tilespmem:v42+s4+$0x0], $0xffff  }
0x69: {  	v48 =	vor.u32 s9, v16;
	v43 =	vld.idx.msk [tilespmem:v43+s4+$0x0], $0xffff  }
0x6a: {  	v49 =	vor.u32 s12, v14;
	v44 =	vld.idx.msk [tilespmem:v44+s4+$0x0], $0xffff  }
0x6b: {  	v50 =	vor.u32 s12, v10;
	v45 =	vld.idx.msk [tilespmem:v45+s4+$0x0], $0xffff  }
0x6c: {  	v51 =	vor.u32 s12, v9;
	v46 =	vld.idx.msk [tilespmem:v46+s4+$0x0], $0xffff  }
0x6d: {  	v52 =	vor.u32 s12, v24;
	v47 =	vld.idx.msk [tilespmem:v47+s4+$0x0], $0xffff  }
0x6e: {  	v53 =	vor.u32 s12, v12;
	v48 =	vld.idx.msk [tilespmem:v48+s4+$0x0], $0xffff  }
0x6f: {  	v49 =	vld.idx.msk [tilespmem:v49+s4+$0x0], $0xffff  }
0x70: {  	v25 =	vmul.f32 v25, v7;
	v29 =	vmul.f32 v29, v17;
	v50 =	vld.idx.msk [tilespmem:v50+s4+$0x0], $0xffff  }
0x71: {  	v55 =	vor.u32 s12, v15;
	v51 =	vld.idx.msk [tilespmem:v51+s4+$0x0], $0xffff  }
0x72: {  	v56 =	vor.u32 s12, v16;
	v25 =	vadd.f32 v29, v25;
	v52 =	vld.idx.msk [tilespmem:v52+s4+$0x0], $0xffff  }
0x73: {  	v57 =	vor.u32 s31, v14;
	v53 =	vld.idx.msk [tilespmem:v53+s4+$0x0], $0xffff  }
0x74: {  	v58 =	vor.u32 s31, v10;
	v54 =	vld.idx.msk [tilespmem:v54+s4+$0x0], $0xffff;
	[tilespmem:v8+s29+$0x0 ss:$0x1] =	vst.idx.msk $0xffff, v25  }
0x75: {  	v41 =	vmul.f32 v13, v5;
	v13 =	vld [tilespmem:$0x1FE30]  }
0x76: {  	v59 =	vor.u32 s31, v9;
	v55 =	vld.idx.msk [tilespmem:v55+s4+$0x0], $0xffff  }
0x77: {  	v60 =	vor.u32 s31, v24;
	v26 =	vmul.f32 v26, v6;
	v56 =	vld.idx.msk [tilespmem:v56+s4+$0x0], $0xffff  }
0x78: {  	v61 =	vor.u32 s31, v12;
	v63 =	vmul.f32 v30, v0;
	v30 =	vmul.f32 v31, v18;
	v57 =	vld.idx.msk [tilespmem:v57+s4+$0x0], $0xffff  }
0x79: {  	v36 =	vor.u32 s31, v15;
	v27 =	vmul.f32 v27, v4;
	v29 =	vmul.f32 v32, v19;
	v58 =	vld.idx.msk [tilespmem:v58+s4+$0x0], $0xffff  }
0x7a: {  	v39 =	vmul.f32 v34, v1;
	v26 =	vadd.f32 v30, v26;
	v34 =	vmul.f32 v13, v22;
	v13 =	vld [tilespmem:$0x1FE40]  }
0x7b: {  	v30 =	vmul.f32 v33, v20;
	v27 =	vadd.f32 v29, v27;
	v59 =	vld.idx.msk [tilespmem:v59+s4+$0x0], $0xffff;
	v44 =	vmul.f32 v44, v20  }
0x7c: {  	v35 =	vmul.f32 v28, v2;
	v28 =	vmul.f32 v37, v21;
	v60 =	vld.idx.msk [tilespmem:v60+s4+$0x0], $0xffff;
	[tilespmem:v8+s29+$0x10 ss:$0x1] =	vst.idx.msk $0xffff, v26  }
0x7d: {  	v33 =	vor.u32 s31, v16;
	v37 =	vmul.f32 v38, v11;
	v31 =	vmul.f32 v42, v18;
	v42 =	vld.idx.msk [tilespmem:v61+s4+$0x0], $0xffff;
	[tilespmem:$0x1FE60] =	vst v44  }
0x7e: {  	v35 =	vadd.f32 v30, v35;
	v30 =	vmul.f32 v43, v19;
	v61 =	vmul.f32 v45, v21;
	v43 =	vld.idx.msk [tilespmem:v62+s4+$0x0], $0xffff  }
0x7f: {  	v62 =	vmul.f32 v46, v22;
	v38 =	vmul.f32 v13, v23;
	v13 =	vld [tilespmem:$0x1FE50];
	[tilespmem:v8+s29+$0x20 ss:$0x1] =	vst.idx.msk $0xffff, v27  }
0x80: {  	[tilespmem:$0x1FE70] =	vst v61  }
0x81: {  	[tilespmem:$0x1FE80] =	vst v62  }
0x82: {  	v44 =	vld.idx.msk [tilespmem:v36+s4+$0x0], $0xffff  }
0x83: {  	s1 =	sor.u32 s11, s28;
	v27 =	vadd.f32 v28, v63;
	v33 =	vld.idx.msk [tilespmem:v33+s4+$0x0], $0xffff  }
0x84: {  	v34 =	vadd.f32 v34, v39;
	[tilespmem:v8+s29+$0x30 ss:$0x1] =	vst.idx.msk $0xffff, v35;
	v62 =	vld.idx.msk [tilespmem:v8+s1+$0x0 ss:$0x1], $0xffff  }
0x85: {  	v63 =	vld.idx.msk [tilespmem:v8+s1+$0x10 ss:$0x1], $0xffff;
	[tilespmem:v8+s29+$0x40 ss:$0x1] =	vst.idx.msk $0xffff, v27  }
0x86: {  	v39 =	vmul.f32 v51, v19;
	v51 =	vld.idx.msk [tilespmem:v8+s1+$0x20 ss:$0x1], $0xffff;
	[tilespmem:v8+s29+$0x50 ss:$0x1] =	vst.idx.msk $0xffff, v34  }
0x87: {  	v25 =	vld.idx.msk [tilespmem:v8+s1+$0x30 ss:$0x1], $0xffff;
	[tilespmem:$0x1FE90] =	vst v17  }
0x88: {  	[tilespmem:$0x1FEA0] =	vst v18  }
0x89: {  	v24 =	vadd.f32 v37, v40;
	v26 =	vld.idx.msk [tilespmem:v8+s1+$0x40 ss:$0x1], $0xffff;
	[tilespmem:$0x1FEB0] =	vst v19  }
0x8a: {  	v45 =	vmul.f32 v49, v17;
	v49 =	vmul.f32 v53, v21;
	[tilespmem:$0x1FEC0] =	vst v20  }
0x8b: {  	v37 =	vmul.f32 v60, v20;
	v38 =	vadd.f32 v38, v41;
	[tilespmem:v8+s29+$0x60 ss:$0x1] =	vst.idx.msk $0xffff, v24  }
0x8c: {  	v46 =	vmul.f32 v50, v18;
	v50 =	vmul.f32 v54, v22;
	v41 =	vld.idx.msk [tilespmem:v8+s1+$0x50 ss:$0x1], $0xffff;
	[tilespmem:$0x1FED0] =	vst v21  }
0x8d: {  	v36 =	vmul.f32 v43, v22;
	v27 =	vmul.f32 v62, v7;
	[tilespmem:v8+s29+$0x70 ss:$0x1] =	vst.idx.msk $0xffff, v38  }
0x8e: {  	v34 =	vmul.f32 v42, v21;
	v62 =	vmul.f32 v63, v6;
	v42 =	vld.idx.msk [tilespmem:v8+s1+$0x60 ss:$0x1], $0xffff;
	[tilespmem:$0x1FEE0] =	vst v22  }
0x8f: {  	s19 =	sor.u32 s13, s28;
	v32 =	vmul.f32 v13, v17;
	v63 =	vadd.f32 v45, v27;
	v60 =	vld.idx.msk [tilespmem:v8+s1+$0x70 ss:$0x1], $0xffff;
	[tilespmem:$0x1FEF0] =	vst v11  }
0x90: {  	v21 =	vmul.f32 v51, v4;
	v43 =	vadd.f32 v46, v62;
	v22 =	vld.idx.msk [tilespmem:v8+s19+$0x0 ss:$0x1], $0xffff;
	[tilespmem:$0x1FF00] =	vst v23  }
0x91: {  	v13 =	vmul.f32 v47, v11;
	v47 =	vmul.f32 v52, v20;
	[tilespmem:v8+s1+$0x0 ss:$0x1] =	vst.idx.msk $0xffff, v63  }
0x92: {  	v24 =	vmul.f32 v25, v2;
	v39 =	vadd.f32 v39, v21;
	v25 =	vld.idx.msk [tilespmem:v8+s19+$0x10 ss:$0x1], $0xffff;
	[tilespmem:v8+s1+$0x10 ss:$0x1] =	vst.idx.msk $0xffff, v43  }
0x93: {  	v40 =	vmul.f32 v55, v11;
	v55 =	vmul.f32 v58, v18;
	v27 =	vld.idx.msk [tilespmem:v8+s19+$0x20 ss:$0x1], $0xffff;
	[tilespmem:$0x1FF10] =	vst v1  }
0x94: {  	v53 =	vadd.f32 v47, v24;
	v26 =	vmul.f32 v26, v0;
	[tilespmem:v8+s1+$0x20 ss:$0x1] =	vst.idx.msk $0xffff, v39  }
0x95: {  	v54 =	vmul.f32 v57, v17;
	v52 =	vmul.f32 v56, v23;
	v56 =	vld.idx.msk [tilespmem:v8+s19+$0x30 ss:$0x1], $0xffff;
	[tilespmem:$0x1FF20] =	vst v3  }
0x96: {  	v41 =	vmul.f32 v41, v1;
	v58 =	vadd.f32 v49, v26;
	[tilespmem:v8+s1+$0x30 ss:$0x1] =	vst.idx.msk $0xffff, v53  }
0x97: {  	v57 =	vmul.f32 v59, v19;
	v42 =	vmul.f32 v42, v3;
	v59 =	vld.idx.msk [tilespmem:v8+s19+$0x40 ss:$0x1], $0xffff;
	[tilespmem:$0x1FF30] =	vst v5  }
0x98: {  	v41 =	vadd.f32 v50, v41;
	v43 =	vld.idx.msk [tilespmem:v8+s19+$0x50 ss:$0x1], $0xffff;
	[tilespmem:v8+s1+$0x40 ss:$0x1] =	vst.idx.msk $0xffff, v58  }
0x99: {  	v38 =	vmul.f32 v60, v5;
	v60 =	vadd.f32 v40, v42;
	v42 =	vld.idx.msk [tilespmem:v8+s19+$0x60 ss:$0x1], $0xffff;
	[tilespmem:$0x1FF40] =	vst v7  }
0x9a: {  	[tilespmem:v8+s1+$0x50 ss:$0x1] =	vst.idx.msk $0xffff, v41  }
0x9b: {  	v41 =	vld.idx.msk [tilespmem:v8+s19+$0x70 ss:$0x1], $0xffff;
	[tilespmem:$0x1FF50] =	vst v6  }
0x9c: {  	s15 =	sor.u32 s15, s28;
	v62 =	vmul.f32 v22, v7;
	v38 =	vadd.f32 v52, v38;
	[tilespmem:v8+s1+$0x60 ss:$0x1] =	vst.idx.msk $0xffff, v60  }
0x9d: {  	v61 =	vmul.f32 v48, v23;
	v18 =	vmov v16;
	v35 =	vmul.f32 v44, v11;
	v40 =	vld.idx.msk [tilespmem:v8+s15+$0x0 ss:$0x1], $0xffff;
	[tilespmem:$0x1FF60] =	vst v4  }
0x9e: {  	v16 =	vmov v14;
	v63 =	vmul.f32 v25, v6;
	v44 =	vadd.f32 v54, v62;
	[tilespmem:v8+s1+$0x70 ss:$0x1] =	vst.idx.msk $0xffff, v38  }
0x9f: {  	v14 =	vmov v12;
	v33 =	vmul.f32 v33, v23;
	v45 =	vmul.f32 v27, v4;
	v39 =	vld.idx.msk [tilespmem:v8+s15+$0x10 ss:$0x1], $0xffff;
	[tilespmem:$0x1FF70] =	vst v2  }
0xa0: {  	v12 =	vmov v9;
	v46 =	vadd.f32 v55, v63;
	v47 =	vmul.f32 v56, v2;
	[tilespmem:v8+s19+$0x0 ss:$0x1] =	vst.idx.msk $0xffff, v44  }
0xa1: {  	v11 =	vmov v10;
	v38 =	vld.idx.msk [tilespmem:v8+s15+$0x20 ss:$0x1], $0xffff;
	v44 =	vadd.f32 v57, v45;
	v45 =	vmul.f32 v59, v0;
	[tilespmem:$0x1FF80] =	vst v0  }
.LBB2_4:
0xa2: {  	v48 =	vld.idx.msk [tilespmem:v8+s15+$0x30 ss:$0x1], $0xffff  }
0xa3: {  	v20 =	vld [tilespmem:$0x1FF10]  }
0xa4: {  	v63 =	vld.idx.msk [tilespmem:v8+s15+$0x40 ss:$0x1], $0xffff  }
0xa5: {  	v22 =	vld [tilespmem:$0x1FF20]  }
0xa6: {  	v24 =	vld [tilespmem:$0x1FF30]  }
0xa7: {  	v26 =	vld [tilespmem:$0x1FF40]  }
0xa8: {  	v25 =	vld [tilespmem:$0x1FF50]  }
0xa9: {  	v23 =	vld [tilespmem:$0x1FF60]  }
0xaa: {  	v21 =	vld [tilespmem:$0x1FF70]  }
0xab: {  	v19 =	vld [tilespmem:$0x1FF80]  }
0xac: {  	v6 =	vld [tilespmem:$0x1FFE0]  }
0xad: {  	v9 =	vld [tilespmem:$0x1FFC0]  }
0xae: {  	s18 =	sadd.s32 $0x4, s18;
	v10 =	vld [tilespmem:$0x1FFB0]  }
0xaf: {  	v28 =	vld [tilespmem:$0x1FEA0];
	s1 =	sand.u32 $0xC, s18  }
0xb0: {  	v29 =	vld [tilespmem:$0x1FEB0];
	s31 =	sshll.u32 s18, $0x7;
	s1 =	sshll.u32 s1, $0x7  }
0xb1: {  	v17 =	vld [tilespmem:$0x1FEC0];
	[tilespmem:v8+s19+$0x10 ss:$0x1] =	vst.idx.msk $0xffff, v46;
	v37 =	vadd.f32 v37, v47;
	s9 =	sand.u32 $0x3FFFF800, s31;
	s12 =	sor.u32 $0x180, s1  }
0xb2: {  	v0 =	vadd.f32 v34, v45;
	v34 =	vld.idx.msk [tilespmem:v8+s15+$0x50 ss:$0x1], $0xffff;
	[tilespmem:v8+s19+$0x20 ss:$0x1] =	vst.idx.msk $0xffff, v44;
	s30 =	sor.u32 s12, s9  }
0xb3: {  	[tilespmem:v8+s19+$0x30 ss:$0x1] =	vst.idx.msk $0xffff, v37;
	v37 =	vld.idx.msk [tilespmem:v8+s30+$0x20 ss:$0x1], $0xffff  }
0xb4: {  	v45 =	vld.idx.msk [tilespmem:v8+s30+$0x40 ss:$0x1], $0xffff  }
0xb5: {  	s31 =	sand.u32 $0xFFFFF800, s31;
	v43 =	vmul.f32 v43, v20;
	v52 =	vld.idx.msk [tilespmem:v8+s30+$0x60 ss:$0x1], $0xffff  }
0xb6: {  	s31 =	sadd.s32 s17, s31;
	v42 =	vmul.f32 v42, v22;
	v56 =	vld.idx.msk [tilespmem:v8+s30+$0x70 ss:$0x1], $0xffff  }
0xb7: {  	s12 =	sadd.s32 s12, s31;
	v41 =	vmul.f32 v41, v24;
	v1 =	vadd.f32 v36, v43;
	v36 =	vld.idx.msk [tilespmem:v8+s15+$0x60 ss:$0x1], $0xffff  }
0xb8: {  	v40 =	vmul.f32 v40, v26;
	v3 =	vor.u32 s12, v16;
	v42 =	vadd.f32 v35, v42;
	v35 =	vld.idx.msk [tilespmem:v8+s15+$0x70 ss:$0x1], $0xffff  }
0xb9: {  	v27 =	vor.u32 s12, v11;
	v2 =	vadd.f32 v33, v41;
	v41 =	vld.idx.msk [tilespmem:v8+s30+$0x0 ss:$0x1], $0xffff  }
0xba: {  	[tilespmem:v8+s19+$0x40 ss:$0x1] =	vst.idx.msk $0xffff, v0;
	v49 =	vor.u32 s12, v12;
	v32 =	vadd.f32 v32, v40;
	v40 =	vld.idx.msk [tilespmem:v8+s30+$0x10 ss:$0x1], $0xffff  }
0xbb: {  	v53 =	vor.u32 s12, v6;
	v33 =	vmul.f32 v48, v21;
	v48 =	vld.idx.msk [tilespmem:v8+s30+$0x50 ss:$0x1], $0xffff;
	[tilespmem:v8+s19+$0x50 ss:$0x1] =	vst.idx.msk $0xffff, v1  }
0xbc: {  	v57 =	vor.u32 s12, v14;
	[tilespmem:v8+s19+$0x60 ss:$0x1] =	vst.idx.msk $0xffff, v42;
	v42 =	vld.idx.msk [tilespmem:v8+s30+$0x30 ss:$0x1], $0xffff  }
0xbd: {  	s11 =	sor.u32 $0x80, s1;
	v60 =	vor.u32 s12, v9;
	v43 =	vld.idx.msk [tilespmem:v3+s4+$0x0], $0xffff  }
0xbe: {  	s28 =	sor.u32 s11, s9;
	s11 =	sadd.s32 s11, s31;
	v38 =	vmul.f32 v38, v23;
	v46 =	vld.idx.msk [tilespmem:v27+s4+$0x0], $0xffff  }
0xbf: {  	v39 =	vmul.f32 v39, v25;
	v0 =	vor.u32 s11, v10;
	v49 =	vld.idx.msk [tilespmem:v49+s4+$0x0], $0xffff  }
0xc0: {  	s13 =	sor.u32 $0x100, s1;
	s29 =	sor.u32 s1, s9;
	s1 =	sadd.s32 s1, s31;
	v30 =	vadd.f32 v30, v38;
	v38 =	vmul.f32 v63, v19;
	v63 =	vor.u32 s12, v10;
	v53 =	vld.idx.msk [tilespmem:v53+s4+$0x0], $0xffff  }
0xc1: {  	s31 =	sadd.s32 s13, s31;
	v31 =	vadd.f32 v31, v39;
	v39 =	vor.u32 s1, v11;
	v57 =	vld.idx.msk [tilespmem:v57+s4+$0x0], $0xffff  }
0xc2: {  	v4 =	vor.u32 s31, v11;
	v60 =	vld.idx.msk [tilespmem:v60+s4+$0x0], $0xffff  }
0xc3: {  	v44 =	vor.u32 s1, v6;
	v5 =	vor.u32 s31, v12;
	[tilespmem:v8+s15+$0x0 ss:$0x1] =	vst.idx.msk $0xffff, v32;
	v27 =	vld [tilespmem:$0x1FE90]  }
0xc4: {  	v59 =	vor.u32 s11, v6;
	v6 =	vor.u32 s31, v6;
	[tilespmem:v8+s15+$0x10 ss:$0x1] =	vst.idx.msk $0xffff, v31;
	v0 =	vld.idx.msk [tilespmem:v0+s4+$0x0], $0xffff  }
0xc5: {  	v47 =	vor.u32 s1, v9;
	v7 =	vor.u32 s31, v14;
	[tilespmem:v8+s15+$0x20 ss:$0x1] =	vst.idx.msk $0xffff, v30;
	v63 =	vld.idx.msk [tilespmem:v63+s4+$0x0], $0xffff  }
0xc6: {  	v62 =	vor.u32 s11, v9;
	v9 =	vor.u32 s31, v9;
	[tilespmem:v8+s19+$0x70 ss:$0x1] =	vst.idx.msk $0xffff, v2;
	v39 =	vld.idx.msk [tilespmem:v39+s4+$0x0], $0xffff  }
0xc7: {  	v50 =	vor.u32 s1, v10;
	v10 =	vor.u32 s31, v10;
	v4 =	vld.idx.msk [tilespmem:v4+s4+$0x0], $0xffff  }
0xc8: {  	v32 =	vor.u32 s1, v16;
	v5 =	vld.idx.msk [tilespmem:v5+s4+$0x0], $0xffff  }
0xc9: {  	v1 =	vor.u32 s11, v18;
	v6 =	vld.idx.msk [tilespmem:v6+s4+$0x0], $0xffff  }
0xca: {  	v3 =	vor.u32 s31, v16;
	v7 =	vld.idx.msk [tilespmem:v7+s4+$0x0], $0xffff  }
0xcb: {  	v2 =	vor.u32 s12, v18;
	v9 =	vld.idx.msk [tilespmem:v9+s4+$0x0], $0xffff  }
0xcc: {  	v10 =	vld.idx.msk [tilespmem:v10+s4+$0x0], $0xffff  }
0xcd: {  	v31 =	vor.u32 s1, v12;
	v37 =	vmul.f32 v37, v23;
	v41 =	vmul.f32 v41, v26;
	v32 =	vld.idx.msk [tilespmem:v32+s4+$0x0], $0xffff  }
0xce: {  	v40 =	vmul.f32 v40, v25;
	v1 =	vld.idx.msk [tilespmem:v1+s4+$0x0], $0xffff;
	v43 =	vmul.f32 v43, v27  }
0xcf: {  	v30 =	vor.u32 s1, v14;
	v42 =	vmul.f32 v42, v21;
	v46 =	vmul.f32 v46, v28;
	v3 =	vld.idx.msk [tilespmem:v3+s4+$0x0], $0xffff  }
0xd0: {  	v2 =	vld.idx.msk [tilespmem:v2+s4+$0x0], $0xffff;
	v41 =	vadd.f32 v43, v41;
	v43 =	vmul.f32 v49, v29;
	v49 =	vmul.f32 v52, v22  }
0xd1: {  	v40 =	vadd.f32 v46, v40;
	v46 =	vmul.f32 v53, v17;
	v52 =	vmul.f32 v56, v24;
	v56 =	vld [tilespmem:$0x1FED0]  }
0xd2: {  	v55 =	vor.u32 s11, v11;
	v37 =	vadd.f32 v43, v37;
	v43 =	vld.idx.msk [tilespmem:v31+s4+$0x0], $0xffff  }
0xd3: {  	v31 =	vadd.f32 v46, v42;
	v46 =	vld [tilespmem:$0x1FEE0]  }
0xd4: {  	v42 =	vld.idx.msk [tilespmem:v44+s4+$0x0], $0xffff  }
0xd5: {  	v54 =	vor.u32 s11, v16;
	[tilespmem:v8+s30+$0x0 ss:$0x1] =	vst.idx.msk $0xffff, v41;
	v44 =	vld.idx.msk [tilespmem:v30+s4+$0x0], $0xffff  }
0xd6: {  	v45 =	vmul.f32 v45, v19;
	[tilespmem:v8+s30+$0x10 ss:$0x1] =	vst.idx.msk $0xffff, v40;
	v40 =	vld.idx.msk [tilespmem:v47+s4+$0x0], $0xffff;
	v41 =	vmul.f32 v57, v56  }
0xd7: {  	v47 =	vld.idx.msk [tilespmem:v55+s4+$0x0], $0xffff  }
0xd8: {  	v57 =	vmul.f32 v60, v46;
	v60 =	vadd.f32 v41, v45;
	v45 =	vld [tilespmem:$0x1FEF0]  }
0xd9: {  	v51 =	vor.u32 s1, v18;
	v48 =	vmul.f32 v48, v20;
	v55 =	vld.idx.msk [tilespmem:v59+s4+$0x0], $0xffff  }
0xda: {  	[tilespmem:v8+s30+$0x20 ss:$0x1] =	vst.idx.msk $0xffff, v37;
	v37 =	vld.idx.msk [tilespmem:v54+s4+$0x0], $0xffff  }
0xdb: {  	v36 =	vmul.f32 v36, v22;
	v30 =	vadd.f32 v57, v48;
	v48 =	vld [tilespmem:$0x1FF00]  }
0xdc: {  	v58 =	vor.u32 s11, v12;
	v34 =	vmul.f32 v34, v20;
	v54 =	vld [tilespmem:$0x1FE80]  }
0xdd: {  	v36 =	vadd.f32 v13, v36;
	[tilespmem:v8+s30+$0x30 ss:$0x1] =	vst.idx.msk $0xffff, v31;
	v57 =	vld.idx.msk [tilespmem:v50+s4+$0x0], $0xffff;
	v63 =	vmul.f32 v63, v45  }
0xde: {  	v15 =	vor.u32 s11, v14;
	v53 =	vor.u32 s31, v18;
	v4 =	vmul.f32 v4, v28;
	[tilespmem:v8+s30+$0x40 ss:$0x1] =	vst.idx.msk $0xffff, v60;
	v60 =	vld.idx.msk [tilespmem:v51+s4+$0x0], $0xffff  }
0xdf: {  	v5 =	vmul.f32 v5, v29;
	v50 =	vld [tilespmem:$0x1FE70];
	v59 =	vmul.f32 v37, v27;
	v49 =	vadd.f32 v63, v49  }
0xe0: {  	v37 =	vmul.f32 v6, v17;
	v6 =	vld.idx.msk [tilespmem:v8+s28+$0x20 ss:$0x1], $0xffff;
	[tilespmem:v8+s30+$0x50 ss:$0x1] =	vst.idx.msk $0xffff, v30;
	v2 =	vmul.f32 v2, v48  }
0xe1: {  	v32 =	vmul.f32 v32, v27;
	v51 =	vmul.f32 v44, v56;
	[tilespmem:v8+s30+$0x60 ss:$0x1] =	vst.idx.msk $0xffff, v49;
	v49 =	vld [tilespmem:$0x1FE60]  }
0xe2: {  	v3 =	vmul.f32 v3, v27;
	v40 =	vmul.f32 v40, v46;
	v2 =	vadd.f32 v2, v52;
	v52 =	vld.idx.msk [tilespmem:v58+s4+$0x0], $0xffff  }
0xe3: {  	v31 =	vmul.f32 v39, v28;
	v42 =	vmul.f32 v42, v17;
	[tilespmem:$0x1FE70] =	vst v51;
	v51 =	vld.idx.msk [tilespmem:v8+s28+$0x0 ss:$0x1], $0xffff  }
0xe4: {  	v34 =	vadd.f32 v54, v34;
	[tilespmem:$0x1FE80] =	vst v40;
	v13 =	vmul.f32 v57, v45;
	v57 =	vld.idx.msk [tilespmem:v15+s4+$0x0], $0xffff  }
0xe5: {  	v40 =	vmul.f32 v55, v17;
	v30 =	vmul.f32 v43, v29;
	v38 =	vadd.f32 v50, v38;
	v50 =	vld.idx.msk [tilespmem:v53+s4+$0x0], $0xffff  }
0xe6: {  	v0 =	vmul.f32 v0, v45;
	v63 =	vmul.f32 v35, v24;
	v58 =	vld.idx.msk [tilespmem:v62+s4+$0x0], $0xffff;
	v33 =	vadd.f32 v49, v33  }
0xe7: {  	s9 =	sor.u32 s13, s9;
	v1 =	vmul.f32 v1, v48;
	[tilespmem:v8+s30+$0x70 ss:$0x1] =	vst.idx.msk $0xffff, v2;
	v62 =	vmul.f32 v52, v29;
	v52 =	vld.idx.msk [tilespmem:v8+s28+$0x10 ss:$0x1], $0xffff  }
0xe8: {  	s19 =	smov.u32 s9;
	v35 =	vmul.f32 v10, v45;
	v10 =	vld.idx.msk [tilespmem:v8+s28+$0x50 ss:$0x1], $0xffff;
	v6 =	vmul.f32 v6, v23;
	[tilespmem:v8+s15+$0x30 ss:$0x1] =	vst.idx.msk $0xffff, v33  }
0xe9: {  	v55 =	vld.idx.msk [tilespmem:v8+s19+$0x0 ss:$0x1], $0xffff;
	v43 =	vmul.f32 v51, v26;
	v2 =	vadd.f32 v61, v63;
	[tilespmem:v8+s15+$0x40 ss:$0x1] =	vst.idx.msk $0xffff, v38  }
0xea: {  	v61 =	vmul.f32 v60, v48;
	[tilespmem:v8+s15+$0x50 ss:$0x1] =	vst.idx.msk $0xffff, v34;
	v34 =	vmul.f32 v7, v56;
	v7 =	vld.idx.msk [tilespmem:v8+s28+$0x30 ss:$0x1], $0xffff  }
0xeb: {  	v60 =	vmul.f32 v47, v28;
	[tilespmem:v8+s15+$0x60 ss:$0x1] =	vst.idx.msk $0xffff, v36;
	v36 =	vmul.f32 v9, v46;
	v9 =	vld.idx.msk [tilespmem:v8+s28+$0x40 ss:$0x1], $0xffff  }
0xec: {  	v54 =	vld.idx.msk [tilespmem:v8+s28+$0x70 ss:$0x1], $0xffff;
	v39 =	vadd.f32 v59, v43;
	v63 =	vmul.f32 v57, v56;
	v44 =	vmul.f32 v52, v25  }
0xed: {  	v53 =	vld.idx.msk [tilespmem:v8+s28+$0x60 ss:$0x1], $0xffff;
	[tilespmem:$0x1FE60] =	vst v42;
	v10 =	vmul.f32 v10, v20;
	v33 =	vmul.f32 v50, v48  }
0xee: {  	v59 =	vld.idx.msk [tilespmem:v8+s19+$0x40 ss:$0x1], $0xffff;
	[tilespmem:v8+s28+$0x0 ss:$0x1] =	vst.idx.msk $0xffff, v39;
	v41 =	vadd.f32 v60, v44;
	v60 =	vmul.f32 v55, v26  }
0xef: {  	v56 =	vld.idx.msk [tilespmem:v8+s19+$0x10 ss:$0x1], $0xffff;
	[tilespmem:v8+s15+$0x70 ss:$0x1] =	vst.idx.msk $0xffff, v2;
	v2 =	vadd.f32 v62, v6;
	v7 =	vmul.f32 v7, v21  }
0xf0: {  	[tilespmem:v8+s28+$0x10 ss:$0x1] =	vst.idx.msk $0xffff, v41;
	v62 =	vadd.f32 v3, v60;
	v6 =	vmul.f32 v9, v19;
	v9 =	vld.idx.msk [tilespmem:v8+s19+$0x20 ss:$0x1], $0xffff  }
0xf1: {  	v57 =	vld.idx.msk [tilespmem:v8+s19+$0x30 ss:$0x1], $0xffff;
	v38 =	vmul.f32 v58, v46;
	[tilespmem:v8+s28+$0x20 ss:$0x1] =	vst.idx.msk $0xffff, v2;
	v7 =	vadd.f32 v40, v7  }
0xf2: {  	p1 =	slt.u32 s18, $0x1C;
	v42 =	vld.idx.msk [tilespmem:v8+s19+$0x60 ss:$0x1], $0xffff;
	[tilespmem:v8+s19+$0x0 ss:$0x1] =	vst.idx.msk $0xffff, v62;
	v58 =	vadd.f32 v63, v6;
	v6 =	vmul.f32 v53, v22  }
.Ltmp0:
0xf3: {  	v43 =	vld.idx.msk [tilespmem:v8+s19+$0x50 ss:$0x1], $0xffff;
	s15 =	smov.u32 s29;
	[tilespmem:v8+s28+$0x30 ss:$0x1] =	vst.idx.msk $0xffff, v7;
	v7 =	vadd.f32 v38, v10;
	v10 =	vmul.f32 v54, v24;
	(pc) =	sbr.rel @p1 .LBB2_4-.Ltmp0, $4  }
0xf4: {  	v39 =	vld.idx.msk [tilespmem:v8+s15+$0x10 ss:$0x1], $0xffff;
	[tilespmem:v8+s28+$0x40 ss:$0x1] =	vst.idx.msk $0xffff, v58;
	v0 =	vadd.f32 v0, v6;
	v6 =	vmul.f32 v56, v25  }
0xf5: {  	v41 =	vld.idx.msk [tilespmem:v8+s19+$0x70 ss:$0x1], $0xffff;
	[tilespmem:v8+s28+$0x50 ss:$0x1] =	vst.idx.msk $0xffff, v7;
	v1 =	vadd.f32 v1, v10;
	v63 =	vmul.f32 v9, v23  }
0xf6: {  	v45 =	vmul.f32 v59, v19;
	v47 =	vmul.f32 v57, v21;
	v40 =	vld.idx.msk [tilespmem:v8+s15+$0x0 ss:$0x1], $0xffff;
	[tilespmem:v8+s28+$0x60 ss:$0x1] =	vst.idx.msk $0xffff, v0  }
0xf7: {  	v38 =	vld.idx.msk [tilespmem:v8+s15+$0x20 ss:$0x1], $0xffff;
	v46 =	vadd.f32 v4, v6;
	[tilespmem:v8+s28+$0x70 ss:$0x1] =	vst.idx.msk $0xffff, v1;
	v44 =	vadd.f32 v5, v63  }
0xf8: {  	_ =	sdelay $0x3  }
0xf9: {  	[tilespmem:v8+s19+$0x10 ss:$0x1] =	vst.idx.msk $0xffff, v46  }
0xfa: {  	v19 =	vld [tilespmem:$0x1FF10];
	_ =	sdelay $0x3  }
0xfb: {  	v0 =	vadd.f32 v37, v47  }
0xfc: {  	[tilespmem:v8+s19+$0x20 ss:$0x1] =	vst.idx.msk $0xffff, v44;
	v1 =	vmul.f32 v43, v19  }
0xfd: {  	v3 =	vadd.f32 v34, v45;
	v20 =	vld [tilespmem:$0x1FF20];
	[tilespmem:v8+s19+$0x30 ss:$0x1] =	vst.idx.msk $0xffff, v0  }
0xfe: {  	v21 =	vld [tilespmem:$0x1FF30];
	v50 =	vadd.f32 v36, v1  }
0xff: {  	v7 =	vld [tilespmem:$0x1FF40];
	[tilespmem:v8+s19+$0x40 ss:$0x1] =	vst.idx.msk $0xffff, v3  }
0x100: {  	v9 =	vld [tilespmem:$0x1FF50];
	[tilespmem:v8+s19+$0x50 ss:$0x1] =	vst.idx.msk $0xffff, v50  }
0x101: {  	v10 =	vld [tilespmem:$0x1FF60]  }
0x102: {  	v4 =	vmul.f32 v42, v20  }
0x103: {  	v2 =	vld.idx.msk [tilespmem:v8+s15+$0x30 ss:$0x1], $0xffff;
	v51 =	vmul.f32 v41, v21  }
0x104: {  	v5 =	vld.idx.msk [tilespmem:v8+s15+$0x40 ss:$0x1], $0xffff;
	v7 =	vmul.f32 v40, v7;
	v52 =	vadd.f32 v35, v4  }
0x105: {  	v6 =	vld.idx.msk [tilespmem:v8+s15+$0x50 ss:$0x1], $0xffff;
	v9 =	vmul.f32 v39, v9;
	v54 =	vadd.f32 v33, v51  }
0x106: {  	v53 =	vld.idx.msk [tilespmem:v8+s15+$0x60 ss:$0x1], $0xffff;
	v7 =	vadd.f32 v32, v7;
	[tilespmem:v8+s19+$0x60 ss:$0x1] =	vst.idx.msk $0xffff, v52;
	v10 =	vmul.f32 v38, v10  }
0x107: {  	v56 =	vadd.f32 v31, v9;
	v9 =	vld [tilespmem:$0x1FF70];
	[tilespmem:v8+s19+$0x70 ss:$0x1] =	vst.idx.msk $0xffff, v54  }
0x108: {  	v55 =	vld.idx.msk [tilespmem:v8+s15+$0x70 ss:$0x1], $0xffff;
	[tilespmem:v8+s15+$0x0 ss:$0x1] =	vst.idx.msk $0xffff, v7;
	v57 =	vadd.f32 v30, v10  }
0x109: {  	v7 =	vld [tilespmem:$0x1FF80];
	[tilespmem:v8+s15+$0x10 ss:$0x1] =	vst.idx.msk $0xffff, v56  }
0x10a: {  	v59 =	vld [tilespmem:$0x1FE60];
	[tilespmem:v8+s15+$0x20 ss:$0x1] =	vst.idx.msk $0xffff, v57  }
0x10b: {  	v62 =	vld [tilespmem:$0x1FE70]  }
0x10c: {  	v63 =	vld [tilespmem:$0x1FE80]  }
0x10d: {  	v2 =	vmul.f32 v2, v9  }
0x10e: {  	v5 =	vmul.f32 v5, v7  }
0x10f: {  	v58 =	vmul.f32 v6, v19;
	v2 =	vadd.f32 v59, v2  }
0x110: {  	v60 =	vmul.f32 v53, v20;
	v4 =	vadd.f32 v62, v5  }
0x111: {  	v1 =	vmul.f32 v55, v21;
	[tilespmem:v8+s15+$0x30 ss:$0x1] =	vst.idx.msk $0xffff, v2;
	v3 =	vadd.f32 v63, v58  }
0x112: {  	s14 =	sadd.s32 $0x1, s14;
	v0 =	vadd.f32 v13, v60;
	[tilespmem:v8+s15+$0x40 ss:$0x1] =	vst.idx.msk $0xffff, v4  }
0x113: {  	p1 =	sne.s32 s14, $0x4;
	v1 =	vadd.f32 v61, v1;
	[tilespmem:v8+s15+$0x50 ss:$0x1] =	vst.idx.msk $0xffff, v3  }
.Ltmp1:
0x114: {  	[tilespmem:v8+s15+$0x60 ss:$0x1] =	vst.idx.msk $0xffff, v0;
	(pc) =	sbr.rel @p1 .LBB2_3-.Ltmp1, $4  }
0x115: {  	[tilespmem:v8+s15+$0x70 ss:$0x1] =	vst.idx.msk $0xffff, v1  }
0x116: {  	v24 =	vld [tilespmem:$0x1FFE0]  }
0x117: {  	v13 =	vld [tilespmem:$0x1FFC0]  }
0x118: {  	v9 =	vmovc v12;
	v12 =	vmovc v14;
	v14 =	vmov v16;
	v16 =	vmov v18;
	v10 =	vmov v11;
	v15 =	vld [tilespmem:$0x1FFB0]  }
0x119: {  	s1 =	sadd.s32 s5, s7  }
0x11a: {  	s0 =	rddreg [dreg:$0x3];
	s1 =	sshll.u32 s1, $0x9  }
0x11b: {  	s1 =	sadd.s32 s0, s1  }
0x11c: {  	[hbm4b:s1+s4] =	stream.linear.scatter [tilespmem:s4], [sflag:$0x5], $0x4000, $0x38;
	[tilespmem:$0x18000] =	vst v63  }
0x11d: {  	s1 =	simm.s32 @!p0 $0x8  }
0x11e: {  	s14 =	sor.u32 $0x3, s6;
	_ =	swait.ge @!p0 [sflag:s1], $0x4000  }
0x11f: {  	s6 =	sshll.u32 s14, $0xB;
	[sflag:s1] =	ssyncset.done @!p0 $0x0  }
0x120: {  	s31 =	sadd.s32 s6, s8;
	s6 =	simm.s32 $0x0;
	[sflag:s1] =	ssyncadd.s32 @!p0 $0xFFFFC000  }
0x121: {  	[tilespmem:s23], [sflag:$0x4] =	stream.linear.gather [hbm4b:s31+s6], $0x4000, $0x38;
	[tilespmem:$0x18000] =	vst v63  }
0x122: {  	_ =	swait.ge [sflag:s24], $0x4000  }
0x123: {  	[sflag:s24] =	ssyncset.done $0x0  }
0x124: {  	s7 =	sor.u32 $0x4, s7;
	[sflag:s24] =	ssyncadd.s32 $0xFFFFC000  }
.LBB2_7:
0x125: {  	s1 =	sor.u32 s7, s6  }
0x126: {  	s1 =	sshll.u32 s1, $0x7  }
0x127: {  	v18 =	vld [tilespmem:s1+$0x10000]  }
0x128: {  	v58 =	vld [tilespmem:s1+$0x14000]  }
0x129: {  	v22 =	vld [tilespmem:s1+$0x10010]  }
0x12a: {  	v59 =	vld [tilespmem:s1+$0x14010]  }
0x12b: {  	v20 =	vld [tilespmem:s1+$0x10020]  }
0x12c: {  	v60 =	vld [tilespmem:s1+$0x14020]  }
0x12d: {  	v19 =	vld [tilespmem:s1+$0x10030]  }
0x12e: {  	v61 =	vld [tilespmem:s1+$0x14030]  }
0x12f: {  	v21 =	vld [tilespmem:s1+$0x10040]  }
0x130: {  	v62 =	vld [tilespmem:s1+$0x14040]  }
0x131: {  	s17 =	sshll.u32 s6, $0xC;
	v56 =	vld [tilespmem:s1+$0x10050]  }
0x132: {  	s18 =	simm.s32 $0x0;
	v8 =	vmov s17;
	v63 =	vld [tilespmem:s1+$0x14050]  }
0x133: {  	s11 =	simm.s32 $0x0;
	s9 =	sand.u32 $0xC, s18;
	v57 =	vld [tilespmem:s1+$0x10060]  }
0x134: {  	s12 =	sand.u32 $0x3FFFF800, s11;
	v11 =	vld [tilespmem:s1+$0x14060];
	s15 =	sshll.u32 s9, $0x7  }
0x135: {  	v23 =	vld [tilespmem:s1+$0x10070];
	s19 =	sadd.s32 $0x4000, s12;
	s9 =	sor.u32 $0x180, s15  }
0x136: {  	v17 =	vmov v16;
	v16 =	vld [tilespmem:s1+$0x14070];
	s28 =	sor.u32 s9, s19  }
0x137: {  	s11 =	sand.u32 $0xFFFFF800, s11;
	v0 =	vld.idx.msk [tilespmem:v8+s28+$0x0 ss:$0x1], $0xffff  }
0x138: {  	s1 =	sadd.s32 s17, s11;
	v1 =	vld.idx.msk [tilespmem:v8+s28+$0x10 ss:$0x1], $0xffff  }
0x139: {  	s12 =	sadd.s32 s15, s1;
	v2 =	vld.idx.msk [tilespmem:v8+s28+$0x20 ss:$0x1], $0xffff  }
0x13a: {  	v33 =	vor.u32 s12, v14;
	v3 =	vld.idx.msk [tilespmem:v8+s28+$0x30 ss:$0x1], $0xffff  }
0x13b: {  	v34 =	vor.u32 s12, v10;
	v5 =	vld.idx.msk [tilespmem:v8+s28+$0x40 ss:$0x1], $0xffff  }
0x13c: {  	v35 =	vor.u32 s12, v9;
	v7 =	vld.idx.msk [tilespmem:v8+s28+$0x50 ss:$0x1], $0xffff  }
0x13d: {  	v36 =	vor.u32 s12, v24;
	v26 =	vld.idx.msk [tilespmem:v8+s28+$0x60 ss:$0x1], $0xffff  }
0x13e: {  	v37 =	vor.u32 s12, v12;
	v28 =	vld.idx.msk [tilespmem:v8+s28+$0x70 ss:$0x1], $0xffff  }
0x13f: {  	v38 =	vor.u32 s12, v13;
	v33 =	vld.idx.msk [tilespmem:v33+s20+$0x0], $0xffff  }
0x140: {  	v39 =	vor.u32 s12, v15;
	v34 =	vld.idx.msk [tilespmem:v34+s20+$0x0], $0xffff  }
0x141: {  	s9 =	sadd.s32 s9, s1;
	v40 =	vor.u32 s12, v17;
	v35 =	vld.idx.msk [tilespmem:v35+s20+$0x0], $0xffff  }
0x142: {  	v4 =	vor.u32 s9, v14;
	v36 =	vld.idx.msk [tilespmem:v36+s20+$0x0], $0xffff  }
0x143: {  	v6 =	vor.u32 s9, v10;
	v37 =	vld.idx.msk [tilespmem:v37+s20+$0x0], $0xffff  }
0x144: {  	v25 =	vor.u32 s9, v9;
	v38 =	vld.idx.msk [tilespmem:v38+s20+$0x0], $0xffff  }
0x145: {  	v27 =	vor.u32 s9, v24;
	v39 =	vld.idx.msk [tilespmem:v39+s20+$0x0], $0xffff  }
0x146: {  	v29 =	vor.u32 s9, v12;
	v40 =	vld.idx.msk [tilespmem:v40+s20+$0x0], $0xffff  }
0x147: {  	v30 =	vor.u32 s9, v13;
	v4 =	vld.idx.msk [tilespmem:v4+s20+$0x0], $0xffff  }
0x148: {  	s30 =	sor.u32 $0x80, s15;
	v31 =	vor.u32 s9, v15;
	v6 =	vld.idx.msk [tilespmem:v6+s20+$0x0], $0xffff  }
0x149: {  	s13 =	sadd.s32 s30, s1;
	v32 =	vor.u32 s9, v17;
	v25 =	vld.idx.msk [tilespmem:v25+s20+$0x0], $0xffff  }
0x14a: {  	v41 =	vor.u32 s13, v14;
	v27 =	vld.idx.msk [tilespmem:v27+s20+$0x0], $0xffff  }
0x14b: {  	v42 =	vor.u32 s13, v10;
	v29 =	vld.idx.msk [tilespmem:v29+s20+$0x0], $0xffff  }
0x14c: {  	v43 =	vor.u32 s13, v9;
	v30 =	vld.idx.msk [tilespmem:v30+s20+$0x0], $0xffff  }
0x14d: {  	v44 =	vor.u32 s13, v24;
	v31 =	vld.idx.msk [tilespmem:v31+s20+$0x0], $0xffff  }
0x14e: {  	v45 =	vor.u32 s13, v12;
	v32 =	vld.idx.msk [tilespmem:v32+s20+$0x0], $0xffff  }
0x14f: {  	s29 =	sor.u32 $0x100, s15;
	v46 =	vor.u32 s13, v13;
	v41 =	vld.idx.msk [tilespmem:v41+s20+$0x0], $0xffff  }
0x150: {  	s1 =	sadd.s32 s29, s1;
	v47 =	vor.u32 s13, v15;
	v42 =	vld.idx.msk [tilespmem:v42+s20+$0x0], $0xffff  }
0x151: {  	v52 =	vor.u32 s1, v24;
	v43 =	vld.idx.msk [tilespmem:v43+s20+$0x0], $0xffff  }
0x152: {  	v53 =	vor.u32 s1, v12;
	v44 =	vld.idx.msk [tilespmem:v44+s20+$0x0], $0xffff  }
0x153: {  	v51 =	vor.u32 s1, v9;
	v45 =	vld.idx.msk [tilespmem:v45+s20+$0x0], $0xffff  }
0x154: {  	v48 =	vor.u32 s13, v17;
	v46 =	vld.idx.msk [tilespmem:v46+s20+$0x0], $0xffff  }
0x155: {  	v49 =	vor.u32 s1, v14;
	v50 =	vor.u32 s1, v10;
	v47 =	vld.idx.msk [tilespmem:v47+s20+$0x0], $0xffff  }
0x156: {  	v54 =	vor.u32 s1, v13;
	v14 =	vld.idx.msk [tilespmem:v52+s20+$0x0], $0xffff;
	v0 =	vmul.f32 v0, v18;
	v1 =	vmul.f32 v1, v22  }
0x157: {  	v55 =	vor.u32 s1, v15;
	v53 =	vld.idx.msk [tilespmem:v53+s20+$0x0], $0xffff;
	v4 =	vmul.f32 v4, v58;
	v6 =	vmul.f32 v6, v59  }
0x158: {  	v15 =	vor.u32 s1, v17;
	v17 =	vmul.f32 v29, v62;
	v29 =	vmul.f32 v30, v63;
	v30 =	vld.idx.msk [tilespmem:v51+s20+$0x0], $0xffff  }
0x159: {  	v2 =	vmul.f32 v2, v20;
	v3 =	vmul.f32 v3, v19;
	v0 =	vadd.f32 v4, v0;
	v4 =	vld.idx.msk [tilespmem:v48+s20+$0x0], $0xffff  }
0x15a: {  	v25 =	vmul.f32 v25, v60;
	v27 =	vmul.f32 v27, v61;
	v1 =	vadd.f32 v6, v1;
	v6 =	vld.idx.msk [tilespmem:v49+s20+$0x0], $0xffff  }
0x15b: {  	v5 =	vmul.f32 v5, v21;
	v7 =	vmul.f32 v7, v56;
	v49 =	vld.idx.msk [tilespmem:v50+s20+$0x0], $0xffff  }
0x15c: {  	v2 =	vadd.f32 v25, v2;
	v3 =	vadd.f32 v27, v3;
	v27 =	vld.idx.msk [tilespmem:v54+s20+$0x0], $0xffff;
	[tilespmem:v8+s28+$0x0 ss:$0x1] =	vst.idx.msk $0xffff, v0  }
0x15d: {  	s31 =	sor.u32 s15, s19;
	v54 =	vld.idx.msk [tilespmem:v55+s20+$0x0], $0xffff;
	[tilespmem:v8+s28+$0x10 ss:$0x1] =	vst.idx.msk $0xffff, v1  }
0x15e: {  	v7 =	vadd.f32 v29, v7;
	v29 =	vld.idx.msk [tilespmem:v8+s31+$0x10 ss:$0x1], $0xffff;
	v0 =	vadd.f32 v17, v5;
	[tilespmem:v8+s28+$0x20 ss:$0x1] =	vst.idx.msk $0xffff, v2  }
0x15f: {  	v5 =	vmul.f32 v39, v11;
	v39 =	vmul.f32 v40, v16;
	v40 =	vld.idx.msk [tilespmem:v15+s20+$0x0], $0xffff;
	[tilespmem:v8+s28+$0x30 ss:$0x1] =	vst.idx.msk $0xffff, v3  }
0x160: {  	v26 =	vmul.f32 v26, v57;
	v15 =	vld.idx.msk [tilespmem:v8+s31+$0x0 ss:$0x1], $0xffff;
	[tilespmem:v8+s28+$0x40 ss:$0x1] =	vst.idx.msk $0xffff, v0  }
0x161: {  	v28 =	vmul.f32 v28, v23;
	v25 =	vmul.f32 v31, v11;
	v17 =	vld.idx.msk [tilespmem:v8+s31+$0x20 ss:$0x1], $0xffff;
	[tilespmem:v8+s28+$0x50 ss:$0x1] =	vst.idx.msk $0xffff, v7  }
0x162: {  	v1 =	vmul.f32 v33, v58;
	v33 =	vmul.f32 v4, v16;
	v4 =	vld.idx.msk [tilespmem:v8+s31+$0x30 ss:$0x1], $0xffff;
	[tilespmem:$0x1FD10] =	vst v58  }
0x163: {  	v52 =	vmul.f32 v34, v59;
	v50 =	vmul.f32 v32, v16;
	[tilespmem:$0x1FD20] =	vst v59  }
0x164: {  	v26 =	vadd.f32 v25, v26;
	v32 =	vmul.f32 v6, v58;
	v6 =	vld.idx.msk [tilespmem:v8+s31+$0x40 ss:$0x1], $0xffff;
	[tilespmem:$0x1FD30] =	vst v60  }
0x165: {  	v13 =	vmov v57;
	v57 =	vmul.f32 v36, v61;
	v36 =	vmul.f32 v45, v62;
	[tilespmem:$0x1FD40] =	vst v61  }
0x166: {  	v25 =	vmul.f32 v14, v61;
	v7 =	vadd.f32 v50, v28;
	[tilespmem:v8+s28+$0x60 ss:$0x1] =	vst.idx.msk $0xffff, v26  }
0x167: {  	v2 =	vmul.f32 v37, v62;
	v37 =	vmul.f32 v44, v61;
	v61 =	vld.idx.msk [tilespmem:v8+s31+$0x50 ss:$0x1], $0xffff;
	[tilespmem:$0x1FD50] =	vst v62  }
0x168: {  	v3 =	vmul.f32 v41, v58;
	v41 =	vmul.f32 v15, v18;
	[tilespmem:v8+s28+$0x70 ss:$0x1] =	vst.idx.msk $0xffff, v7  }
0x169: {  	v14 =	vmul.f32 v29, v22;
	v26 =	vmul.f32 v53, v62;
	v62 =	vld.idx.msk [tilespmem:v8+s31+$0x60 ss:$0x1], $0xffff;
	[tilespmem:$0x1FD60] =	vst v63  }
0x16a: {  	s15 =	sor.u32 s30, s19;
	v12 =	vmov v56;
	v56 =	vmul.f32 v35, v60;
	v1 =	vadd.f32 v1, v41;
	v7 =	vld.idx.msk [tilespmem:v8+s31+$0x70 ss:$0x1], $0xffff;
	[tilespmem:$0x1FD70] =	vst v11  }
0x16b: {  	v0 =	vmul.f32 v17, v20;
	v17 =	vadd.f32 v52, v14;
	v15 =	vld.idx.msk [tilespmem:v8+s15+$0x0 ss:$0x1], $0xffff;
	[tilespmem:$0x1FD80] =	vst v16  }
0x16c: {  	v31 =	vmul.f32 v49, v59;
	[tilespmem:v8+s31+$0x0 ss:$0x1] =	vst.idx.msk $0xffff, v1  }
0x16d: {  	v0 =	vadd.f32 v56, v0;
	v4 =	vmul.f32 v4, v19;
	v49 =	vld.idx.msk [tilespmem:v8+s15+$0x10 ss:$0x1], $0xffff;
	[tilespmem:v8+s31+$0x10 ss:$0x1] =	vst.idx.msk $0xffff, v17  }
0x16e: {  	v50 =	vmul.f32 v6, v21;
	v6 =	vld.idx.msk [tilespmem:v8+s15+$0x20 ss:$0x1], $0xffff;
	[tilespmem:$0x1FD90] =	vst v12  }
0x16f: {  	v4 =	vadd.f32 v57, v4;
	[tilespmem:v8+s31+$0x20 ss:$0x1] =	vst.idx.msk $0xffff, v0  }
0x170: {  	v38 =	vmul.f32 v38, v63;
	v52 =	vld.idx.msk [tilespmem:v8+s15+$0x30 ss:$0x1], $0xffff;
	[tilespmem:$0x1FDA0] =	vst v13  }
0x171: {  	v51 =	vmul.f32 v61, v12;
	v53 =	vadd.f32 v2, v50;
	[tilespmem:v8+s31+$0x30 ss:$0x1] =	vst.idx.msk $0xffff, v4  }
0x172: {  	v55 =	vmul.f32 v43, v60;
	v28 =	vmul.f32 v54, v11;
	v56 =	vld.idx.msk [tilespmem:v8+s15+$0x40 ss:$0x1], $0xffff;
	[tilespmem:$0x1FDB0] =	vst v23  }
0x173: {  	v54 =	vmul.f32 v62, v13;
	v57 =	vadd.f32 v38, v51;
	v43 =	vld.idx.msk [tilespmem:v8+s15+$0x50 ss:$0x1], $0xffff;
	[tilespmem:v8+s31+$0x40 ss:$0x1] =	vst.idx.msk $0xffff, v53  }
0x174: {  	v48 =	vmul.f32 v42, v59;
	v42 =	vld.idx.msk [tilespmem:v8+s15+$0x60 ss:$0x1], $0xffff;
	[tilespmem:$0x1FDC0] =	vst v18  }
0x175: {  	v7 =	vmul.f32 v7, v23;
	v58 =	vadd.f32 v5, v54;
	[tilespmem:v8+s31+$0x50 ss:$0x1] =	vst.idx.msk $0xffff, v57  }
0x176: {  	v30 =	vmul.f32 v30, v60;
	v41 =	vld.idx.msk [tilespmem:v8+s15+$0x70 ss:$0x1], $0xffff;
	[tilespmem:$0x1FDD0] =	vst v22  }
0x177: {  	v59 =	vmul.f32 v15, v18;
	v60 =	vadd.f32 v39, v7;
	[tilespmem:v8+s31+$0x60 ss:$0x1] =	vst.idx.msk $0xffff, v58  }
0x178: {  	[tilespmem:$0x1FDE0] =	vst v20  }
0x179: {  	s19 =	sor.u32 s29, s19;
	v35 =	vmul.f32 v46, v63;
	v62 =	vadd.f32 v3, v59;
	[tilespmem:v8+s31+$0x70 ss:$0x1] =	vst.idx.msk $0xffff, v60  }
0x17a: {  	v29 =	vmul.f32 v40, v16;
	v61 =	vmul.f32 v49, v22;
	v40 =	vld.idx.msk [tilespmem:v8+s19+$0x0 ss:$0x1], $0xffff;
	[tilespmem:$0x1FDF0] =	vst v19  }
0x17b: {  	v27 =	vmul.f32 v27, v63;
	v63 =	vmul.f32 v6, v20;
	[tilespmem:v8+s15+$0x0 ss:$0x1] =	vst.idx.msk $0xffff, v62  }
0x17c: {  	v34 =	vmul.f32 v47, v11;
	v11 =	vmov v9;
	v46 =	vadd.f32 v48, v61;
	v39 =	vld.idx.msk [tilespmem:v8+s19+$0x10 ss:$0x1], $0xffff;
	[tilespmem:$0x1FE00] =	vst v21  }
0x17d: {  	v44 =	vadd.f32 v55, v63;
	v47 =	vmul.f32 v52, v19;
	v45 =	vmul.f32 v56, v21;
	v38 =	vld.idx.msk [tilespmem:v8+s19+$0x20 ss:$0x1], $0xffff  }
.LBB2_8:
0x17e: {  	v19 =	vld [tilespmem:$0x1FD90]  }
0x17f: {  	v2 =	vld.idx.msk [tilespmem:v8+s19+$0x30 ss:$0x1], $0xffff  }
0x180: {  	v22 =	vld [tilespmem:$0x1FDA0]  }
0x181: {  	v5 =	vld.idx.msk [tilespmem:v8+s19+$0x40 ss:$0x1], $0xffff  }
0x182: {  	v17 =	vld [tilespmem:$0x1FDB0]  }
0x183: {  	v24 =	vld [tilespmem:$0x1FDC0]  }
0x184: {  	v23 =	vld [tilespmem:$0x1FDD0]  }
0x185: {  	v21 =	vld [tilespmem:$0x1FDE0]  }
0x186: {  	v20 =	vld [tilespmem:$0x1FDF0]  }
0x187: {  	v18 =	vld [tilespmem:$0x1FE00]  }
0x188: {  	v9 =	vld [tilespmem:$0x1FFD0]  }
0x189: {  	s18 =	sadd.s32 $0x4, s18;
	v16 =	vld [tilespmem:$0x1FFE0]  }
0x18a: {  	v15 =	vld [tilespmem:$0x1FFF0];
	s1 =	sand.u32 $0xC, s18;
	s9 =	sshll.u32 s18, $0x7  }
0x18b: {  	v14 =	vld [tilespmem:$0x1FFC0];
	s11 =	sand.u32 $0x3FFFF800, s9;
	s1 =	sshll.u32 s1, $0x7  }
0x18c: {  	v13 =	vld [tilespmem:$0x1FFB0];
	s11 =	sadd.s32 $0x4000, s11;
	s13 =	sor.u32 $0x180, s1  }
0x18d: {  	v12 =	vld [tilespmem:$0x1FFA0];
	s9 =	sand.u32 $0xFFFFF800, s9;
	s30 =	sor.u32 s13, s11  }
0x18e: {  	s9 =	sadd.s32 s17, s9;
	v6 =	vld.idx.msk [tilespmem:v8+s30+$0x0 ss:$0x1], $0xffff  }
0x18f: {  	s13 =	sadd.s32 s13, s9;
	v7 =	vld.idx.msk [tilespmem:v8+s30+$0x10 ss:$0x1], $0xffff  }
0x190: {  	[tilespmem:v8+s15+$0x10 ss:$0x1] =	vst.idx.msk $0xffff, v46;
	v0 =	vadd.f32 v37, v47;
	v61 =	vor.u32 s13, v9;
	v37 =	vld.idx.msk [tilespmem:v8+s30+$0x40 ss:$0x1], $0xffff  }
0x191: {  	v3 =	vadd.f32 v36, v45;
	v54 =	vmul.f32 v40, v24;
	v62 =	vor.u32 s13, v10;
	v40 =	vld.idx.msk [tilespmem:v8+s30+$0x50 ss:$0x1], $0xffff  }
0x192: {  	[tilespmem:v8+s15+$0x20 ss:$0x1] =	vst.idx.msk $0xffff, v44;
	s12 =	sor.u32 $0x80, s1;
	s31 =	sor.u32 $0x100, s1;
	s28 =	sor.u32 s1, s11;
	v1 =	vmul.f32 v43, v19;
	v4 =	vmul.f32 v42, v22;
	v44 =	vld.idx.msk [tilespmem:v8+s30+$0x60 ss:$0x1], $0xffff  }
0x193: {  	s0 =	sor.u32 s12, s11;
	s29 =	sor.u32 s31, s11;
	s11 =	sadd.s32 s1, s9;
	v52 =	vmul.f32 v41, v17;
	v56 =	vmul.f32 v39, v23;
	v63 =	vor.u32 s13, v11;
	v48 =	vld.idx.msk [tilespmem:v8+s30+$0x70 ss:$0x1], $0xffff  }
0x194: {  	v58 =	vmul.f32 v38, v21;
	v36 =	vor.u32 s11, v16;
	v51 =	vadd.f32 v35, v1;
	v35 =	vld.idx.msk [tilespmem:v8+s19+$0x50 ss:$0x1], $0xffff  }
0x195: {  	[tilespmem:v8+s15+$0x30 ss:$0x1] =	vst.idx.msk $0xffff, v0;
	s12 =	sadd.s32 s12, s9;
	v39 =	vor.u32 s11, v14;
	v45 =	vor.u32 s13, v16;
	v57 =	vadd.f32 v32, v54;
	v32 =	vld.idx.msk [tilespmem:v61+s20+$0x0], $0xffff  }
0x196: {  	[tilespmem:v8+s15+$0x40 ss:$0x1] =	vst.idx.msk $0xffff, v3;
	s31 =	sadd.s32 s31, s9;
	v46 =	vor.u32 s12, v9;
	v49 =	vor.u32 s13, v15;
	v53 =	vadd.f32 v34, v4;
	v38 =	vld.idx.msk [tilespmem:v62+s20+$0x0], $0xffff  }
0x197: {  	v59 =	vadd.f32 v31, v56;
	[tilespmem:v8+s15+$0x50 ss:$0x1] =	vst.idx.msk $0xffff, v51;
	v51 =	vor.u32 s12, v16;
	v62 =	vor.u32 s31, v16;
	v16 =	vld [tilespmem:$0x1FD10]  }
0x198: {  	v55 =	vadd.f32 v33, v52;
	v4 =	vor.u32 s11, v9;
	v52 =	vor.u32 s13, v14;
	[tilespmem:v8+s19+$0x0 ss:$0x1] =	vst.idx.msk $0xffff, v57;
	v41 =	vld.idx.msk [tilespmem:v63+s20+$0x0], $0xffff  }
0x199: {  	v54 =	vor.u32 s12, v14;
	[tilespmem:v8+s19+$0x10 ss:$0x1] =	vst.idx.msk $0xffff, v59;
	v59 =	vor.u32 s31, v9;
	v9 =	vor.u32 s31, v14;
	v14 =	vld [tilespmem:$0x1FD30]  }
0x19a: {  	v3 =	vmul.f32 v5, v18;
	v5 =	vor.u32 s11, v10;
	v42 =	vor.u32 s11, v13;
	v1 =	vld.idx.msk [tilespmem:v8+s30+$0x20 ss:$0x1], $0xffff  }
0x19b: {  	v31 =	vmul.f32 v2, v20;
	v60 =	vadd.f32 v30, v58;
	v30 =	vld.idx.msk [tilespmem:v8+s30+$0x30 ss:$0x1], $0xffff;
	v2 =	vor.u32 s11, v15  }
0x19c: {  	v58 =	vor.u32 s13, v12;
	v45 =	vld.idx.msk [tilespmem:v45+s20+$0x0], $0xffff;
	v6 =	vmul.f32 v6, v24;
	v32 =	vmul.f32 v32, v16  }
0x19d: {  	[tilespmem:v8+s15+$0x60 ss:$0x1] =	vst.idx.msk $0xffff, v53;
	v53 =	vor.u32 s12, v15;
	v49 =	vld.idx.msk [tilespmem:v49+s20+$0x0], $0xffff;
	v63 =	vor.u32 s31, v15  }
0x19e: {  	v15 =	vld [tilespmem:$0x1FD20];
	[tilespmem:v8+s15+$0x70 ss:$0x1] =	vst.idx.msk $0xffff, v55;
	v55 =	vor.u32 s13, v13;
	v6 =	vadd.f32 v32, v6;
	v32 =	vmul.f32 v41, v14  }
0x19f: {  	v47 =	vor.u32 s12, v10;
	v41 =	vmul.f32 v44, v22;
	v44 =	vmul.f32 v48, v17;
	v48 =	vld [tilespmem:$0x1FD50]  }
0x1a0: {  	v56 =	vor.u32 s12, v13;
	[tilespmem:v8+s19+$0x20 ss:$0x1] =	vst.idx.msk $0xffff, v60;
	v60 =	vor.u32 s31, v10;
	v10 =	vor.u32 s31, v13;
	v13 =	vld [tilespmem:$0x1FD40]  }
0x1a1: {  	v52 =	vld.idx.msk [tilespmem:v52+s20+$0x0], $0xffff  }
0x1a2: {  	v58 =	vld.idx.msk [tilespmem:v58+s20+$0x0], $0xffff  }
0x1a3: {  	v0 =	vor.u32 s11, v11;
	v55 =	vld.idx.msk [tilespmem:v55+s20+$0x0], $0xffff  }
0x1a4: {  	[tilespmem:v8+s30+$0x0 ss:$0x1] =	vst.idx.msk $0xffff, v6;
	v6 =	vmul.f32 v49, v48;
	v49 =	vld [tilespmem:$0x1FD60]  }
0x1a5: {  	v34 =	vld.idx.msk [tilespmem:v8+s19+$0x60 ss:$0x1], $0xffff;
	v7 =	vmul.f32 v7, v23;
	v38 =	vmul.f32 v38, v15  }
0x1a6: {  	v33 =	vld.idx.msk [tilespmem:v8+s19+$0x70 ss:$0x1], $0xffff  }
0x1a7: {  	v5 =	vld.idx.msk [tilespmem:v5+s20+$0x0], $0xffff;
	v30 =	vmul.f32 v30, v20;
	v7 =	vadd.f32 v38, v7;
	v38 =	vmul.f32 v45, v13  }
0x1a8: {  	v0 =	vld.idx.msk [tilespmem:v0+s20+$0x0], $0xffff  }
0x1a9: {  	[tilespmem:v8+s30+$0x10 ss:$0x1] =	vst.idx.msk $0xffff, v7;
	v7 =	vadd.f32 v38, v30;
	v30 =	vmul.f32 v52, v49;
	v52 =	vld [tilespmem:$0x1FD70]  }
0x1aa: {  	v50 =	vor.u32 s12, v11;
	v4 =	vld.idx.msk [tilespmem:v4+s20+$0x0], $0xffff  }
0x1ab: {  	v2 =	vld.idx.msk [tilespmem:v2+s20+$0x0], $0xffff  }
0x1ac: {  	v43 =	vor.u32 s11, v12;
	v37 =	vmul.f32 v37, v18;
	v46 =	vld.idx.msk [tilespmem:v46+s20+$0x0], $0xffff  }
0x1ad: {  	v57 =	vor.u32 s12, v12;
	v25 =	vadd.f32 v25, v31;
	v1 =	vmul.f32 v1, v21;
	v47 =	vld.idx.msk [tilespmem:v47+s20+$0x0], $0xffff  }
0x1ae: {  	v45 =	vor.u32 s31, v12;
	v12 =	vadd.f32 v6, v37;
	v6 =	vmul.f32 v55, v52;
	v55 =	vld [tilespmem:$0x1FD80]  }
0x1af: {  	v3 =	vadd.f32 v26, v3;
	s15 =	smov.u32 s0;
	v26 =	vld.idx.msk [tilespmem:v50+s20+$0x0], $0xffff;
	v1 =	vadd.f32 v32, v1  }
0x1b0: {  	[tilespmem:v8+s19+$0x30 ss:$0x1] =	vst.idx.msk $0xffff, v25;
	v50 =	vld.idx.msk [tilespmem:v8+s15+$0x10 ss:$0x1], $0xffff  }
0x1b1: {  	v40 =	vmul.f32 v40, v19;
	v25 =	vld.idx.msk [tilespmem:v53+s20+$0x0], $0xffff;
	[tilespmem:v8+s30+$0x20 ss:$0x1] =	vst.idx.msk $0xffff, v1  }
0x1b2: {  	v32 =	vld.idx.msk [tilespmem:v36+s20+$0x0], $0xffff;
	[tilespmem:v8+s30+$0x30 ss:$0x1] =	vst.idx.msk $0xffff, v7  }
0x1b3: {  	[tilespmem:v8+s30+$0x40 ss:$0x1] =	vst.idx.msk $0xffff, v12;
	v12 =	vld.idx.msk [tilespmem:v8+s28+$0x10 ss:$0x1], $0xffff;
	v7 =	vadd.f32 v30, v40;
	v30 =	vmul.f32 v58, v55  }
0x1b4: {  	v40 =	vld.idx.msk [tilespmem:v39+s20+$0x0], $0xffff;
	v41 =	vadd.f32 v6, v41  }
0x1b5: {  	[tilespmem:v8+s30+$0x50 ss:$0x1] =	vst.idx.msk $0xffff, v7;
	v6 =	vld.idx.msk [tilespmem:v42+s20+$0x0], $0xffff;
	v7 =	vadd.f32 v30, v44;
	v44 =	vmul.f32 v35, v19  }
0x1b6: {  	v34 =	vmul.f32 v34, v22;
	[tilespmem:v8+s30+$0x60 ss:$0x1] =	vst.idx.msk $0xffff, v41;
	v41 =	vld.idx.msk [tilespmem:v8+s15+$0x70 ss:$0x1], $0xffff  }
0x1b7: {  	v58 =	vld.idx.msk [tilespmem:v56+s20+$0x0], $0xffff;
	[tilespmem:v8+s30+$0x70 ss:$0x1] =	vst.idx.msk $0xffff, v7;
	v7 =	vmul.f32 v33, v17;
	v1 =	vadd.f32 v27, v44  }
0x1b8: {  	[tilespmem:v8+s19+$0x40 ss:$0x1] =	vst.idx.msk $0xffff, v3;
	v27 =	vadd.f32 v28, v34;
	v28 =	vld.idx.msk [tilespmem:v51+s20+$0x0], $0xffff  }
0x1b9: {  	v61 =	vor.u32 s31, v11;
	v30 =	vld.idx.msk [tilespmem:v43+s20+$0x0], $0xffff;
	v7 =	vadd.f32 v29, v7;
	[tilespmem:v8+s19+$0x50 ss:$0x1] =	vst.idx.msk $0xffff, v1  }
0x1ba: {  	v29 =	vld.idx.msk [tilespmem:v54+s20+$0x0], $0xffff;
	[tilespmem:v8+s19+$0x60 ss:$0x1] =	vst.idx.msk $0xffff, v27  }
0x1bb: {  	v27 =	vld.idx.msk [tilespmem:v57+s20+$0x0], $0xffff;
	[tilespmem:v8+s19+$0x70 ss:$0x1] =	vst.idx.msk $0xffff, v7  }
0x1bc: {  	v7 =	vmul.f32 v26, v14;
	v26 =	vld.idx.msk [tilespmem:v59+s20+$0x0], $0xffff  }
0x1bd: {  	v37 =	vmul.f32 v28, v13;
	v28 =	vld.idx.msk [tilespmem:v60+s20+$0x0], $0xffff  }
0x1be: {  	v36 =	vmul.f32 v25, v48;
	v25 =	vld.idx.msk [tilespmem:v61+s20+$0x0], $0xffff  }
0x1bf: {  	v5 =	vmul.f32 v5, v15;
	v61 =	vld.idx.msk [tilespmem:v63+s20+$0x0], $0xffff  }
0x1c0: {  	v0 =	vmul.f32 v0, v14;
	v4 =	vmul.f32 v4, v16;
	v9 =	vld.idx.msk [tilespmem:v9+s20+$0x0], $0xffff  }
0x1c1: {  	v2 =	vmul.f32 v2, v48;
	v35 =	vmul.f32 v29, v49;
	v29 =	vld.idx.msk [tilespmem:v62+s20+$0x0], $0xffff  }
0x1c2: {  	v38 =	vmul.f32 v32, v13;
	v39 =	vmul.f32 v40, v49;
	v10 =	vld.idx.msk [tilespmem:v10+s20+$0x0], $0xffff  }
0x1c3: {  	v40 =	vmul.f32 v46, v16;
	v6 =	vmul.f32 v6, v52;
	v63 =	vld.idx.msk [tilespmem:v8+s28+$0x0 ss:$0x1], $0xffff  }
0x1c4: {  	v43 =	vmul.f32 v12, v23;
	v3 =	vmul.f32 v30, v55;
	v62 =	vld.idx.msk [tilespmem:v45+s20+$0x0], $0xffff  }
0x1c5: {  	v33 =	vmul.f32 v27, v55;
	v27 =	vmul.f32 v9, v49;
	v49 =	vld.idx.msk [tilespmem:v8+s15+$0x0 ss:$0x1], $0xffff  }
0x1c6: {  	v30 =	vmul.f32 v25, v14;
	v25 =	vmul.f32 v29, v13;
	v13 =	vld.idx.msk [tilespmem:v8+s28+$0x20 ss:$0x1], $0xffff  }
0x1c7: {  	v44 =	vmul.f32 v47, v15;
	v34 =	vmul.f32 v58, v52;
	v14 =	vld.idx.msk [tilespmem:v8+s28+$0x30 ss:$0x1], $0xffff  }
0x1c8: {  	v32 =	vmul.f32 v26, v16;
	v9 =	vld.idx.msk [tilespmem:v8+s28+$0x40 ss:$0x1], $0xffff;
	v42 =	vmul.f32 v63, v24  }
0x1c9: {  	v31 =	vmul.f32 v28, v15;
	v28 =	vmul.f32 v10, v52;
	v10 =	vld.idx.msk [tilespmem:v8+s28+$0x50 ss:$0x1], $0xffff  }
0x1ca: {  	v26 =	vmul.f32 v61, v48;
	v15 =	vld.idx.msk [tilespmem:v8+s28+$0x60 ss:$0x1], $0xffff;
	v4 =	vadd.f32 v4, v42;
	v59 =	vmul.f32 v49, v24  }
0x1cb: {  	v5 =	vadd.f32 v5, v43;
	v16 =	vld.idx.msk [tilespmem:v8+s28+$0x70 ss:$0x1], $0xffff;
	v29 =	vmul.f32 v62, v55;
	v48 =	vmul.f32 v13, v21  }
0x1cc: {  	v55 =	vld.idx.msk [tilespmem:v8+s15+$0x40 ss:$0x1], $0xffff;
	[tilespmem:v8+s28+$0x0 ss:$0x1] =	vst.idx.msk $0xffff, v4;
	v1 =	vmul.f32 v14, v20;
	v62 =	vadd.f32 v40, v59  }
0x1cd: {  	v51 =	vmul.f32 v9, v18;
	v9 =	vld.idx.msk [tilespmem:v8+s15+$0x20 ss:$0x1], $0xffff;
	[tilespmem:v8+s28+$0x10 ss:$0x1] =	vst.idx.msk $0xffff, v5;
	v0 =	vadd.f32 v0, v48  }
0x1ce: {  	v52 =	vmul.f32 v10, v19;
	v10 =	vld.idx.msk [tilespmem:v8+s15+$0x30 ss:$0x1], $0xffff;
	v1 =	vadd.f32 v38, v1;
	[tilespmem:v8+s15+$0x0 ss:$0x1] =	vst.idx.msk $0xffff, v62  }
0x1cf: {  	p0 =	slt.u32 s18, $0x1C;
	v43 =	vld.idx.msk [tilespmem:v8+s15+$0x50 ss:$0x1], $0xffff;
	v54 =	vmul.f32 v15, v22;
	v53 =	vadd.f32 v2, v51;
	[tilespmem:v8+s28+$0x20 ss:$0x1] =	vst.idx.msk $0xffff, v0  }
.Ltmp2:
0x1d0: {  	s19 =	smov.u32 s29;
	v42 =	vld.idx.msk [tilespmem:v8+s15+$0x60 ss:$0x1], $0xffff;
	v57 =	vmul.f32 v16, v17;
	v56 =	vadd.f32 v39, v52;
	[tilespmem:v8+s28+$0x30 ss:$0x1] =	vst.idx.msk $0xffff, v1;
	(pc) =	sbr.rel @p0 .LBB2_8-.Ltmp2, $4  }
0x1d1: {  	v61 =	vmul.f32 v50, v23;
	v58 =	vadd.f32 v6, v54;
	v40 =	vld.idx.msk [tilespmem:v8+s19+$0x0 ss:$0x1], $0xffff;
	[tilespmem:v8+s28+$0x40 ss:$0x1] =	vst.idx.msk $0xffff, v53  }
0x1d2: {  	v60 =	vadd.f32 v3, v57;
	v39 =	vld.idx.msk [tilespmem:v8+s19+$0x10 ss:$0x1], $0xffff;
	v63 =	vmul.f32 v9, v21;
	[tilespmem:v8+s28+$0x50 ss:$0x1] =	vst.idx.msk $0xffff, v56  }
0x1d3: {  	v46 =	vadd.f32 v44, v61;
	v45 =	vmul.f32 v55, v18;
	v38 =	vld.idx.msk [tilespmem:v8+s19+$0x20 ss:$0x1], $0xffff;
	[tilespmem:v8+s28+$0x60 ss:$0x1] =	vst.idx.msk $0xffff, v58  }
0x1d4: {  	v47 =	vmul.f32 v10, v20;
	v10 =	vld [tilespmem:$0x1FF90];
	v44 =	vadd.f32 v7, v63;
	[tilespmem:v8+s28+$0x70 ss:$0x1] =	vst.idx.msk $0xffff, v60  }
0x1d5: {  	_ =	sdelay $0x3  }
0x1d6: {  	[tilespmem:v8+s15+$0x10 ss:$0x1] =	vst.idx.msk $0xffff, v46;
	v0 =	vadd.f32 v37, v47  }
0x1d7: {  	v3 =	vadd.f32 v36, v45;
	v18 =	vld [tilespmem:$0x1FD90];
	[tilespmem:v8+s15+$0x20 ss:$0x1] =	vst.idx.msk $0xffff, v44  }
0x1d8: {  	v19 =	vld [tilespmem:$0x1FDA0];
	[tilespmem:v8+s15+$0x30 ss:$0x1] =	vst.idx.msk $0xffff, v0  }
0x1d9: {  	v17 =	vld [tilespmem:$0x1FDB0];
	[tilespmem:v8+s15+$0x40 ss:$0x1] =	vst.idx.msk $0xffff, v3  }
0x1da: {  	v51 =	vld [tilespmem:$0x1FDC0];
	_ =	sdelay $0x1  }
0x1db: {  	v2 =	vld.idx.msk [tilespmem:v8+s19+$0x30 ss:$0x1], $0xffff;
	v1 =	vmul.f32 v43, v18  }
0x1dc: {  	v5 =	vld.idx.msk [tilespmem:v8+s19+$0x40 ss:$0x1], $0xffff;
	v4 =	vmul.f32 v42, v19  }
0x1dd: {  	v6 =	vld.idx.msk [tilespmem:v8+s19+$0x50 ss:$0x1], $0xffff;
	v48 =	vadd.f32 v35, v1;
	v49 =	vmul.f32 v41, v17  }
0x1de: {  	v7 =	vld.idx.msk [tilespmem:v8+s19+$0x60 ss:$0x1], $0xffff;
	v50 =	vadd.f32 v34, v4;
	v4 =	vmul.f32 v40, v51  }
0x1df: {  	v9 =	vld.idx.msk [tilespmem:v8+s19+$0x70 ss:$0x1], $0xffff;
	[tilespmem:v8+s15+$0x50 ss:$0x1] =	vst.idx.msk $0xffff, v48;
	v52 =	vadd.f32 v33, v49  }
0x1e0: {  	v53 =	vld [tilespmem:$0x1FDD0];
	[tilespmem:v8+s15+$0x60 ss:$0x1] =	vst.idx.msk $0xffff, v50;
	v54 =	vadd.f32 v32, v4  }
0x1e1: {  	v55 =	vld [tilespmem:$0x1FDE0];
	[tilespmem:v8+s15+$0x70 ss:$0x1] =	vst.idx.msk $0xffff, v52  }
0x1e2: {  	v57 =	vld [tilespmem:$0x1FDF0];
	[tilespmem:v8+s19+$0x0 ss:$0x1] =	vst.idx.msk $0xffff, v54  }
0x1e3: {  	v3 =	vld [tilespmem:$0x1FE00];
	_ =	sdelay $0x1  }
0x1e4: {  	v1 =	vmul.f32 v39, v53  }
0x1e5: {  	v4 =	vmul.f32 v38, v55  }
0x1e6: {  	v56 =	vadd.f32 v31, v1;
	v1 =	vmul.f32 v2, v57  }
0x1e7: {  	v58 =	vadd.f32 v30, v4;
	v3 =	vmul.f32 v5, v3  }
0x1e8: {  	v59 =	vmul.f32 v6, v18;
	[tilespmem:v8+s19+$0x10 ss:$0x1] =	vst.idx.msk $0xffff, v56;
	v1 =	vadd.f32 v25, v1  }
0x1e9: {  	v60 =	vmul.f32 v7, v19;
	[tilespmem:v8+s19+$0x20 ss:$0x1] =	vst.idx.msk $0xffff, v58;
	v3 =	vadd.f32 v26, v3  }
0x1ea: {  	v0 =	vadd.f32 v27, v59;
	v61 =	vmul.f32 v9, v17;
	[tilespmem:v8+s19+$0x30 ss:$0x1] =	vst.idx.msk $0xffff, v1  }
0x1eb: {  	v62 =	vadd.f32 v28, v60;
	[tilespmem:v8+s19+$0x40 ss:$0x1] =	vst.idx.msk $0xffff, v3  }
0x1ec: {  	v63 =	vadd.f32 v29, v61;
	[tilespmem:v8+s19+$0x50 ss:$0x1] =	vst.idx.msk $0xffff, v0  }
0x1ed: {  	[tilespmem:v8+s19+$0x60 ss:$0x1] =	vst.idx.msk $0xffff, v62  }
0x1ee: {  	s6 =	sadd.s32 $0x1, s6;
	[tilespmem:v8+s19+$0x70 ss:$0x1] =	vst.idx.msk $0xffff, v63  }
0x1ef: {  	p0 =	sne.s32 s6, $0x4;
	v24 =	vld [tilespmem:$0x1FFE0]  }
.Ltmp3:
0x1f0: {  	v12 =	vld [tilespmem:$0x1FFF0];
	(pc) =	sbr.rel @p0 .LBB2_7-.Ltmp3, $4  }
0x1f1: {  	v13 =	vld [tilespmem:$0x1FFC0]  }
0x1f2: {  	v14 =	vld [tilespmem:$0x1FFD0]  }
0x1f3: {  	v15 =	vld [tilespmem:$0x1FFB0]  }
0x1f4: {  	v9 =	vmov v11;
	v16 =	vld [tilespmem:$0x1FFA0]  }
0x1f5: {  	s0 =	sadd.s32 s5, s7  }
0x1f6: {  	s1 =	rddreg [dreg:$0x3];
	s0 =	sshll.u32 s0, $0x9  }
0x1f7: {  	p0 =	seq.s32 s3, $0x7;
	s0 =	sadd.s32 s1, s0  }
0x1f8: {  	[hbm4b:s0+s4] =	stream.linear.scatter [tilespmem:s20], [sflag:$0x6], $0x4000, $0x38;
	[tilespmem:$0x18000] =	vst v63  }
0x1f9: {  	s0 =	simm.s32 @!p0 $0x5  }
0x1fa: {  	_ =	swait.ge @!p0 [sflag:s0], $0x4000  }
0x1fb: {  	[sflag:s0] =	ssyncset.done @!p0 $0x0  }
0x1fc: {  	s6 =	sshll.u32 @!p0 s3, $0xD;
	[sflag:s0] =	ssyncadd.s32 @!p0 $0xFFFFC000;
	s0 =	rddreg [dreg:$0x8]  }
0x1fd: {  	s1 =	simm.s32 @!p0 $0x0;
	s0 =	sadd.s32 @!p0 s6, s0  }
0x1fe: {  	[tilespmem:s1], [sflag:$0x1] =	stream.linear.gather @!p0 [hbm4b:s0+s1], $0x4000, $0x38;
	[tilespmem:$0x18000] =	vst v63  }
0x1ff: {  	_ =	swait.ge [sflag:s25], $0x4000  }
0x200: {  	[sflag:s25] =	ssyncset.done $0x0  }
0x201: {  	s7 =	sshll.u32 s16, $0x2;
	s16 =	simm.s32 $0x0;
	[sflag:s25] =	ssyncadd.s32 $0xFFFFC000  }
.LBB2_11:
0x202: {  	s0 =	sor.u32 s7, s16  }
0x203: {  	s0 =	sshll.u32 s0, $0x7  }
0x204: {  	v17 =	vld [tilespmem:s0+$0x10000]  }
0x205: {  	v58 =	vld [tilespmem:s0+$0x14000]  }
0x206: {  	v22 =	vld [tilespmem:s0+$0x10010]  }
0x207: {  	v59 =	vld [tilespmem:s0+$0x14010]  }
0x208: {  	v20 =	vld [tilespmem:s0+$0x10020]  }
0x209: {  	v60 =	vld [tilespmem:s0+$0x14020]  }
0x20a: {  	v19 =	vld [tilespmem:s0+$0x10030]  }
0x20b: {  	v61 =	vld [tilespmem:s0+$0x14030]  }
0x20c: {  	v18 =	vld [tilespmem:s0+$0x10040]  }
0x20d: {  	v62 =	vld [tilespmem:s0+$0x14040]  }
0x20e: {  	s17 =	sshll.u32 s16, $0xC;
	v56 =	vld [tilespmem:s0+$0x10050]  }
0x20f: {  	s18 =	simm.s32 $0x0;
	v8 =	vmov s17;
	v63 =	vld [tilespmem:s0+$0x14050]  }
0x210: {  	s9 =	simm.s32 $0x0;
	s1 =	sand.u32 $0xC, s18;
	v57 =	vld [tilespmem:s0+$0x10060]  }
0x211: {  	s11 =	sand.u32 $0x3FFFF800, s9;
	v23 =	vld [tilespmem:s0+$0x14060];
	s15 =	sshll.u32 s1, $0x7  }
0x212: {  	v21 =	vld [tilespmem:s0+$0x10070];
	s19 =	sadd.s32 $0x8000, s11;
	s1 =	sor.u32 $0x180, s15  }
0x213: {  	v11 =	vmov v15;
	v15 =	vld [tilespmem:s0+$0x14070];
	s28 =	sor.u32 s1, s19  }
0x214: {  	s11 =	sand.u32 $0xFFFFF800, s9;
	v0 =	vld.idx.msk [tilespmem:v8+s28+$0x0 ss:$0x1], $0xffff  }
0x215: {  	s0 =	sadd.s32 s17, s11;
	v1 =	vld.idx.msk [tilespmem:v8+s28+$0x10 ss:$0x1], $0xffff  }
0x216: {  	s1 =	sadd.s32 s1, s0;
	v2 =	vld.idx.msk [tilespmem:v8+s28+$0x20 ss:$0x1], $0xffff  }
0x217: {  	v4 =	vor.u32 s1, v14;
	v3 =	vld.idx.msk [tilespmem:v8+s28+$0x30 ss:$0x1], $0xffff  }
0x218: {  	v6 =	vor.u32 s1, v10;
	v5 =	vld.idx.msk [tilespmem:v8+s28+$0x40 ss:$0x1], $0xffff  }
0x219: {  	v25 =	vor.u32 s1, v9;
	v7 =	vld.idx.msk [tilespmem:v8+s28+$0x50 ss:$0x1], $0xffff  }
0x21a: {  	v27 =	vor.u32 s1, v24;
	v26 =	vld.idx.msk [tilespmem:v8+s28+$0x60 ss:$0x1], $0xffff  }
0x21b: {  	v29 =	vor.u32 s1, v12;
	v28 =	vld.idx.msk [tilespmem:v8+s28+$0x70 ss:$0x1], $0xffff  }
0x21c: {  	v30 =	vor.u32 s1, v13;
	v4 =	vld.idx.msk [tilespmem:v4+s21+$0x0], $0xffff  }
0x21d: {  	v31 =	vor.u32 s1, v11;
	v6 =	vld.idx.msk [tilespmem:v6+s21+$0x0], $0xffff  }
0x21e: {  	s12 =	sadd.s32 s15, s0;
	v32 =	vor.u32 s1, v16;
	v25 =	vld.idx.msk [tilespmem:v25+s21+$0x0], $0xffff  }
0x21f: {  	v33 =	vor.u32 s12, v14;
	v27 =	vld.idx.msk [tilespmem:v27+s21+$0x0], $0xffff  }
0x220: {  	v34 =	vor.u32 s12, v10;
	v29 =	vld.idx.msk [tilespmem:v29+s21+$0x0], $0xffff  }
0x221: {  	v35 =	vor.u32 s12, v9;
	v30 =	vld.idx.msk [tilespmem:v30+s21+$0x0], $0xffff  }
0x222: {  	v36 =	vor.u32 s12, v24;
	v31 =	vld.idx.msk [tilespmem:v31+s21+$0x0], $0xffff  }
0x223: {  	v37 =	vor.u32 s12, v12;
	v32 =	vld.idx.msk [tilespmem:v32+s21+$0x0], $0xffff  }
0x224: {  	v38 =	vor.u32 s12, v13;
	v33 =	vld.idx.msk [tilespmem:v33+s21+$0x0], $0xffff  }
0x225: {  	s30 =	sor.u32 $0x80, s15;
	v39 =	vor.u32 s12, v11;
	v34 =	vld.idx.msk [tilespmem:v34+s21+$0x0], $0xffff  }
0x226: {  	s13 =	sadd.s32 s30, s0;
	v40 =	vor.u32 s12, v16;
	v35 =	vld.idx.msk [tilespmem:v35+s21+$0x0], $0xffff  }
0x227: {  	v41 =	vor.u32 s13, v14;
	v36 =	vld.idx.msk [tilespmem:v36+s21+$0x0], $0xffff  }
0x228: {  	v42 =	vor.u32 s13, v10;
	v37 =	vld.idx.msk [tilespmem:v37+s21+$0x0], $0xffff  }
0x229: {  	v43 =	vor.u32 s13, v9;
	v38 =	vld.idx.msk [tilespmem:v38+s21+$0x0], $0xffff  }
0x22a: {  	v44 =	vor.u32 s13, v24;
	v39 =	vld.idx.msk [tilespmem:v39+s21+$0x0], $0xffff  }
0x22b: {  	v45 =	vor.u32 s13, v12;
	v40 =	vld.idx.msk [tilespmem:v40+s21+$0x0], $0xffff  }
0x22c: {  	s29 =	sor.u32 $0x100, s15;
	v46 =	vor.u32 s13, v13;
	v41 =	vld.idx.msk [tilespmem:v41+s21+$0x0], $0xffff  }
0x22d: {  	s0 =	sadd.s32 s29, s0;
	v47 =	vor.u32 s13, v11;
	v42 =	vld.idx.msk [tilespmem:v42+s21+$0x0], $0xffff  }
0x22e: {  	v52 =	vor.u32 s0, v24;
	v43 =	vld.idx.msk [tilespmem:v43+s21+$0x0], $0xffff  }
0x22f: {  	v53 =	vor.u32 s0, v12;
	v44 =	vld.idx.msk [tilespmem:v44+s21+$0x0], $0xffff  }
0x230: {  	v51 =	vor.u32 s0, v9;
	v45 =	vld.idx.msk [tilespmem:v45+s21+$0x0], $0xffff  }
0x231: {  	v48 =	vor.u32 s13, v16;
	v46 =	vld.idx.msk [tilespmem:v46+s21+$0x0], $0xffff  }
0x232: {  	v49 =	vor.u32 s0, v14;
	v50 =	vor.u32 s0, v10;
	v47 =	vld.idx.msk [tilespmem:v47+s21+$0x0], $0xffff  }
0x233: {  	v54 =	vor.u32 s0, v13;
	v13 =	vld.idx.msk [tilespmem:v52+s21+$0x0], $0xffff;
	v0 =	vmul.f32 v0, v17;
	v1 =	vmul.f32 v1, v22  }
0x234: {  	v55 =	vor.u32 s0, v11;
	v53 =	vld.idx.msk [tilespmem:v53+s21+$0x0], $0xffff;
	v4 =	vmul.f32 v4, v58;
	v6 =	vmul.f32 v6, v59  }
0x235: {  	v14 =	vor.u32 s0, v16;
	v16 =	vmul.f32 v29, v62;
	v29 =	vmul.f32 v30, v63;
	v30 =	vld.idx.msk [tilespmem:v51+s21+$0x0], $0xffff  }
0x236: {  	v2 =	vmul.f32 v2, v20;
	v3 =	vmul.f32 v3, v19;
	v0 =	vadd.f32 v4, v0;
	v4 =	vld.idx.msk [tilespmem:v48+s21+$0x0], $0xffff  }
0x237: {  	v25 =	vmul.f32 v25, v60;
	v27 =	vmul.f32 v27, v61;
	v1 =	vadd.f32 v6, v1;
	v6 =	vld.idx.msk [tilespmem:v49+s21+$0x0], $0xffff  }
0x238: {  	v5 =	vmul.f32 v5, v18;
	v7 =	vmul.f32 v7, v56;
	v49 =	vld.idx.msk [tilespmem:v50+s21+$0x0], $0xffff  }
0x239: {  	v2 =	vadd.f32 v25, v2;
	v3 =	vadd.f32 v27, v3;
	v27 =	vld.idx.msk [tilespmem:v54+s21+$0x0], $0xffff;
	[tilespmem:v8+s28+$0x0 ss:$0x1] =	vst.idx.msk $0xffff, v0  }
0x23a: {  	s31 =	sor.u32 s15, s19;
	v54 =	vld.idx.msk [tilespmem:v55+s21+$0x0], $0xffff;
	[tilespmem:v8+s28+$0x10 ss:$0x1] =	vst.idx.msk $0xffff, v1  }
0x23b: {  	v7 =	vadd.f32 v29, v7;
	v29 =	vld.idx.msk [tilespmem:v8+s31+$0x10 ss:$0x1], $0xffff;
	v0 =	vadd.f32 v16, v5;
	[tilespmem:v8+s28+$0x20 ss:$0x1] =	vst.idx.msk $0xffff, v2  }
0x23c: {  	v5 =	vmul.f32 v39, v23;
	v39 =	vmul.f32 v40, v15;
	v40 =	vld.idx.msk [tilespmem:v14+s21+$0x0], $0xffff;
	[tilespmem:v8+s28+$0x30 ss:$0x1] =	vst.idx.msk $0xffff, v3  }
0x23d: {  	v26 =	vmul.f32 v26, v57;
	v14 =	vld.idx.msk [tilespmem:v8+s31+$0x0 ss:$0x1], $0xffff;
	[tilespmem:v8+s28+$0x40 ss:$0x1] =	vst.idx.msk $0xffff, v0  }
0x23e: {  	v28 =	vmul.f32 v28, v21;
	v25 =	vmul.f32 v31, v23;
	v16 =	vld.idx.msk [tilespmem:v8+s31+$0x20 ss:$0x1], $0xffff;
	[tilespmem:v8+s28+$0x50 ss:$0x1] =	vst.idx.msk $0xffff, v7  }
0x23f: {  	v1 =	vmul.f32 v33, v58;
	v33 =	vmul.f32 v4, v15;
	v4 =	vld.idx.msk [tilespmem:v8+s31+$0x30 ss:$0x1], $0xffff;
	[tilespmem:$0x1FC10] =	vst v58  }
0x240: {  	v52 =	vmul.f32 v34, v59;
	v50 =	vmul.f32 v32, v15;
	[tilespmem:$0x1FC20] =	vst v59  }
0x241: {  	v26 =	vadd.f32 v25, v26;
	v32 =	vmul.f32 v6, v58;
	v6 =	vld.idx.msk [tilespmem:v8+s31+$0x40 ss:$0x1], $0xffff;
	[tilespmem:$0x1FC30] =	vst v60  }
0x242: {  	v11 =	vmovc v56;
	v12 =	vmov v57;
	v56 =	vmul.f32 v35, v60;
	v57 =	vmul.f32 v36, v61;
	[tilespmem:$0x1FC40] =	vst v61  }
0x243: {  	v25 =	vmul.f32 v13, v61;
	v7 =	vadd.f32 v50, v28;
	[tilespmem:v8+s28+$0x60 ss:$0x1] =	vst.idx.msk $0xffff, v26  }
0x244: {  	v2 =	vmul.f32 v37, v62;
	v37 =	vmul.f32 v44, v61;
	v61 =	vld.idx.msk [tilespmem:v8+s31+$0x50 ss:$0x1], $0xffff;
	[tilespmem:$0x1FC50] =	vst v62  }
0x245: {  	v3 =	vmul.f32 v41, v58;
	v41 =	vmul.f32 v14, v17;
	[tilespmem:v8+s28+$0x70 ss:$0x1] =	vst.idx.msk $0xffff, v7  }
0x246: {  	v34 =	vmul.f32 v47, v23;
	v14 =	vmul.f32 v29, v22;
	v13 =	vld.idx.msk [tilespmem:v8+s31+$0x60 ss:$0x1], $0xffff;
	[tilespmem:$0x1FC60] =	vst v63  }
0x247: {  	s15 =	sor.u32 s30, s19;
	v28 =	vmul.f32 v54, v23;
	v1 =	vadd.f32 v1, v41;
	v7 =	vld.idx.msk [tilespmem:v8+s31+$0x70 ss:$0x1], $0xffff;
	[tilespmem:$0x1FC70] =	vst v23  }
0x248: {  	v0 =	vmul.f32 v16, v20;
	v23 =	vadd.f32 v52, v14;
	v16 =	vld.idx.msk [tilespmem:v8+s15+$0x0 ss:$0x1], $0xffff;
	[tilespmem:$0x1FC80] =	vst v15  }
0x249: {  	v31 =	vmul.f32 v49, v59;
	[tilespmem:v8+s31+$0x0 ss:$0x1] =	vst.idx.msk $0xffff, v1  }
0x24a: {  	v0 =	vadd.f32 v56, v0;
	v4 =	vmul.f32 v4, v19;
	v49 =	vld.idx.msk [tilespmem:v8+s15+$0x10 ss:$0x1], $0xffff;
	[tilespmem:v8+s31+$0x10 ss:$0x1] =	vst.idx.msk $0xffff, v23  }
0x24b: {  	v50 =	vmul.f32 v6, v18;
	v6 =	vld.idx.msk [tilespmem:v8+s15+$0x20 ss:$0x1], $0xffff;
	[tilespmem:$0x1FC90] =	vst v11  }
0x24c: {  	v4 =	vadd.f32 v57, v4;
	[tilespmem:v8+s31+$0x20 ss:$0x1] =	vst.idx.msk $0xffff, v0  }
0x24d: {  	v38 =	vmul.f32 v38, v63;
	v26 =	vmul.f32 v53, v62;
	v52 =	vld.idx.msk [tilespmem:v8+s15+$0x30 ss:$0x1], $0xffff;
	[tilespmem:$0x1FCA0] =	vst v12  }
0x24e: {  	v51 =	vmul.f32 v61, v11;
	v53 =	vadd.f32 v2, v50;
	[tilespmem:v8+s31+$0x30 ss:$0x1] =	vst.idx.msk $0xffff, v4  }
0x24f: {  	v55 =	vmul.f32 v43, v60;
	v56 =	vld.idx.msk [tilespmem:v8+s15+$0x40 ss:$0x1], $0xffff;
	[tilespmem:$0x1FCB0] =	vst v21  }
0x250: {  	v54 =	vmul.f32 v13, v12;
	v57 =	vadd.f32 v38, v51;
	v43 =	vld.idx.msk [tilespmem:v8+s15+$0x50 ss:$0x1], $0xffff;
	[tilespmem:v8+s31+$0x40 ss:$0x1] =	vst.idx.msk $0xffff, v53  }
0x251: {  	v48 =	vmul.f32 v42, v59;
	v42 =	vld.idx.msk [tilespmem:v8+s15+$0x60 ss:$0x1], $0xffff;
	[tilespmem:$0x1FCC0] =	vst v17  }
0x252: {  	v7 =	vmul.f32 v7, v21;
	v58 =	vadd.f32 v5, v54;
	[tilespmem:v8+s31+$0x50 ss:$0x1] =	vst.idx.msk $0xffff, v57  }
0x253: {  	v30 =	vmul.f32 v30, v60;
	v41 =	vld.idx.msk [tilespmem:v8+s15+$0x70 ss:$0x1], $0xffff;
	[tilespmem:$0x1FCD0] =	vst v22  }
0x254: {  	v59 =	vmul.f32 v16, v17;
	v60 =	vadd.f32 v39, v7;
	[tilespmem:v8+s31+$0x60 ss:$0x1] =	vst.idx.msk $0xffff, v58  }
0x255: {  	v36 =	vmul.f32 v45, v62;
	[tilespmem:$0x1FCE0] =	vst v20  }
0x256: {  	s19 =	sor.u32 s29, s19;
	v35 =	vmul.f32 v46, v63;
	v62 =	vadd.f32 v3, v59;
	[tilespmem:v8+s31+$0x70 ss:$0x1] =	vst.idx.msk $0xffff, v60  }
0x257: {  	v29 =	vmul.f32 v40, v15;
	v61 =	vmul.f32 v49, v22;
	v40 =	vld.idx.msk [tilespmem:v8+s19+$0x0 ss:$0x1], $0xffff;
	[tilespmem:$0x1FCF0] =	vst v19  }
0x258: {  	v27 =	vmul.f32 v27, v63;
	v63 =	vmul.f32 v6, v20;
	[tilespmem:v8+s15+$0x0 ss:$0x1] =	vst.idx.msk $0xffff, v62  }
0x259: {  	v11 =	vmov v9;
	v46 =	vadd.f32 v48, v61;
	v39 =	vld.idx.msk [tilespmem:v8+s19+$0x10 ss:$0x1], $0xffff;
	[tilespmem:$0x1FD00] =	vst v18  }
0x25a: {  	v44 =	vadd.f32 v55, v63;
	v47 =	vmul.f32 v52, v19;
	v45 =	vmul.f32 v56, v18;
	v38 =	vld.idx.msk [tilespmem:v8+s19+$0x20 ss:$0x1], $0xffff  }
.LBB2_12:
0x25b: {  	v19 =	vld [tilespmem:$0x1FC90]  }
0x25c: {  	v2 =	vld.idx.msk [tilespmem:v8+s19+$0x30 ss:$0x1], $0xffff  }
0x25d: {  	v22 =	vld [tilespmem:$0x1FCA0]  }
0x25e: {  	v5 =	vld.idx.msk [tilespmem:v8+s19+$0x40 ss:$0x1], $0xffff  }
0x25f: {  	v17 =	vld [tilespmem:$0x1FCB0]  }
0x260: {  	v24 =	vld [tilespmem:$0x1FCC0]  }
0x261: {  	v23 =	vld [tilespmem:$0x1FCD0]  }
0x262: {  	v21 =	vld [tilespmem:$0x1FCE0]  }
0x263: {  	v20 =	vld [tilespmem:$0x1FCF0]  }
0x264: {  	v18 =	vld [tilespmem:$0x1FD00]  }
0x265: {  	v9 =	vld [tilespmem:$0x1FFD0]  }
0x266: {  	s18 =	sadd.s32 $0x4, s18;
	v16 =	vld [tilespmem:$0x1FFE0]  }
0x267: {  	v15 =	vld [tilespmem:$0x1FFF0];
	s0 =	sand.u32 $0xC, s18;
	s1 =	sshll.u32 s18, $0x7  }
0x268: {  	v14 =	vld [tilespmem:$0x1FFC0];
	s9 =	sand.u32 $0x3FFFF800, s1;
	s0 =	sshll.u32 s0, $0x7  }
0x269: {  	v13 =	vld [tilespmem:$0x1FFB0];
	s9 =	sadd.s32 $0x8000, s9;
	s12 =	sor.u32 $0x180, s0  }
0x26a: {  	v12 =	vld [tilespmem:$0x1FFA0];
	s1 =	sand.u32 $0xFFFFF800, s1;
	s30 =	sor.u32 s12, s9  }
0x26b: {  	s1 =	sadd.s32 s17, s1;
	v6 =	vld.idx.msk [tilespmem:v8+s30+$0x0 ss:$0x1], $0xffff  }
0x26c: {  	s12 =	sadd.s32 s12, s1;
	v7 =	vld.idx.msk [tilespmem:v8+s30+$0x10 ss:$0x1], $0xffff  }
0x26d: {  	[tilespmem:v8+s15+$0x10 ss:$0x1] =	vst.idx.msk $0xffff, v46;
	v0 =	vadd.f32 v37, v47;
	v61 =	vor.u32 s12, v9;
	v37 =	vld.idx.msk [tilespmem:v8+s30+$0x40 ss:$0x1], $0xffff  }
0x26e: {  	v3 =	vadd.f32 v36, v45;
	v54 =	vmul.f32 v40, v24;
	v62 =	vor.u32 s12, v10;
	v40 =	vld.idx.msk [tilespmem:v8+s30+$0x50 ss:$0x1], $0xffff  }
0x26f: {  	[tilespmem:v8+s15+$0x20 ss:$0x1] =	vst.idx.msk $0xffff, v44;
	s11 =	sor.u32 $0x80, s0;
	v1 =	vmul.f32 v43, v19;
	v4 =	vmul.f32 v42, v22;
	v44 =	vld.idx.msk [tilespmem:v8+s30+$0x60 ss:$0x1], $0xffff  }
0x270: {  	s13 =	sor.u32 $0x100, s0;
	s28 =	sor.u32 s0, s9;
	s0 =	sadd.s32 s0, s1;
	v52 =	vmul.f32 v41, v17;
	v56 =	vmul.f32 v39, v23;
	v63 =	vor.u32 s12, v11;
	v48 =	vld.idx.msk [tilespmem:v8+s30+$0x70 ss:$0x1], $0xffff  }
0x271: {  	v58 =	vmul.f32 v38, v21;
	v36 =	vor.u32 s0, v16;
	v51 =	vadd.f32 v35, v1;
	v35 =	vld.idx.msk [tilespmem:v8+s19+$0x50 ss:$0x1], $0xffff  }
0x272: {  	[tilespmem:v8+s15+$0x30 ss:$0x1] =	vst.idx.msk $0xffff, v0;
	s31 =	sor.u32 s11, s9;
	s11 =	sadd.s32 s11, s1;
	v39 =	vor.u32 s0, v14;
	v45 =	vor.u32 s12, v16;
	v57 =	vadd.f32 v32, v54;
	v32 =	vld.idx.msk [tilespmem:v61+s21+$0x0], $0xffff  }
0x273: {  	[tilespmem:v8+s15+$0x40 ss:$0x1] =	vst.idx.msk $0xffff, v3;
	s29 =	sor.u32 s13, s9;
	s13 =	sadd.s32 s13, s1;
	v46 =	vor.u32 s11, v9;
	v49 =	vor.u32 s12, v15;
	v53 =	vadd.f32 v34, v4;
	v38 =	vld.idx.msk [tilespmem:v62+s21+$0x0], $0xffff  }
0x274: {  	v59 =	vadd.f32 v31, v56;
	[tilespmem:v8+s15+$0x50 ss:$0x1] =	vst.idx.msk $0xffff, v51;
	v51 =	vor.u32 s11, v16;
	v62 =	vor.u32 s13, v16;
	v16 =	vld [tilespmem:$0x1FC10]  }
0x275: {  	v55 =	vadd.f32 v33, v52;
	v4 =	vor.u32 s0, v9;
	v52 =	vor.u32 s12, v14;
	[tilespmem:v8+s19+$0x0 ss:$0x1] =	vst.idx.msk $0xffff, v57;
	v41 =	vld.idx.msk [tilespmem:v63+s21+$0x0], $0xffff  }
0x276: {  	v54 =	vor.u32 s11, v14;
	[tilespmem:v8+s19+$0x10 ss:$0x1] =	vst.idx.msk $0xffff, v59;
	v59 =	vor.u32 s13, v9;
	v9 =	vor.u32 s13, v14;
	v14 =	vld [tilespmem:$0x1FC30]  }
0x277: {  	v3 =	vmul.f32 v5, v18;
	v5 =	vor.u32 s0, v10;
	v42 =	vor.u32 s0, v13;
	v1 =	vld.idx.msk [tilespmem:v8+s30+$0x20 ss:$0x1], $0xffff  }
0x278: {  	v31 =	vmul.f32 v2, v20;
	v60 =	vadd.f32 v30, v58;
	v30 =	vld.idx.msk [tilespmem:v8+s30+$0x30 ss:$0x1], $0xffff;
	v2 =	vor.u32 s0, v15  }
0x279: {  	v58 =	vor.u32 s12, v12;
	v45 =	vld.idx.msk [tilespmem:v45+s21+$0x0], $0xffff;
	v6 =	vmul.f32 v6, v24;
	v32 =	vmul.f32 v32, v16  }
0x27a: {  	[tilespmem:v8+s15+$0x60 ss:$0x1] =	vst.idx.msk $0xffff, v53;
	v53 =	vor.u32 s11, v15;
	v49 =	vld.idx.msk [tilespmem:v49+s21+$0x0], $0xffff;
	v63 =	vor.u32 s13, v15  }
0x27b: {  	v15 =	vld [tilespmem:$0x1FC20];
	[tilespmem:v8+s15+$0x70 ss:$0x1] =	vst.idx.msk $0xffff, v55;
	v55 =	vor.u32 s12, v13;
	v6 =	vadd.f32 v32, v6;
	v32 =	vmul.f32 v41, v14  }
0x27c: {  	v47 =	vor.u32 s11, v10;
	v41 =	vmul.f32 v44, v22;
	v44 =	vmul.f32 v48, v17;
	v48 =	vld [tilespmem:$0x1FC50]  }
0x27d: {  	v56 =	vor.u32 s11, v13;
	[tilespmem:v8+s19+$0x20 ss:$0x1] =	vst.idx.msk $0xffff, v60;
	v60 =	vor.u32 s13, v10;
	v10 =	vor.u32 s13, v13;
	v13 =	vld [tilespmem:$0x1FC40]  }
0x27e: {  	v52 =	vld.idx.msk [tilespmem:v52+s21+$0x0], $0xffff  }
0x27f: {  	v58 =	vld.idx.msk [tilespmem:v58+s21+$0x0], $0xffff  }
0x280: {  	v0 =	vor.u32 s0, v11;
	v55 =	vld.idx.msk [tilespmem:v55+s21+$0x0], $0xffff  }
0x281: {  	[tilespmem:v8+s30+$0x0 ss:$0x1] =	vst.idx.msk $0xffff, v6;
	v6 =	vmul.f32 v49, v48;
	v49 =	vld [tilespmem:$0x1FC60]  }
0x282: {  	v34 =	vld.idx.msk [tilespmem:v8+s19+$0x60 ss:$0x1], $0xffff;
	v7 =	vmul.f32 v7, v23;
	v38 =	vmul.f32 v38, v15  }
0x283: {  	v33 =	vld.idx.msk [tilespmem:v8+s19+$0x70 ss:$0x1], $0xffff  }
0x284: {  	v5 =	vld.idx.msk [tilespmem:v5+s21+$0x0], $0xffff;
	v30 =	vmul.f32 v30, v20;
	v7 =	vadd.f32 v38, v7;
	v38 =	vmul.f32 v45, v13  }
0x285: {  	v0 =	vld.idx.msk [tilespmem:v0+s21+$0x0], $0xffff  }
0x286: {  	[tilespmem:v8+s30+$0x10 ss:$0x1] =	vst.idx.msk $0xffff, v7;
	v7 =	vadd.f32 v38, v30;
	v30 =	vmul.f32 v52, v49;
	v52 =	vld [tilespmem:$0x1FC70]  }
0x287: {  	v50 =	vor.u32 s11, v11;
	v4 =	vld.idx.msk [tilespmem:v4+s21+$0x0], $0xffff  }
0x288: {  	v2 =	vld.idx.msk [tilespmem:v2+s21+$0x0], $0xffff  }
0x289: {  	v43 =	vor.u32 s0, v12;
	v37 =	vmul.f32 v37, v18;
	v46 =	vld.idx.msk [tilespmem:v46+s21+$0x0], $0xffff  }
0x28a: {  	v57 =	vor.u32 s11, v12;
	v25 =	vadd.f32 v25, v31;
	v1 =	vmul.f32 v1, v21;
	v47 =	vld.idx.msk [tilespmem:v47+s21+$0x0], $0xffff  }
0x28b: {  	v45 =	vor.u32 s13, v12;
	v12 =	vadd.f32 v6, v37;
	v6 =	vmul.f32 v55, v52;
	v55 =	vld [tilespmem:$0x1FC80]  }
0x28c: {  	v3 =	vadd.f32 v26, v3;
	s15 =	smov.u32 s31;
	v26 =	vld.idx.msk [tilespmem:v50+s21+$0x0], $0xffff;
	v1 =	vadd.f32 v32, v1  }
0x28d: {  	[tilespmem:v8+s19+$0x30 ss:$0x1] =	vst.idx.msk $0xffff, v25;
	v50 =	vld.idx.msk [tilespmem:v8+s15+$0x10 ss:$0x1], $0xffff  }
0x28e: {  	v40 =	vmul.f32 v40, v19;
	v25 =	vld.idx.msk [tilespmem:v53+s21+$0x0], $0xffff;
	[tilespmem:v8+s30+$0x20 ss:$0x1] =	vst.idx.msk $0xffff, v1  }
0x28f: {  	v32 =	vld.idx.msk [tilespmem:v36+s21+$0x0], $0xffff;
	[tilespmem:v8+s30+$0x30 ss:$0x1] =	vst.idx.msk $0xffff, v7  }
0x290: {  	[tilespmem:v8+s30+$0x40 ss:$0x1] =	vst.idx.msk $0xffff, v12;
	v12 =	vld.idx.msk [tilespmem:v8+s28+$0x10 ss:$0x1], $0xffff;
	v7 =	vadd.f32 v30, v40;
	v30 =	vmul.f32 v58, v55  }
0x291: {  	v40 =	vld.idx.msk [tilespmem:v39+s21+$0x0], $0xffff;
	v41 =	vadd.f32 v6, v41  }
0x292: {  	[tilespmem:v8+s30+$0x50 ss:$0x1] =	vst.idx.msk $0xffff, v7;
	v6 =	vld.idx.msk [tilespmem:v42+s21+$0x0], $0xffff;
	v7 =	vadd.f32 v30, v44;
	v44 =	vmul.f32 v35, v19  }
0x293: {  	v34 =	vmul.f32 v34, v22;
	[tilespmem:v8+s30+$0x60 ss:$0x1] =	vst.idx.msk $0xffff, v41;
	v41 =	vld.idx.msk [tilespmem:v8+s15+$0x70 ss:$0x1], $0xffff  }
0x294: {  	v58 =	vld.idx.msk [tilespmem:v56+s21+$0x0], $0xffff;
	[tilespmem:v8+s30+$0x70 ss:$0x1] =	vst.idx.msk $0xffff, v7;
	v7 =	vmul.f32 v33, v17;
	v1 =	vadd.f32 v27, v44  }
0x295: {  	[tilespmem:v8+s19+$0x40 ss:$0x1] =	vst.idx.msk $0xffff, v3;
	v27 =	vadd.f32 v28, v34;
	v28 =	vld.idx.msk [tilespmem:v51+s21+$0x0], $0xffff  }
0x296: {  	v61 =	vor.u32 s13, v11;
	v30 =	vld.idx.msk [tilespmem:v43+s21+$0x0], $0xffff;
	v7 =	vadd.f32 v29, v7;
	[tilespmem:v8+s19+$0x50 ss:$0x1] =	vst.idx.msk $0xffff, v1  }
0x297: {  	v29 =	vld.idx.msk [tilespmem:v54+s21+$0x0], $0xffff;
	[tilespmem:v8+s19+$0x60 ss:$0x1] =	vst.idx.msk $0xffff, v27  }
0x298: {  	v27 =	vld.idx.msk [tilespmem:v57+s21+$0x0], $0xffff;
	[tilespmem:v8+s19+$0x70 ss:$0x1] =	vst.idx.msk $0xffff, v7  }
0x299: {  	v7 =	vmul.f32 v26, v14;
	v26 =	vld.idx.msk [tilespmem:v59+s21+$0x0], $0xffff  }
0x29a: {  	v37 =	vmul.f32 v28, v13;
	v28 =	vld.idx.msk [tilespmem:v60+s21+$0x0], $0xffff  }
0x29b: {  	v36 =	vmul.f32 v25, v48;
	v25 =	vld.idx.msk [tilespmem:v61+s21+$0x0], $0xffff  }
0x29c: {  	v5 =	vmul.f32 v5, v15;
	v61 =	vld.idx.msk [tilespmem:v63+s21+$0x0], $0xffff  }
0x29d: {  	v0 =	vmul.f32 v0, v14;
	v4 =	vmul.f32 v4, v16;
	v9 =	vld.idx.msk [tilespmem:v9+s21+$0x0], $0xffff  }
0x29e: {  	v2 =	vmul.f32 v2, v48;
	v35 =	vmul.f32 v29, v49;
	v29 =	vld.idx.msk [tilespmem:v62+s21+$0x0], $0xffff  }
0x29f: {  	v38 =	vmul.f32 v32, v13;
	v39 =	vmul.f32 v40, v49;
	v10 =	vld.idx.msk [tilespmem:v10+s21+$0x0], $0xffff  }
0x2a0: {  	v40 =	vmul.f32 v46, v16;
	v6 =	vmul.f32 v6, v52;
	v63 =	vld.idx.msk [tilespmem:v8+s28+$0x0 ss:$0x1], $0xffff  }
0x2a1: {  	v43 =	vmul.f32 v12, v23;
	v3 =	vmul.f32 v30, v55;
	v62 =	vld.idx.msk [tilespmem:v45+s21+$0x0], $0xffff  }
0x2a2: {  	v33 =	vmul.f32 v27, v55;
	v27 =	vmul.f32 v9, v49;
	v49 =	vld.idx.msk [tilespmem:v8+s15+$0x0 ss:$0x1], $0xffff  }
0x2a3: {  	v30 =	vmul.f32 v25, v14;
	v25 =	vmul.f32 v29, v13;
	v13 =	vld.idx.msk [tilespmem:v8+s28+$0x20 ss:$0x1], $0xffff  }
0x2a4: {  	v44 =	vmul.f32 v47, v15;
	v34 =	vmul.f32 v58, v52;
	v14 =	vld.idx.msk [tilespmem:v8+s28+$0x30 ss:$0x1], $0xffff  }
0x2a5: {  	v32 =	vmul.f32 v26, v16;
	v9 =	vld.idx.msk [tilespmem:v8+s28+$0x40 ss:$0x1], $0xffff;
	v42 =	vmul.f32 v63, v24  }
0x2a6: {  	v31 =	vmul.f32 v28, v15;
	v28 =	vmul.f32 v10, v52;
	v10 =	vld.idx.msk [tilespmem:v8+s28+$0x50 ss:$0x1], $0xffff  }
0x2a7: {  	v26 =	vmul.f32 v61, v48;
	v15 =	vld.idx.msk [tilespmem:v8+s28+$0x60 ss:$0x1], $0xffff;
	v4 =	vadd.f32 v4, v42;
	v59 =	vmul.f32 v49, v24  }
0x2a8: {  	v5 =	vadd.f32 v5, v43;
	v16 =	vld.idx.msk [tilespmem:v8+s28+$0x70 ss:$0x1], $0xffff;
	v29 =	vmul.f32 v62, v55;
	v48 =	vmul.f32 v13, v21  }
0x2a9: {  	v55 =	vld.idx.msk [tilespmem:v8+s15+$0x40 ss:$0x1], $0xffff;
	[tilespmem:v8+s28+$0x0 ss:$0x1] =	vst.idx.msk $0xffff, v4;
	v1 =	vmul.f32 v14, v20;
	v62 =	vadd.f32 v40, v59  }
0x2aa: {  	v51 =	vmul.f32 v9, v18;
	v9 =	vld.idx.msk [tilespmem:v8+s15+$0x20 ss:$0x1], $0xffff;
	[tilespmem:v8+s28+$0x10 ss:$0x1] =	vst.idx.msk $0xffff, v5;
	v0 =	vadd.f32 v0, v48  }
0x2ab: {  	v52 =	vmul.f32 v10, v19;
	v10 =	vld.idx.msk [tilespmem:v8+s15+$0x30 ss:$0x1], $0xffff;
	v1 =	vadd.f32 v38, v1;
	[tilespmem:v8+s15+$0x0 ss:$0x1] =	vst.idx.msk $0xffff, v62  }
0x2ac: {  	p1 =	slt.u32 s18, $0x1C;
	v43 =	vld.idx.msk [tilespmem:v8+s15+$0x50 ss:$0x1], $0xffff;
	v54 =	vmul.f32 v15, v22;
	v53 =	vadd.f32 v2, v51;
	[tilespmem:v8+s28+$0x20 ss:$0x1] =	vst.idx.msk $0xffff, v0  }
.Ltmp4:
0x2ad: {  	s19 =	smov.u32 s29;
	v42 =	vld.idx.msk [tilespmem:v8+s15+$0x60 ss:$0x1], $0xffff;
	v57 =	vmul.f32 v16, v17;
	v56 =	vadd.f32 v39, v52;
	[tilespmem:v8+s28+$0x30 ss:$0x1] =	vst.idx.msk $0xffff, v1;
	(pc) =	sbr.rel @p1 .LBB2_12-.Ltmp4, $4  }
0x2ae: {  	v61 =	vmul.f32 v50, v23;
	v58 =	vadd.f32 v6, v54;
	v40 =	vld.idx.msk [tilespmem:v8+s19+$0x0 ss:$0x1], $0xffff;
	[tilespmem:v8+s28+$0x40 ss:$0x1] =	vst.idx.msk $0xffff, v53  }
0x2af: {  	v60 =	vadd.f32 v3, v57;
	v39 =	vld.idx.msk [tilespmem:v8+s19+$0x10 ss:$0x1], $0xffff;
	v63 =	vmul.f32 v9, v21;
	[tilespmem:v8+s28+$0x50 ss:$0x1] =	vst.idx.msk $0xffff, v56  }
0x2b0: {  	v46 =	vadd.f32 v44, v61;
	v45 =	vmul.f32 v55, v18;
	v38 =	vld.idx.msk [tilespmem:v8+s19+$0x20 ss:$0x1], $0xffff;
	[tilespmem:v8+s28+$0x60 ss:$0x1] =	vst.idx.msk $0xffff, v58  }
0x2b1: {  	v47 =	vmul.f32 v10, v20;
	v10 =	vld [tilespmem:$0x1FF90];
	v44 =	vadd.f32 v7, v63;
	[tilespmem:v8+s28+$0x70 ss:$0x1] =	vst.idx.msk $0xffff, v60  }
0x2b2: {  	_ =	sdelay $0x3  }
0x2b3: {  	[tilespmem:v8+s15+$0x10 ss:$0x1] =	vst.idx.msk $0xffff, v46;
	v0 =	vadd.f32 v37, v47  }
0x2b4: {  	v3 =	vadd.f32 v36, v45;
	v18 =	vld [tilespmem:$0x1FC90];
	[tilespmem:v8+s15+$0x20 ss:$0x1] =	vst.idx.msk $0xffff, v44  }
0x2b5: {  	v19 =	vld [tilespmem:$0x1FCA0];
	[tilespmem:v8+s15+$0x30 ss:$0x1] =	vst.idx.msk $0xffff, v0  }
0x2b6: {  	v17 =	vld [tilespmem:$0x1FCB0];
	[tilespmem:v8+s15+$0x40 ss:$0x1] =	vst.idx.msk $0xffff, v3  }
0x2b7: {  	v51 =	vld [tilespmem:$0x1FCC0];
	_ =	sdelay $0x1  }
0x2b8: {  	v2 =	vld.idx.msk [tilespmem:v8+s19+$0x30 ss:$0x1], $0xffff;
	v1 =	vmul.f32 v43, v18  }
0x2b9: {  	v5 =	vld.idx.msk [tilespmem:v8+s19+$0x40 ss:$0x1], $0xffff;
	v4 =	vmul.f32 v42, v19  }
0x2ba: {  	v6 =	vld.idx.msk [tilespmem:v8+s19+$0x50 ss:$0x1], $0xffff;
	v48 =	vadd.f32 v35, v1;
	v49 =	vmul.f32 v41, v17  }
0x2bb: {  	v7 =	vld.idx.msk [tilespmem:v8+s19+$0x60 ss:$0x1], $0xffff;
	v50 =	vadd.f32 v34, v4;
	v4 =	vmul.f32 v40, v51  }
0x2bc: {  	v9 =	vld.idx.msk [tilespmem:v8+s19+$0x70 ss:$0x1], $0xffff;
	[tilespmem:v8+s15+$0x50 ss:$0x1] =	vst.idx.msk $0xffff, v48;
	v52 =	vadd.f32 v33, v49  }
0x2bd: {  	v53 =	vld [tilespmem:$0x1FCD0];
	[tilespmem:v8+s15+$0x60 ss:$0x1] =	vst.idx.msk $0xffff, v50;
	v54 =	vadd.f32 v32, v4  }
0x2be: {  	v55 =	vld [tilespmem:$0x1FCE0];
	[tilespmem:v8+s15+$0x70 ss:$0x1] =	vst.idx.msk $0xffff, v52  }
0x2bf: {  	v57 =	vld [tilespmem:$0x1FCF0];
	[tilespmem:v8+s19+$0x0 ss:$0x1] =	vst.idx.msk $0xffff, v54  }
0x2c0: {  	v3 =	vld [tilespmem:$0x1FD00];
	_ =	sdelay $0x1  }
0x2c1: {  	v1 =	vmul.f32 v39, v53  }
0x2c2: {  	v4 =	vmul.f32 v38, v55  }
0x2c3: {  	v56 =	vadd.f32 v31, v1;
	v1 =	vmul.f32 v2, v57  }
0x2c4: {  	v58 =	vadd.f32 v30, v4;
	v3 =	vmul.f32 v5, v3  }
0x2c5: {  	v59 =	vmul.f32 v6, v18;
	[tilespmem:v8+s19+$0x10 ss:$0x1] =	vst.idx.msk $0xffff, v56;
	v1 =	vadd.f32 v25, v1  }
0x2c6: {  	v60 =	vmul.f32 v7, v19;
	[tilespmem:v8+s19+$0x20 ss:$0x1] =	vst.idx.msk $0xffff, v58;
	v3 =	vadd.f32 v26, v3  }
0x2c7: {  	v0 =	vadd.f32 v27, v59;
	v61 =	vmul.f32 v9, v17;
	[tilespmem:v8+s19+$0x30 ss:$0x1] =	vst.idx.msk $0xffff, v1  }
0x2c8: {  	v62 =	vadd.f32 v28, v60;
	[tilespmem:v8+s19+$0x40 ss:$0x1] =	vst.idx.msk $0xffff, v3  }
0x2c9: {  	v63 =	vadd.f32 v29, v61;
	[tilespmem:v8+s19+$0x50 ss:$0x1] =	vst.idx.msk $0xffff, v0  }
0x2ca: {  	[tilespmem:v8+s19+$0x60 ss:$0x1] =	vst.idx.msk $0xffff, v62  }
0x2cb: {  	s16 =	sadd.s32 $0x1, s16;
	[tilespmem:v8+s19+$0x70 ss:$0x1] =	vst.idx.msk $0xffff, v63  }
0x2cc: {  	p1 =	sne.s32 s16, $0x4;
	v24 =	vld [tilespmem:$0x1FFE0]  }
.Ltmp5:
0x2cd: {  	v12 =	vld [tilespmem:$0x1FFF0];
	(pc) =	sbr.rel @p1 .LBB2_11-.Ltmp5, $4  }
0x2ce: {  	v13 =	vld [tilespmem:$0x1FFC0]  }
0x2cf: {  	v14 =	vld [tilespmem:$0x1FFD0]  }
0x2d0: {  	v15 =	vld [tilespmem:$0x1FFB0]  }
0x2d1: {  	v9 =	vmov v11;
	v16 =	vld [tilespmem:$0x1FFA0]  }
0x2d2: {  	s0 =	sadd.s32 s5, s7  }
0x2d3: {  	s0 =	sshll.u32 s0, $0x9  }
0x2d4: {  	s1 =	rddreg [dreg:$0x3];
	s0 =	sand.u32 $0x1FFFF000, s0  }
0x2d5: {  	s0 =	sadd.s32 s1, s0  }
0x2d6: {  	[hbm4b:s0+s4] =	stream.linear.scatter [tilespmem:s21], [sflag:$0x7], $0x4000, $0x38;
	[tilespmem:$0x18000] =	vst v63  }
0x2d7: {  	s0 =	simm.s32 @!p0 $0x6  }
0x2d8: {  	_ =	swait.ge @!p0 [sflag:s0], $0x4000  }
0x2d9: {  	[sflag:s0] =	ssyncset.done @!p0 $0x0  }
0x2da: {  	[sflag:s0] =	ssyncadd.s32 @!p0 $0xFFFFC000;
	s0 =	rddreg [dreg:$0x9]  }
0x2db: {  	s1 =	simm.s32 @!p0 $0x0;
	s0 =	sadd.s32 @!p0 s6, s0;
	s6 =	simm.s32 @!p0 $0x4000  }
0x2dc: {  	[tilespmem:s6], [sflag:$0x2] =	stream.linear.gather @!p0 [hbm4b:s0+s1], $0x4000, $0x38;
	[tilespmem:$0x18000] =	vst v63  }
0x2dd: {  	_ =	swait.ge [sflag:s26], $0x4000  }
0x2de: {  	[sflag:s26] =	ssyncset.done $0x0  }
0x2df: {  	s7 =	simm.s32 $0x0;
	s6 =	sshll.u32 s14, $0x2;
	[sflag:s26] =	ssyncadd.s32 $0xFFFFC000  }
.LBB2_15:
0x2e0: {  	s0 =	sor.u32 s6, s7  }
0x2e1: {  	s0 =	sshll.u32 s0, $0x7  }
0x2e2: {  	v18 =	vld [tilespmem:s0+$0x10000]  }
0x2e3: {  	v58 =	vld [tilespmem:s0+$0x14000]  }
0x2e4: {  	v22 =	vld [tilespmem:s0+$0x10010]  }
0x2e5: {  	v59 =	vld [tilespmem:s0+$0x14010]  }
0x2e6: {  	v20 =	vld [tilespmem:s0+$0x10020]  }
0x2e7: {  	v60 =	vld [tilespmem:s0+$0x14020]  }
0x2e8: {  	v19 =	vld [tilespmem:s0+$0x10030]  }
0x2e9: {  	v61 =	vld [tilespmem:s0+$0x14030]  }
0x2ea: {  	v21 =	vld [tilespmem:s0+$0x10040]  }
0x2eb: {  	v62 =	vld [tilespmem:s0+$0x14040]  }
0x2ec: {  	s14 =	sshll.u32 s7, $0xC;
	v17 =	vld [tilespmem:s0+$0x10050]  }
0x2ed: {  	s16 =	simm.s32 $0x0;
	v8 =	vmov s14;
	v63 =	vld [tilespmem:s0+$0x14050]  }
0x2ee: {  	s9 =	simm.s32 $0x0;
	s1 =	sand.u32 $0xC, s16;
	v57 =	vld [tilespmem:s0+$0x10060]  }
0x2ef: {  	v11 =	vmov v24;
	s11 =	sand.u32 $0x3FFFF800, s9;
	v24 =	vld [tilespmem:s0+$0x14060];
	s15 =	sshll.u32 s1, $0x7  }
0x2f0: {  	v23 =	vld [tilespmem:s0+$0x10070];
	s17 =	sadd.s32 $0xC000, s11;
	s1 =	sor.u32 $0x180, s15  }
0x2f1: {  	v5 =	vld [tilespmem:s0+$0x14070];
	s18 =	sor.u32 s1, s17  }
0x2f2: {  	s28 =	sand.u32 $0xFFFFF800, s9;
	v0 =	vld.idx.msk [tilespmem:v8+s18+$0x0 ss:$0x1], $0xffff  }
0x2f3: {  	s0 =	sadd.s32 s14, s28;
	v1 =	vld.idx.msk [tilespmem:v8+s18+$0x10 ss:$0x1], $0xffff  }
0x2f4: {  	s29 =	sadd.s32 s15, s0;
	v2 =	vld.idx.msk [tilespmem:v8+s18+$0x20 ss:$0x1], $0xffff  }
0x2f5: {  	v33 =	vor.u32 s29, v14;
	v3 =	vld.idx.msk [tilespmem:v8+s18+$0x30 ss:$0x1], $0xffff  }
0x2f6: {  	v34 =	vor.u32 s29, v10;
	v55 =	vld.idx.msk [tilespmem:v8+s18+$0x40 ss:$0x1], $0xffff  }
0x2f7: {  	v35 =	vor.u32 s29, v9;
	v7 =	vld.idx.msk [tilespmem:v8+s18+$0x50 ss:$0x1], $0xffff  }
0x2f8: {  	v36 =	vor.u32 s29, v11;
	v26 =	vld.idx.msk [tilespmem:v8+s18+$0x60 ss:$0x1], $0xffff  }
0x2f9: {  	v37 =	vor.u32 s29, v12;
	v28 =	vld.idx.msk [tilespmem:v8+s18+$0x70 ss:$0x1], $0xffff  }
0x2fa: {  	v38 =	vor.u32 s29, v13;
	v33 =	vld.idx.msk [tilespmem:v33+s23+$0x0], $0xffff  }
0x2fb: {  	v39 =	vor.u32 s29, v15;
	v34 =	vld.idx.msk [tilespmem:v34+s23+$0x0], $0xffff  }
0x2fc: {  	s1 =	sadd.s32 s1, s0;
	v40 =	vor.u32 s29, v16;
	v35 =	vld.idx.msk [tilespmem:v35+s23+$0x0], $0xffff  }
0x2fd: {  	v4 =	vor.u32 s1, v14;
	v36 =	vld.idx.msk [tilespmem:v36+s23+$0x0], $0xffff  }
0x2fe: {  	v6 =	vor.u32 s1, v10;
	v37 =	vld.idx.msk [tilespmem:v37+s23+$0x0], $0xffff  }
0x2ff: {  	v25 =	vor.u32 s1, v9;
	v38 =	vld.idx.msk [tilespmem:v38+s23+$0x0], $0xffff  }
0x300: {  	v27 =	vor.u32 s1, v11;
	v39 =	vld.idx.msk [tilespmem:v39+s23+$0x0], $0xffff  }
0x301: {  	v29 =	vor.u32 s1, v12;
	v40 =	vld.idx.msk [tilespmem:v40+s23+$0x0], $0xffff  }
0x302: {  	v30 =	vor.u32 s1, v13;
	v4 =	vld.idx.msk [tilespmem:v4+s23+$0x0], $0xffff  }
0x303: {  	s28 =	sor.u32 $0x80, s15;
	v31 =	vor.u32 s1, v15;
	v6 =	vld.idx.msk [tilespmem:v6+s23+$0x0], $0xffff  }
0x304: {  	s30 =	sadd.s32 s28, s0;
	v32 =	vor.u32 s1, v16;
	v25 =	vld.idx.msk [tilespmem:v25+s23+$0x0], $0xffff  }
0x305: {  	v41 =	vor.u32 s30, v14;
	v27 =	vld.idx.msk [tilespmem:v27+s23+$0x0], $0xffff  }
0x306: {  	v42 =	vor.u32 s30, v10;
	v29 =	vld.idx.msk [tilespmem:v29+s23+$0x0], $0xffff  }
0x307: {  	v43 =	vor.u32 s30, v9;
	v30 =	vld.idx.msk [tilespmem:v30+s23+$0x0], $0xffff  }
0x308: {  	v44 =	vor.u32 s30, v11;
	v56 =	vld.idx.msk [tilespmem:v31+s23+$0x0], $0xffff  }
0x309: {  	v45 =	vor.u32 s30, v12;
	v32 =	vld.idx.msk [tilespmem:v32+s23+$0x0], $0xffff  }
0x30a: {  	s19 =	sor.u32 $0x100, s15;
	v46 =	vor.u32 s30, v13;
	v41 =	vld.idx.msk [tilespmem:v41+s23+$0x0], $0xffff  }
0x30b: {  	s0 =	sadd.s32 s19, s0;
	v47 =	vor.u32 s30, v15;
	v42 =	vld.idx.msk [tilespmem:v42+s23+$0x0], $0xffff  }
0x30c: {  	v52 =	vor.u32 s0, v11;
	v43 =	vld.idx.msk [tilespmem:v43+s23+$0x0], $0xffff  }
0x30d: {  	v53 =	vor.u32 s0, v12;
	v44 =	vld.idx.msk [tilespmem:v44+s23+$0x0], $0xffff  }
0x30e: {  	v45 =	vld.idx.msk [tilespmem:v45+s23+$0x0], $0xffff  }
0x30f: {  	v51 =	vor.u32 s0, v9;
	v46 =	vld.idx.msk [tilespmem:v46+s23+$0x0], $0xffff  }
0x310: {  	v48 =	vor.u32 s30, v16;
	v49 =	vor.u32 s0, v14;
	v47 =	vld.idx.msk [tilespmem:v47+s23+$0x0], $0xffff  }
0x311: {  	v50 =	vor.u32 s0, v10;
	v14 =	vld.idx.msk [tilespmem:v52+s23+$0x0], $0xffff;
	v0 =	vmul.f32 v0, v18;
	v1 =	vmul.f32 v1, v22  }
0x312: {  	s31 =	sor.u32 s15, s17;
	v54 =	vor.u32 s0, v13;
	v53 =	vld.idx.msk [tilespmem:v53+s23+$0x0], $0xffff;
	v31 =	vmul.f32 v55, v21;
	v7 =	vmul.f32 v7, v17  }
0x313: {  	v55 =	vor.u32 s0, v15;
	v15 =	vld.idx.msk [tilespmem:v8+s31+$0x0 ss:$0x1], $0xffff;
	v4 =	vmul.f32 v4, v58;
	v6 =	vmul.f32 v6, v59  }
0x314: {  	v11 =	vmov v17;
	v17 =	vmul.f32 v29, v62;
	v29 =	vmul.f32 v30, v63;
	v30 =	vld.idx.msk [tilespmem:v51+s23+$0x0], $0xffff  }
0x315: {  	v2 =	vmul.f32 v2, v20;
	v25 =	vmul.f32 v25, v60;
	v0 =	vadd.f32 v4, v0;
	v4 =	vld.idx.msk [tilespmem:v48+s23+$0x0], $0xffff  }
0x316: {  	v3 =	vmul.f32 v3, v19;
	v27 =	vmul.f32 v27, v61;
	v1 =	vadd.f32 v6, v1;
	v6 =	vld.idx.msk [tilespmem:v49+s23+$0x0], $0xffff  }
0x317: {  	v48 =	vor.u32 s0, v16;
	v49 =	vld.idx.msk [tilespmem:v50+s23+$0x0], $0xffff;
	v2 =	vadd.f32 v25, v2;
	[tilespmem:v8+s18+$0x0 ss:$0x1] =	vst.idx.msk $0xffff, v0  }
0x318: {  	v3 =	vadd.f32 v27, v3;
	v27 =	vld.idx.msk [tilespmem:v54+s23+$0x0], $0xffff;
	[tilespmem:v8+s18+$0x10 ss:$0x1] =	vst.idx.msk $0xffff, v1  }
0x319: {  	v54 =	vld.idx.msk [tilespmem:v55+s23+$0x0], $0xffff;
	v0 =	vadd.f32 v17, v31;
	[tilespmem:v8+s18+$0x20 ss:$0x1] =	vst.idx.msk $0xffff, v2  }
0x31a: {  	v7 =	vadd.f32 v29, v7;
	v29 =	vld.idx.msk [tilespmem:v8+s31+$0x10 ss:$0x1], $0xffff;
	[tilespmem:v8+s18+$0x30 ss:$0x1] =	vst.idx.msk $0xffff, v3  }
0x31b: {  	v26 =	vmul.f32 v26, v57;
	v25 =	vmul.f32 v56, v24;
	v16 =	vld.idx.msk [tilespmem:v8+s31+$0x20 ss:$0x1], $0xffff;
	[tilespmem:v8+s18+$0x40 ss:$0x1] =	vst.idx.msk $0xffff, v0  }
0x31c: {  	v17 =	vmul.f32 v39, v24;
	v39 =	vmul.f32 v40, v5;
	v40 =	vld.idx.msk [tilespmem:v48+s23+$0x0], $0xffff;
	[tilespmem:v8+s18+$0x50 ss:$0x1] =	vst.idx.msk $0xffff, v7  }
0x31d: {  	v1 =	vmul.f32 v33, v58;
	v33 =	vmul.f32 v4, v5;
	v4 =	vld.idx.msk [tilespmem:v8+s31+$0x30 ss:$0x1], $0xffff;
	[tilespmem:$0x1FB10] =	vst v58  }
0x31e: {  	v28 =	vmul.f32 v28, v23;
	v13 =	vmul.f32 v32, v5;
	[tilespmem:$0x1FB20] =	vst v59  }
0x31f: {  	v26 =	vadd.f32 v25, v26;
	v32 =	vmul.f32 v6, v58;
	v6 =	vld.idx.msk [tilespmem:v8+s31+$0x40 ss:$0x1], $0xffff;
	[tilespmem:$0x1FB30] =	vst v60  }
0x320: {  	v12 =	vmov v57;
	v57 =	vmul.f32 v36, v61;
	[tilespmem:$0x1FB40] =	vst v61  }
0x321: {  	v25 =	vmul.f32 v14, v61;
	v7 =	vadd.f32 v13, v28;
	[tilespmem:v8+s18+$0x60 ss:$0x1] =	vst.idx.msk $0xffff, v26  }
0x322: {  	v2 =	vmul.f32 v37, v62;
	v37 =	vmul.f32 v44, v61;
	v61 =	vld.idx.msk [tilespmem:v8+s31+$0x50 ss:$0x1], $0xffff;
	[tilespmem:$0x1FB50] =	vst v62  }
0x323: {  	v3 =	vmul.f32 v41, v58;
	v41 =	vmul.f32 v15, v18;
	[tilespmem:v8+s18+$0x70 ss:$0x1] =	vst.idx.msk $0xffff, v7  }
0x324: {  	v52 =	vmul.f32 v34, v59;
	v14 =	vmul.f32 v29, v22;
	v13 =	vld.idx.msk [tilespmem:v8+s31+$0x60 ss:$0x1], $0xffff;
	[tilespmem:$0x1FB60] =	vst v63  }
0x325: {  	s15 =	sor.u32 s28, s17;
	v56 =	vmul.f32 v35, v60;
	v1 =	vadd.f32 v1, v41;
	v7 =	vld.idx.msk [tilespmem:v8+s31+$0x70 ss:$0x1], $0xffff;
	[tilespmem:$0x1FB70] =	vst v24  }
0x326: {  	v0 =	vmul.f32 v16, v20;
	v16 =	vadd.f32 v52, v14;
	v15 =	vld.idx.msk [tilespmem:v8+s15+$0x0 ss:$0x1], $0xffff;
	[tilespmem:$0x1FB80] =	vst v5  }
0x327: {  	v31 =	vmul.f32 v49, v59;
	[tilespmem:v8+s31+$0x0 ss:$0x1] =	vst.idx.msk $0xffff, v1  }
0x328: {  	v0 =	vadd.f32 v56, v0;
	v4 =	vmul.f32 v4, v19;
	v49 =	vld.idx.msk [tilespmem:v8+s15+$0x10 ss:$0x1], $0xffff;
	[tilespmem:v8+s31+$0x10 ss:$0x1] =	vst.idx.msk $0xffff, v16  }
0x329: {  	v50 =	vmul.f32 v6, v21;
	v6 =	vld.idx.msk [tilespmem:v8+s15+$0x20 ss:$0x1], $0xffff;
	[tilespmem:$0x1FB90] =	vst v11  }
0x32a: {  	v4 =	vadd.f32 v57, v4;
	[tilespmem:v8+s31+$0x20 ss:$0x1] =	vst.idx.msk $0xffff, v0  }
0x32b: {  	v38 =	vmul.f32 v38, v63;
	v26 =	vmul.f32 v53, v62;
	v52 =	vld.idx.msk [tilespmem:v8+s15+$0x30 ss:$0x1], $0xffff;
	[tilespmem:$0x1FBA0] =	vst v12  }
0x32c: {  	v51 =	vmul.f32 v61, v11;
	v53 =	vadd.f32 v2, v50;
	[tilespmem:v8+s31+$0x30 ss:$0x1] =	vst.idx.msk $0xffff, v4  }
0x32d: {  	v55 =	vmul.f32 v43, v60;
	v28 =	vmul.f32 v54, v24;
	v56 =	vld.idx.msk [tilespmem:v8+s15+$0x40 ss:$0x1], $0xffff;
	[tilespmem:$0x1FBB0] =	vst v23  }
0x32e: {  	v54 =	vmul.f32 v13, v12;
	v57 =	vadd.f32 v38, v51;
	v43 =	vld.idx.msk [tilespmem:v8+s15+$0x50 ss:$0x1], $0xffff;
	[tilespmem:v8+s31+$0x40 ss:$0x1] =	vst.idx.msk $0xffff, v53  }
0x32f: {  	v48 =	vmul.f32 v42, v59;
	v42 =	vld.idx.msk [tilespmem:v8+s15+$0x60 ss:$0x1], $0xffff;
	[tilespmem:$0x1FBC0] =	vst v18  }
0x330: {  	v7 =	vmul.f32 v7, v23;
	v58 =	vadd.f32 v17, v54;
	[tilespmem:v8+s31+$0x50 ss:$0x1] =	vst.idx.msk $0xffff, v57  }
0x331: {  	v30 =	vmul.f32 v30, v60;
	v41 =	vld.idx.msk [tilespmem:v8+s15+$0x70 ss:$0x1], $0xffff;
	[tilespmem:$0x1FBD0] =	vst v22  }
0x332: {  	v59 =	vmul.f32 v15, v18;
	v60 =	vadd.f32 v39, v7;
	[tilespmem:v8+s31+$0x60 ss:$0x1] =	vst.idx.msk $0xffff, v58  }
0x333: {  	v36 =	vmul.f32 v45, v62;
	[tilespmem:$0x1FBE0] =	vst v20  }
0x334: {  	s17 =	sor.u32 s19, s17;
	v35 =	vmul.f32 v46, v63;
	v62 =	vadd.f32 v3, v59;
	[tilespmem:v8+s31+$0x70 ss:$0x1] =	vst.idx.msk $0xffff, v60  }
0x335: {  	v29 =	vmul.f32 v40, v5;
	v61 =	vmul.f32 v49, v22;
	v40 =	vld.idx.msk [tilespmem:v8+s17+$0x0 ss:$0x1], $0xffff;
	[tilespmem:$0x1FBF0] =	vst v19  }
0x336: {  	v27 =	vmul.f32 v27, v63;
	v63 =	vmul.f32 v6, v20;
	[tilespmem:v8+s15+$0x0 ss:$0x1] =	vst.idx.msk $0xffff, v62  }
0x337: {  	v34 =	vmul.f32 v47, v24;
	v11 =	vmov v9;
	v46 =	vadd.f32 v48, v61;
	v39 =	vld.idx.msk [tilespmem:v8+s17+$0x10 ss:$0x1], $0xffff;
	[tilespmem:$0x1FC00] =	vst v21  }
0x338: {  	v44 =	vadd.f32 v55, v63;
	v47 =	vmul.f32 v52, v19;
	v45 =	vmul.f32 v56, v21;
	v38 =	vld.idx.msk [tilespmem:v8+s17+$0x20 ss:$0x1], $0xffff  }
.LBB2_16:
0x339: {  	v19 =	vld [tilespmem:$0x1FB90]  }
0x33a: {  	v2 =	vld.idx.msk [tilespmem:v8+s17+$0x30 ss:$0x1], $0xffff  }
0x33b: {  	v22 =	vld [tilespmem:$0x1FBA0]  }
0x33c: {  	v5 =	vld.idx.msk [tilespmem:v8+s17+$0x40 ss:$0x1], $0xffff  }
0x33d: {  	v17 =	vld [tilespmem:$0x1FBB0]  }
0x33e: {  	v24 =	vld [tilespmem:$0x1FBC0]  }
0x33f: {  	v23 =	vld [tilespmem:$0x1FBD0]  }
0x340: {  	v21 =	vld [tilespmem:$0x1FBE0]  }
0x341: {  	v20 =	vld [tilespmem:$0x1FBF0]  }
0x342: {  	v18 =	vld [tilespmem:$0x1FC00]  }
0x343: {  	v9 =	vld [tilespmem:$0x1FFD0]  }
0x344: {  	s16 =	sadd.s32 $0x4, s16;
	v16 =	vld [tilespmem:$0x1FFE0]  }
0x345: {  	v15 =	vld [tilespmem:$0x1FFF0];
	s0 =	sand.u32 $0xC, s16;
	s1 =	sshll.u32 s16, $0x7  }
0x346: {  	v14 =	vld [tilespmem:$0x1FFC0];
	s9 =	sand.u32 $0x3FFFF800, s1;
	s0 =	sshll.u32 s0, $0x7  }
0x347: {  	v13 =	vld [tilespmem:$0x1FFB0];
	s9 =	sadd.s32 $0xC000, s9;
	s12 =	sor.u32 $0x180, s0  }
0x348: {  	v12 =	vld [tilespmem:$0x1FFA0];
	s1 =	sand.u32 $0xFFFFF800, s1;
	s28 =	sor.u32 s12, s9  }
0x349: {  	s1 =	sadd.s32 s14, s1;
	v6 =	vld.idx.msk [tilespmem:v8+s28+$0x0 ss:$0x1], $0xffff  }
0x34a: {  	s30 =	sadd.s32 s12, s1;
	v7 =	vld.idx.msk [tilespmem:v8+s28+$0x10 ss:$0x1], $0xffff  }
0x34b: {  	[tilespmem:v8+s15+$0x10 ss:$0x1] =	vst.idx.msk $0xffff, v46;
	v0 =	vadd.f32 v37, v47;
	v61 =	vor.u32 s30, v9;
	v37 =	vld.idx.msk [tilespmem:v8+s28+$0x40 ss:$0x1], $0xffff  }
0x34c: {  	v3 =	vadd.f32 v36, v45;
	v54 =	vmul.f32 v40, v24;
	v62 =	vor.u32 s30, v10;
	v40 =	vld.idx.msk [tilespmem:v8+s28+$0x50 ss:$0x1], $0xffff  }
0x34d: {  	[tilespmem:v8+s15+$0x20 ss:$0x1] =	vst.idx.msk $0xffff, v44;
	s11 =	sor.u32 $0x80, s0;
	v1 =	vmul.f32 v43, v19;
	v4 =	vmul.f32 v42, v22;
	v44 =	vld.idx.msk [tilespmem:v8+s28+$0x60 ss:$0x1], $0xffff  }
0x34e: {  	s13 =	sor.u32 $0x100, s0;
	s18 =	sor.u32 s0, s9;
	s0 =	sadd.s32 s0, s1;
	v52 =	vmul.f32 v41, v17;
	v56 =	vmul.f32 v39, v23;
	v63 =	vor.u32 s30, v11;
	v48 =	vld.idx.msk [tilespmem:v8+s28+$0x70 ss:$0x1], $0xffff  }
0x34f: {  	v58 =	vmul.f32 v38, v21;
	v36 =	vor.u32 s0, v16;
	v51 =	vadd.f32 v35, v1;
	v35 =	vld.idx.msk [tilespmem:v8+s17+$0x50 ss:$0x1], $0xffff  }
0x350: {  	[tilespmem:v8+s15+$0x30 ss:$0x1] =	vst.idx.msk $0xffff, v0;
	s29 =	sor.u32 s11, s9;
	s11 =	sadd.s32 s11, s1;
	v39 =	vor.u32 s0, v14;
	v45 =	vor.u32 s30, v16;
	v57 =	vadd.f32 v32, v54;
	v32 =	vld.idx.msk [tilespmem:v61+s23+$0x0], $0xffff  }
0x351: {  	[tilespmem:v8+s15+$0x40 ss:$0x1] =	vst.idx.msk $0xffff, v3;
	s31 =	sadd.s32 s13, s1;
	v46 =	vor.u32 s11, v9;
	v49 =	vor.u32 s30, v15;
	v53 =	vadd.f32 v34, v4;
	v38 =	vld.idx.msk [tilespmem:v62+s23+$0x0], $0xffff  }
0x352: {  	v59 =	vadd.f32 v31, v56;
	[tilespmem:v8+s15+$0x50 ss:$0x1] =	vst.idx.msk $0xffff, v51;
	v51 =	vor.u32 s11, v16;
	v62 =	vor.u32 s31, v16;
	v16 =	vld [tilespmem:$0x1FB10]  }
0x353: {  	v55 =	vadd.f32 v33, v52;
	v4 =	vor.u32 s0, v9;
	v52 =	vor.u32 s30, v14;
	[tilespmem:v8+s17+$0x0 ss:$0x1] =	vst.idx.msk $0xffff, v57;
	v41 =	vld.idx.msk [tilespmem:v63+s23+$0x0], $0xffff  }
0x354: {  	v54 =	vor.u32 s11, v14;
	[tilespmem:v8+s17+$0x10 ss:$0x1] =	vst.idx.msk $0xffff, v59;
	v59 =	vor.u32 s31, v9;
	v9 =	vor.u32 s31, v14;
	v14 =	vld [tilespmem:$0x1FB30]  }
0x355: {  	v3 =	vmul.f32 v5, v18;
	v5 =	vor.u32 s0, v10;
	v42 =	vor.u32 s0, v13;
	v1 =	vld.idx.msk [tilespmem:v8+s28+$0x20 ss:$0x1], $0xffff  }
0x356: {  	v31 =	vmul.f32 v2, v20;
	v60 =	vadd.f32 v30, v58;
	v30 =	vld.idx.msk [tilespmem:v8+s28+$0x30 ss:$0x1], $0xffff;
	v2 =	vor.u32 s0, v15  }
0x357: {  	v58 =	vor.u32 s30, v12;
	v45 =	vld.idx.msk [tilespmem:v45+s23+$0x0], $0xffff;
	v6 =	vmul.f32 v6, v24;
	v32 =	vmul.f32 v32, v16  }
0x358: {  	[tilespmem:v8+s15+$0x60 ss:$0x1] =	vst.idx.msk $0xffff, v53;
	v53 =	vor.u32 s11, v15;
	v49 =	vld.idx.msk [tilespmem:v49+s23+$0x0], $0xffff;
	v63 =	vor.u32 s31, v15  }
0x359: {  	v15 =	vld [tilespmem:$0x1FB20];
	[tilespmem:v8+s15+$0x70 ss:$0x1] =	vst.idx.msk $0xffff, v55;
	v55 =	vor.u32 s30, v13;
	v6 =	vadd.f32 v32, v6;
	v32 =	vmul.f32 v41, v14  }
0x35a: {  	v47 =	vor.u32 s11, v10;
	v41 =	vmul.f32 v44, v22;
	v44 =	vmul.f32 v48, v17;
	v48 =	vld [tilespmem:$0x1FB50]  }
0x35b: {  	v56 =	vor.u32 s11, v13;
	[tilespmem:v8+s17+$0x20 ss:$0x1] =	vst.idx.msk $0xffff, v60;
	v60 =	vor.u32 s31, v10;
	v10 =	vor.u32 s31, v13;
	v13 =	vld [tilespmem:$0x1FB40]  }
0x35c: {  	v52 =	vld.idx.msk [tilespmem:v52+s23+$0x0], $0xffff  }
0x35d: {  	v58 =	vld.idx.msk [tilespmem:v58+s23+$0x0], $0xffff  }
0x35e: {  	v0 =	vor.u32 s0, v11;
	v55 =	vld.idx.msk [tilespmem:v55+s23+$0x0], $0xffff  }
0x35f: {  	[tilespmem:v8+s28+$0x0 ss:$0x1] =	vst.idx.msk $0xffff, v6;
	v6 =	vmul.f32 v49, v48;
	v49 =	vld [tilespmem:$0x1FB60]  }
0x360: {  	v34 =	vld.idx.msk [tilespmem:v8+s17+$0x60 ss:$0x1], $0xffff;
	v7 =	vmul.f32 v7, v23;
	v38 =	vmul.f32 v38, v15  }
0x361: {  	v33 =	vld.idx.msk [tilespmem:v8+s17+$0x70 ss:$0x1], $0xffff  }
0x362: {  	v5 =	vld.idx.msk [tilespmem:v5+s23+$0x0], $0xffff;
	v30 =	vmul.f32 v30, v20;
	v7 =	vadd.f32 v38, v7;
	v38 =	vmul.f32 v45, v13  }
0x363: {  	v0 =	vld.idx.msk [tilespmem:v0+s23+$0x0], $0xffff  }
0x364: {  	[tilespmem:v8+s28+$0x10 ss:$0x1] =	vst.idx.msk $0xffff, v7;
	v7 =	vadd.f32 v38, v30;
	v30 =	vmul.f32 v52, v49;
	v52 =	vld [tilespmem:$0x1FB70]  }
0x365: {  	v50 =	vor.u32 s11, v11;
	v4 =	vld.idx.msk [tilespmem:v4+s23+$0x0], $0xffff  }
0x366: {  	v2 =	vld.idx.msk [tilespmem:v2+s23+$0x0], $0xffff  }
0x367: {  	v43 =	vor.u32 s0, v12;
	v37 =	vmul.f32 v37, v18;
	v46 =	vld.idx.msk [tilespmem:v46+s23+$0x0], $0xffff  }
0x368: {  	v57 =	vor.u32 s11, v12;
	v25 =	vadd.f32 v25, v31;
	v1 =	vmul.f32 v1, v21;
	v47 =	vld.idx.msk [tilespmem:v47+s23+$0x0], $0xffff  }
0x369: {  	v45 =	vor.u32 s31, v12;
	v12 =	vadd.f32 v6, v37;
	v6 =	vmul.f32 v55, v52;
	v55 =	vld [tilespmem:$0x1FB80]  }
0x36a: {  	v3 =	vadd.f32 v26, v3;
	s15 =	smov.u32 s29;
	v26 =	vld.idx.msk [tilespmem:v50+s23+$0x0], $0xffff;
	v1 =	vadd.f32 v32, v1  }
0x36b: {  	[tilespmem:v8+s17+$0x30 ss:$0x1] =	vst.idx.msk $0xffff, v25;
	v50 =	vld.idx.msk [tilespmem:v8+s15+$0x10 ss:$0x1], $0xffff  }
0x36c: {  	v40 =	vmul.f32 v40, v19;
	v25 =	vld.idx.msk [tilespmem:v53+s23+$0x0], $0xffff;
	[tilespmem:v8+s28+$0x20 ss:$0x1] =	vst.idx.msk $0xffff, v1  }
0x36d: {  	v32 =	vld.idx.msk [tilespmem:v36+s23+$0x0], $0xffff;
	[tilespmem:v8+s28+$0x30 ss:$0x1] =	vst.idx.msk $0xffff, v7  }
0x36e: {  	[tilespmem:v8+s28+$0x40 ss:$0x1] =	vst.idx.msk $0xffff, v12;
	v12 =	vld.idx.msk [tilespmem:v8+s18+$0x10 ss:$0x1], $0xffff;
	v7 =	vadd.f32 v30, v40;
	v30 =	vmul.f32 v58, v55  }
0x36f: {  	v40 =	vld.idx.msk [tilespmem:v39+s23+$0x0], $0xffff;
	v41 =	vadd.f32 v6, v41  }
0x370: {  	[tilespmem:v8+s28+$0x50 ss:$0x1] =	vst.idx.msk $0xffff, v7;
	v6 =	vld.idx.msk [tilespmem:v42+s23+$0x0], $0xffff;
	v7 =	vadd.f32 v30, v44;
	v44 =	vmul.f32 v35, v19  }
0x371: {  	v34 =	vmul.f32 v34, v22;
	[tilespmem:v8+s28+$0x60 ss:$0x1] =	vst.idx.msk $0xffff, v41;
	v41 =	vld.idx.msk [tilespmem:v8+s15+$0x70 ss:$0x1], $0xffff  }
0x372: {  	v58 =	vld.idx.msk [tilespmem:v56+s23+$0x0], $0xffff;
	[tilespmem:v8+s28+$0x70 ss:$0x1] =	vst.idx.msk $0xffff, v7;
	v7 =	vmul.f32 v33, v17;
	v1 =	vadd.f32 v27, v44  }
0x373: {  	[tilespmem:v8+s17+$0x40 ss:$0x1] =	vst.idx.msk $0xffff, v3;
	v27 =	vadd.f32 v28, v34;
	v28 =	vld.idx.msk [tilespmem:v51+s23+$0x0], $0xffff  }
0x374: {  	v61 =	vor.u32 s31, v11;
	v30 =	vld.idx.msk [tilespmem:v43+s23+$0x0], $0xffff;
	v7 =	vadd.f32 v29, v7;
	[tilespmem:v8+s17+$0x50 ss:$0x1] =	vst.idx.msk $0xffff, v1  }
0x375: {  	v29 =	vld.idx.msk [tilespmem:v54+s23+$0x0], $0xffff;
	[tilespmem:v8+s17+$0x60 ss:$0x1] =	vst.idx.msk $0xffff, v27  }
0x376: {  	v27 =	vld.idx.msk [tilespmem:v57+s23+$0x0], $0xffff;
	[tilespmem:v8+s17+$0x70 ss:$0x1] =	vst.idx.msk $0xffff, v7  }
0x377: {  	v7 =	vmul.f32 v26, v14;
	v26 =	vld.idx.msk [tilespmem:v59+s23+$0x0], $0xffff  }
0x378: {  	v37 =	vmul.f32 v28, v13;
	v28 =	vld.idx.msk [tilespmem:v60+s23+$0x0], $0xffff  }
0x379: {  	v36 =	vmul.f32 v25, v48;
	v25 =	vld.idx.msk [tilespmem:v61+s23+$0x0], $0xffff  }
0x37a: {  	v5 =	vmul.f32 v5, v15;
	v61 =	vld.idx.msk [tilespmem:v63+s23+$0x0], $0xffff  }
0x37b: {  	v0 =	vmul.f32 v0, v14;
	v4 =	vmul.f32 v4, v16;
	v9 =	vld.idx.msk [tilespmem:v9+s23+$0x0], $0xffff  }
0x37c: {  	v2 =	vmul.f32 v2, v48;
	v35 =	vmul.f32 v29, v49;
	v29 =	vld.idx.msk [tilespmem:v62+s23+$0x0], $0xffff  }
0x37d: {  	v38 =	vmul.f32 v32, v13;
	v39 =	vmul.f32 v40, v49;
	v10 =	vld.idx.msk [tilespmem:v10+s23+$0x0], $0xffff  }
0x37e: {  	v40 =	vmul.f32 v46, v16;
	v6 =	vmul.f32 v6, v52;
	v63 =	vld.idx.msk [tilespmem:v8+s18+$0x0 ss:$0x1], $0xffff  }
0x37f: {  	v43 =	vmul.f32 v12, v23;
	v3 =	vmul.f32 v30, v55;
	v62 =	vld.idx.msk [tilespmem:v45+s23+$0x0], $0xffff  }
0x380: {  	v33 =	vmul.f32 v27, v55;
	v27 =	vmul.f32 v9, v49;
	v49 =	vld.idx.msk [tilespmem:v8+s15+$0x0 ss:$0x1], $0xffff  }
0x381: {  	v30 =	vmul.f32 v25, v14;
	v25 =	vmul.f32 v29, v13;
	v13 =	vld.idx.msk [tilespmem:v8+s18+$0x20 ss:$0x1], $0xffff  }
0x382: {  	v44 =	vmul.f32 v47, v15;
	v34 =	vmul.f32 v58, v52;
	v14 =	vld.idx.msk [tilespmem:v8+s18+$0x30 ss:$0x1], $0xffff  }
0x383: {  	v32 =	vmul.f32 v26, v16;
	v9 =	vld.idx.msk [tilespmem:v8+s18+$0x40 ss:$0x1], $0xffff;
	v42 =	vmul.f32 v63, v24  }
0x384: {  	v31 =	vmul.f32 v28, v15;
	v28 =	vmul.f32 v10, v52;
	v10 =	vld.idx.msk [tilespmem:v8+s18+$0x50 ss:$0x1], $0xffff  }
0x385: {  	v26 =	vmul.f32 v61, v48;
	v15 =	vld.idx.msk [tilespmem:v8+s18+$0x60 ss:$0x1], $0xffff;
	v4 =	vadd.f32 v4, v42;
	v59 =	vmul.f32 v49, v24  }
0x386: {  	v5 =	vadd.f32 v5, v43;
	v16 =	vld.idx.msk [tilespmem:v8+s18+$0x70 ss:$0x1], $0xffff;
	v29 =	vmul.f32 v62, v55;
	v48 =	vmul.f32 v13, v21  }
0x387: {  	v55 =	vld.idx.msk [tilespmem:v8+s15+$0x40 ss:$0x1], $0xffff;
	[tilespmem:v8+s18+$0x0 ss:$0x1] =	vst.idx.msk $0xffff, v4;
	v1 =	vmul.f32 v14, v20;
	v62 =	vadd.f32 v40, v59  }
0x388: {  	v51 =	vmul.f32 v9, v18;
	v9 =	vld.idx.msk [tilespmem:v8+s15+$0x20 ss:$0x1], $0xffff;
	[tilespmem:v8+s18+$0x10 ss:$0x1] =	vst.idx.msk $0xffff, v5;
	v0 =	vadd.f32 v0, v48  }
0x389: {  	v52 =	vmul.f32 v10, v19;
	v10 =	vld.idx.msk [tilespmem:v8+s15+$0x30 ss:$0x1], $0xffff;
	v1 =	vadd.f32 v38, v1;
	[tilespmem:v8+s15+$0x0 ss:$0x1] =	vst.idx.msk $0xffff, v62  }
0x38a: {  	p0 =	slt.u32 s16, $0x1C;
	s19 =	sor.u32 s13, s9;
	v43 =	vld.idx.msk [tilespmem:v8+s15+$0x50 ss:$0x1], $0xffff;
	v54 =	vmul.f32 v15, v22;
	v53 =	vadd.f32 v2, v51;
	[tilespmem:v8+s18+$0x20 ss:$0x1] =	vst.idx.msk $0xffff, v0  }
.Ltmp6:
0x38b: {  	s17 =	smov.u32 s19;
	v42 =	vld.idx.msk [tilespmem:v8+s15+$0x60 ss:$0x1], $0xffff;
	v57 =	vmul.f32 v16, v17;
	v56 =	vadd.f32 v39, v52;
	[tilespmem:v8+s18+$0x30 ss:$0x1] =	vst.idx.msk $0xffff, v1;
	(pc) =	sbr.rel @p0 .LBB2_16-.Ltmp6, $4  }
0x38c: {  	v61 =	vmul.f32 v50, v23;
	v58 =	vadd.f32 v6, v54;
	v40 =	vld.idx.msk [tilespmem:v8+s17+$0x0 ss:$0x1], $0xffff;
	[tilespmem:v8+s18+$0x40 ss:$0x1] =	vst.idx.msk $0xffff, v53  }
0x38d: {  	v60 =	vadd.f32 v3, v57;
	v39 =	vld.idx.msk [tilespmem:v8+s17+$0x10 ss:$0x1], $0xffff;
	v63 =	vmul.f32 v9, v21;
	[tilespmem:v8+s18+$0x50 ss:$0x1] =	vst.idx.msk $0xffff, v56  }
0x38e: {  	v46 =	vadd.f32 v44, v61;
	v45 =	vmul.f32 v55, v18;
	v38 =	vld.idx.msk [tilespmem:v8+s17+$0x20 ss:$0x1], $0xffff;
	[tilespmem:v8+s18+$0x60 ss:$0x1] =	vst.idx.msk $0xffff, v58  }
0x38f: {  	v47 =	vmul.f32 v10, v20;
	v10 =	vld [tilespmem:$0x1FF90];
	v44 =	vadd.f32 v7, v63;
	[tilespmem:v8+s18+$0x70 ss:$0x1] =	vst.idx.msk $0xffff, v60  }
0x390: {  	_ =	sdelay $0x3  }
0x391: {  	[tilespmem:v8+s15+$0x10 ss:$0x1] =	vst.idx.msk $0xffff, v46;
	v0 =	vadd.f32 v37, v47  }
0x392: {  	v3 =	vadd.f32 v36, v45;
	v18 =	vld [tilespmem:$0x1FB90];
	[tilespmem:v8+s15+$0x20 ss:$0x1] =	vst.idx.msk $0xffff, v44  }
0x393: {  	v19 =	vld [tilespmem:$0x1FBA0];
	[tilespmem:v8+s15+$0x30 ss:$0x1] =	vst.idx.msk $0xffff, v0  }
0x394: {  	v17 =	vld [tilespmem:$0x1FBB0];
	[tilespmem:v8+s15+$0x40 ss:$0x1] =	vst.idx.msk $0xffff, v3  }
0x395: {  	v51 =	vld [tilespmem:$0x1FBC0];
	_ =	sdelay $0x1  }
0x396: {  	v2 =	vld.idx.msk [tilespmem:v8+s17+$0x30 ss:$0x1], $0xffff;
	v1 =	vmul.f32 v43, v18  }
0x397: {  	v5 =	vld.idx.msk [tilespmem:v8+s17+$0x40 ss:$0x1], $0xffff;
	v4 =	vmul.f32 v42, v19  }
0x398: {  	v6 =	vld.idx.msk [tilespmem:v8+s17+$0x50 ss:$0x1], $0xffff;
	v48 =	vadd.f32 v35, v1;
	v49 =	vmul.f32 v41, v17  }
0x399: {  	v7 =	vld.idx.msk [tilespmem:v8+s17+$0x60 ss:$0x1], $0xffff;
	v50 =	vadd.f32 v34, v4;
	v4 =	vmul.f32 v40, v51  }
0x39a: {  	v9 =	vld.idx.msk [tilespmem:v8+s17+$0x70 ss:$0x1], $0xffff;
	[tilespmem:v8+s15+$0x50 ss:$0x1] =	vst.idx.msk $0xffff, v48;
	v52 =	vadd.f32 v33, v49  }
0x39b: {  	v53 =	vld [tilespmem:$0x1FBD0];
	[tilespmem:v8+s15+$0x60 ss:$0x1] =	vst.idx.msk $0xffff, v50;
	v54 =	vadd.f32 v32, v4  }
0x39c: {  	v55 =	vld [tilespmem:$0x1FBE0];
	[tilespmem:v8+s15+$0x70 ss:$0x1] =	vst.idx.msk $0xffff, v52  }
0x39d: {  	v57 =	vld [tilespmem:$0x1FBF0];
	[tilespmem:v8+s17+$0x0 ss:$0x1] =	vst.idx.msk $0xffff, v54  }
0x39e: {  	v3 =	vld [tilespmem:$0x1FC00];
	_ =	sdelay $0x1  }
0x39f: {  	v1 =	vmul.f32 v39, v53  }
0x3a0: {  	v4 =	vmul.f32 v38, v55  }
0x3a1: {  	v56 =	vadd.f32 v31, v1;
	v1 =	vmul.f32 v2, v57  }
0x3a2: {  	v58 =	vadd.f32 v30, v4;
	v3 =	vmul.f32 v5, v3  }
0x3a3: {  	v59 =	vmul.f32 v6, v18;
	[tilespmem:v8+s17+$0x10 ss:$0x1] =	vst.idx.msk $0xffff, v56;
	v1 =	vadd.f32 v25, v1  }
0x3a4: {  	v60 =	vmul.f32 v7, v19;
	[tilespmem:v8+s17+$0x20 ss:$0x1] =	vst.idx.msk $0xffff, v58;
	v3 =	vadd.f32 v26, v3  }
0x3a5: {  	v0 =	vadd.f32 v27, v59;
	v61 =	vmul.f32 v9, v17;
	[tilespmem:v8+s17+$0x30 ss:$0x1] =	vst.idx.msk $0xffff, v1  }
0x3a6: {  	v62 =	vadd.f32 v28, v60;
	[tilespmem:v8+s17+$0x40 ss:$0x1] =	vst.idx.msk $0xffff, v3  }
0x3a7: {  	v63 =	vadd.f32 v29, v61;
	[tilespmem:v8+s17+$0x50 ss:$0x1] =	vst.idx.msk $0xffff, v0  }
0x3a8: {  	[tilespmem:v8+s17+$0x60 ss:$0x1] =	vst.idx.msk $0xffff, v62  }
0x3a9: {  	s7 =	sadd.s32 $0x1, s7;
	[tilespmem:v8+s17+$0x70 ss:$0x1] =	vst.idx.msk $0xffff, v63  }
0x3aa: {  	p0 =	sne.s32 s7, $0x4;
	v24 =	vld [tilespmem:$0x1FFE0]  }
.Ltmp7:
0x3ab: {  	v12 =	vld [tilespmem:$0x1FFF0];
	(pc) =	sbr.rel @p0 .LBB2_15-.Ltmp7, $4  }
0x3ac: {  	v13 =	vld [tilespmem:$0x1FFC0]  }
0x3ad: {  	v14 =	vld [tilespmem:$0x1FFD0]  }
0x3ae: {  	v15 =	vld [tilespmem:$0x1FFB0]  }
0x3af: {  	v9 =	vmov v11;
	v16 =	vld [tilespmem:$0x1FFA0]  }
0x3b0: {  	s3 =	sadd.s32 $0x1, s3  }
0x3b1: {  	p0 =	sne.s32 s3, $0x8  }
.Ltmp8:
0x3b2: {  	s0 =	sadd.s32 s5, s6;
	(pc) =	sbr.rel @p0 .LBB2_2-.Ltmp8, $4  }
0x3b3: {  	s0 =	sshll.u32 s0, $0x9  }
0x3b4: {  	s1 =	rddreg [dreg:$0x3];
	s0 =	sand.u32 $0x1FFFF800, s0  }
0x3b5: {  	s0 =	sadd.s32 s1, s0  }
0x3b6: {  	[hbm4b:s0+s4] =	stream.linear.scatter [tilespmem:s23], [sflag:$0x8], $0x4000, $0x38;
	[tilespmem:$0x18000] =	vst v63  }
0x3b7: {  	s0 =	simm.s32 $0x5  }
0x3b8: {  	_ =	swait.ge [sflag:s0], $0x4000  }
0x3b9: {  	[sflag:s0] =	ssyncset.done $0x0  }
0x3ba: {  	s28 =	simm.s32 $0x6;
	[sflag:s0] =	ssyncadd.s32 $0xFFFFC000  }
0x3bb: {  	_ =	swait.ge [sflag:s28], $0x4000  }
0x3bc: {  	[sflag:s28] =	ssyncset.done $0x0  }
0x3bd: {  	s29 =	simm.s32 $0x7;
	[sflag:s28] =	ssyncadd.s32 $0xFFFFC000  }
0x3be: {  	_ =	swait.ge [sflag:s29], $0x4000  }
0x3bf: {  	[sflag:s29] =	ssyncset.done $0x0  }
0x3c0: {  	s30 =	simm.s32 $0x8;
	[sflag:s29] =	ssyncadd.s32 $0xFFFFC000  }
0x3c1: {  	_ =	swait.ge [sflag:s30], $0x4000  }
0x3c2: {  	[sflag:s30] =	ssyncset.done $0x0  }
0x3c3: {  	s1 =	simm.s32 $0x0;
	[sflag:s30] =	ssyncadd.s32 $0xFFFFC000  }
0x3c4: {  	[tilespmem:s1], [sflag:$0x1] =	stream.linear.gather [hbm4b:s10+s1], $0x4000, $0x38;
	[tilespmem:$0x18000] =	vst v63  }
0x3c5: {  	s14 =	simm.s32 $0x0;
	s31 =	rddreg [dreg:$0xd]  }
0x3c6: {  	[tilespmem:s20], [sflag:$0x2] =	stream.linear.gather [hbm4b:s31+s1], $0x4000, $0x38;
	[tilespmem:$0x18000] =	vst v63  }
.LBB2_20:
0x3c7: {  	p0 =	seq.s32 s14, $0x0  }
0x3c8: {  	s7 =	sshll.u32 s14, $0x2;
	s0 =	simm.s32 @!p0 $0x7  }
0x3c9: {  	s6 =	sor.u32 $0x2, s7;
	_ =	swait.ge @!p0 [sflag:s0], $0x4000  }
0x3ca: {  	s1 =	sshll.u32 s6, $0xB;
	[sflag:s0] =	ssyncset.done @!p0 $0x0  }
0x3cb: {  	s31 =	simm.s32 $0x0;
	s30 =	sadd.s32 s1, s10;
	[sflag:s0] =	ssyncadd.s32 @!p0 $0xFFFFC000  }
0x3cc: {  	[tilespmem:s21], [sflag:$0x3] =	stream.linear.gather [hbm4b:s30+s31], $0x4000, $0x38;
	[tilespmem:$0x18000] =	vst v63  }
0x3cd: {  	_ =	swait.ge [sflag:s22], $0x4000  }
0x3ce: {  	[sflag:s22] =	ssyncset.done $0x0  }
0x3cf: {  	s17 =	sshll.u32 s14, $0x4;
	s16 =	simm.s32 $0x0;
	[sflag:s22] =	ssyncadd.s32 $0xFFFFC000  }
.LBB2_21:
0x3d0: {  	s0 =	sor.u32 s17, s16  }
0x3d1: {  	s0 =	sshll.u32 s0, $0x7  }
0x3d2: {  	v23 =	vld [tilespmem:s0+$0x10000]  }
0x3d3: {  	v60 =	vld [tilespmem:s0+$0x14000]  }
0x3d4: {  	v11 =	vld [tilespmem:s0+$0x10010]  }
0x3d5: {  	v61 =	vld [tilespmem:s0+$0x14010]  }
0x3d6: {  	v21 =	vld [tilespmem:s0+$0x10020]  }
0x3d7: {  	v62 =	vld [tilespmem:s0+$0x14020]  }
0x3d8: {  	v19 =	vld [tilespmem:s0+$0x10030]  }
0x3d9: {  	v63 =	vld [tilespmem:s0+$0x14030]  }
0x3da: {  	v18 =	vld [tilespmem:s0+$0x10040]  }
0x3db: {  	v28 =	vld [tilespmem:s0+$0x14040]  }
0x3dc: {  	s18 =	sshll.u32 s16, $0xC;
	v58 =	vld [tilespmem:s0+$0x10050]  }
0x3dd: {  	s19 =	simm.s32 $0x0;
	v8 =	vmov s18;
	v59 =	vld [tilespmem:s0+$0x14050]  }
0x3de: {  	s1 =	sand.u32 $0xC, s19;
	v20 =	vld [tilespmem:s0+$0x10060]  }
0x3df: {  	v17 =	vmov v14;
	s9 =	simm.s32 $0x0;
	v14 =	vld [tilespmem:s0+$0x14060];
	s28 =	sshll.u32 s1, $0x7  }
0x3e0: {  	s29 =	sand.u32 $0x3FFFF800, s9;
	v22 =	vld [tilespmem:s0+$0x10070];
	s1 =	sor.u32 $0x180, s28  }
0x3e1: {  	v5 =	vld [tilespmem:s0+$0x14070];
	s30 =	sor.u32 s1, s29  }
0x3e2: {  	s13 =	sand.u32 $0xFFFFF800, s9;
	v0 =	vld.idx.msk [tilespmem:v8+s30+$0x0 ss:$0x1], $0xffff  }
0x3e3: {  	s0 =	sadd.s32 s18, s13;
	v1 =	vld.idx.msk [tilespmem:v8+s30+$0x10 ss:$0x1], $0xffff  }
0x3e4: {  	s15 =	sadd.s32 s28, s0;
	v2 =	vld.idx.msk [tilespmem:v8+s30+$0x20 ss:$0x1], $0xffff  }
0x3e5: {  	v33 =	vor.u32 s15, v17;
	v3 =	vld.idx.msk [tilespmem:v8+s30+$0x30 ss:$0x1], $0xffff  }
0x3e6: {  	v34 =	vor.u32 s15, v10;
	v55 =	vld.idx.msk [tilespmem:v8+s30+$0x40 ss:$0x1], $0xffff  }
0x3e7: {  	v35 =	vor.u32 s15, v9;
	v7 =	vld.idx.msk [tilespmem:v8+s30+$0x50 ss:$0x1], $0xffff  }
0x3e8: {  	v36 =	vor.u32 s15, v24;
	v26 =	vld.idx.msk [tilespmem:v8+s30+$0x60 ss:$0x1], $0xffff  }
0x3e9: {  	v37 =	vor.u32 s15, v12;
	v56 =	vld.idx.msk [tilespmem:v8+s30+$0x70 ss:$0x1], $0xffff  }
0x3ea: {  	v38 =	vor.u32 s15, v13;
	v33 =	vld.idx.msk [tilespmem:v33+s4+$0x0], $0xffff  }
0x3eb: {  	v39 =	vor.u32 s15, v15;
	v34 =	vld.idx.msk [tilespmem:v34+s4+$0x0], $0xffff  }
0x3ec: {  	s1 =	sadd.s32 s1, s0;
	v40 =	vor.u32 s15, v16;
	v35 =	vld.idx.msk [tilespmem:v35+s4+$0x0], $0xffff  }
0x3ed: {  	v4 =	vor.u32 s1, v17;
	v36 =	vld.idx.msk [tilespmem:v36+s4+$0x0], $0xffff  }
0x3ee: {  	v6 =	vor.u32 s1, v10;
	v37 =	vld.idx.msk [tilespmem:v37+s4+$0x0], $0xffff  }
0x3ef: {  	v25 =	vor.u32 s1, v9;
	v38 =	vld.idx.msk [tilespmem:v38+s4+$0x0], $0xffff  }
0x3f0: {  	v27 =	vor.u32 s1, v24;
	v39 =	vld.idx.msk [tilespmem:v39+s4+$0x0], $0xffff  }
0x3f1: {  	v29 =	vor.u32 s1, v12;
	v40 =	vld.idx.msk [tilespmem:v40+s4+$0x0], $0xffff  }
0x3f2: {  	v30 =	vor.u32 s1, v13;
	v4 =	vld.idx.msk [tilespmem:v4+s4+$0x0], $0xffff  }
0x3f3: {  	s31 =	sor.u32 $0x80, s28;
	v31 =	vor.u32 s1, v15;
	v6 =	vld.idx.msk [tilespmem:v6+s4+$0x0], $0xffff  }
0x3f4: {  	s11 =	sadd.s32 s31, s0;
	v32 =	vor.u32 s1, v16;
	v25 =	vld.idx.msk [tilespmem:v25+s4+$0x0], $0xffff  }
0x3f5: {  	v41 =	vor.u32 s11, v17;
	v27 =	vld.idx.msk [tilespmem:v27+s4+$0x0], $0xffff  }
0x3f6: {  	v42 =	vor.u32 s11, v10;
	v57 =	vld.idx.msk [tilespmem:v29+s4+$0x0], $0xffff  }
0x3f7: {  	v43 =	vor.u32 s11, v9;
	v30 =	vld.idx.msk [tilespmem:v30+s4+$0x0], $0xffff  }
0x3f8: {  	v44 =	vor.u32 s11, v24;
	v31 =	vld.idx.msk [tilespmem:v31+s4+$0x0], $0xffff  }
0x3f9: {  	v45 =	vor.u32 s11, v12;
	v32 =	vld.idx.msk [tilespmem:v32+s4+$0x0], $0xffff  }
0x3fa: {  	s15 =	sor.u32 $0x100, s28;
	v46 =	vor.u32 s11, v13;
	v41 =	vld.idx.msk [tilespmem:v41+s4+$0x0], $0xffff  }
0x3fb: {  	s0 =	sadd.s32 s15, s0;
	v47 =	vor.u32 s11, v15;
	v42 =	vld.idx.msk [tilespmem:v42+s4+$0x0], $0xffff  }
0x3fc: {  	v50 =	vor.u32 s0, v10;
	v43 =	vld.idx.msk [tilespmem:v43+s4+$0x0], $0xffff  }
0x3fd: {  	v51 =	vor.u32 s0, v9;
	v44 =	vld.idx.msk [tilespmem:v44+s4+$0x0], $0xffff  }
0x3fe: {  	v52 =	vor.u32 s0, v24;
	v45 =	vld.idx.msk [tilespmem:v45+s4+$0x0], $0xffff  }
0x3ff: {  	v48 =	vor.u32 s11, v16;
	v46 =	vld.idx.msk [tilespmem:v46+s4+$0x0], $0xffff  }
0x400: {  	v49 =	vor.u32 s0, v17;
	v47 =	vld.idx.msk [tilespmem:v47+s4+$0x0], $0xffff;
	v0 =	vmul.f32 v0, v23;
	v4 =	vmul.f32 v4, v60  }
0x401: {  	v53 =	vor.u32 s0, v12;
	v1 =	vmul.f32 v1, v11;
	v50 =	vld.idx.msk [tilespmem:v50+s4+$0x0], $0xffff;
	v6 =	vmul.f32 v6, v61  }
0x402: {  	v54 =	vor.u32 s0, v13;
	v51 =	vld.idx.msk [tilespmem:v51+s4+$0x0], $0xffff;
	v0 =	vadd.f32 v4, v0  }
0x403: {  	v2 =	vmul.f32 v2, v21;
	v52 =	vld.idx.msk [tilespmem:v52+s4+$0x0], $0xffff;
	v25 =	vmul.f32 v25, v62;
	v1 =	vadd.f32 v6, v1  }
0x404: {  	v29 =	vmul.f32 v55, v18;
	v36 =	vmul.f32 v36, v63;
	v4 =	vld.idx.msk [tilespmem:v48+s4+$0x0], $0xffff;
	[tilespmem:v8+s30+$0x0 ss:$0x1] =	vst.idx.msk $0xffff, v0  }
0x405: {  	v55 =	vor.u32 s0, v15;
	v6 =	vld.idx.msk [tilespmem:v49+s4+$0x0], $0xffff;
	v2 =	vadd.f32 v25, v2;
	[tilespmem:v8+s30+$0x10 ss:$0x1] =	vst.idx.msk $0xffff, v1  }
0x406: {  	v25 =	vmul.f32 v32, v5;
	v1 =	vld.idx.msk [tilespmem:v53+s4+$0x0], $0xffff;
	v53 =	vmul.f32 v37, v28;
	[tilespmem:$0x1F9D0] =	vst v36  }
0x407: {  	v32 =	vmul.f32 v33, v60;
	v33 =	vld.idx.msk [tilespmem:v54+s4+$0x0], $0xffff;
	[tilespmem:v8+s30+$0x20 ss:$0x1] =	vst.idx.msk $0xffff, v2;
	v54 =	vmul.f32 v38, v59  }
0x408: {  	v49 =	vmul.f32 v56, v22;
	v56 =	vor.u32 s0, v16;
	[tilespmem:$0x1F9E0] =	vst v53  }
0x409: {  	v3 =	vmul.f32 v3, v19;
	v48 =	vmul.f32 v26, v20;
	[tilespmem:$0x1F9F0] =	vst v54  }
0x40a: {  	v26 =	vmul.f32 v27, v63;
	v2 =	vld.idx.msk [tilespmem:v55+s4+$0x0], $0xffff;
	v55 =	vmul.f32 v39, v14  }
0x40b: {  	v0 =	vmul.f32 v57, v28  }
0x40c: {  	v7 =	vmul.f32 v7, v58;
	v57 =	vmul.f32 v30, v59;
	v3 =	vadd.f32 v26, v3;
	[tilespmem:$0x1FA00] =	vst v55  }
0x40d: {  	s1 =	sor.u32 s31, s29;
	v0 =	vadd.f32 v0, v29;
	v26 =	vld.idx.msk [tilespmem:v56+s4+$0x0], $0xffff  }
0x40e: {  	v7 =	vadd.f32 v57, v7;
	[tilespmem:v8+s30+$0x30 ss:$0x1] =	vst.idx.msk $0xffff, v3;
	v56 =	vld.idx.msk [tilespmem:v8+s1+$0x0 ss:$0x1], $0xffff  }
0x40f: {  	v13 =	vmov v58;
	v3 =	vmul.f32 v41, v60;
	v41 =	vld.idx.msk [tilespmem:v8+s1+$0x10 ss:$0x1], $0xffff;
	[tilespmem:v8+s30+$0x40 ss:$0x1] =	vst.idx.msk $0xffff, v0  }
0x410: {  	v58 =	vmul.f32 v31, v14;
	v39 =	vmul.f32 v43, v62;
	v43 =	vld.idx.msk [tilespmem:v8+s1+$0x20 ss:$0x1], $0xffff;
	[tilespmem:v8+s30+$0x50 ss:$0x1] =	vst.idx.msk $0xffff, v7  }
0x411: {  	v0 =	vmul.f32 v45, v28;
	v45 =	vld.idx.msk [tilespmem:v8+s1+$0x30 ss:$0x1], $0xffff;
	[tilespmem:$0x1FA10] =	vst v60  }
0x412: {  	v58 =	vadd.f32 v58, v48;
	[tilespmem:$0x1FA20] =	vst v61  }
0x413: {  	v38 =	vmul.f32 v42, v61;
	v42 =	vmul.f32 v46, v59;
	v46 =	vld.idx.msk [tilespmem:v8+s1+$0x40 ss:$0x1], $0xffff;
	[tilespmem:$0x1FA30] =	vst v62  }
0x414: {  	v31 =	vmul.f32 v34, v61;
	[tilespmem:$0x1FA40] =	vst v63  }
0x415: {  	v30 =	vmul.f32 v35, v62;
	v27 =	vadd.f32 v25, v49;
	[tilespmem:v8+s30+$0x60 ss:$0x1] =	vst.idx.msk $0xffff, v58  }
0x416: {  	v48 =	vmul.f32 v51, v62;
	v37 =	vmul.f32 v52, v63;
	v54 =	vld.idx.msk [tilespmem:v8+s1+$0x50 ss:$0x1], $0xffff;
	[tilespmem:$0x1FA50] =	vst v28  }
0x417: {  	v6 =	vmul.f32 v6, v60;
	v56 =	vmul.f32 v56, v23;
	[tilespmem:v8+s30+$0x70 ss:$0x1] =	vst.idx.msk $0xffff, v27  }
0x418: {  	v36 =	vmul.f32 v33, v59;
	v41 =	vmul.f32 v41, v11;
	v55 =	vld.idx.msk [tilespmem:v8+s1+$0x60 ss:$0x1], $0xffff;
	[tilespmem:$0x1FA60] =	vst v59  }
0x419: {  	s15 =	sor.u32 s15, s29;
	v7 =	vmul.f32 v50, v61;
	v58 =	vadd.f32 v3, v56;
	v57 =	vld.idx.msk [tilespmem:v8+s1+$0x70 ss:$0x1], $0xffff;
	[tilespmem:$0x1FA70] =	vst v14  }
0x41a: {  	v61 =	vadd.f32 v38, v41;
	v59 =	vmul.f32 v43, v21;
	v60 =	vld.idx.msk [tilespmem:v8+s15+$0x0 ss:$0x1], $0xffff;
	[tilespmem:$0x1FA80] =	vst v5  }
0x41b: {  	v53 =	vmul.f32 v40, v5;
	v40 =	vmul.f32 v44, v63;
	[tilespmem:v8+s1+$0x0 ss:$0x1] =	vst.idx.msk $0xffff, v58  }
0x41c: {  	v62 =	vmul.f32 v45, v19;
	v25 =	vadd.f32 v39, v59;
	v63 =	vld.idx.msk [tilespmem:v8+s15+$0x10 ss:$0x1], $0xffff;
	[tilespmem:v8+s1+$0x10 ss:$0x1] =	vst.idx.msk $0xffff, v61  }
0x41d: {  	v33 =	vmul.f32 v26, v5;
	v27 =	vld.idx.msk [tilespmem:v8+s15+$0x20 ss:$0x1], $0xffff;
	[tilespmem:$0x1FA90] =	vst v13  }
0x41e: {  	v51 =	vadd.f32 v40, v62;
	v26 =	vmul.f32 v46, v18;
	[tilespmem:v8+s1+$0x20 ss:$0x1] =	vst.idx.msk $0xffff, v25  }
0x41f: {  	v52 =	vmul.f32 v54, v13;
	v54 =	vld.idx.msk [tilespmem:v8+s15+$0x30 ss:$0x1], $0xffff;
	[tilespmem:$0x1FAA0] =	vst v20  }
0x420: {  	v0 =	vadd.f32 v0, v26;
	[tilespmem:v8+s1+$0x30 ss:$0x1] =	vst.idx.msk $0xffff, v51  }
0x421: {  	v34 =	vmul.f32 v1, v28;
	v1 =	vmul.f32 v55, v20;
	v55 =	vld.idx.msk [tilespmem:v8+s15+$0x40 ss:$0x1], $0xffff;
	[tilespmem:$0x1FAB0] =	vst v22  }
0x422: {  	v44 =	vmul.f32 v47, v14;
	v56 =	vadd.f32 v42, v52;
	v43 =	vld.idx.msk [tilespmem:v8+s15+$0x50 ss:$0x1], $0xffff;
	[tilespmem:v8+s1+$0x40 ss:$0x1] =	vst.idx.msk $0xffff, v0  }
0x423: {  	v4 =	vmul.f32 v4, v5;
	v42 =	vld.idx.msk [tilespmem:v8+s15+$0x60 ss:$0x1], $0xffff;
	[tilespmem:$0x1FAC0] =	vst v23  }
0x424: {  	v57 =	vmul.f32 v57, v22;
	v58 =	vadd.f32 v44, v1;
	[tilespmem:v8+s1+$0x50 ss:$0x1] =	vst.idx.msk $0xffff, v56  }
0x425: {  	v41 =	vld.idx.msk [tilespmem:v8+s15+$0x70 ss:$0x1], $0xffff;
	[tilespmem:$0x1FAD0] =	vst v11  }
0x426: {  	s28 =	sor.u32 s28, s29;
	v59 =	vmul.f32 v60, v23;
	v60 =	vadd.f32 v4, v57;
	[tilespmem:v8+s1+$0x60 ss:$0x1] =	vst.idx.msk $0xffff, v58  }
0x427: {  	v35 =	vmul.f32 v2, v14;
	v61 =	vmul.f32 v63, v11;
	v40 =	vld.idx.msk [tilespmem:v8+s28+$0x0 ss:$0x1], $0xffff;
	[tilespmem:$0x1FAE0] =	vst v21  }
0x428: {  	v63 =	vmul.f32 v27, v21;
	v62 =	vadd.f32 v6, v59;
	[tilespmem:v8+s1+$0x70 ss:$0x1] =	vst.idx.msk $0xffff, v60  }
0x429: {  	v14 =	vmov v12;
	v12 =	vmov v9;
	v46 =	vadd.f32 v7, v61;
	v39 =	vld.idx.msk [tilespmem:v8+s28+$0x10 ss:$0x1], $0xffff;
	[tilespmem:$0x1FAF0] =	vst v19  }
0x42a: {  	v13 =	vmov v24;
	v44 =	vadd.f32 v48, v63;
	v47 =	vmul.f32 v54, v19;
	[tilespmem:v8+s15+$0x0 ss:$0x1] =	vst.idx.msk $0xffff, v62  }
0x42b: {  	v45 =	vmul.f32 v55, v18;
	v11 =	vmovc v10;
	v38 =	vld.idx.msk [tilespmem:v8+s28+$0x20 ss:$0x1], $0xffff;
	[tilespmem:$0x1FB00] =	vst v18;
	v18 =	vmov v16;
	v16 =	vmov v17  }
.LBB2_22:
0x42c: {  	v0 =	vld.idx.msk [tilespmem:v8+s28+$0x30 ss:$0x1], $0xffff  }
0x42d: {  	v20 =	vld [tilespmem:$0x1FA90]  }
0x42e: {  	v3 =	vld.idx.msk [tilespmem:v8+s28+$0x40 ss:$0x1], $0xffff  }
0x42f: {  	v22 =	vld [tilespmem:$0x1FAA0]  }
0x430: {  	v24 =	vld [tilespmem:$0x1FAB0]  }
0x431: {  	v26 =	vld [tilespmem:$0x1FAC0]  }
0x432: {  	v25 =	vld [tilespmem:$0x1FAD0]  }
0x433: {  	v23 =	vld [tilespmem:$0x1FAE0]  }
0x434: {  	v21 =	vld [tilespmem:$0x1FAF0]  }
0x435: {  	v19 =	vld [tilespmem:$0x1FB00]  }
0x436: {  	v9 =	vld [tilespmem:$0x1FFC0]  }
0x437: {  	s19 =	sadd.s32 $0x4, s19;
	v10 =	vld [tilespmem:$0x1FFB0]  }
0x438: {  	v28 =	vld [tilespmem:$0x1FA20];
	s0 =	sand.u32 $0xC, s19  }
0x439: {  	v29 =	vld [tilespmem:$0x1FA30];
	[tilespmem:v8+s15+$0x10 ss:$0x1] =	vst.idx.msk $0xffff, v46;
	v1 =	vadd.f32 v37, v47;
	s1 =	sshll.u32 s19, $0x7;
	s0 =	sshll.u32 s0, $0x7  }
0x43a: {  	v17 =	vld [tilespmem:$0x1FA40];
	v4 =	vadd.f32 v34, v45;
	[tilespmem:v8+s15+$0x20 ss:$0x1] =	vst.idx.msk $0xffff, v44;
	s9 =	sand.u32 $0x3FFFF800, s1;
	s12 =	sor.u32 $0x180, s0  }
0x43b: {  	v34 =	vld.idx.msk [tilespmem:v8+s28+$0x50 ss:$0x1], $0xffff;
	[tilespmem:v8+s15+$0x30 ss:$0x1] =	vst.idx.msk $0xffff, v1;
	s31 =	sor.u32 s12, s9  }
0x43c: {  	[tilespmem:v8+s15+$0x40 ss:$0x1] =	vst.idx.msk $0xffff, v4;
	v4 =	vld.idx.msk [tilespmem:v8+s31+$0x10 ss:$0x1], $0xffff  }
0x43d: {  	v37 =	vld.idx.msk [tilespmem:v8+s31+$0x40 ss:$0x1], $0xffff  }
0x43e: {  	s1 =	sand.u32 $0xFFFFF800, s1;
	v6 =	vmul.f32 v40, v26;
	v40 =	vld.idx.msk [tilespmem:v8+s31+$0x50 ss:$0x1], $0xffff  }
0x43f: {  	s1 =	sadd.s32 s18, s1;
	v2 =	vmul.f32 v43, v20;
	v44 =	vld.idx.msk [tilespmem:v8+s31+$0x60 ss:$0x1], $0xffff  }
0x440: {  	s12 =	sadd.s32 s12, s1;
	v5 =	vmul.f32 v42, v22;
	v48 =	vld.idx.msk [tilespmem:v8+s31+$0x70 ss:$0x1], $0xffff  }
0x441: {  	v62 =	vor.u32 s12, v11;
	v56 =	vadd.f32 v36, v2;
	v36 =	vld.idx.msk [tilespmem:v8+s28+$0x60 ss:$0x1], $0xffff  }
0x442: {  	v57 =	vmul.f32 v41, v24;
	v63 =	vor.u32 s12, v12;
	v58 =	vadd.f32 v35, v5;
	v35 =	vld.idx.msk [tilespmem:v8+s28+$0x70 ss:$0x1], $0xffff  }
0x443: {  	v59 =	vmul.f32 v39, v25;
	v7 =	vmul.f32 v38, v23;
	v27 =	vor.u32 s12, v13;
	v2 =	vld.idx.msk [tilespmem:v8+s31+$0x0 ss:$0x1], $0xffff  }
0x444: {  	v49 =	vor.u32 s12, v14;
	v60 =	vadd.f32 v33, v57;
	v33 =	vmul.f32 v0, v21;
	v0 =	vld.idx.msk [tilespmem:v8+s31+$0x20 ss:$0x1], $0xffff  }
0x445: {  	v61 =	vadd.f32 v30, v7;
	v30 =	vld.idx.msk [tilespmem:v8+s31+$0x30 ss:$0x1], $0xffff  }
0x446: {  	v5 =	vadd.f32 v31, v59;
	v31 =	vor.u32 s12, v16;
	v38 =	vld.idx.msk [tilespmem:v62+s4+$0x0], $0xffff  }
0x447: {  	s11 =	sor.u32 $0x80, s0;
	v52 =	vor.u32 s12, v9;
	v41 =	vld.idx.msk [tilespmem:v63+s4+$0x0], $0xffff  }
0x448: {  	s29 =	sor.u32 s11, s9;
	s11 =	sadd.s32 s11, s1;
	v55 =	vor.u32 s12, v10;
	v45 =	vld.idx.msk [tilespmem:v27+s4+$0x0], $0xffff  }
0x449: {  	s13 =	sor.u32 $0x100, s0;
	s30 =	sor.u32 s0, s9;
	s0 =	sadd.s32 s0, s1;
	v54 =	vor.u32 s11, v9;
	v49 =	vld.idx.msk [tilespmem:v49+s4+$0x0], $0xffff  }
0x44a: {  	v6 =	vadd.f32 v32, v6;
	v7 =	vor.u32 s0, v11;
	v27 =	vld [tilespmem:$0x1FA10]  }
0x44b: {  	s1 =	sadd.s32 s13, s1;
	v1 =	vor.u32 s0, v14;
	[tilespmem:v8+s15+$0x50 ss:$0x1] =	vst.idx.msk $0xffff, v56;
	v31 =	vld.idx.msk [tilespmem:v31+s4+$0x0], $0xffff  }
0x44c: {  	v59 =	vor.u32 s1, v16;
	[tilespmem:v8+s28+$0x0 ss:$0x1] =	vst.idx.msk $0xffff, v6;
	v52 =	vld.idx.msk [tilespmem:v52+s4+$0x0], $0xffff  }
0x44d: {  	v39 =	vor.u32 s0, v9;
	v9 =	vor.u32 s1, v9;
	[tilespmem:v8+s28+$0x10 ss:$0x1] =	vst.idx.msk $0xffff, v5;
	v55 =	vld.idx.msk [tilespmem:v55+s4+$0x0], $0xffff  }
0x44e: {  	v42 =	vor.u32 s0, v10;
	v6 =	vor.u32 s0, v16;
	v54 =	vld.idx.msk [tilespmem:v54+s4+$0x0], $0xffff;
	[tilespmem:v8+s28+$0x20 ss:$0x1] =	vst.idx.msk $0xffff, v61  }
0x44f: {  	v56 =	vor.u32 s11, v10;
	v10 =	vor.u32 s1, v10;
	[tilespmem:v8+s15+$0x60 ss:$0x1] =	vst.idx.msk $0xffff, v58;
	v7 =	vld.idx.msk [tilespmem:v7+s4+$0x0], $0xffff  }
0x450: {  	[tilespmem:v8+s15+$0x70 ss:$0x1] =	vst.idx.msk $0xffff, v60;
	v2 =	vmul.f32 v2, v26;
	v1 =	vld.idx.msk [tilespmem:v1+s4+$0x0], $0xffff;
	v31 =	vmul.f32 v31, v27  }
0x451: {  	v58 =	vor.u32 s12, v18;
	v59 =	vld.idx.msk [tilespmem:v59+s4+$0x0], $0xffff  }
0x452: {  	v5 =	vor.u32 s0, v12;
	v9 =	vld.idx.msk [tilespmem:v9+s4+$0x0], $0xffff;
	v2 =	vadd.f32 v31, v2;
	v31 =	vmul.f32 v41, v29  }
0x453: {  	v41 =	vmul.f32 v44, v22;
	v44 =	vmul.f32 v48, v24;
	v48 =	vld [tilespmem:$0x1FA50]  }
0x454: {  	v60 =	vor.u32 s1, v11;
	v6 =	vld.idx.msk [tilespmem:v6+s4+$0x0], $0xffff  }
0x455: {  	v61 =	vor.u32 s1, v12;
	v10 =	vld.idx.msk [tilespmem:v10+s4+$0x0], $0xffff  }
0x456: {  	v47 =	vor.u32 s11, v11;
	v58 =	vld.idx.msk [tilespmem:v58+s4+$0x0], $0xffff  }
0x457: {  	v51 =	vor.u32 s11, v13;
	v4 =	vmul.f32 v4, v25;
	v5 =	vld.idx.msk [tilespmem:v5+s4+$0x0], $0xffff  }
0x458: {  	v38 =	vmul.f32 v38, v28;
	[tilespmem:v8+s31+$0x0 ss:$0x1] =	vst.idx.msk $0xffff, v2;
	v2 =	vmul.f32 v49, v48;
	v49 =	vld [tilespmem:$0x1FA60]  }
0x459: {  	v32 =	vor.u32 s0, v13;
	v63 =	vor.u32 s1, v14;
	v0 =	vmul.f32 v0, v23;
	v60 =	vld.idx.msk [tilespmem:v60+s4+$0x0], $0xffff  }
0x45a: {  	v30 =	vmul.f32 v30, v21;
	v61 =	vld.idx.msk [tilespmem:v61+s4+$0x0], $0xffff;
	v4 =	vadd.f32 v38, v4;
	v38 =	vmul.f32 v45, v17  }
0x45b: {  	v0 =	vadd.f32 v31, v0;
	v31 =	vmul.f32 v7, v28;
	v7 =	vmul.f32 v36, v22;
	v36 =	vld.idx.msk [tilespmem:v47+s4+$0x0], $0xffff  }
0x45c: {  	v43 =	vor.u32 s0, v18;
	v47 =	vld.idx.msk [tilespmem:v51+s4+$0x0], $0xffff  }
0x45d: {  	s9 =	sor.u32 s13, s9;
	[tilespmem:v8+s31+$0x10 ss:$0x1] =	vst.idx.msk $0xffff, v4;
	v4 =	vadd.f32 v38, v30;
	v30 =	vmul.f32 v52, v49;
	v52 =	vld [tilespmem:$0x1FA70]  }
0x45e: {  	s15 =	smov.u32 s9;
	v51 =	vld.idx.msk [tilespmem:v63+s4+$0x0], $0xffff  }
0x45f: {  	v63 =	vld.idx.msk [tilespmem:v8+s15+$0x0 ss:$0x1], $0xffff  }
0x460: {  	v37 =	vmul.f32 v37, v19;
	v38 =	vld.idx.msk [tilespmem:v32+s4+$0x0], $0xffff  }
0x461: {  	v40 =	vmul.f32 v40, v20;
	v32 =	vmul.f32 v6, v27;
	v6 =	vld.idx.msk [tilespmem:v43+s4+$0x0], $0xffff  }
0x462: {  	[tilespmem:v8+s31+$0x20 ss:$0x1] =	vst.idx.msk $0xffff, v0;
	v0 =	vadd.f32 v2, v37;
	v2 =	vmul.f32 v55, v52;
	v55 =	vld [tilespmem:$0x1FA80]  }
0x463: {  	v43 =	vld [tilespmem:$0x1F9F0]  }
0x464: {  	v46 =	vor.u32 s11, v16;
	[tilespmem:v8+s31+$0x30 ss:$0x1] =	vst.idx.msk $0xffff, v4;
	v37 =	vld.idx.msk [tilespmem:v39+s4+$0x0], $0xffff;
	v40 =	vadd.f32 v30, v40  }
0x465: {  	v39 =	vld [tilespmem:$0x1F9D0];
	[tilespmem:v8+s31+$0x40 ss:$0x1] =	vst.idx.msk $0xffff, v0;
	v41 =	vadd.f32 v2, v41  }
0x466: {  	[tilespmem:v8+s31+$0x50 ss:$0x1] =	vst.idx.msk $0xffff, v40;
	v2 =	vld.idx.msk [tilespmem:v42+s4+$0x0], $0xffff  }
0x467: {  	v57 =	vor.u32 s11, v18;
	[tilespmem:v8+s31+$0x60 ss:$0x1] =	vst.idx.msk $0xffff, v41;
	v41 =	vld [tilespmem:$0x1F9E0];
	v30 =	vmul.f32 v58, v55  }
0x468: {  	v58 =	vmul.f32 v35, v24;
	v35 =	vmul.f32 v10, v52;
	v10 =	vld.idx.msk [tilespmem:v8+s29+$0x50 ss:$0x1], $0xffff  }
0x469: {  	v42 =	vadd.f32 v30, v44;
	v44 =	vmul.f32 v34, v20;
	v30 =	vmul.f32 v5, v29;
	v5 =	vld.idx.msk [tilespmem:v46+s4+$0x0], $0xffff  }
0x46a: {  	v3 =	vmul.f32 v3, v19;
	v50 =	vor.u32 s11, v12;
	v4 =	vadd.f32 v53, v58;
	v58 =	vld.idx.msk [tilespmem:v56+s4+$0x0], $0xffff  }
0x46b: {  	v15 =	vor.u32 s11, v14;
	v40 =	vmul.f32 v38, v17;
	v0 =	vadd.f32 v43, v44;
	v44 =	vld [tilespmem:$0x1FA00]  }
0x46c: {  	v45 =	vor.u32 s1, v18;
	v33 =	vadd.f32 v39, v33;
	v53 =	vmul.f32 v6, v55;
	v6 =	vld.idx.msk [tilespmem:v57+s4+$0x0], $0xffff  }
0x46d: {  	v62 =	vor.u32 s1, v13;
	v1 =	vmul.f32 v1, v48;
	v38 =	vmul.f32 v47, v17;
	[tilespmem:$0x1F9D0] =	vst v40;
	v56 =	vld.idx.msk [tilespmem:v8+s29+$0x0 ss:$0x1], $0xffff  }
0x46e: {  	[tilespmem:v8+s28+$0x30 ss:$0x1] =	vst.idx.msk $0xffff, v33;
	v46 =	vmul.f32 v37, v49;
	v57 =	vld.idx.msk [tilespmem:v8+s29+$0x10 ss:$0x1], $0xffff;
	v3 =	vadd.f32 v41, v3  }
0x46f: {  	v2 =	vmul.f32 v2, v52;
	v34 =	vmul.f32 v51, v48;
	[tilespmem:v8+s31+$0x70 ss:$0x1] =	vst.idx.msk $0xffff, v42;
	v42 =	vld.idx.msk [tilespmem:v50+s4+$0x0], $0xffff  }
0x470: {  	v50 =	vld.idx.msk [tilespmem:v15+s4+$0x0], $0xffff;
	v10 =	vmul.f32 v10, v20;
	[tilespmem:v8+s28+$0x40 ss:$0x1] =	vst.idx.msk $0xffff, v3;
	v7 =	vadd.f32 v44, v7  }
0x471: {  	v3 =	vmul.f32 v54, v49;
	v54 =	vld.idx.msk [tilespmem:v45+s4+$0x0], $0xffff;
	v45 =	vmul.f32 v61, v29;
	[tilespmem:v8+s28+$0x50 ss:$0x1] =	vst.idx.msk $0xffff, v0  }
0x472: {  	v5 =	vmul.f32 v5, v27;
	v0 =	vmul.f32 v58, v52;
	v58 =	vld.idx.msk [tilespmem:v8+s29+$0x20 ss:$0x1], $0xffff;
	[tilespmem:v8+s28+$0x60 ss:$0x1] =	vst.idx.msk $0xffff, v7  }
0x473: {  	v6 =	vmul.f32 v6, v55;
	[tilespmem:v8+s28+$0x70 ss:$0x1] =	vst.idx.msk $0xffff, v4;
	v4 =	vmul.f32 v59, v27;
	v59 =	vld.idx.msk [tilespmem:v8+s29+$0x30 ss:$0x1], $0xffff  }
0x474: {  	[tilespmem:$0x1F9E0] =	vst v1;
	v43 =	vld.idx.msk [tilespmem:v8+s15+$0x50 ss:$0x1], $0xffff;
	v40 =	vmul.f32 v56, v26;
	v41 =	vmul.f32 v57, v25  }
0x475: {  	[tilespmem:$0x1F9F0] =	vst v46;
	v7 =	vmul.f32 v36, v28;
	v36 =	vmul.f32 v9, v49;
	v9 =	vld.idx.msk [tilespmem:v8+s29+$0x40 ss:$0x1], $0xffff  }
0x476: {  	[tilespmem:$0x1FA00] =	vst v2;
	v1 =	vmul.f32 v42, v29;
	v2 =	vmul.f32 v50, v48;
	v50 =	vld.idx.msk [tilespmem:v62+s4+$0x0], $0xffff  }
0x477: {  	v44 =	vmul.f32 v60, v28;
	v60 =	vld.idx.msk [tilespmem:v8+s29+$0x60 ss:$0x1], $0xffff;
	v5 =	vadd.f32 v5, v40;
	v62 =	vmul.f32 v58, v23  }
0x478: {  	v61 =	vld.idx.msk [tilespmem:v8+s29+$0x70 ss:$0x1], $0xffff;
	v33 =	vmul.f32 v54, v55;
	v7 =	vadd.f32 v7, v41;
	v27 =	vmul.f32 v59, v21  }
0x479: {  	v52 =	vld.idx.msk [tilespmem:v8+s15+$0x10 ss:$0x1], $0xffff;
	[tilespmem:v8+s29+$0x0 ss:$0x1] =	vst.idx.msk $0xffff, v5;
	v1 =	vadd.f32 v1, v62;
	v59 =	vmul.f32 v63, v26  }
0x47a: {  	[tilespmem:v8+s29+$0x10 ss:$0x1] =	vst.idx.msk $0xffff, v7;
	v54 =	vmul.f32 v9, v19;
	v9 =	vld.idx.msk [tilespmem:v8+s15+$0x20 ss:$0x1], $0xffff;
	v7 =	vadd.f32 v38, v27  }
0x47b: {  	v3 =	vadd.f32 v3, v10;
	v55 =	vld.idx.msk [tilespmem:v8+s15+$0x30 ss:$0x1], $0xffff;
	[tilespmem:v8+s29+$0x20 ss:$0x1] =	vst.idx.msk $0xffff, v1;
	v62 =	vadd.f32 v4, v59  }
0x47c: {  	p1 =	slt.u32 s19, $0x1C;
	v58 =	vld.idx.msk [tilespmem:v8+s15+$0x40 ss:$0x1], $0xffff;
	v57 =	vmul.f32 v60, v22;
	v56 =	vadd.f32 v2, v54;
	[tilespmem:v8+s29+$0x30 ss:$0x1] =	vst.idx.msk $0xffff, v7  }
.Ltmp9:
0x47d: {  	v42 =	vld.idx.msk [tilespmem:v8+s15+$0x60 ss:$0x1], $0xffff;
	v37 =	vmul.f32 v50, v17;
	v7 =	vmul.f32 v61, v24;
	[tilespmem:v8+s15+$0x0 ss:$0x1] =	vst.idx.msk $0xffff, v62;
	(pc) =	sbr.rel @p1 .LBB2_22-.Ltmp9, $4  }
0x47e: {  	s28 =	smov.u32 s30;
	v41 =	vld.idx.msk [tilespmem:v8+s15+$0x70 ss:$0x1], $0xffff;
	v0 =	vadd.f32 v0, v57;
	v61 =	vmul.f32 v52, v25;
	[tilespmem:v8+s29+$0x40 ss:$0x1] =	vst.idx.msk $0xffff, v56  }
0x47f: {  	v40 =	vld.idx.msk [tilespmem:v8+s28+$0x0 ss:$0x1], $0xffff;
	v63 =	vmul.f32 v9, v23;
	[tilespmem:v8+s29+$0x50 ss:$0x1] =	vst.idx.msk $0xffff, v3;
	v60 =	vadd.f32 v6, v7  }
0x480: {  	v39 =	vld.idx.msk [tilespmem:v8+s28+$0x10 ss:$0x1], $0xffff;
	v47 =	vmul.f32 v55, v21;
	v46 =	vadd.f32 v44, v61;
	[tilespmem:v8+s29+$0x60 ss:$0x1] =	vst.idx.msk $0xffff, v0  }
0x481: {  	v38 =	vld.idx.msk [tilespmem:v8+s28+$0x20 ss:$0x1], $0xffff;
	v44 =	vadd.f32 v45, v63;
	v45 =	vmul.f32 v58, v19;
	[tilespmem:v8+s29+$0x70 ss:$0x1] =	vst.idx.msk $0xffff, v60  }
0x482: {  	_ =	sdelay $0x3  }
0x483: {  	[tilespmem:v8+s15+$0x10 ss:$0x1] =	vst.idx.msk $0xffff, v46;
	v0 =	vadd.f32 v37, v47  }
0x484: {  	v19 =	vld [tilespmem:$0x1FA90];
	[tilespmem:v8+s15+$0x20 ss:$0x1] =	vst.idx.msk $0xffff, v44  }
0x485: {  	v3 =	vadd.f32 v34, v45;
	v20 =	vld [tilespmem:$0x1FAA0];
	[tilespmem:v8+s15+$0x30 ss:$0x1] =	vst.idx.msk $0xffff, v0  }
0x486: {  	v21 =	vld [tilespmem:$0x1FAB0]  }
0x487: {  	v7 =	vld [tilespmem:$0x1FAC0];
	[tilespmem:v8+s15+$0x40 ss:$0x1] =	vst.idx.msk $0xffff, v3  }
0x488: {  	v9 =	vld [tilespmem:$0x1FAD0]  }
0x489: {  	v1 =	vmul.f32 v43, v19  }
0x48a: {  	v2 =	vld.idx.msk [tilespmem:v8+s28+$0x30 ss:$0x1], $0xffff;
	v4 =	vmul.f32 v42, v20  }
0x48b: {  	v5 =	vld.idx.msk [tilespmem:v8+s28+$0x40 ss:$0x1], $0xffff;
	v50 =	vadd.f32 v36, v1;
	v51 =	vmul.f32 v41, v21  }
0x48c: {  	v6 =	vld.idx.msk [tilespmem:v8+s28+$0x50 ss:$0x1], $0xffff;
	v7 =	vmul.f32 v40, v7;
	v52 =	vadd.f32 v35, v4  }
0x48d: {  	v54 =	vld.idx.msk [tilespmem:v8+s28+$0x60 ss:$0x1], $0xffff;
	v9 =	vmul.f32 v39, v9;
	[tilespmem:v8+s15+$0x50 ss:$0x1] =	vst.idx.msk $0xffff, v50;
	v55 =	vadd.f32 v33, v51  }
0x48e: {  	v7 =	vadd.f32 v32, v7;
	v10 =	vld [tilespmem:$0x1FAE0];
	[tilespmem:v8+s15+$0x60 ss:$0x1] =	vst.idx.msk $0xffff, v52  }
0x48f: {  	v57 =	vadd.f32 v31, v9;
	v9 =	vld [tilespmem:$0x1FAF0];
	[tilespmem:v8+s15+$0x70 ss:$0x1] =	vst.idx.msk $0xffff, v55  }
0x490: {  	v56 =	vld.idx.msk [tilespmem:v8+s28+$0x70 ss:$0x1], $0xffff;
	[tilespmem:v8+s28+$0x0 ss:$0x1] =	vst.idx.msk $0xffff, v7  }
0x491: {  	v7 =	vld [tilespmem:$0x1FB00];
	[tilespmem:v8+s28+$0x10 ss:$0x1] =	vst.idx.msk $0xffff, v57  }
0x492: {  	v60 =	vld [tilespmem:$0x1F9D0]  }
0x493: {  	v10 =	vmul.f32 v38, v10;
	_ =	sdelay $0x1  }
0x494: {  	v2 =	vmul.f32 v2, v9;
	v58 =	vadd.f32 v30, v10;
	_ =	sdelay $0x1  }
0x495: {  	v2 =	vadd.f32 v60, v2;
	[tilespmem:v8+s28+$0x20 ss:$0x1] =	vst.idx.msk $0xffff, v58  }
0x496: {  	v62 =	vld [tilespmem:$0x1F9E0]  }
0x497: {  	v63 =	vld [tilespmem:$0x1F9F0];
	[tilespmem:v8+s28+$0x30 ss:$0x1] =	vst.idx.msk $0xffff, v2  }
0x498: {  	v2 =	vld [tilespmem:$0x1FA00]  }
0x499: {  	v5 =	vmul.f32 v5, v7  }
0x49a: {  	v59 =	vmul.f32 v6, v19  }
0x49b: {  	v61 =	vmul.f32 v54, v20;
	v4 =	vadd.f32 v62, v5  }
0x49c: {  	s16 =	sadd.s32 $0x1, s16;
	v1 =	vmul.f32 v56, v21;
	v3 =	vadd.f32 v63, v59  }
0x49d: {  	p1 =	sne.s32 s16, $0x4;
	v0 =	vadd.f32 v2, v61;
	[tilespmem:v8+s28+$0x40 ss:$0x1] =	vst.idx.msk $0xffff, v4  }
.Ltmp10:
0x49e: {  	v1 =	vadd.f32 v53, v1;
	[tilespmem:v8+s28+$0x50 ss:$0x1] =	vst.idx.msk $0xffff, v3;
	(pc) =	sbr.rel @p1 .LBB2_21-.Ltmp10, $4  }
0x49f: {  	[tilespmem:v8+s28+$0x60 ss:$0x1] =	vst.idx.msk $0xffff, v0  }
0x4a0: {  	[tilespmem:v8+s28+$0x70 ss:$0x1] =	vst.idx.msk $0xffff, v1  }
0x4a1: {  	v24 =	vmov v13;
	v13 =	vld [tilespmem:$0x1FFC0]  }
0x4a2: {  	v9 =	vmovc v12;
	v12 =	vmovc v14;
	v14 =	vmov v16;
	v16 =	vmov v18;
	v10 =	vmov v11;
	v15 =	vld [tilespmem:$0x1FFB0]  }
0x4a3: {  	s0 =	sadd.s32 s5, s17  }
0x4a4: {  	s0 =	sshll.u32 s0, $0x9  }
0x4a5: {  	s0 =	sadd.s32 s2, s0  }
0x4a6: {  	[hbm4b:s0+s4] =	stream.linear.scatter [tilespmem:s4], [sflag:$0x5], $0x4000, $0x38;
	[tilespmem:$0x18000] =	vst v63  }
0x4a7: {  	s0 =	simm.s32 @!p0 $0x8  }
0x4a8: {  	s16 =	sor.u32 $0x3, s7;
	_ =	swait.ge @!p0 [sflag:s0], $0x4000  }
0x4a9: {  	s1 =	sshll.u32 s16, $0xB;
	[sflag:s0] =	ssyncset.done @!p0 $0x0  }
0x4aa: {  	s7 =	simm.s32 $0x0;
	s31 =	sadd.s32 s1, s10;
	[sflag:s0] =	ssyncadd.s32 @!p0 $0xFFFFC000  }
0x4ab: {  	[tilespmem:s23], [sflag:$0x4] =	stream.linear.gather [hbm4b:s31+s7], $0x4000, $0x38;
	[tilespmem:$0x18000] =	vst v63  }
0x4ac: {  	_ =	swait.ge [sflag:s24], $0x4000  }
0x4ad: {  	[sflag:s24] =	ssyncset.done $0x0  }
0x4ae: {  	s17 =	sor.u32 $0x4, s17;
	[sflag:s24] =	ssyncadd.s32 $0xFFFFC000  }
.LBB2_25:
0x4af: {  	s0 =	sor.u32 s17, s7  }
0x4b0: {  	s0 =	sshll.u32 s0, $0x7  }
0x4b1: {  	v18 =	vld [tilespmem:s0+$0x10000]  }
0x4b2: {  	v58 =	vld [tilespmem:s0+$0x14000]  }
0x4b3: {  	v22 =	vld [tilespmem:s0+$0x10010]  }
0x4b4: {  	v59 =	vld [tilespmem:s0+$0x14010]  }
0x4b5: {  	v20 =	vld [tilespmem:s0+$0x10020]  }
0x4b6: {  	v60 =	vld [tilespmem:s0+$0x14020]  }
0x4b7: {  	v19 =	vld [tilespmem:s0+$0x10030]  }
0x4b8: {  	v61 =	vld [tilespmem:s0+$0x14030]  }
0x4b9: {  	v21 =	vld [tilespmem:s0+$0x10040]  }
0x4ba: {  	v62 =	vld [tilespmem:s0+$0x14040]  }
0x4bb: {  	s18 =	sshll.u32 s7, $0xC;
	v17 =	vld [tilespmem:s0+$0x10050]  }
0x4bc: {  	s19 =	simm.s32 $0x0;
	v8 =	vmov s18;
	v63 =	vld [tilespmem:s0+$0x14050]  }
0x4bd: {  	s9 =	simm.s32 $0x0;
	s1 =	sand.u32 $0xC, s19;
	v57 =	vld [tilespmem:s0+$0x10060]  }
0x4be: {  	v11 =	vmov v12;
	s11 =	sand.u32 $0x3FFFF800, s9;
	v12 =	vld [tilespmem:s0+$0x14060];
	s15 =	sshll.u32 s1, $0x7  }
0x4bf: {  	v23 =	vld [tilespmem:s0+$0x10070];
	s28 =	sadd.s32 $0x4000, s11;
	s1 =	sor.u32 $0x180, s15  }
0x4c0: {  	v5 =	vld [tilespmem:s0+$0x14070];
	s29 =	sor.u32 s1, s28  }
0x4c1: {  	s9 =	sand.u32 $0xFFFFF800, s9;
	v0 =	vld.idx.msk [tilespmem:v8+s29+$0x0 ss:$0x1], $0xffff  }
0x4c2: {  	s0 =	sadd.s32 s18, s9;
	v1 =	vld.idx.msk [tilespmem:v8+s29+$0x10 ss:$0x1], $0xffff  }
0x4c3: {  	s11 =	sadd.s32 s15, s0;
	v2 =	vld.idx.msk [tilespmem:v8+s29+$0x20 ss:$0x1], $0xffff  }
0x4c4: {  	v33 =	vor.u32 s11, v14;
	v3 =	vld.idx.msk [tilespmem:v8+s29+$0x30 ss:$0x1], $0xffff  }
0x4c5: {  	v34 =	vor.u32 s11, v10;
	v55 =	vld.idx.msk [tilespmem:v8+s29+$0x40 ss:$0x1], $0xffff  }
0x4c6: {  	v35 =	vor.u32 s11, v9;
	v7 =	vld.idx.msk [tilespmem:v8+s29+$0x50 ss:$0x1], $0xffff  }
0x4c7: {  	v36 =	vor.u32 s11, v24;
	v26 =	vld.idx.msk [tilespmem:v8+s29+$0x60 ss:$0x1], $0xffff  }
0x4c8: {  	v37 =	vor.u32 s11, v11;
	v28 =	vld.idx.msk [tilespmem:v8+s29+$0x70 ss:$0x1], $0xffff  }
0x4c9: {  	v38 =	vor.u32 s11, v13;
	v33 =	vld.idx.msk [tilespmem:v33+s20+$0x0], $0xffff  }
0x4ca: {  	v39 =	vor.u32 s11, v15;
	v34 =	vld.idx.msk [tilespmem:v34+s20+$0x0], $0xffff  }
0x4cb: {  	s1 =	sadd.s32 s1, s0;
	v40 =	vor.u32 s11, v16;
	v35 =	vld.idx.msk [tilespmem:v35+s20+$0x0], $0xffff  }
0x4cc: {  	v4 =	vor.u32 s1, v14;
	v36 =	vld.idx.msk [tilespmem:v36+s20+$0x0], $0xffff  }
0x4cd: {  	v6 =	vor.u32 s1, v10;
	v37 =	vld.idx.msk [tilespmem:v37+s20+$0x0], $0xffff  }
0x4ce: {  	v25 =	vor.u32 s1, v9;
	v38 =	vld.idx.msk [tilespmem:v38+s20+$0x0], $0xffff  }
0x4cf: {  	v27 =	vor.u32 s1, v24;
	v39 =	vld.idx.msk [tilespmem:v39+s20+$0x0], $0xffff  }
0x4d0: {  	v29 =	vor.u32 s1, v11;
	v40 =	vld.idx.msk [tilespmem:v40+s20+$0x0], $0xffff  }
0x4d1: {  	v30 =	vor.u32 s1, v13;
	v4 =	vld.idx.msk [tilespmem:v4+s20+$0x0], $0xffff  }
0x4d2: {  	s31 =	sor.u32 $0x80, s15;
	v31 =	vor.u32 s1, v15;
	v6 =	vld.idx.msk [tilespmem:v6+s20+$0x0], $0xffff  }
0x4d3: {  	s12 =	sadd.s32 s31, s0;
	v32 =	vor.u32 s1, v16;
	v25 =	vld.idx.msk [tilespmem:v25+s20+$0x0], $0xffff  }
0x4d4: {  	v41 =	vor.u32 s12, v14;
	v27 =	vld.idx.msk [tilespmem:v27+s20+$0x0], $0xffff  }
0x4d5: {  	v42 =	vor.u32 s12, v10;
	v29 =	vld.idx.msk [tilespmem:v29+s20+$0x0], $0xffff  }
0x4d6: {  	v43 =	vor.u32 s12, v9;
	v30 =	vld.idx.msk [tilespmem:v30+s20+$0x0], $0xffff  }
0x4d7: {  	v44 =	vor.u32 s12, v24;
	v56 =	vld.idx.msk [tilespmem:v31+s20+$0x0], $0xffff  }
0x4d8: {  	v45 =	vor.u32 s12, v11;
	v32 =	vld.idx.msk [tilespmem:v32+s20+$0x0], $0xffff  }
0x4d9: {  	s30 =	sor.u32 $0x100, s15;
	v46 =	vor.u32 s12, v13;
	v41 =	vld.idx.msk [tilespmem:v41+s20+$0x0], $0xffff  }
0x4da: {  	s0 =	sadd.s32 s30, s0;
	v47 =	vor.u32 s12, v15;
	v42 =	vld.idx.msk [tilespmem:v42+s20+$0x0], $0xffff  }
0x4db: {  	v52 =	vor.u32 s0, v24;
	v43 =	vld.idx.msk [tilespmem:v43+s20+$0x0], $0xffff  }
0x4dc: {  	v53 =	vor.u32 s0, v11;
	v44 =	vld.idx.msk [tilespmem:v44+s20+$0x0], $0xffff  }
0x4dd: {  	v45 =	vld.idx.msk [tilespmem:v45+s20+$0x0], $0xffff  }
0x4de: {  	v51 =	vor.u32 s0, v9;
	v46 =	vld.idx.msk [tilespmem:v46+s20+$0x0], $0xffff  }
0x4df: {  	v48 =	vor.u32 s12, v16;
	v49 =	vor.u32 s0, v14;
	v47 =	vld.idx.msk [tilespmem:v47+s20+$0x0], $0xffff  }
0x4e0: {  	v50 =	vor.u32 s0, v10;
	v14 =	vld.idx.msk [tilespmem:v52+s20+$0x0], $0xffff;
	v0 =	vmul.f32 v0, v18;
	v1 =	vmul.f32 v1, v22  }
0x4e1: {  	s13 =	sor.u32 s15, s28;
	v54 =	vor.u32 s0, v13;
	v53 =	vld.idx.msk [tilespmem:v53+s20+$0x0], $0xffff;
	v31 =	vmul.f32 v55, v21;
	v7 =	vmul.f32 v7, v17  }
0x4e2: {  	v55 =	vor.u32 s0, v15;
	v15 =	vld.idx.msk [tilespmem:v8+s13+$0x0 ss:$0x1], $0xffff;
	v4 =	vmul.f32 v4, v58;
	v6 =	vmul.f32 v6, v59  }
0x4e3: {  	v11 =	vmov v17;
	v17 =	vmul.f32 v29, v62;
	v29 =	vmul.f32 v30, v63;
	v30 =	vld.idx.msk [tilespmem:v51+s20+$0x0], $0xffff  }
0x4e4: {  	v2 =	vmul.f32 v2, v20;
	v25 =	vmul.f32 v25, v60;
	v0 =	vadd.f32 v4, v0;
	v4 =	vld.idx.msk [tilespmem:v48+s20+$0x0], $0xffff  }
0x4e5: {  	v3 =	vmul.f32 v3, v19;
	v27 =	vmul.f32 v27, v61;
	v1 =	vadd.f32 v6, v1;
	v6 =	vld.idx.msk [tilespmem:v49+s20+$0x0], $0xffff  }
0x4e6: {  	v48 =	vor.u32 s0, v16;
	v49 =	vld.idx.msk [tilespmem:v50+s20+$0x0], $0xffff;
	v2 =	vadd.f32 v25, v2;
	[tilespmem:v8+s29+$0x0 ss:$0x1] =	vst.idx.msk $0xffff, v0  }
0x4e7: {  	v3 =	vadd.f32 v27, v3;
	v27 =	vld.idx.msk [tilespmem:v54+s20+$0x0], $0xffff;
	[tilespmem:v8+s29+$0x10 ss:$0x1] =	vst.idx.msk $0xffff, v1  }
0x4e8: {  	v54 =	vld.idx.msk [tilespmem:v55+s20+$0x0], $0xffff;
	v0 =	vadd.f32 v17, v31;
	[tilespmem:v8+s29+$0x20 ss:$0x1] =	vst.idx.msk $0xffff, v2  }
0x4e9: {  	v26 =	vmul.f32 v26, v57;
	v7 =	vadd.f32 v29, v7;
	v29 =	vld.idx.msk [tilespmem:v8+s13+$0x10 ss:$0x1], $0xffff;
	[tilespmem:v8+s29+$0x30 ss:$0x1] =	vst.idx.msk $0xffff, v3  }
0x4ea: {  	v28 =	vmul.f32 v28, v23;
	v25 =	vmul.f32 v56, v12;
	v16 =	vld.idx.msk [tilespmem:v8+s13+$0x20 ss:$0x1], $0xffff;
	[tilespmem:v8+s29+$0x40 ss:$0x1] =	vst.idx.msk $0xffff, v0  }
0x4eb: {  	v17 =	vmul.f32 v39, v12;
	v39 =	vmul.f32 v40, v5;
	v40 =	vld.idx.msk [tilespmem:v48+s20+$0x0], $0xffff;
	[tilespmem:v8+s29+$0x50 ss:$0x1] =	vst.idx.msk $0xffff, v7  }
0x4ec: {  	v1 =	vmul.f32 v33, v58;
	v33 =	vmul.f32 v4, v5;
	v4 =	vld.idx.msk [tilespmem:v8+s13+$0x30 ss:$0x1], $0xffff;
	[tilespmem:$0x1F8D0] =	vst v58  }
0x4ed: {  	v52 =	vmul.f32 v34, v59;
	v50 =	vmul.f32 v32, v5;
	[tilespmem:$0x1F8E0] =	vst v59  }
0x4ee: {  	v26 =	vadd.f32 v25, v26;
	v32 =	vmul.f32 v6, v58;
	v6 =	vld.idx.msk [tilespmem:v8+s13+$0x40 ss:$0x1], $0xffff;
	[tilespmem:$0x1F8F0] =	vst v60  }
0x4ef: {  	v13 =	vmov v57;
	v57 =	vmul.f32 v36, v61;
	v36 =	vmul.f32 v45, v62;
	[tilespmem:$0x1F900] =	vst v61  }
0x4f0: {  	v25 =	vmul.f32 v14, v61;
	v7 =	vadd.f32 v50, v28;
	[tilespmem:v8+s29+$0x60 ss:$0x1] =	vst.idx.msk $0xffff, v26  }
0x4f1: {  	v2 =	vmul.f32 v37, v62;
	v37 =	vmul.f32 v44, v61;
	v61 =	vld.idx.msk [tilespmem:v8+s13+$0x50 ss:$0x1], $0xffff;
	[tilespmem:$0x1F910] =	vst v62  }
0x4f2: {  	v3 =	vmul.f32 v41, v58;
	v41 =	vmul.f32 v15, v18;
	[tilespmem:v8+s29+$0x70 ss:$0x1] =	vst.idx.msk $0xffff, v7  }
0x4f3: {  	v14 =	vmul.f32 v29, v22;
	v26 =	vmul.f32 v53, v62;
	v62 =	vld.idx.msk [tilespmem:v8+s13+$0x60 ss:$0x1], $0xffff;
	[tilespmem:$0x1F920] =	vst v63  }
0x4f4: {  	s15 =	sor.u32 s31, s28;
	v56 =	vmul.f32 v35, v60;
	v1 =	vadd.f32 v1, v41;
	v7 =	vld.idx.msk [tilespmem:v8+s13+$0x70 ss:$0x1], $0xffff;
	[tilespmem:$0x1F930] =	vst v12  }
0x4f5: {  	v0 =	vmul.f32 v16, v20;
	v16 =	vadd.f32 v52, v14;
	v15 =	vld.idx.msk [tilespmem:v8+s15+$0x0 ss:$0x1], $0xffff;
	[tilespmem:$0x1F940] =	vst v5  }
0x4f6: {  	v31 =	vmul.f32 v49, v59;
	[tilespmem:v8+s13+$0x0 ss:$0x1] =	vst.idx.msk $0xffff, v1  }
0x4f7: {  	v0 =	vadd.f32 v56, v0;
	v4 =	vmul.f32 v4, v19;
	v49 =	vld.idx.msk [tilespmem:v8+s15+$0x10 ss:$0x1], $0xffff;
	[tilespmem:v8+s13+$0x10 ss:$0x1] =	vst.idx.msk $0xffff, v16  }
0x4f8: {  	v50 =	vmul.f32 v6, v21;
	v6 =	vld.idx.msk [tilespmem:v8+s15+$0x20 ss:$0x1], $0xffff;
	[tilespmem:$0x1F950] =	vst v11  }
0x4f9: {  	v4 =	vadd.f32 v57, v4;
	[tilespmem:v8+s13+$0x20 ss:$0x1] =	vst.idx.msk $0xffff, v0  }
0x4fa: {  	v38 =	vmul.f32 v38, v63;
	v52 =	vld.idx.msk [tilespmem:v8+s15+$0x30 ss:$0x1], $0xffff;
	[tilespmem:$0x1F960] =	vst v13  }
0x4fb: {  	v51 =	vmul.f32 v61, v11;
	v53 =	vadd.f32 v2, v50;
	[tilespmem:v8+s13+$0x30 ss:$0x1] =	vst.idx.msk $0xffff, v4  }
0x4fc: {  	v55 =	vmul.f32 v43, v60;
	v28 =	vmul.f32 v54, v12;
	v56 =	vld.idx.msk [tilespmem:v8+s15+$0x40 ss:$0x1], $0xffff;
	[tilespmem:$0x1F970] =	vst v23  }
0x4fd: {  	v54 =	vmul.f32 v62, v13;
	v57 =	vadd.f32 v38, v51;
	v43 =	vld.idx.msk [tilespmem:v8+s15+$0x50 ss:$0x1], $0xffff;
	[tilespmem:v8+s13+$0x40 ss:$0x1] =	vst.idx.msk $0xffff, v53  }
0x4fe: {  	v48 =	vmul.f32 v42, v59;
	v42 =	vld.idx.msk [tilespmem:v8+s15+$0x60 ss:$0x1], $0xffff;
	[tilespmem:$0x1F980] =	vst v18  }
0x4ff: {  	v7 =	vmul.f32 v7, v23;
	v58 =	vadd.f32 v17, v54;
	[tilespmem:v8+s13+$0x50 ss:$0x1] =	vst.idx.msk $0xffff, v57  }
0x500: {  	v30 =	vmul.f32 v30, v60;
	v41 =	vld.idx.msk [tilespmem:v8+s15+$0x70 ss:$0x1], $0xffff;
	[tilespmem:$0x1F990] =	vst v22  }
0x501: {  	v59 =	vmul.f32 v15, v18;
	v60 =	vadd.f32 v39, v7;
	[tilespmem:v8+s13+$0x60 ss:$0x1] =	vst.idx.msk $0xffff, v58  }
0x502: {  	[tilespmem:$0x1F9A0] =	vst v20  }
0x503: {  	s28 =	sor.u32 s30, s28;
	v35 =	vmul.f32 v46, v63;
	v62 =	vadd.f32 v3, v59;
	[tilespmem:v8+s13+$0x70 ss:$0x1] =	vst.idx.msk $0xffff, v60  }
0x504: {  	v29 =	vmul.f32 v40, v5;
	v61 =	vmul.f32 v49, v22;
	v40 =	vld.idx.msk [tilespmem:v8+s28+$0x0 ss:$0x1], $0xffff;
	[tilespmem:$0x1F9B0] =	vst v19  }
0x505: {  	v27 =	vmul.f32 v27, v63;
	v63 =	vmul.f32 v6, v20;
	[tilespmem:v8+s15+$0x0 ss:$0x1] =	vst.idx.msk $0xffff, v62  }
0x506: {  	v34 =	vmul.f32 v47, v12;
	v11 =	vmov v9;
	v46 =	vadd.f32 v48, v61;
	v39 =	vld.idx.msk [tilespmem:v8+s28+$0x10 ss:$0x1], $0xffff;
	[tilespmem:$0x1F9C0] =	vst v21  }
0x507: {  	v44 =	vadd.f32 v55, v63;
	v47 =	vmul.f32 v52, v19;
	v45 =	vmul.f32 v56, v21;
	v38 =	vld.idx.msk [tilespmem:v8+s28+$0x20 ss:$0x1], $0xffff  }
.LBB2_26:
0x508: {  	v19 =	vld [tilespmem:$0x1F950]  }
0x509: {  	v2 =	vld.idx.msk [tilespmem:v8+s28+$0x30 ss:$0x1], $0xffff  }
0x50a: {  	v22 =	vld [tilespmem:$0x1F960]  }
0x50b: {  	v5 =	vld.idx.msk [tilespmem:v8+s28+$0x40 ss:$0x1], $0xffff  }
0x50c: {  	v17 =	vld [tilespmem:$0x1F970]  }
0x50d: {  	v24 =	vld [tilespmem:$0x1F980]  }
0x50e: {  	v23 =	vld [tilespmem:$0x1F990]  }
0x50f: {  	v21 =	vld [tilespmem:$0x1F9A0]  }
0x510: {  	v20 =	vld [tilespmem:$0x1F9B0]  }
0x511: {  	v18 =	vld [tilespmem:$0x1F9C0]  }
0x512: {  	v9 =	vld [tilespmem:$0x1FFD0]  }
0x513: {  	s19 =	sadd.s32 $0x4, s19;
	v16 =	vld [tilespmem:$0x1FFE0]  }
0x514: {  	v15 =	vld [tilespmem:$0x1FFF0];
	s0 =	sand.u32 $0xC, s19;
	s1 =	sshll.u32 s19, $0x7  }
0x515: {  	v14 =	vld [tilespmem:$0x1FFC0];
	s9 =	sand.u32 $0x3FFFF800, s1;
	s0 =	sshll.u32 s0, $0x7  }
0x516: {  	v13 =	vld [tilespmem:$0x1FFB0];
	s9 =	sadd.s32 $0x4000, s9;
	s12 =	sor.u32 $0x180, s0  }
0x517: {  	v12 =	vld [tilespmem:$0x1FFA0];
	s1 =	sand.u32 $0xFFFFF800, s1;
	s31 =	sor.u32 s12, s9  }
0x518: {  	s1 =	sadd.s32 s18, s1;
	v6 =	vld.idx.msk [tilespmem:v8+s31+$0x0 ss:$0x1], $0xffff  }
0x519: {  	s12 =	sadd.s32 s12, s1;
	v7 =	vld.idx.msk [tilespmem:v8+s31+$0x10 ss:$0x1], $0xffff  }
0x51a: {  	[tilespmem:v8+s15+$0x10 ss:$0x1] =	vst.idx.msk $0xffff, v46;
	v0 =	vadd.f32 v37, v47;
	v61 =	vor.u32 s12, v9;
	v37 =	vld.idx.msk [tilespmem:v8+s31+$0x40 ss:$0x1], $0xffff  }
0x51b: {  	v3 =	vadd.f32 v36, v45;
	v54 =	vmul.f32 v40, v24;
	v62 =	vor.u32 s12, v10;
	v40 =	vld.idx.msk [tilespmem:v8+s31+$0x50 ss:$0x1], $0xffff  }
0x51c: {  	[tilespmem:v8+s15+$0x20 ss:$0x1] =	vst.idx.msk $0xffff, v44;
	s11 =	sor.u32 $0x80, s0;
	v1 =	vmul.f32 v43, v19;
	v4 =	vmul.f32 v42, v22;
	v44 =	vld.idx.msk [tilespmem:v8+s31+$0x60 ss:$0x1], $0xffff  }
0x51d: {  	s13 =	sor.u32 $0x100, s0;
	s29 =	sor.u32 s0, s9;
	s0 =	sadd.s32 s0, s1;
	v52 =	vmul.f32 v41, v17;
	v56 =	vmul.f32 v39, v23;
	v63 =	vor.u32 s12, v11;
	v48 =	vld.idx.msk [tilespmem:v8+s31+$0x70 ss:$0x1], $0xffff  }
0x51e: {  	v58 =	vmul.f32 v38, v21;
	v36 =	vor.u32 s0, v16;
	v51 =	vadd.f32 v35, v1;
	v35 =	vld.idx.msk [tilespmem:v8+s28+$0x50 ss:$0x1], $0xffff  }
0x51f: {  	[tilespmem:v8+s15+$0x30 ss:$0x1] =	vst.idx.msk $0xffff, v0;
	s3 =	sor.u32 s11, s9;
	s11 =	sadd.s32 s11, s1;
	v39 =	vor.u32 s0, v14;
	v45 =	vor.u32 s12, v16;
	v57 =	vadd.f32 v32, v54;
	v32 =	vld.idx.msk [tilespmem:v61+s20+$0x0], $0xffff  }
0x520: {  	[tilespmem:v8+s15+$0x40 ss:$0x1] =	vst.idx.msk $0xffff, v3;
	s1 =	sadd.s32 s13, s1;
	v46 =	vor.u32 s11, v9;
	v49 =	vor.u32 s12, v15;
	v53 =	vadd.f32 v34, v4;
	v38 =	vld.idx.msk [tilespmem:v62+s20+$0x0], $0xffff  }
0x521: {  	v59 =	vadd.f32 v31, v56;
	[tilespmem:v8+s15+$0x50 ss:$0x1] =	vst.idx.msk $0xffff, v51;
	v51 =	vor.u32 s11, v16;
	v62 =	vor.u32 s1, v16;
	v16 =	vld [tilespmem:$0x1F8D0]  }
0x522: {  	v55 =	vadd.f32 v33, v52;
	v4 =	vor.u32 s0, v9;
	v52 =	vor.u32 s12, v14;
	[tilespmem:v8+s28+$0x0 ss:$0x1] =	vst.idx.msk $0xffff, v57;
	v41 =	vld.idx.msk [tilespmem:v63+s20+$0x0], $0xffff  }
0x523: {  	v54 =	vor.u32 s11, v14;
	[tilespmem:v8+s28+$0x10 ss:$0x1] =	vst.idx.msk $0xffff, v59;
	v59 =	vor.u32 s1, v9;
	v9 =	vor.u32 s1, v14;
	v14 =	vld [tilespmem:$0x1F8F0]  }
0x524: {  	v3 =	vmul.f32 v5, v18;
	v5 =	vor.u32 s0, v10;
	v42 =	vor.u32 s0, v13;
	v1 =	vld.idx.msk [tilespmem:v8+s31+$0x20 ss:$0x1], $0xffff  }
0x525: {  	v31 =	vmul.f32 v2, v20;
	v60 =	vadd.f32 v30, v58;
	v30 =	vld.idx.msk [tilespmem:v8+s31+$0x30 ss:$0x1], $0xffff;
	v2 =	vor.u32 s0, v15  }
0x526: {  	v58 =	vor.u32 s12, v12;
	v45 =	vld.idx.msk [tilespmem:v45+s20+$0x0], $0xffff;
	v6 =	vmul.f32 v6, v24;
	v32 =	vmul.f32 v32, v16  }
0x527: {  	[tilespmem:v8+s15+$0x60 ss:$0x1] =	vst.idx.msk $0xffff, v53;
	v53 =	vor.u32 s11, v15;
	v49 =	vld.idx.msk [tilespmem:v49+s20+$0x0], $0xffff;
	v63 =	vor.u32 s1, v15  }
0x528: {  	v15 =	vld [tilespmem:$0x1F8E0];
	[tilespmem:v8+s15+$0x70 ss:$0x1] =	vst.idx.msk $0xffff, v55;
	v55 =	vor.u32 s12, v13;
	v6 =	vadd.f32 v32, v6;
	v32 =	vmul.f32 v41, v14  }
0x529: {  	v47 =	vor.u32 s11, v10;
	v41 =	vmul.f32 v44, v22;
	v44 =	vmul.f32 v48, v17;
	v48 =	vld [tilespmem:$0x1F910]  }
0x52a: {  	v56 =	vor.u32 s11, v13;
	[tilespmem:v8+s28+$0x20 ss:$0x1] =	vst.idx.msk $0xffff, v60;
	v60 =	vor.u32 s1, v10;
	v10 =	vor.u32 s1, v13;
	v13 =	vld [tilespmem:$0x1F900]  }
0x52b: {  	v52 =	vld.idx.msk [tilespmem:v52+s20+$0x0], $0xffff  }
0x52c: {  	v58 =	vld.idx.msk [tilespmem:v58+s20+$0x0], $0xffff  }
0x52d: {  	v0 =	vor.u32 s0, v11;
	v55 =	vld.idx.msk [tilespmem:v55+s20+$0x0], $0xffff  }
0x52e: {  	[tilespmem:v8+s31+$0x0 ss:$0x1] =	vst.idx.msk $0xffff, v6;
	v6 =	vmul.f32 v49, v48;
	v49 =	vld [tilespmem:$0x1F920]  }
0x52f: {  	v34 =	vld.idx.msk [tilespmem:v8+s28+$0x60 ss:$0x1], $0xffff;
	v7 =	vmul.f32 v7, v23;
	v38 =	vmul.f32 v38, v15  }
0x530: {  	v33 =	vld.idx.msk [tilespmem:v8+s28+$0x70 ss:$0x1], $0xffff  }
0x531: {  	v5 =	vld.idx.msk [tilespmem:v5+s20+$0x0], $0xffff;
	v30 =	vmul.f32 v30, v20;
	v7 =	vadd.f32 v38, v7;
	v38 =	vmul.f32 v45, v13  }
0x532: {  	v0 =	vld.idx.msk [tilespmem:v0+s20+$0x0], $0xffff  }
0x533: {  	[tilespmem:v8+s31+$0x10 ss:$0x1] =	vst.idx.msk $0xffff, v7;
	v7 =	vadd.f32 v38, v30;
	v30 =	vmul.f32 v52, v49;
	v52 =	vld [tilespmem:$0x1F930]  }
0x534: {  	v50 =	vor.u32 s11, v11;
	v4 =	vld.idx.msk [tilespmem:v4+s20+$0x0], $0xffff  }
0x535: {  	v2 =	vld.idx.msk [tilespmem:v2+s20+$0x0], $0xffff  }
0x536: {  	v43 =	vor.u32 s0, v12;
	v37 =	vmul.f32 v37, v18;
	v46 =	vld.idx.msk [tilespmem:v46+s20+$0x0], $0xffff  }
0x537: {  	v57 =	vor.u32 s11, v12;
	v25 =	vadd.f32 v25, v31;
	v1 =	vmul.f32 v1, v21;
	v47 =	vld.idx.msk [tilespmem:v47+s20+$0x0], $0xffff  }
0x538: {  	v45 =	vor.u32 s1, v12;
	v12 =	vadd.f32 v6, v37;
	v6 =	vmul.f32 v55, v52;
	v55 =	vld [tilespmem:$0x1F940]  }
0x539: {  	v3 =	vadd.f32 v26, v3;
	s15 =	smov.u32 s3;
	v26 =	vld.idx.msk [tilespmem:v50+s20+$0x0], $0xffff;
	v1 =	vadd.f32 v32, v1  }
0x53a: {  	[tilespmem:v8+s28+$0x30 ss:$0x1] =	vst.idx.msk $0xffff, v25;
	v50 =	vld.idx.msk [tilespmem:v8+s15+$0x10 ss:$0x1], $0xffff  }
0x53b: {  	v40 =	vmul.f32 v40, v19;
	v25 =	vld.idx.msk [tilespmem:v53+s20+$0x0], $0xffff;
	[tilespmem:v8+s31+$0x20 ss:$0x1] =	vst.idx.msk $0xffff, v1  }
0x53c: {  	v32 =	vld.idx.msk [tilespmem:v36+s20+$0x0], $0xffff;
	[tilespmem:v8+s31+$0x30 ss:$0x1] =	vst.idx.msk $0xffff, v7  }
0x53d: {  	[tilespmem:v8+s31+$0x40 ss:$0x1] =	vst.idx.msk $0xffff, v12;
	v12 =	vld.idx.msk [tilespmem:v8+s29+$0x10 ss:$0x1], $0xffff;
	v7 =	vadd.f32 v30, v40;
	v30 =	vmul.f32 v58, v55  }
0x53e: {  	v40 =	vld.idx.msk [tilespmem:v39+s20+$0x0], $0xffff;
	v41 =	vadd.f32 v6, v41  }
0x53f: {  	[tilespmem:v8+s31+$0x50 ss:$0x1] =	vst.idx.msk $0xffff, v7;
	v6 =	vld.idx.msk [tilespmem:v42+s20+$0x0], $0xffff;
	v7 =	vadd.f32 v30, v44;
	v44 =	vmul.f32 v35, v19  }
0x540: {  	v34 =	vmul.f32 v34, v22;
	[tilespmem:v8+s31+$0x60 ss:$0x1] =	vst.idx.msk $0xffff, v41;
	v41 =	vld.idx.msk [tilespmem:v8+s15+$0x70 ss:$0x1], $0xffff  }
0x541: {  	v58 =	vld.idx.msk [tilespmem:v56+s20+$0x0], $0xffff;
	[tilespmem:v8+s31+$0x70 ss:$0x1] =	vst.idx.msk $0xffff, v7;
	v7 =	vmul.f32 v33, v17;
	v1 =	vadd.f32 v27, v44  }
0x542: {  	[tilespmem:v8+s28+$0x40 ss:$0x1] =	vst.idx.msk $0xffff, v3;
	v27 =	vadd.f32 v28, v34;
	v28 =	vld.idx.msk [tilespmem:v51+s20+$0x0], $0xffff  }
0x543: {  	v61 =	vor.u32 s1, v11;
	v30 =	vld.idx.msk [tilespmem:v43+s20+$0x0], $0xffff;
	v7 =	vadd.f32 v29, v7;
	[tilespmem:v8+s28+$0x50 ss:$0x1] =	vst.idx.msk $0xffff, v1  }
0x544: {  	v29 =	vld.idx.msk [tilespmem:v54+s20+$0x0], $0xffff;
	[tilespmem:v8+s28+$0x60 ss:$0x1] =	vst.idx.msk $0xffff, v27  }
0x545: {  	v27 =	vld.idx.msk [tilespmem:v57+s20+$0x0], $0xffff;
	[tilespmem:v8+s28+$0x70 ss:$0x1] =	vst.idx.msk $0xffff, v7  }
0x546: {  	v7 =	vmul.f32 v26, v14;
	v26 =	vld.idx.msk [tilespmem:v59+s20+$0x0], $0xffff  }
0x547: {  	v37 =	vmul.f32 v28, v13;
	v28 =	vld.idx.msk [tilespmem:v60+s20+$0x0], $0xffff  }
0x548: {  	v36 =	vmul.f32 v25, v48;
	v25 =	vld.idx.msk [tilespmem:v61+s20+$0x0], $0xffff  }
0x549: {  	v5 =	vmul.f32 v5, v15;
	v61 =	vld.idx.msk [tilespmem:v63+s20+$0x0], $0xffff  }
0x54a: {  	v0 =	vmul.f32 v0, v14;
	v4 =	vmul.f32 v4, v16;
	v9 =	vld.idx.msk [tilespmem:v9+s20+$0x0], $0xffff  }
0x54b: {  	v2 =	vmul.f32 v2, v48;
	v35 =	vmul.f32 v29, v49;
	v29 =	vld.idx.msk [tilespmem:v62+s20+$0x0], $0xffff  }
0x54c: {  	v38 =	vmul.f32 v32, v13;
	v39 =	vmul.f32 v40, v49;
	v10 =	vld.idx.msk [tilespmem:v10+s20+$0x0], $0xffff  }
0x54d: {  	v40 =	vmul.f32 v46, v16;
	v6 =	vmul.f32 v6, v52;
	v63 =	vld.idx.msk [tilespmem:v8+s29+$0x0 ss:$0x1], $0xffff  }
0x54e: {  	v43 =	vmul.f32 v12, v23;
	v3 =	vmul.f32 v30, v55;
	v62 =	vld.idx.msk [tilespmem:v45+s20+$0x0], $0xffff  }
0x54f: {  	v33 =	vmul.f32 v27, v55;
	v27 =	vmul.f32 v9, v49;
	v49 =	vld.idx.msk [tilespmem:v8+s15+$0x0 ss:$0x1], $0xffff  }
0x550: {  	v30 =	vmul.f32 v25, v14;
	v25 =	vmul.f32 v29, v13;
	v13 =	vld.idx.msk [tilespmem:v8+s29+$0x20 ss:$0x1], $0xffff  }
0x551: {  	v44 =	vmul.f32 v47, v15;
	v34 =	vmul.f32 v58, v52;
	v14 =	vld.idx.msk [tilespmem:v8+s29+$0x30 ss:$0x1], $0xffff  }
0x552: {  	v32 =	vmul.f32 v26, v16;
	v9 =	vld.idx.msk [tilespmem:v8+s29+$0x40 ss:$0x1], $0xffff;
	v42 =	vmul.f32 v63, v24  }
0x553: {  	v31 =	vmul.f32 v28, v15;
	v28 =	vmul.f32 v10, v52;
	v10 =	vld.idx.msk [tilespmem:v8+s29+$0x50 ss:$0x1], $0xffff  }
0x554: {  	v26 =	vmul.f32 v61, v48;
	v15 =	vld.idx.msk [tilespmem:v8+s29+$0x60 ss:$0x1], $0xffff;
	v4 =	vadd.f32 v4, v42;
	v59 =	vmul.f32 v49, v24  }
0x555: {  	v5 =	vadd.f32 v5, v43;
	v16 =	vld.idx.msk [tilespmem:v8+s29+$0x70 ss:$0x1], $0xffff;
	v29 =	vmul.f32 v62, v55;
	v48 =	vmul.f32 v13, v21  }
0x556: {  	v55 =	vld.idx.msk [tilespmem:v8+s15+$0x40 ss:$0x1], $0xffff;
	[tilespmem:v8+s29+$0x0 ss:$0x1] =	vst.idx.msk $0xffff, v4;
	v1 =	vmul.f32 v14, v20;
	v62 =	vadd.f32 v40, v59  }
0x557: {  	v51 =	vmul.f32 v9, v18;
	v9 =	vld.idx.msk [tilespmem:v8+s15+$0x20 ss:$0x1], $0xffff;
	[tilespmem:v8+s29+$0x10 ss:$0x1] =	vst.idx.msk $0xffff, v5;
	v0 =	vadd.f32 v0, v48  }
0x558: {  	v52 =	vmul.f32 v10, v19;
	v10 =	vld.idx.msk [tilespmem:v8+s15+$0x30 ss:$0x1], $0xffff;
	v1 =	vadd.f32 v38, v1;
	[tilespmem:v8+s15+$0x0 ss:$0x1] =	vst.idx.msk $0xffff, v62  }
0x559: {  	p0 =	slt.u32 s19, $0x1C;
	s30 =	sor.u32 s13, s9;
	v43 =	vld.idx.msk [tilespmem:v8+s15+$0x50 ss:$0x1], $0xffff;
	v54 =	vmul.f32 v15, v22;
	v53 =	vadd.f32 v2, v51;
	[tilespmem:v8+s29+$0x20 ss:$0x1] =	vst.idx.msk $0xffff, v0  }
.Ltmp11:
0x55a: {  	s28 =	smov.u32 s30;
	v42 =	vld.idx.msk [tilespmem:v8+s15+$0x60 ss:$0x1], $0xffff;
	v57 =	vmul.f32 v16, v17;
	v56 =	vadd.f32 v39, v52;
	[tilespmem:v8+s29+$0x30 ss:$0x1] =	vst.idx.msk $0xffff, v1;
	(pc) =	sbr.rel @p0 .LBB2_26-.Ltmp11, $4  }
0x55b: {  	v61 =	vmul.f32 v50, v23;
	v58 =	vadd.f32 v6, v54;
	v40 =	vld.idx.msk [tilespmem:v8+s28+$0x0 ss:$0x1], $0xffff;
	[tilespmem:v8+s29+$0x40 ss:$0x1] =	vst.idx.msk $0xffff, v53  }
0x55c: {  	v60 =	vadd.f32 v3, v57;
	v39 =	vld.idx.msk [tilespmem:v8+s28+$0x10 ss:$0x1], $0xffff;
	v63 =	vmul.f32 v9, v21;
	[tilespmem:v8+s29+$0x50 ss:$0x1] =	vst.idx.msk $0xffff, v56  }
0x55d: {  	v46 =	vadd.f32 v44, v61;
	v45 =	vmul.f32 v55, v18;
	v38 =	vld.idx.msk [tilespmem:v8+s28+$0x20 ss:$0x1], $0xffff;
	[tilespmem:v8+s29+$0x60 ss:$0x1] =	vst.idx.msk $0xffff, v58  }
0x55e: {  	v47 =	vmul.f32 v10, v20;
	v10 =	vld [tilespmem:$0x1FF90];
	v44 =	vadd.f32 v7, v63;
	[tilespmem:v8+s29+$0x70 ss:$0x1] =	vst.idx.msk $0xffff, v60  }
0x55f: {  	_ =	sdelay $0x3  }
0x560: {  	[tilespmem:v8+s15+$0x10 ss:$0x1] =	vst.idx.msk $0xffff, v46;
	v0 =	vadd.f32 v37, v47  }
0x561: {  	v3 =	vadd.f32 v36, v45;
	v18 =	vld [tilespmem:$0x1F950];
	[tilespmem:v8+s15+$0x20 ss:$0x1] =	vst.idx.msk $0xffff, v44  }
0x562: {  	v19 =	vld [tilespmem:$0x1F960];
	[tilespmem:v8+s15+$0x30 ss:$0x1] =	vst.idx.msk $0xffff, v0  }
0x563: {  	v17 =	vld [tilespmem:$0x1F970];
	[tilespmem:v8+s15+$0x40 ss:$0x1] =	vst.idx.msk $0xffff, v3  }
0x564: {  	v51 =	vld [tilespmem:$0x1F980];
	_ =	sdelay $0x1  }
0x565: {  	v2 =	vld.idx.msk [tilespmem:v8+s28+$0x30 ss:$0x1], $0xffff;
	v1 =	vmul.f32 v43, v18  }
0x566: {  	v5 =	vld.idx.msk [tilespmem:v8+s28+$0x40 ss:$0x1], $0xffff;
	v4 =	vmul.f32 v42, v19  }
0x567: {  	v6 =	vld.idx.msk [tilespmem:v8+s28+$0x50 ss:$0x1], $0xffff;
	v48 =	vadd.f32 v35, v1;
	v49 =	vmul.f32 v41, v17  }
0x568: {  	v7 =	vld.idx.msk [tilespmem:v8+s28+$0x60 ss:$0x1], $0xffff;
	v50 =	vadd.f32 v34, v4;
	v4 =	vmul.f32 v40, v51  }
0x569: {  	v9 =	vld.idx.msk [tilespmem:v8+s28+$0x70 ss:$0x1], $0xffff;
	[tilespmem:v8+s15+$0x50 ss:$0x1] =	vst.idx.msk $0xffff, v48;
	v52 =	vadd.f32 v33, v49  }
0x56a: {  	v53 =	vld [tilespmem:$0x1F990];
	[tilespmem:v8+s15+$0x60 ss:$0x1] =	vst.idx.msk $0xffff, v50;
	v54 =	vadd.f32 v32, v4  }
0x56b: {  	v55 =	vld [tilespmem:$0x1F9A0];
	[tilespmem:v8+s15+$0x70 ss:$0x1] =	vst.idx.msk $0xffff, v52  }
0x56c: {  	v57 =	vld [tilespmem:$0x1F9B0];
	[tilespmem:v8+s28+$0x0 ss:$0x1] =	vst.idx.msk $0xffff, v54  }
0x56d: {  	v3 =	vld [tilespmem:$0x1F9C0];
	_ =	sdelay $0x1  }
0x56e: {  	v1 =	vmul.f32 v39, v53  }
0x56f: {  	v4 =	vmul.f32 v38, v55  }
0x570: {  	v56 =	vadd.f32 v31, v1;
	v1 =	vmul.f32 v2, v57  }
0x571: {  	v58 =	vadd.f32 v30, v4;
	v3 =	vmul.f32 v5, v3  }
0x572: {  	v59 =	vmul.f32 v6, v18;
	[tilespmem:v8+s28+$0x10 ss:$0x1] =	vst.idx.msk $0xffff, v56;
	v1 =	vadd.f32 v25, v1  }
0x573: {  	v60 =	vmul.f32 v7, v19;
	[tilespmem:v8+s28+$0x20 ss:$0x1] =	vst.idx.msk $0xffff, v58;
	v3 =	vadd.f32 v26, v3  }
0x574: {  	v0 =	vadd.f32 v27, v59;
	v61 =	vmul.f32 v9, v17;
	[tilespmem:v8+s28+$0x30 ss:$0x1] =	vst.idx.msk $0xffff, v1  }
0x575: {  	v62 =	vadd.f32 v28, v60;
	[tilespmem:v8+s28+$0x40 ss:$0x1] =	vst.idx.msk $0xffff, v3  }
0x576: {  	v63 =	vadd.f32 v29, v61;
	[tilespmem:v8+s28+$0x50 ss:$0x1] =	vst.idx.msk $0xffff, v0  }
0x577: {  	[tilespmem:v8+s28+$0x60 ss:$0x1] =	vst.idx.msk $0xffff, v62  }
0x578: {  	s7 =	sadd.s32 $0x1, s7;
	[tilespmem:v8+s28+$0x70 ss:$0x1] =	vst.idx.msk $0xffff, v63  }
0x579: {  	p0 =	sne.s32 s7, $0x4;
	v24 =	vld [tilespmem:$0x1FFE0]  }
.Ltmp12:
0x57a: {  	v12 =	vld [tilespmem:$0x1FFF0];
	(pc) =	sbr.rel @p0 .LBB2_25-.Ltmp12, $4  }
0x57b: {  	v13 =	vld [tilespmem:$0x1FFC0]  }
0x57c: {  	v14 =	vld [tilespmem:$0x1FFD0]  }
0x57d: {  	v15 =	vld [tilespmem:$0x1FFB0]  }
0x57e: {  	v9 =	vmov v11;
	v16 =	vld [tilespmem:$0x1FFA0]  }
0x57f: {  	s0 =	sadd.s32 s5, s17  }
0x580: {  	s0 =	sshll.u32 s0, $0x9  }
0x581: {  	p0 =	seq.s32 s14, $0x7;
	s0 =	sadd.s32 s2, s0  }
0x582: {  	[hbm4b:s0+s4] =	stream.linear.scatter [tilespmem:s20], [sflag:$0x6], $0x4000, $0x38;
	[tilespmem:$0x18000] =	vst v63  }
0x583: {  	s0 =	simm.s32 @!p0 $0x5  }
0x584: {  	_ =	swait.ge @!p0 [sflag:s0], $0x4000  }
0x585: {  	[sflag:s0] =	ssyncset.done @!p0 $0x0  }
0x586: {  	s7 =	sshll.u32 @!p0 s14, $0xD;
	[sflag:s0] =	ssyncadd.s32 @!p0 $0xFFFFC000;
	s0 =	rddreg [dreg:$0xa]  }
0x587: {  	s1 =	simm.s32 @!p0 $0x0;
	s0 =	sadd.s32 @!p0 s7, s0  }
0x588: {  	[tilespmem:s1], [sflag:$0x1] =	stream.linear.gather @!p0 [hbm4b:s0+s1], $0x4000, $0x38;
	[tilespmem:$0x18000] =	vst v63  }
0x589: {  	_ =	swait.ge [sflag:s25], $0x4000  }
0x58a: {  	[sflag:s25] =	ssyncset.done $0x0  }
0x58b: {  	s6 =	sshll.u32 s6, $0x2;
	s17 =	simm.s32 $0x0;
	[sflag:s25] =	ssyncadd.s32 $0xFFFFC000  }
.LBB2_29:
0x58c: {  	s0 =	sor.u32 s6, s17  }
0x58d: {  	s0 =	sshll.u32 s0, $0x7  }
0x58e: {  	v18 =	vld [tilespmem:s0+$0x10000]  }
0x58f: {  	v58 =	vld [tilespmem:s0+$0x14000]  }
0x590: {  	v22 =	vld [tilespmem:s0+$0x10010]  }
0x591: {  	v59 =	vld [tilespmem:s0+$0x14010]  }
0x592: {  	v20 =	vld [tilespmem:s0+$0x10020]  }
0x593: {  	v60 =	vld [tilespmem:s0+$0x14020]  }
0x594: {  	v19 =	vld [tilespmem:s0+$0x10030]  }
0x595: {  	v61 =	vld [tilespmem:s0+$0x14030]  }
0x596: {  	v21 =	vld [tilespmem:s0+$0x10040]  }
0x597: {  	v62 =	vld [tilespmem:s0+$0x14040]  }
0x598: {  	s18 =	sshll.u32 s17, $0xC;
	v17 =	vld [tilespmem:s0+$0x10050]  }
0x599: {  	s19 =	simm.s32 $0x0;
	v8 =	vmov s18;
	v63 =	vld [tilespmem:s0+$0x14050]  }
0x59a: {  	s3 =	simm.s32 $0x0;
	s1 =	sand.u32 $0xC, s19;
	v57 =	vld [tilespmem:s0+$0x10060]  }
0x59b: {  	v11 =	vmov v9;
	s9 =	sand.u32 $0x3FFFF800, s3;
	v9 =	vld [tilespmem:s0+$0x14060];
	s15 =	sshll.u32 s1, $0x7  }
0x59c: {  	v23 =	vld [tilespmem:s0+$0x10070];
	s28 =	sadd.s32 $0x8000, s9;
	s1 =	sor.u32 $0x180, s15  }
0x59d: {  	v5 =	vld [tilespmem:s0+$0x14070];
	s29 =	sor.u32 s1, s28  }
0x59e: {  	s9 =	sand.u32 $0xFFFFF800, s3;
	v0 =	vld.idx.msk [tilespmem:v8+s29+$0x0 ss:$0x1], $0xffff  }
0x59f: {  	s0 =	sadd.s32 s18, s9;
	v1 =	vld.idx.msk [tilespmem:v8+s29+$0x10 ss:$0x1], $0xffff  }
0x5a0: {  	s1 =	sadd.s32 s1, s0;
	v2 =	vld.idx.msk [tilespmem:v8+s29+$0x20 ss:$0x1], $0xffff  }
0x5a1: {  	v4 =	vor.u32 s1, v14;
	v3 =	vld.idx.msk [tilespmem:v8+s29+$0x30 ss:$0x1], $0xffff  }
0x5a2: {  	v6 =	vor.u32 s1, v10;
	v55 =	vld.idx.msk [tilespmem:v8+s29+$0x40 ss:$0x1], $0xffff  }
0x5a3: {  	v25 =	vor.u32 s1, v11;
	v7 =	vld.idx.msk [tilespmem:v8+s29+$0x50 ss:$0x1], $0xffff  }
0x5a4: {  	v27 =	vor.u32 s1, v24;
	v26 =	vld.idx.msk [tilespmem:v8+s29+$0x60 ss:$0x1], $0xffff  }
0x5a5: {  	v29 =	vor.u32 s1, v12;
	v28 =	vld.idx.msk [tilespmem:v8+s29+$0x70 ss:$0x1], $0xffff  }
0x5a6: {  	v30 =	vor.u32 s1, v13;
	v4 =	vld.idx.msk [tilespmem:v4+s21+$0x0], $0xffff  }
0x5a7: {  	v31 =	vor.u32 s1, v15;
	v6 =	vld.idx.msk [tilespmem:v6+s21+$0x0], $0xffff  }
0x5a8: {  	s11 =	sadd.s32 s15, s0;
	v32 =	vor.u32 s1, v16;
	v25 =	vld.idx.msk [tilespmem:v25+s21+$0x0], $0xffff  }
0x5a9: {  	v33 =	vor.u32 s11, v14;
	v27 =	vld.idx.msk [tilespmem:v27+s21+$0x0], $0xffff  }
0x5aa: {  	v34 =	vor.u32 s11, v10;
	v29 =	vld.idx.msk [tilespmem:v29+s21+$0x0], $0xffff  }
0x5ab: {  	v35 =	vor.u32 s11, v11;
	v30 =	vld.idx.msk [tilespmem:v30+s21+$0x0], $0xffff  }
0x5ac: {  	v36 =	vor.u32 s11, v24;
	v56 =	vld.idx.msk [tilespmem:v31+s21+$0x0], $0xffff  }
0x5ad: {  	v37 =	vor.u32 s11, v12;
	v32 =	vld.idx.msk [tilespmem:v32+s21+$0x0], $0xffff  }
0x5ae: {  	v38 =	vor.u32 s11, v13;
	v33 =	vld.idx.msk [tilespmem:v33+s21+$0x0], $0xffff  }
0x5af: {  	s31 =	sor.u32 $0x80, s15;
	v39 =	vor.u32 s11, v15;
	v34 =	vld.idx.msk [tilespmem:v34+s21+$0x0], $0xffff  }
0x5b0: {  	s12 =	sadd.s32 s31, s0;
	v40 =	vor.u32 s11, v16;
	v35 =	vld.idx.msk [tilespmem:v35+s21+$0x0], $0xffff  }
0x5b1: {  	v41 =	vor.u32 s12, v14;
	v36 =	vld.idx.msk [tilespmem:v36+s21+$0x0], $0xffff  }
0x5b2: {  	v42 =	vor.u32 s12, v10;
	v37 =	vld.idx.msk [tilespmem:v37+s21+$0x0], $0xffff  }
0x5b3: {  	v43 =	vor.u32 s12, v11;
	v38 =	vld.idx.msk [tilespmem:v38+s21+$0x0], $0xffff  }
0x5b4: {  	v44 =	vor.u32 s12, v24;
	v39 =	vld.idx.msk [tilespmem:v39+s21+$0x0], $0xffff  }
0x5b5: {  	v45 =	vor.u32 s12, v12;
	v40 =	vld.idx.msk [tilespmem:v40+s21+$0x0], $0xffff  }
0x5b6: {  	s30 =	sor.u32 $0x100, s15;
	v46 =	vor.u32 s12, v13;
	v41 =	vld.idx.msk [tilespmem:v41+s21+$0x0], $0xffff  }
0x5b7: {  	s0 =	sadd.s32 s30, s0;
	v47 =	vor.u32 s12, v15;
	v42 =	vld.idx.msk [tilespmem:v42+s21+$0x0], $0xffff  }
0x5b8: {  	v52 =	vor.u32 s0, v24;
	v43 =	vld.idx.msk [tilespmem:v43+s21+$0x0], $0xffff  }
0x5b9: {  	v53 =	vor.u32 s0, v12;
	v44 =	vld.idx.msk [tilespmem:v44+s21+$0x0], $0xffff  }
0x5ba: {  	v45 =	vld.idx.msk [tilespmem:v45+s21+$0x0], $0xffff  }
0x5bb: {  	v51 =	vor.u32 s0, v11;
	v46 =	vld.idx.msk [tilespmem:v46+s21+$0x0], $0xffff  }
0x5bc: {  	v48 =	vor.u32 s12, v16;
	v49 =	vor.u32 s0, v14;
	v47 =	vld.idx.msk [tilespmem:v47+s21+$0x0], $0xffff  }
0x5bd: {  	v50 =	vor.u32 s0, v10;
	v14 =	vld.idx.msk [tilespmem:v52+s21+$0x0], $0xffff;
	v0 =	vmul.f32 v0, v18;
	v1 =	vmul.f32 v1, v22  }
0x5be: {  	s13 =	sor.u32 s15, s28;
	v54 =	vor.u32 s0, v13;
	v53 =	vld.idx.msk [tilespmem:v53+s21+$0x0], $0xffff;
	v31 =	vmul.f32 v55, v21;
	v7 =	vmul.f32 v7, v17  }
0x5bf: {  	v55 =	vor.u32 s0, v15;
	v15 =	vld.idx.msk [tilespmem:v8+s13+$0x0 ss:$0x1], $0xffff;
	v4 =	vmul.f32 v4, v58;
	v6 =	vmul.f32 v6, v59  }
0x5c0: {  	v12 =	vmov v17;
	v17 =	vmul.f32 v29, v62;
	v29 =	vmul.f32 v30, v63;
	v30 =	vld.idx.msk [tilespmem:v51+s21+$0x0], $0xffff  }
0x5c1: {  	v2 =	vmul.f32 v2, v20;
	v25 =	vmul.f32 v25, v60;
	v0 =	vadd.f32 v4, v0;
	v4 =	vld.idx.msk [tilespmem:v48+s21+$0x0], $0xffff  }
0x5c2: {  	v3 =	vmul.f32 v3, v19;
	v27 =	vmul.f32 v27, v61;
	v1 =	vadd.f32 v6, v1;
	v6 =	vld.idx.msk [tilespmem:v49+s21+$0x0], $0xffff  }
0x5c3: {  	v48 =	vor.u32 s0, v16;
	v49 =	vld.idx.msk [tilespmem:v50+s21+$0x0], $0xffff;
	v2 =	vadd.f32 v25, v2;
	[tilespmem:v8+s29+$0x0 ss:$0x1] =	vst.idx.msk $0xffff, v0  }
0x5c4: {  	v3 =	vadd.f32 v27, v3;
	v27 =	vld.idx.msk [tilespmem:v54+s21+$0x0], $0xffff;
	[tilespmem:v8+s29+$0x10 ss:$0x1] =	vst.idx.msk $0xffff, v1  }
0x5c5: {  	v54 =	vld.idx.msk [tilespmem:v55+s21+$0x0], $0xffff;
	v0 =	vadd.f32 v17, v31;
	[tilespmem:v8+s29+$0x20 ss:$0x1] =	vst.idx.msk $0xffff, v2  }
0x5c6: {  	v26 =	vmul.f32 v26, v57;
	v7 =	vadd.f32 v29, v7;
	v29 =	vld.idx.msk [tilespmem:v8+s13+$0x10 ss:$0x1], $0xffff;
	[tilespmem:v8+s29+$0x30 ss:$0x1] =	vst.idx.msk $0xffff, v3  }
0x5c7: {  	v28 =	vmul.f32 v28, v23;
	v25 =	vmul.f32 v56, v9;
	v16 =	vld.idx.msk [tilespmem:v8+s13+$0x20 ss:$0x1], $0xffff;
	[tilespmem:v8+s29+$0x40 ss:$0x1] =	vst.idx.msk $0xffff, v0  }
0x5c8: {  	v17 =	vmul.f32 v39, v9;
	v39 =	vmul.f32 v40, v5;
	v40 =	vld.idx.msk [tilespmem:v48+s21+$0x0], $0xffff;
	[tilespmem:v8+s29+$0x50 ss:$0x1] =	vst.idx.msk $0xffff, v7  }
0x5c9: {  	v1 =	vmul.f32 v33, v58;
	v33 =	vmul.f32 v4, v5;
	v4 =	vld.idx.msk [tilespmem:v8+s13+$0x30 ss:$0x1], $0xffff;
	[tilespmem:$0x1F7D0] =	vst v58  }
0x5ca: {  	v52 =	vmul.f32 v34, v59;
	v50 =	vmul.f32 v32, v5;
	[tilespmem:$0x1F7E0] =	vst v59  }
0x5cb: {  	v26 =	vadd.f32 v25, v26;
	v32 =	vmul.f32 v6, v58;
	v6 =	vld.idx.msk [tilespmem:v8+s13+$0x40 ss:$0x1], $0xffff;
	[tilespmem:$0x1F7F0] =	vst v60  }
0x5cc: {  	v13 =	vmov v57;
	v57 =	vmul.f32 v36, v61;
	v36 =	vmul.f32 v45, v62;
	[tilespmem:$0x1F800] =	vst v61  }
0x5cd: {  	v25 =	vmul.f32 v14, v61;
	v7 =	vadd.f32 v50, v28;
	[tilespmem:v8+s29+$0x60 ss:$0x1] =	vst.idx.msk $0xffff, v26  }
0x5ce: {  	v2 =	vmul.f32 v37, v62;
	v37 =	vmul.f32 v44, v61;
	v61 =	vld.idx.msk [tilespmem:v8+s13+$0x50 ss:$0x1], $0xffff;
	[tilespmem:$0x1F810] =	vst v62  }
0x5cf: {  	v3 =	vmul.f32 v41, v58;
	v41 =	vmul.f32 v15, v18;
	[tilespmem:v8+s29+$0x70 ss:$0x1] =	vst.idx.msk $0xffff, v7  }
0x5d0: {  	v14 =	vmul.f32 v29, v22;
	v26 =	vmul.f32 v53, v62;
	v62 =	vld.idx.msk [tilespmem:v8+s13+$0x60 ss:$0x1], $0xffff;
	[tilespmem:$0x1F820] =	vst v63  }
0x5d1: {  	s15 =	sor.u32 s31, s28;
	v56 =	vmul.f32 v35, v60;
	v1 =	vadd.f32 v1, v41;
	v7 =	vld.idx.msk [tilespmem:v8+s13+$0x70 ss:$0x1], $0xffff;
	[tilespmem:$0x1F830] =	vst v9  }
0x5d2: {  	v0 =	vmul.f32 v16, v20;
	v16 =	vadd.f32 v52, v14;
	v15 =	vld.idx.msk [tilespmem:v8+s15+$0x0 ss:$0x1], $0xffff;
	[tilespmem:$0x1F840] =	vst v5  }
0x5d3: {  	v31 =	vmul.f32 v49, v59;
	[tilespmem:v8+s13+$0x0 ss:$0x1] =	vst.idx.msk $0xffff, v1  }
0x5d4: {  	v0 =	vadd.f32 v56, v0;
	v4 =	vmul.f32 v4, v19;
	v49 =	vld.idx.msk [tilespmem:v8+s15+$0x10 ss:$0x1], $0xffff;
	[tilespmem:v8+s13+$0x10 ss:$0x1] =	vst.idx.msk $0xffff, v16  }
0x5d5: {  	v50 =	vmul.f32 v6, v21;
	v6 =	vld.idx.msk [tilespmem:v8+s15+$0x20 ss:$0x1], $0xffff;
	[tilespmem:$0x1F850] =	vst v12  }
0x5d6: {  	v4 =	vadd.f32 v57, v4;
	[tilespmem:v8+s13+$0x20 ss:$0x1] =	vst.idx.msk $0xffff, v0  }
0x5d7: {  	v38 =	vmul.f32 v38, v63;
	v52 =	vld.idx.msk [tilespmem:v8+s15+$0x30 ss:$0x1], $0xffff;
	[tilespmem:$0x1F860] =	vst v13  }
0x5d8: {  	v51 =	vmul.f32 v61, v12;
	v53 =	vadd.f32 v2, v50;
	[tilespmem:v8+s13+$0x30 ss:$0x1] =	vst.idx.msk $0xffff, v4  }
0x5d9: {  	v55 =	vmul.f32 v43, v60;
	v28 =	vmul.f32 v54, v9;
	v56 =	vld.idx.msk [tilespmem:v8+s15+$0x40 ss:$0x1], $0xffff;
	[tilespmem:$0x1F870] =	vst v23  }
0x5da: {  	v54 =	vmul.f32 v62, v13;
	v57 =	vadd.f32 v38, v51;
	v43 =	vld.idx.msk [tilespmem:v8+s15+$0x50 ss:$0x1], $0xffff;
	[tilespmem:v8+s13+$0x40 ss:$0x1] =	vst.idx.msk $0xffff, v53  }
0x5db: {  	v48 =	vmul.f32 v42, v59;
	v42 =	vld.idx.msk [tilespmem:v8+s15+$0x60 ss:$0x1], $0xffff;
	[tilespmem:$0x1F880] =	vst v18  }
0x5dc: {  	v7 =	vmul.f32 v7, v23;
	v58 =	vadd.f32 v17, v54;
	[tilespmem:v8+s13+$0x50 ss:$0x1] =	vst.idx.msk $0xffff, v57  }
0x5dd: {  	v30 =	vmul.f32 v30, v60;
	v41 =	vld.idx.msk [tilespmem:v8+s15+$0x70 ss:$0x1], $0xffff;
	[tilespmem:$0x1F890] =	vst v22  }
0x5de: {  	v59 =	vmul.f32 v15, v18;
	v60 =	vadd.f32 v39, v7;
	[tilespmem:v8+s13+$0x60 ss:$0x1] =	vst.idx.msk $0xffff, v58  }
0x5df: {  	[tilespmem:$0x1F8A0] =	vst v20  }
0x5e0: {  	s28 =	sor.u32 s30, s28;
	v35 =	vmul.f32 v46, v63;
	v62 =	vadd.f32 v3, v59;
	[tilespmem:v8+s13+$0x70 ss:$0x1] =	vst.idx.msk $0xffff, v60  }
0x5e1: {  	v29 =	vmul.f32 v40, v5;
	v61 =	vmul.f32 v49, v22;
	v40 =	vld.idx.msk [tilespmem:v8+s28+$0x0 ss:$0x1], $0xffff;
	[tilespmem:$0x1F8B0] =	vst v19  }
0x5e2: {  	v27 =	vmul.f32 v27, v63;
	v63 =	vmul.f32 v6, v20;
	[tilespmem:v8+s15+$0x0 ss:$0x1] =	vst.idx.msk $0xffff, v62  }
0x5e3: {  	v34 =	vmul.f32 v47, v9;
	v46 =	vadd.f32 v48, v61;
	v39 =	vld.idx.msk [tilespmem:v8+s28+$0x10 ss:$0x1], $0xffff;
	[tilespmem:$0x1F8C0] =	vst v21  }
0x5e4: {  	v44 =	vadd.f32 v55, v63;
	v47 =	vmul.f32 v52, v19;
	v45 =	vmul.f32 v56, v21;
	v38 =	vld.idx.msk [tilespmem:v8+s28+$0x20 ss:$0x1], $0xffff  }
.LBB2_30:
0x5e5: {  	v19 =	vld [tilespmem:$0x1F850]  }
0x5e6: {  	v2 =	vld.idx.msk [tilespmem:v8+s28+$0x30 ss:$0x1], $0xffff  }
0x5e7: {  	v22 =	vld [tilespmem:$0x1F860]  }
0x5e8: {  	v5 =	vld.idx.msk [tilespmem:v8+s28+$0x40 ss:$0x1], $0xffff  }
0x5e9: {  	v17 =	vld [tilespmem:$0x1F870]  }
0x5ea: {  	v24 =	vld [tilespmem:$0x1F880]  }
0x5eb: {  	v23 =	vld [tilespmem:$0x1F890]  }
0x5ec: {  	v21 =	vld [tilespmem:$0x1F8A0]  }
0x5ed: {  	v20 =	vld [tilespmem:$0x1F8B0]  }
0x5ee: {  	v18 =	vld [tilespmem:$0x1F8C0]  }
0x5ef: {  	v9 =	vld [tilespmem:$0x1FFD0]  }
0x5f0: {  	s19 =	sadd.s32 $0x4, s19;
	v16 =	vld [tilespmem:$0x1FFE0];
	[tilespmem:v8+s15+$0x10 ss:$0x1] =	vst.idx.msk $0xffff, v46;
	v0 =	vadd.f32 v37, v47;
	v1 =	vmul.f32 v43, v19  }
0x5f1: {  	v15 =	vld [tilespmem:$0x1FFF0];
	s0 =	sand.u32 $0xC, s19;
	s1 =	sshll.u32 s19, $0x7;
	v3 =	vadd.f32 v36, v45;
	[tilespmem:v8+s15+$0x20 ss:$0x1] =	vst.idx.msk $0xffff, v44;
	v4 =	vmul.f32 v42, v22  }
0x5f2: {  	v14 =	vld [tilespmem:$0x1FFC0];
	s3 =	sand.u32 $0x3FFFF800, s1;
	s0 =	sshll.u32 s0, $0x7;
	[tilespmem:v8+s15+$0x30 ss:$0x1] =	vst.idx.msk $0xffff, v0;
	v52 =	vmul.f32 v41, v17;
	v51 =	vadd.f32 v35, v1  }
0x5f3: {  	v13 =	vld [tilespmem:$0x1FFB0];
	s3 =	sadd.s32 $0x8000, s3;
	s11 =	sor.u32 $0x180, s0;
	[tilespmem:v8+s15+$0x40 ss:$0x1] =	vst.idx.msk $0xffff, v3;
	v53 =	vadd.f32 v34, v4  }
0x5f4: {  	v12 =	vld [tilespmem:$0x1FFA0];
	s1 =	sand.u32 $0xFFFFF800, s1;
	s9 =	sor.u32 $0x80, s0;
	s31 =	sor.u32 s11, s3;
	v55 =	vadd.f32 v33, v52;
	[tilespmem:v8+s15+$0x50 ss:$0x1] =	vst.idx.msk $0xffff, v51  }
0x5f5: {  	s1 =	sadd.s32 s18, s1;
	s13 =	sor.u32 s9, s3;
	v6 =	vld.idx.msk [tilespmem:v8+s31+$0x0 ss:$0x1], $0xffff;
	[tilespmem:v8+s15+$0x60 ss:$0x1] =	vst.idx.msk $0xffff, v53  }
0x5f6: {  	v7 =	vld.idx.msk [tilespmem:v8+s31+$0x10 ss:$0x1], $0xffff;
	[tilespmem:v8+s15+$0x70 ss:$0x1] =	vst.idx.msk $0xffff, v55;
	s15 =	smov.u32 s13;
	s13 =	sadd.s32 s11, s1  }
0x5f7: {  	v37 =	vld.idx.msk [tilespmem:v8+s31+$0x40 ss:$0x1], $0xffff;
	v61 =	vor.u32 s13, v9  }
0x5f8: {  	v54 =	vmul.f32 v40, v24;
	v40 =	vld.idx.msk [tilespmem:v8+s31+$0x50 ss:$0x1], $0xffff;
	v62 =	vor.u32 s13, v10  }
0x5f9: {  	v44 =	vld.idx.msk [tilespmem:v8+s31+$0x60 ss:$0x1], $0xffff  }
0x5fa: {  	s12 =	sor.u32 $0x100, s0;
	s29 =	sor.u32 s0, s3;
	s0 =	sadd.s32 s0, s1;
	v56 =	vmul.f32 v39, v23;
	v48 =	vld.idx.msk [tilespmem:v8+s31+$0x70 ss:$0x1], $0xffff  }
0x5fb: {  	s9 =	sadd.s32 s9, s1;
	v58 =	vmul.f32 v38, v21;
	v36 =	vor.u32 s0, v16;
	v35 =	vld.idx.msk [tilespmem:v8+s28+$0x50 ss:$0x1], $0xffff;
	v63 =	vor.u32 s13, v11  }
0x5fc: {  	v39 =	vor.u32 s0, v14;
	v46 =	vor.u32 s9, v9;
	v57 =	vadd.f32 v32, v54;
	v32 =	vld.idx.msk [tilespmem:v61+s21+$0x0], $0xffff  }
0x5fd: {  	v59 =	vadd.f32 v31, v56;
	v4 =	vor.u32 s0, v9;
	v54 =	vor.u32 s9, v14;
	s1 =	sadd.s32 s12, s1;
	v38 =	vld.idx.msk [tilespmem:v62+s21+$0x0], $0xffff  }
0x5fe: {  	[tilespmem:v8+s28+$0x0 ss:$0x1] =	vst.idx.msk $0xffff, v57;
	v51 =	vor.u32 s9, v16;
	v45 =	vor.u32 s13, v16;
	v62 =	vor.u32 s1, v16;
	v16 =	vld [tilespmem:$0x1F7D0]  }
0x5ff: {  	[tilespmem:v8+s28+$0x10 ss:$0x1] =	vst.idx.msk $0xffff, v59;
	v52 =	vor.u32 s13, v14;
	v59 =	vor.u32 s1, v9;
	v9 =	vor.u32 s1, v14;
	v14 =	vld [tilespmem:$0x1F7F0]  }
0x600: {  	v3 =	vmul.f32 v5, v18;
	v5 =	vor.u32 s0, v10;
	v49 =	vor.u32 s13, v15;
	v41 =	vld.idx.msk [tilespmem:v63+s21+$0x0], $0xffff  }
0x601: {  	v42 =	vor.u32 s0, v13;
	v47 =	vor.u32 s9, v10;
	v1 =	vld.idx.msk [tilespmem:v8+s31+$0x20 ss:$0x1], $0xffff;
	v60 =	vadd.f32 v30, v58  }
0x602: {  	v30 =	vld.idx.msk [tilespmem:v8+s31+$0x30 ss:$0x1], $0xffff;
	v56 =	vor.u32 s9, v13;
	v6 =	vmul.f32 v6, v24;
	v55 =	vor.u32 s13, v13  }
0x603: {  	[tilespmem:v8+s28+$0x20 ss:$0x1] =	vst.idx.msk $0xffff, v60;
	v60 =	vor.u32 s1, v10;
	v10 =	vor.u32 s1, v13;
	v13 =	vld [tilespmem:$0x1F800];
	v32 =	vmul.f32 v32, v16  }
0x604: {  	v31 =	vmul.f32 v2, v20;
	v45 =	vld.idx.msk [tilespmem:v45+s21+$0x0], $0xffff  }
0x605: {  	v58 =	vor.u32 s13, v12;
	v49 =	vld.idx.msk [tilespmem:v49+s21+$0x0], $0xffff;
	v6 =	vadd.f32 v32, v6;
	v32 =	vmul.f32 v41, v14  }
0x606: {  	v41 =	vmul.f32 v44, v22;
	v44 =	vmul.f32 v48, v17;
	v48 =	vld [tilespmem:$0x1F810]  }
0x607: {  	v2 =	vor.u32 s0, v15;
	v53 =	vor.u32 s9, v15;
	v63 =	vor.u32 s1, v15;
	v15 =	vld [tilespmem:$0x1F7E0]  }
0x608: {  	v52 =	vld.idx.msk [tilespmem:v52+s21+$0x0], $0xffff  }
0x609: {  	v55 =	vld.idx.msk [tilespmem:v55+s21+$0x0], $0xffff  }
0x60a: {  	v0 =	vor.u32 s0, v11;
	v58 =	vld.idx.msk [tilespmem:v58+s21+$0x0], $0xffff  }
0x60b: {  	[tilespmem:v8+s31+$0x0 ss:$0x1] =	vst.idx.msk $0xffff, v6;
	v6 =	vmul.f32 v49, v48;
	v49 =	vld [tilespmem:$0x1F820]  }
0x60c: {  	v34 =	vld.idx.msk [tilespmem:v8+s28+$0x60 ss:$0x1], $0xffff;
	v7 =	vmul.f32 v7, v23;
	v38 =	vmul.f32 v38, v15  }
0x60d: {  	v33 =	vld.idx.msk [tilespmem:v8+s28+$0x70 ss:$0x1], $0xffff  }
0x60e: {  	v5 =	vld.idx.msk [tilespmem:v5+s21+$0x0], $0xffff;
	v30 =	vmul.f32 v30, v20;
	v7 =	vadd.f32 v38, v7;
	v38 =	vmul.f32 v45, v13  }
0x60f: {  	v0 =	vld.idx.msk [tilespmem:v0+s21+$0x0], $0xffff  }
0x610: {  	[tilespmem:v8+s31+$0x10 ss:$0x1] =	vst.idx.msk $0xffff, v7;
	v7 =	vadd.f32 v38, v30;
	v30 =	vmul.f32 v52, v49;
	v52 =	vld [tilespmem:$0x1F830]  }
0x611: {  	v50 =	vor.u32 s9, v11;
	v4 =	vld.idx.msk [tilespmem:v4+s21+$0x0], $0xffff  }
0x612: {  	v2 =	vld.idx.msk [tilespmem:v2+s21+$0x0], $0xffff  }
0x613: {  	v43 =	vor.u32 s0, v12;
	v37 =	vmul.f32 v37, v18;
	v46 =	vld.idx.msk [tilespmem:v46+s21+$0x0], $0xffff  }
0x614: {  	v57 =	vor.u32 s9, v12;
	v25 =	vadd.f32 v25, v31;
	v1 =	vmul.f32 v1, v21;
	v47 =	vld.idx.msk [tilespmem:v47+s21+$0x0], $0xffff  }
0x615: {  	v45 =	vor.u32 s1, v12;
	v12 =	vadd.f32 v6, v37;
	v6 =	vmul.f32 v55, v52;
	v55 =	vld [tilespmem:$0x1F840]  }
0x616: {  	v3 =	vadd.f32 v26, v3;
	v26 =	vld.idx.msk [tilespmem:v50+s21+$0x0], $0xffff;
	v1 =	vadd.f32 v32, v1  }
0x617: {  	[tilespmem:v8+s28+$0x30 ss:$0x1] =	vst.idx.msk $0xffff, v25;
	v50 =	vld.idx.msk [tilespmem:v8+s15+$0x10 ss:$0x1], $0xffff  }
0x618: {  	v40 =	vmul.f32 v40, v19;
	v25 =	vld.idx.msk [tilespmem:v53+s21+$0x0], $0xffff;
	[tilespmem:v8+s31+$0x20 ss:$0x1] =	vst.idx.msk $0xffff, v1  }
0x619: {  	v32 =	vld.idx.msk [tilespmem:v36+s21+$0x0], $0xffff;
	[tilespmem:v8+s31+$0x30 ss:$0x1] =	vst.idx.msk $0xffff, v7  }
0x61a: {  	[tilespmem:v8+s31+$0x40 ss:$0x1] =	vst.idx.msk $0xffff, v12;
	v12 =	vld.idx.msk [tilespmem:v8+s29+$0x10 ss:$0x1], $0xffff;
	v7 =	vadd.f32 v30, v40;
	v30 =	vmul.f32 v58, v55  }
0x61b: {  	v40 =	vld.idx.msk [tilespmem:v39+s21+$0x0], $0xffff;
	v41 =	vadd.f32 v6, v41  }
0x61c: {  	[tilespmem:v8+s31+$0x50 ss:$0x1] =	vst.idx.msk $0xffff, v7;
	v6 =	vld.idx.msk [tilespmem:v42+s21+$0x0], $0xffff;
	v7 =	vadd.f32 v30, v44;
	v44 =	vmul.f32 v35, v19  }
0x61d: {  	v34 =	vmul.f32 v34, v22;
	[tilespmem:v8+s31+$0x60 ss:$0x1] =	vst.idx.msk $0xffff, v41;
	v41 =	vld.idx.msk [tilespmem:v8+s15+$0x70 ss:$0x1], $0xffff  }
0x61e: {  	v58 =	vld.idx.msk [tilespmem:v56+s21+$0x0], $0xffff;
	[tilespmem:v8+s31+$0x70 ss:$0x1] =	vst.idx.msk $0xffff, v7;
	v7 =	vmul.f32 v33, v17;
	v1 =	vadd.f32 v27, v44  }
0x61f: {  	[tilespmem:v8+s28+$0x40 ss:$0x1] =	vst.idx.msk $0xffff, v3;
	v27 =	vadd.f32 v28, v34;
	v28 =	vld.idx.msk [tilespmem:v51+s21+$0x0], $0xffff  }
0x620: {  	v61 =	vor.u32 s1, v11;
	v30 =	vld.idx.msk [tilespmem:v43+s21+$0x0], $0xffff;
	v7 =	vadd.f32 v29, v7;
	[tilespmem:v8+s28+$0x50 ss:$0x1] =	vst.idx.msk $0xffff, v1  }
0x621: {  	v29 =	vld.idx.msk [tilespmem:v54+s21+$0x0], $0xffff;
	[tilespmem:v8+s28+$0x60 ss:$0x1] =	vst.idx.msk $0xffff, v27  }
0x622: {  	v27 =	vld.idx.msk [tilespmem:v57+s21+$0x0], $0xffff;
	[tilespmem:v8+s28+$0x70 ss:$0x1] =	vst.idx.msk $0xffff, v7  }
0x623: {  	v7 =	vmul.f32 v26, v14;
	v26 =	vld.idx.msk [tilespmem:v59+s21+$0x0], $0xffff  }
0x624: {  	v37 =	vmul.f32 v28, v13;
	v28 =	vld.idx.msk [tilespmem:v60+s21+$0x0], $0xffff  }
0x625: {  	v36 =	vmul.f32 v25, v48;
	v25 =	vld.idx.msk [tilespmem:v61+s21+$0x0], $0xffff  }
0x626: {  	v0 =	vmul.f32 v0, v14;
	v61 =	vld.idx.msk [tilespmem:v63+s21+$0x0], $0xffff  }
0x627: {  	v4 =	vmul.f32 v4, v16;
	v5 =	vmul.f32 v5, v15;
	v9 =	vld.idx.msk [tilespmem:v9+s21+$0x0], $0xffff  }
0x628: {  	v2 =	vmul.f32 v2, v48;
	v35 =	vmul.f32 v29, v49;
	v29 =	vld.idx.msk [tilespmem:v62+s21+$0x0], $0xffff  }
0x629: {  	v38 =	vmul.f32 v32, v13;
	v39 =	vmul.f32 v40, v49;
	v10 =	vld.idx.msk [tilespmem:v10+s21+$0x0], $0xffff  }
0x62a: {  	v40 =	vmul.f32 v46, v16;
	v6 =	vmul.f32 v6, v52;
	v63 =	vld.idx.msk [tilespmem:v8+s29+$0x0 ss:$0x1], $0xffff  }
0x62b: {  	v43 =	vmul.f32 v12, v23;
	v3 =	vmul.f32 v30, v55;
	v62 =	vld.idx.msk [tilespmem:v45+s21+$0x0], $0xffff  }
0x62c: {  	v33 =	vmul.f32 v27, v55;
	v27 =	vmul.f32 v9, v49;
	v49 =	vld.idx.msk [tilespmem:v8+s15+$0x0 ss:$0x1], $0xffff  }
0x62d: {  	v30 =	vmul.f32 v25, v14;
	v25 =	vmul.f32 v29, v13;
	v13 =	vld.idx.msk [tilespmem:v8+s29+$0x20 ss:$0x1], $0xffff  }
0x62e: {  	v44 =	vmul.f32 v47, v15;
	v34 =	vmul.f32 v58, v52;
	v14 =	vld.idx.msk [tilespmem:v8+s29+$0x30 ss:$0x1], $0xffff  }
0x62f: {  	v32 =	vmul.f32 v26, v16;
	v9 =	vld.idx.msk [tilespmem:v8+s29+$0x40 ss:$0x1], $0xffff;
	v42 =	vmul.f32 v63, v24  }
0x630: {  	v31 =	vmul.f32 v28, v15;
	v28 =	vmul.f32 v10, v52;
	v10 =	vld.idx.msk [tilespmem:v8+s29+$0x50 ss:$0x1], $0xffff  }
0x631: {  	v26 =	vmul.f32 v61, v48;
	v15 =	vld.idx.msk [tilespmem:v8+s29+$0x60 ss:$0x1], $0xffff;
	v4 =	vadd.f32 v4, v42;
	v59 =	vmul.f32 v49, v24  }
0x632: {  	v5 =	vadd.f32 v5, v43;
	v16 =	vld.idx.msk [tilespmem:v8+s29+$0x70 ss:$0x1], $0xffff;
	v29 =	vmul.f32 v62, v55;
	v48 =	vmul.f32 v13, v21  }
0x633: {  	v55 =	vld.idx.msk [tilespmem:v8+s15+$0x40 ss:$0x1], $0xffff;
	[tilespmem:v8+s29+$0x0 ss:$0x1] =	vst.idx.msk $0xffff, v4;
	v1 =	vmul.f32 v14, v20;
	v62 =	vadd.f32 v40, v59  }
0x634: {  	v51 =	vmul.f32 v9, v18;
	v9 =	vld.idx.msk [tilespmem:v8+s15+$0x20 ss:$0x1], $0xffff;
	[tilespmem:v8+s29+$0x10 ss:$0x1] =	vst.idx.msk $0xffff, v5;
	v0 =	vadd.f32 v0, v48  }
0x635: {  	v52 =	vmul.f32 v10, v19;
	v10 =	vld.idx.msk [tilespmem:v8+s15+$0x30 ss:$0x1], $0xffff;
	v1 =	vadd.f32 v38, v1;
	[tilespmem:v8+s15+$0x0 ss:$0x1] =	vst.idx.msk $0xffff, v62  }
0x636: {  	p1 =	slt.u32 s19, $0x1C;
	s30 =	sor.u32 s12, s3;
	v43 =	vld.idx.msk [tilespmem:v8+s15+$0x50 ss:$0x1], $0xffff;
	v54 =	vmul.f32 v15, v22;
	v53 =	vadd.f32 v2, v51;
	[tilespmem:v8+s29+$0x20 ss:$0x1] =	vst.idx.msk $0xffff, v0  }
.Ltmp13:
0x637: {  	s28 =	smov.u32 s30;
	v42 =	vld.idx.msk [tilespmem:v8+s15+$0x60 ss:$0x1], $0xffff;
	v57 =	vmul.f32 v16, v17;
	v56 =	vadd.f32 v39, v52;
	[tilespmem:v8+s29+$0x30 ss:$0x1] =	vst.idx.msk $0xffff, v1;
	(pc) =	sbr.rel @p1 .LBB2_30-.Ltmp13, $4  }
0x638: {  	v61 =	vmul.f32 v50, v23;
	v58 =	vadd.f32 v6, v54;
	v40 =	vld.idx.msk [tilespmem:v8+s28+$0x0 ss:$0x1], $0xffff;
	[tilespmem:v8+s29+$0x40 ss:$0x1] =	vst.idx.msk $0xffff, v53  }
0x639: {  	v60 =	vadd.f32 v3, v57;
	v39 =	vld.idx.msk [tilespmem:v8+s28+$0x10 ss:$0x1], $0xffff;
	v63 =	vmul.f32 v9, v21;
	[tilespmem:v8+s29+$0x50 ss:$0x1] =	vst.idx.msk $0xffff, v56  }
0x63a: {  	v46 =	vadd.f32 v44, v61;
	v45 =	vmul.f32 v55, v18;
	v38 =	vld.idx.msk [tilespmem:v8+s28+$0x20 ss:$0x1], $0xffff;
	[tilespmem:v8+s29+$0x60 ss:$0x1] =	vst.idx.msk $0xffff, v58  }
0x63b: {  	v47 =	vmul.f32 v10, v20;
	v10 =	vld [tilespmem:$0x1FF90];
	v44 =	vadd.f32 v7, v63;
	[tilespmem:v8+s29+$0x70 ss:$0x1] =	vst.idx.msk $0xffff, v60  }
0x63c: {  	_ =	sdelay $0x3  }
0x63d: {  	[tilespmem:v8+s15+$0x10 ss:$0x1] =	vst.idx.msk $0xffff, v46;
	v0 =	vadd.f32 v37, v47  }
0x63e: {  	v3 =	vadd.f32 v36, v45;
	v18 =	vld [tilespmem:$0x1F850];
	[tilespmem:v8+s15+$0x20 ss:$0x1] =	vst.idx.msk $0xffff, v44  }
0x63f: {  	v19 =	vld [tilespmem:$0x1F860];
	[tilespmem:v8+s15+$0x30 ss:$0x1] =	vst.idx.msk $0xffff, v0  }
0x640: {  	v17 =	vld [tilespmem:$0x1F870];
	[tilespmem:v8+s15+$0x40 ss:$0x1] =	vst.idx.msk $0xffff, v3  }
0x641: {  	v51 =	vld [tilespmem:$0x1F880];
	_ =	sdelay $0x1  }
0x642: {  	v2 =	vld.idx.msk [tilespmem:v8+s28+$0x30 ss:$0x1], $0xffff;
	v1 =	vmul.f32 v43, v18  }
0x643: {  	v5 =	vld.idx.msk [tilespmem:v8+s28+$0x40 ss:$0x1], $0xffff;
	v4 =	vmul.f32 v42, v19  }
0x644: {  	v6 =	vld.idx.msk [tilespmem:v8+s28+$0x50 ss:$0x1], $0xffff;
	v48 =	vadd.f32 v35, v1;
	v49 =	vmul.f32 v41, v17  }
0x645: {  	v7 =	vld.idx.msk [tilespmem:v8+s28+$0x60 ss:$0x1], $0xffff;
	v50 =	vadd.f32 v34, v4;
	v4 =	vmul.f32 v40, v51  }
0x646: {  	v9 =	vld.idx.msk [tilespmem:v8+s28+$0x70 ss:$0x1], $0xffff;
	[tilespmem:v8+s15+$0x50 ss:$0x1] =	vst.idx.msk $0xffff, v48;
	v52 =	vadd.f32 v33, v49  }
0x647: {  	v53 =	vld [tilespmem:$0x1F890];
	[tilespmem:v8+s15+$0x60 ss:$0x1] =	vst.idx.msk $0xffff, v50;
	v54 =	vadd.f32 v32, v4  }
0x648: {  	v55 =	vld [tilespmem:$0x1F8A0];
	[tilespmem:v8+s15+$0x70 ss:$0x1] =	vst.idx.msk $0xffff, v52  }
0x649: {  	v57 =	vld [tilespmem:$0x1F8B0];
	[tilespmem:v8+s28+$0x0 ss:$0x1] =	vst.idx.msk $0xffff, v54  }
0x64a: {  	v3 =	vld [tilespmem:$0x1F8C0];
	_ =	sdelay $0x1  }
0x64b: {  	v1 =	vmul.f32 v39, v53  }
0x64c: {  	v4 =	vmul.f32 v38, v55  }
0x64d: {  	v56 =	vadd.f32 v31, v1;
	v1 =	vmul.f32 v2, v57  }
0x64e: {  	v58 =	vadd.f32 v30, v4;
	v3 =	vmul.f32 v5, v3  }
0x64f: {  	v59 =	vmul.f32 v6, v18;
	[tilespmem:v8+s28+$0x10 ss:$0x1] =	vst.idx.msk $0xffff, v56;
	v1 =	vadd.f32 v25, v1  }
0x650: {  	v60 =	vmul.f32 v7, v19;
	[tilespmem:v8+s28+$0x20 ss:$0x1] =	vst.idx.msk $0xffff, v58;
	v3 =	vadd.f32 v26, v3  }
0x651: {  	v0 =	vadd.f32 v27, v59;
	v61 =	vmul.f32 v9, v17;
	[tilespmem:v8+s28+$0x30 ss:$0x1] =	vst.idx.msk $0xffff, v1  }
0x652: {  	v62 =	vadd.f32 v28, v60;
	[tilespmem:v8+s28+$0x40 ss:$0x1] =	vst.idx.msk $0xffff, v3  }
0x653: {  	v63 =	vadd.f32 v29, v61;
	[tilespmem:v8+s28+$0x50 ss:$0x1] =	vst.idx.msk $0xffff, v0  }
0x654: {  	[tilespmem:v8+s28+$0x60 ss:$0x1] =	vst.idx.msk $0xffff, v62  }
0x655: {  	s17 =	sadd.s32 $0x1, s17;
	[tilespmem:v8+s28+$0x70 ss:$0x1] =	vst.idx.msk $0xffff, v63  }
0x656: {  	p1 =	sne.s32 s17, $0x4;
	v24 =	vld [tilespmem:$0x1FFE0]  }
.Ltmp14:
0x657: {  	v12 =	vld [tilespmem:$0x1FFF0];
	(pc) =	sbr.rel @p1 .LBB2_29-.Ltmp14, $4  }
0x658: {  	v13 =	vld [tilespmem:$0x1FFC0]  }
0x659: {  	v14 =	vld [tilespmem:$0x1FFD0]  }
0x65a: {  	v15 =	vld [tilespmem:$0x1FFB0]  }
0x65b: {  	v9 =	vmov v11;
	v16 =	vld [tilespmem:$0x1FFA0]  }
0x65c: {  	s0 =	sadd.s32 s5, s6  }
0x65d: {  	s0 =	sshll.u32 s0, $0x9  }
0x65e: {  	s0 =	sand.u32 $0x1FFFF000, s0  }
0x65f: {  	s0 =	sadd.s32 s2, s0  }
0x660: {  	[hbm4b:s0+s4] =	stream.linear.scatter [tilespmem:s21], [sflag:$0x7], $0x4000, $0x38;
	[tilespmem:$0x18000] =	vst v63  }
0x661: {  	s0 =	simm.s32 @!p0 $0x6  }
0x662: {  	_ =	swait.ge @!p0 [sflag:s0], $0x4000  }
0x663: {  	[sflag:s0] =	ssyncset.done @!p0 $0x0  }
0x664: {  	[sflag:s0] =	ssyncadd.s32 @!p0 $0xFFFFC000;
	s0 =	rddreg [dreg:$0xb]  }
0x665: {  	s1 =	simm.s32 @!p0 $0x0;
	s3 =	simm.s32 @!p0 $0x4000;
	s0 =	sadd.s32 @!p0 s7, s0  }
0x666: {  	[tilespmem:s3], [sflag:$0x2] =	stream.linear.gather @!p0 [hbm4b:s0+s1], $0x4000, $0x38;
	[tilespmem:$0x18000] =	vst v63  }
0x667: {  	_ =	swait.ge [sflag:s26], $0x4000  }
0x668: {  	[sflag:s26] =	ssyncset.done $0x0  }
0x669: {  	s6 =	sshll.u32 s16, $0x2;
	s7 =	simm.s32 $0x0;
	[sflag:s26] =	ssyncadd.s32 $0xFFFFC000  }
.LBB2_33:
0x66a: {  	s0 =	sor.u32 s6, s7  }
0x66b: {  	s0 =	sshll.u32 s0, $0x7  }
0x66c: {  	v18 =	vld [tilespmem:s0+$0x10000]  }
0x66d: {  	v58 =	vld [tilespmem:s0+$0x14000]  }
0x66e: {  	v22 =	vld [tilespmem:s0+$0x10010]  }
0x66f: {  	v59 =	vld [tilespmem:s0+$0x14010]  }
0x670: {  	v20 =	vld [tilespmem:s0+$0x10020]  }
0x671: {  	v60 =	vld [tilespmem:s0+$0x14020]  }
0x672: {  	v19 =	vld [tilespmem:s0+$0x10030]  }
0x673: {  	v61 =	vld [tilespmem:s0+$0x14030]  }
0x674: {  	v21 =	vld [tilespmem:s0+$0x10040]  }
0x675: {  	v62 =	vld [tilespmem:s0+$0x14040]  }
0x676: {  	s16 =	sshll.u32 s7, $0xC;
	v17 =	vld [tilespmem:s0+$0x10050]  }
0x677: {  	s17 =	simm.s32 $0x0;
	v8 =	vmov s16;
	v63 =	vld [tilespmem:s0+$0x14050]  }
0x678: {  	s3 =	simm.s32 $0x0;
	s1 =	sand.u32 $0xC, s17;
	v57 =	vld [tilespmem:s0+$0x10060]  }
0x679: {  	v11 =	vmov v13;
	s9 =	sand.u32 $0x3FFFF800, s3;
	v13 =	vld [tilespmem:s0+$0x14060];
	s15 =	sshll.u32 s1, $0x7  }
0x67a: {  	v23 =	vld [tilespmem:s0+$0x10070];
	s18 =	sadd.s32 $0xC000, s9;
	s1 =	sor.u32 $0x180, s15  }
0x67b: {  	v5 =	vld [tilespmem:s0+$0x14070];
	s19 =	sor.u32 s1, s18  }
0x67c: {  	s13 =	sand.u32 $0xFFFFF800, s3;
	v0 =	vld.idx.msk [tilespmem:v8+s19+$0x0 ss:$0x1], $0xffff  }
0x67d: {  	s0 =	sadd.s32 s16, s13;
	v1 =	vld.idx.msk [tilespmem:v8+s19+$0x10 ss:$0x1], $0xffff  }
0x67e: {  	s28 =	sadd.s32 s15, s0;
	v2 =	vld.idx.msk [tilespmem:v8+s19+$0x20 ss:$0x1], $0xffff  }
0x67f: {  	v33 =	vor.u32 s28, v14;
	v3 =	vld.idx.msk [tilespmem:v8+s19+$0x30 ss:$0x1], $0xffff  }
0x680: {  	v34 =	vor.u32 s28, v10;
	v55 =	vld.idx.msk [tilespmem:v8+s19+$0x40 ss:$0x1], $0xffff  }
0x681: {  	v35 =	vor.u32 s28, v9;
	v7 =	vld.idx.msk [tilespmem:v8+s19+$0x50 ss:$0x1], $0xffff  }
0x682: {  	v36 =	vor.u32 s28, v24;
	v26 =	vld.idx.msk [tilespmem:v8+s19+$0x60 ss:$0x1], $0xffff  }
0x683: {  	v37 =	vor.u32 s28, v12;
	v28 =	vld.idx.msk [tilespmem:v8+s19+$0x70 ss:$0x1], $0xffff  }
0x684: {  	v38 =	vor.u32 s28, v11;
	v33 =	vld.idx.msk [tilespmem:v33+s23+$0x0], $0xffff  }
0x685: {  	v39 =	vor.u32 s28, v15;
	v34 =	vld.idx.msk [tilespmem:v34+s23+$0x0], $0xffff  }
0x686: {  	s1 =	sadd.s32 s1, s0;
	v40 =	vor.u32 s28, v16;
	v35 =	vld.idx.msk [tilespmem:v35+s23+$0x0], $0xffff  }
0x687: {  	v4 =	vor.u32 s1, v14;
	v36 =	vld.idx.msk [tilespmem:v36+s23+$0x0], $0xffff  }
0x688: {  	v6 =	vor.u32 s1, v10;
	v37 =	vld.idx.msk [tilespmem:v37+s23+$0x0], $0xffff  }
0x689: {  	v25 =	vor.u32 s1, v9;
	v38 =	vld.idx.msk [tilespmem:v38+s23+$0x0], $0xffff  }
0x68a: {  	v27 =	vor.u32 s1, v24;
	v39 =	vld.idx.msk [tilespmem:v39+s23+$0x0], $0xffff  }
0x68b: {  	v29 =	vor.u32 s1, v12;
	v40 =	vld.idx.msk [tilespmem:v40+s23+$0x0], $0xffff  }
0x68c: {  	v30 =	vor.u32 s1, v11;
	v4 =	vld.idx.msk [tilespmem:v4+s23+$0x0], $0xffff  }
0x68d: {  	s29 =	sor.u32 $0x80, s15;
	v31 =	vor.u32 s1, v15;
	v6 =	vld.idx.msk [tilespmem:v6+s23+$0x0], $0xffff  }
0x68e: {  	s30 =	sadd.s32 s29, s0;
	v32 =	vor.u32 s1, v16;
	v25 =	vld.idx.msk [tilespmem:v25+s23+$0x0], $0xffff  }
0x68f: {  	v41 =	vor.u32 s30, v14;
	v27 =	vld.idx.msk [tilespmem:v27+s23+$0x0], $0xffff  }
0x690: {  	v42 =	vor.u32 s30, v10;
	v29 =	vld.idx.msk [tilespmem:v29+s23+$0x0], $0xffff  }
0x691: {  	v43 =	vor.u32 s30, v9;
	v30 =	vld.idx.msk [tilespmem:v30+s23+$0x0], $0xffff  }
0x692: {  	v44 =	vor.u32 s30, v24;
	v56 =	vld.idx.msk [tilespmem:v31+s23+$0x0], $0xffff  }
0x693: {  	v45 =	vor.u32 s30, v12;
	v32 =	vld.idx.msk [tilespmem:v32+s23+$0x0], $0xffff  }
0x694: {  	s28 =	sor.u32 $0x100, s15;
	v46 =	vor.u32 s30, v11;
	v41 =	vld.idx.msk [tilespmem:v41+s23+$0x0], $0xffff  }
0x695: {  	s0 =	sadd.s32 s28, s0;
	v47 =	vor.u32 s30, v15;
	v42 =	vld.idx.msk [tilespmem:v42+s23+$0x0], $0xffff  }
0x696: {  	v52 =	vor.u32 s0, v24;
	v43 =	vld.idx.msk [tilespmem:v43+s23+$0x0], $0xffff  }
0x697: {  	v53 =	vor.u32 s0, v12;
	v44 =	vld.idx.msk [tilespmem:v44+s23+$0x0], $0xffff  }
0x698: {  	v45 =	vld.idx.msk [tilespmem:v45+s23+$0x0], $0xffff  }
0x699: {  	v51 =	vor.u32 s0, v9;
	v46 =	vld.idx.msk [tilespmem:v46+s23+$0x0], $0xffff  }
0x69a: {  	v48 =	vor.u32 s30, v16;
	v49 =	vor.u32 s0, v14;
	v47 =	vld.idx.msk [tilespmem:v47+s23+$0x0], $0xffff  }
0x69b: {  	v50 =	vor.u32 s0, v10;
	v0 =	vmul.f32 v0, v18;
	v1 =	vmul.f32 v1, v22;
	v14 =	vld.idx.msk [tilespmem:v52+s23+$0x0], $0xffff  }
0x69c: {  	s31 =	sor.u32 s15, s18;
	v54 =	vor.u32 s0, v11;
	v31 =	vmul.f32 v55, v21;
	v7 =	vmul.f32 v7, v17;
	v53 =	vld.idx.msk [tilespmem:v53+s23+$0x0], $0xffff  }
0x69d: {  	v55 =	vor.u32 s0, v15;
	v15 =	vld.idx.msk [tilespmem:v8+s31+$0x0 ss:$0x1], $0xffff;
	v4 =	vmul.f32 v4, v58;
	v6 =	vmul.f32 v6, v59  }
0x69e: {  	v11 =	vmov v17;
	v17 =	vmul.f32 v29, v62;
	v29 =	vmul.f32 v30, v63;
	v30 =	vld.idx.msk [tilespmem:v51+s23+$0x0], $0xffff  }
0x69f: {  	v2 =	vmul.f32 v2, v20;
	v25 =	vmul.f32 v25, v60;
	v0 =	vadd.f32 v4, v0;
	v4 =	vld.idx.msk [tilespmem:v48+s23+$0x0], $0xffff  }
0x6a0: {  	v3 =	vmul.f32 v3, v19;
	v27 =	vmul.f32 v27, v61;
	v1 =	vadd.f32 v6, v1;
	v6 =	vld.idx.msk [tilespmem:v49+s23+$0x0], $0xffff  }
0x6a1: {  	v48 =	vor.u32 s0, v16;
	v49 =	vld.idx.msk [tilespmem:v50+s23+$0x0], $0xffff;
	v2 =	vadd.f32 v25, v2;
	[tilespmem:v8+s19+$0x0 ss:$0x1] =	vst.idx.msk $0xffff, v0  }
0x6a2: {  	v3 =	vadd.f32 v27, v3;
	v27 =	vld.idx.msk [tilespmem:v54+s23+$0x0], $0xffff;
	[tilespmem:v8+s19+$0x10 ss:$0x1] =	vst.idx.msk $0xffff, v1  }
0x6a3: {  	v54 =	vld.idx.msk [tilespmem:v55+s23+$0x0], $0xffff;
	v0 =	vadd.f32 v17, v31;
	[tilespmem:v8+s19+$0x20 ss:$0x1] =	vst.idx.msk $0xffff, v2  }
0x6a4: {  	v26 =	vmul.f32 v26, v57;
	v7 =	vadd.f32 v29, v7;
	v29 =	vld.idx.msk [tilespmem:v8+s31+$0x10 ss:$0x1], $0xffff;
	[tilespmem:v8+s19+$0x30 ss:$0x1] =	vst.idx.msk $0xffff, v3  }
0x6a5: {  	v28 =	vmul.f32 v28, v23;
	v25 =	vmul.f32 v56, v13;
	v16 =	vld.idx.msk [tilespmem:v8+s31+$0x20 ss:$0x1], $0xffff;
	[tilespmem:v8+s19+$0x40 ss:$0x1] =	vst.idx.msk $0xffff, v0  }
0x6a6: {  	v17 =	vmul.f32 v39, v13;
	v39 =	vmul.f32 v40, v5;
	v40 =	vld.idx.msk [tilespmem:v48+s23+$0x0], $0xffff;
	[tilespmem:v8+s19+$0x50 ss:$0x1] =	vst.idx.msk $0xffff, v7  }
0x6a7: {  	v1 =	vmul.f32 v33, v58;
	v33 =	vmul.f32 v4, v5;
	v4 =	vld.idx.msk [tilespmem:v8+s31+$0x30 ss:$0x1], $0xffff;
	[tilespmem:$0x1F6D0] =	vst v58  }
0x6a8: {  	v52 =	vmul.f32 v34, v59;
	v50 =	vmul.f32 v32, v5;
	[tilespmem:$0x1F6E0] =	vst v59  }
0x6a9: {  	v26 =	vadd.f32 v25, v26;
	v32 =	vmul.f32 v6, v58;
	v6 =	vld.idx.msk [tilespmem:v8+s31+$0x40 ss:$0x1], $0xffff;
	[tilespmem:$0x1F6F0] =	vst v60  }
0x6aa: {  	v12 =	vmov v57;
	v57 =	vmul.f32 v36, v61;
	v36 =	vmul.f32 v45, v62;
	[tilespmem:$0x1F700] =	vst v61  }
0x6ab: {  	v25 =	vmul.f32 v14, v61;
	v7 =	vadd.f32 v50, v28;
	[tilespmem:v8+s19+$0x60 ss:$0x1] =	vst.idx.msk $0xffff, v26  }
0x6ac: {  	v2 =	vmul.f32 v37, v62;
	v37 =	vmul.f32 v44, v61;
	v61 =	vld.idx.msk [tilespmem:v8+s31+$0x50 ss:$0x1], $0xffff;
	[tilespmem:$0x1F710] =	vst v62  }
0x6ad: {  	v3 =	vmul.f32 v41, v58;
	v41 =	vmul.f32 v15, v18;
	[tilespmem:v8+s19+$0x70 ss:$0x1] =	vst.idx.msk $0xffff, v7  }
0x6ae: {  	v14 =	vmul.f32 v29, v22;
	v26 =	vmul.f32 v53, v62;
	v62 =	vld.idx.msk [tilespmem:v8+s31+$0x60 ss:$0x1], $0xffff;
	[tilespmem:$0x1F720] =	vst v63  }
0x6af: {  	s15 =	sor.u32 s29, s18;
	v56 =	vmul.f32 v35, v60;
	v1 =	vadd.f32 v1, v41;
	v7 =	vld.idx.msk [tilespmem:v8+s31+$0x70 ss:$0x1], $0xffff;
	[tilespmem:$0x1F730] =	vst v13  }
0x6b0: {  	v0 =	vmul.f32 v16, v20;
	v16 =	vadd.f32 v52, v14;
	v15 =	vld.idx.msk [tilespmem:v8+s15+$0x0 ss:$0x1], $0xffff;
	[tilespmem:$0x1F740] =	vst v5  }
0x6b1: {  	v31 =	vmul.f32 v49, v59;
	[tilespmem:v8+s31+$0x0 ss:$0x1] =	vst.idx.msk $0xffff, v1  }
0x6b2: {  	v0 =	vadd.f32 v56, v0;
	v4 =	vmul.f32 v4, v19;
	v49 =	vld.idx.msk [tilespmem:v8+s15+$0x10 ss:$0x1], $0xffff;
	[tilespmem:v8+s31+$0x10 ss:$0x1] =	vst.idx.msk $0xffff, v16  }
0x6b3: {  	v50 =	vmul.f32 v6, v21;
	v6 =	vld.idx.msk [tilespmem:v8+s15+$0x20 ss:$0x1], $0xffff;
	[tilespmem:$0x1F750] =	vst v11  }
0x6b4: {  	v4 =	vadd.f32 v57, v4;
	[tilespmem:v8+s31+$0x20 ss:$0x1] =	vst.idx.msk $0xffff, v0  }
0x6b5: {  	v38 =	vmul.f32 v38, v63;
	v52 =	vld.idx.msk [tilespmem:v8+s15+$0x30 ss:$0x1], $0xffff;
	[tilespmem:$0x1F760] =	vst v12  }
0x6b6: {  	v51 =	vmul.f32 v61, v11;
	v53 =	vadd.f32 v2, v50;
	[tilespmem:v8+s31+$0x30 ss:$0x1] =	vst.idx.msk $0xffff, v4  }
0x6b7: {  	v55 =	vmul.f32 v43, v60;
	v28 =	vmul.f32 v54, v13;
	v56 =	vld.idx.msk [tilespmem:v8+s15+$0x40 ss:$0x1], $0xffff;
	[tilespmem:$0x1F770] =	vst v23  }
0x6b8: {  	v54 =	vmul.f32 v62, v12;
	v57 =	vadd.f32 v38, v51;
	v43 =	vld.idx.msk [tilespmem:v8+s15+$0x50 ss:$0x1], $0xffff;
	[tilespmem:v8+s31+$0x40 ss:$0x1] =	vst.idx.msk $0xffff, v53  }
0x6b9: {  	v48 =	vmul.f32 v42, v59;
	v42 =	vld.idx.msk [tilespmem:v8+s15+$0x60 ss:$0x1], $0xffff;
	[tilespmem:$0x1F780] =	vst v18  }
0x6ba: {  	v7 =	vmul.f32 v7, v23;
	v58 =	vadd.f32 v17, v54;
	[tilespmem:v8+s31+$0x50 ss:$0x1] =	vst.idx.msk $0xffff, v57  }
0x6bb: {  	v30 =	vmul.f32 v30, v60;
	v41 =	vld.idx.msk [tilespmem:v8+s15+$0x70 ss:$0x1], $0xffff;
	[tilespmem:$0x1F790] =	vst v22  }
0x6bc: {  	v59 =	vmul.f32 v15, v18;
	v60 =	vadd.f32 v39, v7;
	[tilespmem:v8+s31+$0x60 ss:$0x1] =	vst.idx.msk $0xffff, v58  }
0x6bd: {  	[tilespmem:$0x1F7A0] =	vst v20  }
0x6be: {  	s18 =	sor.u32 s28, s18;
	v35 =	vmul.f32 v46, v63;
	v62 =	vadd.f32 v3, v59;
	[tilespmem:v8+s31+$0x70 ss:$0x1] =	vst.idx.msk $0xffff, v60  }
0x6bf: {  	v29 =	vmul.f32 v40, v5;
	v61 =	vmul.f32 v49, v22;
	v40 =	vld.idx.msk [tilespmem:v8+s18+$0x0 ss:$0x1], $0xffff;
	[tilespmem:$0x1F7B0] =	vst v19  }
0x6c0: {  	v27 =	vmul.f32 v27, v63;
	v63 =	vmul.f32 v6, v20;
	[tilespmem:v8+s15+$0x0 ss:$0x1] =	vst.idx.msk $0xffff, v62  }
0x6c1: {  	v34 =	vmul.f32 v47, v13;
	v11 =	vmov v9;
	v46 =	vadd.f32 v48, v61;
	v39 =	vld.idx.msk [tilespmem:v8+s18+$0x10 ss:$0x1], $0xffff;
	[tilespmem:$0x1F7C0] =	vst v21  }
0x6c2: {  	v44 =	vadd.f32 v55, v63;
	v47 =	vmul.f32 v52, v19;
	v45 =	vmul.f32 v56, v21;
	v38 =	vld.idx.msk [tilespmem:v8+s18+$0x20 ss:$0x1], $0xffff  }
.LBB2_34:
0x6c3: {  	v19 =	vld [tilespmem:$0x1F750]  }
0x6c4: {  	v2 =	vld.idx.msk [tilespmem:v8+s18+$0x30 ss:$0x1], $0xffff  }
0x6c5: {  	v22 =	vld [tilespmem:$0x1F760]  }
0x6c6: {  	v5 =	vld.idx.msk [tilespmem:v8+s18+$0x40 ss:$0x1], $0xffff  }
0x6c7: {  	v17 =	vld [tilespmem:$0x1F770]  }
0x6c8: {  	v24 =	vld [tilespmem:$0x1F780]  }
0x6c9: {  	v23 =	vld [tilespmem:$0x1F790]  }
0x6ca: {  	v21 =	vld [tilespmem:$0x1F7A0]  }
0x6cb: {  	v20 =	vld [tilespmem:$0x1F7B0]  }
0x6cc: {  	v18 =	vld [tilespmem:$0x1F7C0]  }
0x6cd: {  	v9 =	vld [tilespmem:$0x1FFD0]  }
0x6ce: {  	s17 =	sadd.s32 $0x4, s17;
	v16 =	vld [tilespmem:$0x1FFE0]  }
0x6cf: {  	v15 =	vld [tilespmem:$0x1FFF0];
	s0 =	sand.u32 $0xC, s17;
	s1 =	sshll.u32 s17, $0x7  }
0x6d0: {  	v14 =	vld [tilespmem:$0x1FFC0];
	s3 =	sand.u32 $0x3FFFF800, s1;
	s0 =	sshll.u32 s0, $0x7  }
0x6d1: {  	v13 =	vld [tilespmem:$0x1FFB0];
	s3 =	sadd.s32 $0xC000, s3;
	s11 =	sor.u32 $0x180, s0  }
0x6d2: {  	v12 =	vld [tilespmem:$0x1FFA0];
	s1 =	sand.u32 $0xFFFFF800, s1;
	s29 =	sor.u32 s11, s3  }
0x6d3: {  	s1 =	sadd.s32 s16, s1;
	v6 =	vld.idx.msk [tilespmem:v8+s29+$0x0 ss:$0x1], $0xffff  }
0x6d4: {  	s31 =	sadd.s32 s11, s1;
	v7 =	vld.idx.msk [tilespmem:v8+s29+$0x10 ss:$0x1], $0xffff  }
0x6d5: {  	[tilespmem:v8+s15+$0x10 ss:$0x1] =	vst.idx.msk $0xffff, v46;
	v0 =	vadd.f32 v37, v47;
	v61 =	vor.u32 s31, v9;
	v37 =	vld.idx.msk [tilespmem:v8+s29+$0x40 ss:$0x1], $0xffff  }
0x6d6: {  	v3 =	vadd.f32 v36, v45;
	v54 =	vmul.f32 v40, v24;
	v62 =	vor.u32 s31, v10;
	v40 =	vld.idx.msk [tilespmem:v8+s29+$0x50 ss:$0x1], $0xffff  }
0x6d7: {  	[tilespmem:v8+s15+$0x20 ss:$0x1] =	vst.idx.msk $0xffff, v44;
	s9 =	sor.u32 $0x80, s0;
	v1 =	vmul.f32 v43, v19;
	v4 =	vmul.f32 v42, v22;
	v44 =	vld.idx.msk [tilespmem:v8+s29+$0x60 ss:$0x1], $0xffff  }
0x6d8: {  	s12 =	sor.u32 $0x100, s0;
	s19 =	sor.u32 s0, s3;
	s0 =	sadd.s32 s0, s1;
	v52 =	vmul.f32 v41, v17;
	v56 =	vmul.f32 v39, v23;
	v63 =	vor.u32 s31, v11;
	v48 =	vld.idx.msk [tilespmem:v8+s29+$0x70 ss:$0x1], $0xffff  }
0x6d9: {  	v58 =	vmul.f32 v38, v21;
	v36 =	vor.u32 s0, v16;
	v51 =	vadd.f32 v35, v1;
	v35 =	vld.idx.msk [tilespmem:v8+s18+$0x50 ss:$0x1], $0xffff  }
0x6da: {  	[tilespmem:v8+s15+$0x30 ss:$0x1] =	vst.idx.msk $0xffff, v0;
	s30 =	sadd.s32 s9, s1;
	v39 =	vor.u32 s0, v14;
	v45 =	vor.u32 s31, v16;
	v57 =	vadd.f32 v32, v54;
	v32 =	vld.idx.msk [tilespmem:v61+s23+$0x0], $0xffff  }
0x6db: {  	[tilespmem:v8+s15+$0x40 ss:$0x1] =	vst.idx.msk $0xffff, v3;
	s1 =	sadd.s32 s12, s1;
	v46 =	vor.u32 s30, v9;
	v49 =	vor.u32 s31, v15;
	v53 =	vadd.f32 v34, v4;
	v38 =	vld.idx.msk [tilespmem:v62+s23+$0x0], $0xffff  }
0x6dc: {  	v59 =	vadd.f32 v31, v56;
	[tilespmem:v8+s15+$0x50 ss:$0x1] =	vst.idx.msk $0xffff, v51;
	v51 =	vor.u32 s30, v16;
	v62 =	vor.u32 s1, v16;
	v16 =	vld [tilespmem:$0x1F6D0]  }
0x6dd: {  	v55 =	vadd.f32 v33, v52;
	v4 =	vor.u32 s0, v9;
	v52 =	vor.u32 s31, v14;
	[tilespmem:v8+s18+$0x0 ss:$0x1] =	vst.idx.msk $0xffff, v57;
	v41 =	vld.idx.msk [tilespmem:v63+s23+$0x0], $0xffff  }
0x6de: {  	v54 =	vor.u32 s30, v14;
	[tilespmem:v8+s18+$0x10 ss:$0x1] =	vst.idx.msk $0xffff, v59;
	v59 =	vor.u32 s1, v9;
	v9 =	vor.u32 s1, v14;
	v14 =	vld [tilespmem:$0x1F6F0]  }
0x6df: {  	v3 =	vmul.f32 v5, v18;
	v5 =	vor.u32 s0, v10;
	v42 =	vor.u32 s0, v13;
	v1 =	vld.idx.msk [tilespmem:v8+s29+$0x20 ss:$0x1], $0xffff  }
0x6e0: {  	v31 =	vmul.f32 v2, v20;
	v60 =	vadd.f32 v30, v58;
	v30 =	vld.idx.msk [tilespmem:v8+s29+$0x30 ss:$0x1], $0xffff;
	v2 =	vor.u32 s0, v15  }
0x6e1: {  	v58 =	vor.u32 s31, v12;
	v45 =	vld.idx.msk [tilespmem:v45+s23+$0x0], $0xffff;
	v6 =	vmul.f32 v6, v24;
	v32 =	vmul.f32 v32, v16  }
0x6e2: {  	[tilespmem:v8+s15+$0x60 ss:$0x1] =	vst.idx.msk $0xffff, v53;
	v53 =	vor.u32 s30, v15;
	v49 =	vld.idx.msk [tilespmem:v49+s23+$0x0], $0xffff;
	v63 =	vor.u32 s1, v15  }
0x6e3: {  	v15 =	vld [tilespmem:$0x1F6E0];
	[tilespmem:v8+s15+$0x70 ss:$0x1] =	vst.idx.msk $0xffff, v55;
	v55 =	vor.u32 s31, v13;
	v6 =	vadd.f32 v32, v6;
	v32 =	vmul.f32 v41, v14  }
0x6e4: {  	v47 =	vor.u32 s30, v10;
	v41 =	vmul.f32 v44, v22;
	v44 =	vmul.f32 v48, v17;
	v48 =	vld [tilespmem:$0x1F710]  }
0x6e5: {  	v56 =	vor.u32 s30, v13;
	[tilespmem:v8+s18+$0x20 ss:$0x1] =	vst.idx.msk $0xffff, v60;
	v60 =	vor.u32 s1, v10;
	v10 =	vor.u32 s1, v13;
	v13 =	vld [tilespmem:$0x1F700]  }
0x6e6: {  	v52 =	vld.idx.msk [tilespmem:v52+s23+$0x0], $0xffff  }
0x6e7: {  	v58 =	vld.idx.msk [tilespmem:v58+s23+$0x0], $0xffff  }
0x6e8: {  	v0 =	vor.u32 s0, v11;
	v55 =	vld.idx.msk [tilespmem:v55+s23+$0x0], $0xffff  }
0x6e9: {  	[tilespmem:v8+s29+$0x0 ss:$0x1] =	vst.idx.msk $0xffff, v6;
	v6 =	vmul.f32 v49, v48;
	v49 =	vld [tilespmem:$0x1F720]  }
0x6ea: {  	v34 =	vld.idx.msk [tilespmem:v8+s18+$0x60 ss:$0x1], $0xffff;
	v7 =	vmul.f32 v7, v23;
	v38 =	vmul.f32 v38, v15  }
0x6eb: {  	v33 =	vld.idx.msk [tilespmem:v8+s18+$0x70 ss:$0x1], $0xffff  }
0x6ec: {  	v5 =	vld.idx.msk [tilespmem:v5+s23+$0x0], $0xffff;
	v30 =	vmul.f32 v30, v20;
	v7 =	vadd.f32 v38, v7;
	v38 =	vmul.f32 v45, v13  }
0x6ed: {  	v0 =	vld.idx.msk [tilespmem:v0+s23+$0x0], $0xffff  }
0x6ee: {  	[tilespmem:v8+s29+$0x10 ss:$0x1] =	vst.idx.msk $0xffff, v7;
	v7 =	vadd.f32 v38, v30;
	v30 =	vmul.f32 v52, v49;
	v52 =	vld [tilespmem:$0x1F730]  }
0x6ef: {  	v50 =	vor.u32 s30, v11;
	v4 =	vld.idx.msk [tilespmem:v4+s23+$0x0], $0xffff  }
0x6f0: {  	v2 =	vld.idx.msk [tilespmem:v2+s23+$0x0], $0xffff  }
0x6f1: {  	v43 =	vor.u32 s0, v12;
	v37 =	vmul.f32 v37, v18;
	v46 =	vld.idx.msk [tilespmem:v46+s23+$0x0], $0xffff  }
0x6f2: {  	v57 =	vor.u32 s30, v12;
	v25 =	vadd.f32 v25, v31;
	v1 =	vmul.f32 v1, v21;
	v47 =	vld.idx.msk [tilespmem:v47+s23+$0x0], $0xffff  }
0x6f3: {  	s13 =	sor.u32 s9, s3;
	v45 =	vor.u32 s1, v12;
	v12 =	vadd.f32 v6, v37;
	v6 =	vmul.f32 v55, v52;
	v55 =	vld [tilespmem:$0x1F740]  }
0x6f4: {  	v3 =	vadd.f32 v26, v3;
	s15 =	smov.u32 s13;
	v26 =	vld.idx.msk [tilespmem:v50+s23+$0x0], $0xffff;
	v1 =	vadd.f32 v32, v1  }
0x6f5: {  	[tilespmem:v8+s18+$0x30 ss:$0x1] =	vst.idx.msk $0xffff, v25;
	v50 =	vld.idx.msk [tilespmem:v8+s15+$0x10 ss:$0x1], $0xffff  }
0x6f6: {  	v40 =	vmul.f32 v40, v19;
	v25 =	vld.idx.msk [tilespmem:v53+s23+$0x0], $0xffff;
	[tilespmem:v8+s29+$0x20 ss:$0x1] =	vst.idx.msk $0xffff, v1  }
0x6f7: {  	v32 =	vld.idx.msk [tilespmem:v36+s23+$0x0], $0xffff;
	[tilespmem:v8+s29+$0x30 ss:$0x1] =	vst.idx.msk $0xffff, v7  }
0x6f8: {  	[tilespmem:v8+s29+$0x40 ss:$0x1] =	vst.idx.msk $0xffff, v12;
	v12 =	vld.idx.msk [tilespmem:v8+s19+$0x10 ss:$0x1], $0xffff;
	v7 =	vadd.f32 v30, v40;
	v30 =	vmul.f32 v58, v55  }
0x6f9: {  	v40 =	vld.idx.msk [tilespmem:v39+s23+$0x0], $0xffff;
	v41 =	vadd.f32 v6, v41  }
0x6fa: {  	[tilespmem:v8+s29+$0x50 ss:$0x1] =	vst.idx.msk $0xffff, v7;
	v6 =	vld.idx.msk [tilespmem:v42+s23+$0x0], $0xffff;
	v7 =	vadd.f32 v30, v44;
	v44 =	vmul.f32 v35, v19  }
0x6fb: {  	v34 =	vmul.f32 v34, v22;
	[tilespmem:v8+s29+$0x60 ss:$0x1] =	vst.idx.msk $0xffff, v41;
	v41 =	vld.idx.msk [tilespmem:v8+s15+$0x70 ss:$0x1], $0xffff  }
0x6fc: {  	v58 =	vld.idx.msk [tilespmem:v56+s23+$0x0], $0xffff;
	[tilespmem:v8+s29+$0x70 ss:$0x1] =	vst.idx.msk $0xffff, v7;
	v7 =	vmul.f32 v33, v17;
	v1 =	vadd.f32 v27, v44  }
0x6fd: {  	[tilespmem:v8+s18+$0x40 ss:$0x1] =	vst.idx.msk $0xffff, v3;
	v27 =	vadd.f32 v28, v34;
	v28 =	vld.idx.msk [tilespmem:v51+s23+$0x0], $0xffff  }
0x6fe: {  	v61 =	vor.u32 s1, v11;
	v30 =	vld.idx.msk [tilespmem:v43+s23+$0x0], $0xffff;
	v7 =	vadd.f32 v29, v7;
	[tilespmem:v8+s18+$0x50 ss:$0x1] =	vst.idx.msk $0xffff, v1  }
0x6ff: {  	v29 =	vld.idx.msk [tilespmem:v54+s23+$0x0], $0xffff;
	[tilespmem:v8+s18+$0x60 ss:$0x1] =	vst.idx.msk $0xffff, v27  }
0x700: {  	v27 =	vld.idx.msk [tilespmem:v57+s23+$0x0], $0xffff;
	[tilespmem:v8+s18+$0x70 ss:$0x1] =	vst.idx.msk $0xffff, v7  }
0x701: {  	v7 =	vmul.f32 v26, v14;
	v26 =	vld.idx.msk [tilespmem:v59+s23+$0x0], $0xffff  }
0x702: {  	v37 =	vmul.f32 v28, v13;
	v28 =	vld.idx.msk [tilespmem:v60+s23+$0x0], $0xffff  }
0x703: {  	v36 =	vmul.f32 v25, v48;
	v25 =	vld.idx.msk [tilespmem:v61+s23+$0x0], $0xffff  }
0x704: {  	v5 =	vmul.f32 v5, v15;
	v61 =	vld.idx.msk [tilespmem:v63+s23+$0x0], $0xffff  }
0x705: {  	v0 =	vmul.f32 v0, v14;
	v4 =	vmul.f32 v4, v16;
	v9 =	vld.idx.msk [tilespmem:v9+s23+$0x0], $0xffff  }
0x706: {  	v2 =	vmul.f32 v2, v48;
	v35 =	vmul.f32 v29, v49;
	v29 =	vld.idx.msk [tilespmem:v62+s23+$0x0], $0xffff  }
0x707: {  	v38 =	vmul.f32 v32, v13;
	v39 =	vmul.f32 v40, v49;
	v10 =	vld.idx.msk [tilespmem:v10+s23+$0x0], $0xffff  }
0x708: {  	v40 =	vmul.f32 v46, v16;
	v6 =	vmul.f32 v6, v52;
	v63 =	vld.idx.msk [tilespmem:v8+s19+$0x0 ss:$0x1], $0xffff  }
0x709: {  	v43 =	vmul.f32 v12, v23;
	v3 =	vmul.f32 v30, v55;
	v62 =	vld.idx.msk [tilespmem:v45+s23+$0x0], $0xffff  }
0x70a: {  	v33 =	vmul.f32 v27, v55;
	v27 =	vmul.f32 v9, v49;
	v49 =	vld.idx.msk [tilespmem:v8+s15+$0x0 ss:$0x1], $0xffff  }
0x70b: {  	v30 =	vmul.f32 v25, v14;
	v25 =	vmul.f32 v29, v13;
	v13 =	vld.idx.msk [tilespmem:v8+s19+$0x20 ss:$0x1], $0xffff  }
0x70c: {  	v44 =	vmul.f32 v47, v15;
	v34 =	vmul.f32 v58, v52;
	v14 =	vld.idx.msk [tilespmem:v8+s19+$0x30 ss:$0x1], $0xffff  }
0x70d: {  	v32 =	vmul.f32 v26, v16;
	v9 =	vld.idx.msk [tilespmem:v8+s19+$0x40 ss:$0x1], $0xffff;
	v42 =	vmul.f32 v63, v24  }
0x70e: {  	v31 =	vmul.f32 v28, v15;
	v28 =	vmul.f32 v10, v52;
	v10 =	vld.idx.msk [tilespmem:v8+s19+$0x50 ss:$0x1], $0xffff  }
0x70f: {  	v26 =	vmul.f32 v61, v48;
	v15 =	vld.idx.msk [tilespmem:v8+s19+$0x60 ss:$0x1], $0xffff;
	v4 =	vadd.f32 v4, v42;
	v59 =	vmul.f32 v49, v24  }
0x710: {  	v5 =	vadd.f32 v5, v43;
	v16 =	vld.idx.msk [tilespmem:v8+s19+$0x70 ss:$0x1], $0xffff;
	v29 =	vmul.f32 v62, v55;
	v48 =	vmul.f32 v13, v21  }
0x711: {  	v55 =	vld.idx.msk [tilespmem:v8+s15+$0x40 ss:$0x1], $0xffff;
	[tilespmem:v8+s19+$0x0 ss:$0x1] =	vst.idx.msk $0xffff, v4;
	v1 =	vmul.f32 v14, v20;
	v62 =	vadd.f32 v40, v59  }
0x712: {  	v51 =	vmul.f32 v9, v18;
	v9 =	vld.idx.msk [tilespmem:v8+s15+$0x20 ss:$0x1], $0xffff;
	[tilespmem:v8+s19+$0x10 ss:$0x1] =	vst.idx.msk $0xffff, v5;
	v0 =	vadd.f32 v0, v48  }
0x713: {  	v52 =	vmul.f32 v10, v19;
	v10 =	vld.idx.msk [tilespmem:v8+s15+$0x30 ss:$0x1], $0xffff;
	v1 =	vadd.f32 v38, v1;
	[tilespmem:v8+s15+$0x0 ss:$0x1] =	vst.idx.msk $0xffff, v62  }
0x714: {  	p0 =	slt.u32 s17, $0x1C;
	s28 =	sor.u32 s12, s3;
	v43 =	vld.idx.msk [tilespmem:v8+s15+$0x50 ss:$0x1], $0xffff;
	v54 =	vmul.f32 v15, v22;
	v53 =	vadd.f32 v2, v51;
	[tilespmem:v8+s19+$0x20 ss:$0x1] =	vst.idx.msk $0xffff, v0  }
.Ltmp15:
0x715: {  	s18 =	smov.u32 s28;
	v42 =	vld.idx.msk [tilespmem:v8+s15+$0x60 ss:$0x1], $0xffff;
	v57 =	vmul.f32 v16, v17;
	v56 =	vadd.f32 v39, v52;
	[tilespmem:v8+s19+$0x30 ss:$0x1] =	vst.idx.msk $0xffff, v1;
	(pc) =	sbr.rel @p0 .LBB2_34-.Ltmp15, $4  }
0x716: {  	v61 =	vmul.f32 v50, v23;
	v58 =	vadd.f32 v6, v54;
	v40 =	vld.idx.msk [tilespmem:v8+s18+$0x0 ss:$0x1], $0xffff;
	[tilespmem:v8+s19+$0x40 ss:$0x1] =	vst.idx.msk $0xffff, v53  }
0x717: {  	v60 =	vadd.f32 v3, v57;
	v39 =	vld.idx.msk [tilespmem:v8+s18+$0x10 ss:$0x1], $0xffff;
	v63 =	vmul.f32 v9, v21;
	[tilespmem:v8+s19+$0x50 ss:$0x1] =	vst.idx.msk $0xffff, v56  }
0x718: {  	v46 =	vadd.f32 v44, v61;
	v45 =	vmul.f32 v55, v18;
	v38 =	vld.idx.msk [tilespmem:v8+s18+$0x20 ss:$0x1], $0xffff;
	[tilespmem:v8+s19+$0x60 ss:$0x1] =	vst.idx.msk $0xffff, v58  }
0x719: {  	v47 =	vmul.f32 v10, v20;
	v10 =	vld [tilespmem:$0x1FF90];
	v44 =	vadd.f32 v7, v63;
	[tilespmem:v8+s19+$0x70 ss:$0x1] =	vst.idx.msk $0xffff, v60  }
0x71a: {  	_ =	sdelay $0x3  }
0x71b: {  	[tilespmem:v8+s15+$0x10 ss:$0x1] =	vst.idx.msk $0xffff, v46;
	v0 =	vadd.f32 v37, v47  }
0x71c: {  	v3 =	vadd.f32 v36, v45;
	v18 =	vld [tilespmem:$0x1F750];
	[tilespmem:v8+s15+$0x20 ss:$0x1] =	vst.idx.msk $0xffff, v44  }
0x71d: {  	v19 =	vld [tilespmem:$0x1F760];
	[tilespmem:v8+s15+$0x30 ss:$0x1] =	vst.idx.msk $0xffff, v0  }
0x71e: {  	v17 =	vld [tilespmem:$0x1F770];
	[tilespmem:v8+s15+$0x40 ss:$0x1] =	vst.idx.msk $0xffff, v3  }
0x71f: {  	v51 =	vld [tilespmem:$0x1F780];
	_ =	sdelay $0x1  }
0x720: {  	v2 =	vld.idx.msk [tilespmem:v8+s18+$0x30 ss:$0x1], $0xffff;
	v1 =	vmul.f32 v43, v18  }
0x721: {  	v5 =	vld.idx.msk [tilespmem:v8+s18+$0x40 ss:$0x1], $0xffff;
	v4 =	vmul.f32 v42, v19  }
0x722: {  	v6 =	vld.idx.msk [tilespmem:v8+s18+$0x50 ss:$0x1], $0xffff;
	v48 =	vadd.f32 v35, v1;
	v49 =	vmul.f32 v41, v17  }
0x723: {  	v7 =	vld.idx.msk [tilespmem:v8+s18+$0x60 ss:$0x1], $0xffff;
	v50 =	vadd.f32 v34, v4;
	v4 =	vmul.f32 v40, v51  }
0x724: {  	v9 =	vld.idx.msk [tilespmem:v8+s18+$0x70 ss:$0x1], $0xffff;
	[tilespmem:v8+s15+$0x50 ss:$0x1] =	vst.idx.msk $0xffff, v48;
	v52 =	vadd.f32 v33, v49  }
0x725: {  	v53 =	vld [tilespmem:$0x1F790];
	[tilespmem:v8+s15+$0x60 ss:$0x1] =	vst.idx.msk $0xffff, v50;
	v54 =	vadd.f32 v32, v4  }
0x726: {  	v55 =	vld [tilespmem:$0x1F7A0];
	[tilespmem:v8+s15+$0x70 ss:$0x1] =	vst.idx.msk $0xffff, v52  }
0x727: {  	v57 =	vld [tilespmem:$0x1F7B0];
	[tilespmem:v8+s18+$0x0 ss:$0x1] =	vst.idx.msk $0xffff, v54  }
0x728: {  	v3 =	vld [tilespmem:$0x1F7C0];
	_ =	sdelay $0x1  }
0x729: {  	v1 =	vmul.f32 v39, v53  }
0x72a: {  	v4 =	vmul.f32 v38, v55  }
0x72b: {  	v56 =	vadd.f32 v31, v1;
	v1 =	vmul.f32 v2, v57  }
0x72c: {  	v58 =	vadd.f32 v30, v4;
	v3 =	vmul.f32 v5, v3  }
0x72d: {  	v59 =	vmul.f32 v6, v18;
	[tilespmem:v8+s18+$0x10 ss:$0x1] =	vst.idx.msk $0xffff, v56;
	v1 =	vadd.f32 v25, v1  }
0x72e: {  	v60 =	vmul.f32 v7, v19;
	[tilespmem:v8+s18+$0x20 ss:$0x1] =	vst.idx.msk $0xffff, v58;
	v3 =	vadd.f32 v26, v3  }
0x72f: {  	v0 =	vadd.f32 v27, v59;
	v61 =	vmul.f32 v9, v17;
	[tilespmem:v8+s18+$0x30 ss:$0x1] =	vst.idx.msk $0xffff, v1  }
0x730: {  	v62 =	vadd.f32 v28, v60;
	[tilespmem:v8+s18+$0x40 ss:$0x1] =	vst.idx.msk $0xffff, v3  }
0x731: {  	v63 =	vadd.f32 v29, v61;
	[tilespmem:v8+s18+$0x50 ss:$0x1] =	vst.idx.msk $0xffff, v0  }
0x732: {  	[tilespmem:v8+s18+$0x60 ss:$0x1] =	vst.idx.msk $0xffff, v62  }
0x733: {  	s7 =	sadd.s32 $0x1, s7;
	[tilespmem:v8+s18+$0x70 ss:$0x1] =	vst.idx.msk $0xffff, v63  }
0x734: {  	p0 =	sne.s32 s7, $0x4;
	v24 =	vld [tilespmem:$0x1FFE0]  }
.Ltmp16:
0x735: {  	v12 =	vld [tilespmem:$0x1FFF0];
	(pc) =	sbr.rel @p0 .LBB2_33-.Ltmp16, $4  }
0x736: {  	v13 =	vld [tilespmem:$0x1FFC0]  }
0x737: {  	v14 =	vld [tilespmem:$0x1FFD0]  }
0x738: {  	v15 =	vld [tilespmem:$0x1FFB0]  }
0x739: {  	v9 =	vmov v11;
	v16 =	vld [tilespmem:$0x1FFA0]  }
0x73a: {  	s14 =	sadd.s32 $0x1, s14  }
0x73b: {  	p0 =	sne.s32 s14, $0x8  }
.Ltmp17:
0x73c: {  	s0 =	sadd.s32 s5, s6;
	(pc) =	sbr.rel @p0 .LBB2_20-.Ltmp17, $4  }
0x73d: {  	s0 =	sshll.u32 s0, $0x9  }
0x73e: {  	s0 =	sand.u32 $0x1FFFF800, s0  }
0x73f: {  	s0 =	sadd.s32 s2, s0  }
0x740: {  	[hbm4b:s0+s4] =	stream.linear.scatter [tilespmem:s23], [sflag:$0x8], $0x4000, $0x38;
	[tilespmem:$0x18000] =	vst v63  }
0x741: {  	s0 =	simm.s32 $0x5  }
0x742: {  	_ =	swait.ge [sflag:s0], $0x4000  }
0x743: {  	[sflag:s0] =	ssyncset.done $0x0  }
0x744: {  	s29 =	simm.s32 $0x6;
	[sflag:s0] =	ssyncadd.s32 $0xFFFFC000  }
0x745: {  	_ =	swait.ge [sflag:s29], $0x4000  }
0x746: {  	[sflag:s29] =	ssyncset.done $0x0  }
0x747: {  	s30 =	simm.s32 $0x7;
	[sflag:s29] =	ssyncadd.s32 $0xFFFFC000  }
0x748: {  	_ =	swait.ge [sflag:s30], $0x4000  }
0x749: {  	[sflag:s30] =	ssyncset.done $0x0  }
0x74a: {  	s1 =	simm.s32 $0x8;
	[sflag:s30] =	ssyncadd.s32 $0xFFFFC000  }
0x74b: {  	_ =	swait.ge [sflag:s1], $0x4000  }
0x74c: {  	s3 =	rddreg [dreg:$0xf]  }
0x74d: {  	s31 =	rddreg [dreg:$0xe];
	s3 =	sadd.s32 $0x1, s3  }
0x74e: {  	p0 =	sne.s32 s3, s31  }
.Ltmp18:
0x74f: {  	_ = 	snop;
	(pc) =	sbr.rel @p0 .LBB2_1-.Ltmp18, $3  }
0x750: {  	_ =	sdelay $0x1  }
0x751: {  	[sflag:s1] =	ssyncset.done $0x0  }
0x752: {  	[sflag:s1] =	ssyncadd.s32 $0xFFFFC000  }
0x753: {  	_ =	sfence.sel $0x180000  }
0x754: {  	[bflag:$0x0] =	sbarrier.arrive $0xFFFF  }
0x755: {  	_ =	strace $0x90000047  }
0x756: {  	s0 =	stileid.u32;
	[bflag:$0x2] =	sbarrier.arrive $0xFFFF  }
0x757: {  	p0 =	sne.s32 s0, $0x0;
	s0 =	rddreg [dreg:$0x5]  }
0x758: {  	s0 =	sadd.s32 @!p0 $0x100000, s0  }
0x759: {  	[sflag:s0] =	ssyncadd.tile.s32 @!p0 $0x1;
	_ =	shalt  }
.Lfunc_end2:
_tile_overlayer_lowered:
.L_overlay_start_2:
0x75a: {  	(tag) =	ssettag $0x2  }
0x75b: {  	s0 =	rddreg [dreg:$0x0];
	s2 =	stileid.u32  }
0x75c: {  	s1 =	rddreg [dreg:$0x1];
	p0 =	sne.s32 s2, $0x0  }
0x75d: {  	s3 =	rddreg [dreg:$0x2];
	[bflag:$0x3] =	sbarrier.arrive $0xFFFF;
	s2 =	simm.s32 @!p0 $0x1C09  }
0x75e: {  	[timem:s3], [sflag:s2] =	dma.local @!p0 [hbm:s0], s1  }
0x75f: {  	s0 =	simm.s32 @!p0 $0x9  }
0x760: {  	_ =	swait.ge @!p0 [sflag:s0], s1  }
0x761: {  	s1 =	ssub.s32 @!p0 $0x0, s1;
	[sflag:s0] =	ssyncset.done @!p0 $0x0  }
0x762: {  	[sflag:s0] =	ssyncadd.s32 @!p0 s1  }
0x763: {  	[bflag:$0x3] =	sbarrier.arrive $0xFFFF  }
0x764: {  	_ =	shalt  }

</sc_bundles>
